<compile_context>
chip_gen: v7x
topology: tpu7x:2x2x1
jax: 0.10.2.dev20260603
libtpu: 0.0.44.dev20260713+nightly
codegen_flags: <defaults>
</compile_context>

<pallas_src>
import functools

import jax
import jax.numpy as jnp
from jax import lax
from jax.experimental import pallas as pl
from jax.experimental.pallas import tpu as pltpu
from jax.experimental.pallas import tpu_sc as plsc

N = 10000
IN_DIM = 128
OUT_DIM = 16
E = 320000

NC = 2
NS = 16
L = 16
NW = NC * NS

N_PAD = 10240
NPK = N_PAD * OUT_DIM // 128
RPT = N_PAD // NS
CHUNK = 80
K = 125
EPT = K * CHUNK

NB = 5
KB = K // NB

_mesh = plsc.VectorSubcoreMesh(core_axis_name="c", subcore_axis_name="s")


def _rsqrt16(d):
    i = plsc.bitcast(d, jnp.int32)
    i = jnp.int32(0x5F3759DF) - lax.shift_right_logical(i, 1)
    y = plsc.bitcast(i, jnp.float32)
    for _ in range(3):
        y = y * (1.5 - 0.5 * d * y * y)
    return y


@functools.partial(
    pl.kernel,
    out_type=jax.ShapeDtypeStruct((NC, N_PAD), jnp.float32),
    mesh=_mesh,
    scratch_types=[
        pltpu.VMEM((EPT,), jnp.int32),
        pltpu.VMEM((CHUNK,), jnp.float32),
        pltpu.VMEM((RPT,), jnp.float32),
        pltpu.VMEM_SHARED((N_PAD,), jnp.float32),
    ] + [pltpu.SemaphoreType.DMA] * NB,
    compiler_params=pltpu.CompilerParams(use_tc_tiling_on_sc=False,
                                         needs_layout_passes=False),
)
def _deg_kernel(ei_hbm, degp_hbm, didx_v, ones_v, zb_v, deg_sh, *ssem):
    c = lax.axis_index("c")
    s = lax.axis_index("s")
    wid = s * NC + c
    row0 = s * RPT
    one = jnp.ones((L,), jnp.float32)
    zero = jnp.zeros((L,), jnp.float32)
    for i in range(CHUNK // L):
        ones_v[pl.ds(i * L, L)] = one
    for i in range(RPT // L):
        zb_v[pl.ds(i * L, L)] = zero
    pltpu.sync_copy(zb_v, deg_sh.at[pl.ds(row0, RPT)])
    pltpu.sync_copy(ei_hbm.at[1].at[pl.ds(wid * EPT, EPT)], didx_v)
    plsc.subcore_barrier()

    for b in range(NB):
        pltpu.async_copy(ones_v, deg_sh.at[didx_v.at[pl.ds(b * CHUNK, CHUNK)]],
                         ssem[b], add=True)

    def dbody(t, carry):
        for b in range(NB):
            j = t * NB + b
            pltpu.make_async_copy(
                ones_v, deg_sh.at[didx_v.at[pl.ds(j * CHUNK, CHUNK)]],
                ssem[b]).wait()
            pltpu.async_copy(
                ones_v, deg_sh.at[didx_v.at[pl.ds((j + NB) * CHUNK, CHUNK)]],
                ssem[b], add=True)
        return carry

    lax.fori_loop(0, KB - 1, dbody, 0)
    for b in range(NB):
        j = (KB - 1) * NB + b
        pltpu.make_async_copy(
            ones_v, deg_sh.at[didx_v.at[pl.ds(j * CHUNK, CHUNK)]],
            ssem[b]).wait()
    plsc.subcore_barrier()
    pltpu.sync_copy(deg_sh.at[pl.ds(row0, RPT)],
                    degp_hbm.at[c].at[pl.ds(row0, RPT)])


@functools.partial(
    pl.kernel,
    out_type=jax.ShapeDtypeStruct((NC, N_PAD, OUT_DIM), jnp.float32),
    mesh=_mesh,
    scratch_types=[
        pltpu.VMEM((EPT,), jnp.int32),
        pltpu.VMEM((EPT,), jnp.int32),
        pltpu.VMEM((RPT,), jnp.float32),
        pltpu.VMEM((RPT,), jnp.float32),
        pltpu.VMEM((RPT, OUT_DIM), jnp.float32),
        pltpu.VMEM((NB, CHUNK, OUT_DIM), jnp.float32),
        pltpu.VMEM_SHARED((N_PAD, OUT_DIM), jnp.float32),
        pltpu.VMEM_SHARED((N_PAD, OUT_DIM), jnp.float32),
    ] + [pltpu.SemaphoreType.DMA] * (2 * NB),
    compiler_params=pltpu.CompilerParams(use_tc_tiling_on_sc=False,
                                         needs_layout_passes=False),
)
def _agg_kernel(ei_hbm, h_hbm, degp_hbm, accp_hbm,
                sidx_v, didx_v, degv, dinvv, hv, rows_v,
                g_sh, acc_sh, *sems):
    gsem, ssem = sems[:NB], sems[NB:]
    c = lax.axis_index("c")
    s = lax.axis_index("s")
    wid = s * NC + c
    row0 = s * RPT
    zero = jnp.zeros((L,), jnp.float32)

    for i in range(CHUNK):
        rows_v[0, i, :] = zero
    for t in range(RPT // CHUNK):
        pltpu.sync_copy(rows_v.at[0], acc_sh.at[pl.ds(row0 + t * CHUNK, CHUNK)])
    pltpu.sync_copy(ei_hbm.at[0].at[pl.ds(wid * EPT, EPT)], sidx_v)
    pltpu.sync_copy(ei_hbm.at[1].at[pl.ds(wid * EPT, EPT)], didx_v)
    pltpu.sync_copy(h_hbm.at[pl.ds(row0, RPT)], hv)
    pltpu.sync_copy(degp_hbm.at[0].at[pl.ds(row0, RPT)], degv)
    pltpu.sync_copy(degp_hbm.at[1].at[pl.ds(row0, RPT)], dinvv)

    def vbody(i, carry):
        d = degv[pl.ds(i * L, L)] + dinvv[pl.ds(i * L, L)] + 1.0
        dinvv[pl.ds(i * L, L)] = _rsqrt16(d)
        return carry

    lax.fori_loop(0, RPT // L, vbody, 0)

    def gbody(i, carry):
        dv = dinvv[pl.ds(i * L, L)]
        for bl in range(L):
            r = i * L + bl
            hv[r, :] = hv[r, :] * dv[bl]
        return carry

    lax.fori_loop(0, RPT // L, gbody, 0)
    pltpu.sync_copy(hv, g_sh.at[pl.ds(row0, RPT)])
    plsc.subcore_barrier()

    for b in range(NB):
        pltpu.async_copy(g_sh.at[sidx_v.at[pl.ds(b * CHUNK, CHUNK)]],
                         rows_v.at[b], gsem[b])

    def abody(t, carry):
        j0 = t * NB
        for b in range(NB):
            j = j0 + b
            pltpu.make_async_copy(
                g_sh.at[sidx_v.at[pl.ds(j * CHUNK, CHUNK)]], rows_v.at[b],
                gsem[b]).wait()
            pltpu.async_copy(
                rows_v.at[b], acc_sh.at[didx_v.at[pl.ds(j * CHUNK, CHUNK)]],
                ssem[b], add=True)
        for b in range(NB):
            j = j0 + b
            pltpu.make_async_copy(
                rows_v.at[b], acc_sh.at[didx_v.at[pl.ds(j * CHUNK, CHUNK)]],
                ssem[b]).wait()
            pltpu.async_copy(
                g_sh.at[sidx_v.at[pl.ds((j + NB) * CHUNK, CHUNK)]],
                rows_v.at[b], gsem[b])
        return carry

    lax.fori_loop(0, KB - 1, abody, 0)
    for b in range(NB):
        j = (KB - 1) * NB + b
        pltpu.make_async_copy(
            g_sh.at[sidx_v.at[pl.ds(j * CHUNK, CHUNK)]], rows_v.at[b],
            gsem[b]).wait()
        pltpu.async_copy(
            rows_v.at[b], acc_sh.at[didx_v.at[pl.ds(j * CHUNK, CHUNK)]],
            ssem[b], add=True)
    for b in range(NB):
        j = (KB - 1) * NB + b
        pltpu.make_async_copy(
            rows_v.at[b], acc_sh.at[didx_v.at[pl.ds(j * CHUNK, CHUNK)]],
            ssem[b]).wait()
    plsc.subcore_barrier()
    pltpu.sync_copy(acc_sh.at[pl.ds(row0, RPT)],
                    accp_hbm.at[c].at[pl.ds(row0, RPT)])


RPW = N_PAD // NW


@functools.partial(
    pl.kernel,
    out_type=jax.ShapeDtypeStruct((N_PAD, OUT_DIM), jnp.float32),
    mesh=_mesh,
    scratch_types=[
        pltpu.VMEM((RPW, OUT_DIM), jnp.float32),
        pltpu.VMEM((RPW, OUT_DIM), jnp.float32),
        pltpu.VMEM((RPW, OUT_DIM), jnp.float32),
        pltpu.VMEM((RPW,), jnp.float32),
        pltpu.VMEM((RPW,), jnp.float32),
        pltpu.VMEM((OUT_DIM,), jnp.float32),
    ],
    compiler_params=pltpu.CompilerParams(use_tc_tiling_on_sc=False,
                                         needs_layout_passes=False),
)
def _combine_kernel(accp_hbm, h_hbm, degp_hbm, b_hbm, out_hbm,
                    a0v, a1v, hv, degv, degv1, bv):
    c = lax.axis_index("c")
    s = lax.axis_index("s")
    wid = s * NC + c
    r0 = wid * RPW
    pltpu.sync_copy(accp_hbm.at[0].at[pl.ds(r0, RPW)], a0v)
    pltpu.sync_copy(accp_hbm.at[1].at[pl.ds(r0, RPW)], a1v)
    pltpu.sync_copy(h_hbm.at[pl.ds(r0, RPW)], hv)
    pltpu.sync_copy(degp_hbm.at[0].at[pl.ds(r0, RPW)], degv)
    pltpu.sync_copy(degp_hbm.at[1].at[pl.ds(r0, RPW)], degv1)
    pltpu.sync_copy(b_hbm, bv)
    bb = bv[...]

    def body(i, carry):
        dv = _rsqrt16(degv[pl.ds(i * L, L)] + degv1[pl.ds(i * L, L)] + 1.0)
        for bl in range(L):
            r = i * L + bl
            hv[r, :] = (a0v[r, :] + a1v[r, :] + hv[r, :] * dv[bl]) * dv[bl] + bb
        return carry

    lax.fori_loop(0, RPW // L, body, 0)
    pltpu.sync_copy(hv, out_hbm.at[pl.ds(r0, RPW)])


def _linear_body(x_ref, w_ref, h_ref):
    h = lax.dot_general(x_ref[...], w_ref[...],
                        (((1,), (1,)), ((), ())),
                        preferred_element_type=jnp.float32)
    h_ref[:N, :] = h
    h_ref[N:, :] = jnp.zeros((N_PAD - N, OUT_DIM), jnp.float32)


def kernel(x, edge_index, W, b):
    ei = lax.optimization_barrier(edge_index.astype(jnp.int32))
    degp = _deg_kernel(ei)
    h = pl.pallas_call(
        _linear_body,
        out_shape=jax.ShapeDtypeStruct((N_PAD, OUT_DIM), jnp.float32),
    )(x, W)
    accp = _agg_kernel(ei, h, degp)
    out_full = _combine_kernel(accp, h, degp, b)
    return out_full[:N]

# --- scband reference (transcript-rebuilt; emitter-appended) ---
"""Pipeline reference for scband-gnn-86577950753176 (READ-ONLY COPY).

The authoritative reference and input builder live on the scoring server;
editing this copy changes nothing except your own understanding.
"""

import jax, jax.numpy as jnp
import numpy as np

N_NODES = 10000
IN_DIM = 128
OUT_DIM = 16
N_EDGES = 320000


def setup_inputs(seed: int = 0) -> dict:
    key = jax.random.key(seed)
    k1, k2, k3, k4 = jax.random.split(key, 4)
    x = jax.random.normal(k1, (N_NODES, IN_DIM), dtype=jnp.float32)
    edge_index = jax.random.randint(k2, (2, N_EDGES), 0, N_NODES, dtype=jnp.int64)
    # GCNConv linear weight (PyG convention: out = x @ W.T), glorot init
    limit = float(np.sqrt(6.0 / (IN_DIM + OUT_DIM)))
    W = jax.random.uniform(k3, (OUT_DIM, IN_DIM), dtype=jnp.float32, minval=-limit, maxval=limit)
    b = jnp.zeros((OUT_DIM,), dtype=jnp.float32)
    return {"x": x, "edge_index": edge_index, "W": W, "b": b}


def reference(x, edge_index, W, b):
    # Faithful GCNConv (Kipf & Welling): add self-loops, symmetric normalization,
    # linear transform, scatter-add aggregation, then bias.
    N = x.shape[0]
    src = edge_index[0]
    dst = edge_index[1]
    loop = jnp.arange(N, dtype=edge_index.dtype)
    src = jnp.concatenate([src, loop])
    dst = jnp.concatenate([dst, loop])

    # Linear transform first (as in PyG GCNConv)
    h = x @ W.T  # [N, OUT_DIM]

    # Symmetric normalization: deg computed on dst (in-degree incl. self-loops)
    ones = jnp.ones(src.shape[0], dtype=h.dtype)
    deg = jnp.zeros((N,), dtype=h.dtype).at[dst].add(ones)
    deg_inv_sqrt = jnp.where(deg > 0, deg ** -0.5, 0.0)
    norm = deg_inv_sqrt[src] * deg_inv_sqrt[dst]  # [E+N]

    # Gather messages, scale, scatter-add to destination nodes
    msgs = h[src] * norm[:, None]
    out = jnp.zeros((N, h.shape[1]), dtype=h.dtype).at[dst].add(msgs)
    out = out + b
    return out

if __name__ == "__main__":
    import jax
    _d = setup_inputs()
    print(jax.jit(kernel)(*tuple(_d.values())))

</pallas_src>

<mosaic_0001>
#map = affine_map<(d0, d1) -> (0, 0)>
module attributes {stable_mosaic.version = 14 : i64} {
  func.func @_deg_kernel(%arg0: i32, %arg1: i32, %arg2: memref<2x320000xi32, #tpu.memory_space<hbm>>, %arg3: memref<2x10240xf32, #tpu.memory_space<hbm>>, %arg4: memref<10000xi32, #tpu.memory_space<vmem>>, %arg5: memref<80xf32, #tpu.memory_space<vmem>>, %arg6: memref<640xf32, #tpu.memory_space<vmem>>, %arg7: memref<10240xf32, #tpu.memory_space<vmem_shared>>, %arg8: memref<!tpu.dma_semaphore, #tpu.memory_space<semaphore_mem>>, %arg9: memref<!tpu.dma_semaphore, #tpu.memory_space<semaphore_mem>>, %arg10: memref<!tpu.dma_semaphore, #tpu.memory_space<semaphore_mem>>, %arg11: memref<!tpu.dma_semaphore, #tpu.memory_space<semaphore_mem>>, %arg12: memref<!tpu.dma_semaphore, #tpu.memory_space<semaphore_mem>>) attributes {dimension_semantics = [#tpu.dimension_semantics<core_parallel>, #tpu.dimension_semantics<subcore_parallel>], iteration_bounds = array<i64: 2, 16>, scalar_prefetch = 0 : i64, scratch_operands = 9 : i64, tpu.core_type = #tpu.core_type<sc_vector_subcore>, window_params = [{transform_indices = #map}, {transform_indices = #map}]} {
    %mul3A = arith.constant 2 : i32
    %mul3A_0 = arith.muli %arg1, %mul3A : i32
    %add3A = arith.addi %mul3A_0, %arg0 : i32
    %mul3A_1 = arith.constant 640 : i32
    %mul3A_2 = arith.muli %arg1, %mul3A_1 : i32
    %broadcast_in_dim3A = arith.constant 1.000000e+00 : f32
    %broadcast_in_dim3A_3 = vector.broadcast %broadcast_in_dim3A : f32 to vector<16xf32>
    %broadcast_in_dim3A_4 = arith.constant 0.000000e+00 : f32
    %broadcast_in_dim3A_5 = vector.broadcast %broadcast_in_dim3A_4 : f32 to vector<16xf32>
    %swap3A = arith.constant 0 : index
    %swap3A_6 = tpu.vector_load %arg5[%swap3A] {strides = array<i32>} : memref<80xf32, #tpu.memory_space<vmem>>, vector<16xf32>,
    tpu.vector_store %arg5[%swap3A], %broadcast_in_dim3A_3 {strides = array<i32>} : memref<80xf32, #tpu.memory_space<vmem>>, vector<16xf32>,
    %swap3A_7 = arith.constant 16 : index
    %swap3A_8 = tpu.vector_load %arg5[%swap3A_7] {strides = array<i32>} : memref<80xf32, #tpu.memory_space<vmem>>, vector<16xf32>,
    tpu.vector_store %arg5[%swap3A_7], %broadcast_in_dim3A_3 {strides = array<i32>} : memref<80xf32, #tpu.memory_space<vmem>>, vector<16xf32>,
    %swap3A_9 = arith.constant 32 : index
    %swap3A_10 = tpu.vector_load %arg5[%swap3A_9] {strides = array<i32>} : memref<80xf32, #tpu.memory_space<vmem>>, vector<16xf32>,
    tpu.vector_store %arg5[%swap3A_9], %broadcast_in_dim3A_3 {strides = array<i32>} : memref<80xf32, #tpu.memory_space<vmem>>, vector<16xf32>,
    %swap3A_11 = arith.constant 48 : index
    %swap3A_12 = tpu.vector_load %arg5[%swap3A_11] {strides = array<i32>} : memref<80xf32, #tpu.memory_space<vmem>>, vector<16xf32>,
    tpu.vector_store %arg5[%swap3A_11], %broadcast_in_dim3A_3 {strides = array<i32>} : memref<80xf32, #tpu.memory_space<vmem>>, vector<16xf32>,
    %swap3A_13 = arith.constant 64 : index
    %swap3A_14 = tpu.vector_load %arg5[%swap3A_13] {strides = array<i32>} : memref<80xf32, #tpu.memory_space<vmem>>, vector<16xf32>,
    tpu.vector_store %arg5[%swap3A_13], %broadcast_in_dim3A_3 {strides = array<i32>} : memref<80xf32, #tpu.memory_space<vmem>>, vector<16xf32>,
    %swap3A_15 = arith.constant 0 : index
    %swap3A_16 = tpu.vector_load %arg6[%swap3A_15] {strides = array<i32>} : memref<640xf32, #tpu.memory_space<vmem>>, vector<16xf32>,
    tpu.vector_store %arg6[%swap3A_15], %broadcast_in_dim3A_5 {strides = array<i32>} : memref<640xf32, #tpu.memory_space<vmem>>, vector<16xf32>,
    %swap3A_17 = arith.constant 16 : index
    %swap3A_18 = tpu.vector_load %arg6[%swap3A_17] {strides = array<i32>} : memref<640xf32, #tpu.memory_space<vmem>>, vector<16xf32>,
    tpu.vector_store %arg6[%swap3A_17], %broadcast_in_dim3A_5 {strides = array<i32>} : memref<640xf32, #tpu.memory_space<vmem>>, vector<16xf32>,
    %swap3A_19 = arith.constant 32 : index
    %swap3A_20 = tpu.vector_load %arg6[%swap3A_19] {strides = array<i32>} : memref<640xf32, #tpu.memory_space<vmem>>, vector<16xf32>,
    tpu.vector_store %arg6[%swap3A_19], %broadcast_in_dim3A_5 {strides = array<i32>} : memref<640xf32, #tpu.memory_space<vmem>>, vector<16xf32>,
    %swap3A_21 = arith.constant 48 : index
    %swap3A_22 = tpu.vector_load %arg6[%swap3A_21] {strides = array<i32>} : memref<640xf32, #tpu.memory_space<vmem>>, vector<16xf32>,
    tpu.vector_store %arg6[%swap3A_21], %broadcast_in_dim3A_5 {strides = array<i32>} : memref<640xf32, #tpu.memory_space<vmem>>, vector<16xf32>,
    %swap3A_23 = arith.constant 64 : index
    %swap3A_24 = tpu.vector_load %arg6[%swap3A_23] {strides = array<i32>} : memref<640xf32, #tpu.memory_space<vmem>>, vector<16xf32>,
    tpu.vector_store %arg6[%swap3A_23], %broadcast_in_dim3A_5 {strides = array<i32>} : memref<640xf32, #tpu.memory_space<vmem>>, vector<16xf32>,
    %swap3A_25 = arith.constant 80 : index
    %swap3A_26 = tpu.vector_load %arg6[%swap3A_25] {strides = array<i32>} : memref<640xf32, #tpu.memory_space<vmem>>, vector<16xf32>,
    tpu.vector_store %arg6[%swap3A_25], %broadcast_in_dim3A_5 {strides = array<i32>} : memref<640xf32, #tpu.memory_space<vmem>>, vector<16xf32>,
    %swap3A_27 = arith.constant 96 : index
    %swap3A_28 = tpu.vector_load %arg6[%swap3A_27] {strides = array<i32>} : memref<640xf32, #tpu.memory_space<vmem>>, vector<16xf32>,
    tpu.vector_store %arg6[%swap3A_27], %broadcast_in_dim3A_5 {strides = array<i32>} : memref<640xf32, #tpu.memory_space<vmem>>, vector<16xf32>,
    %swap3A_29 = arith.constant 112 : index
    %swap3A_30 = tpu.vector_load %arg6[%swap3A_29] {strides = array<i32>} : memref<640xf32, #tpu.memory_space<vmem>>, vector<16xf32>,
    tpu.vector_store %arg6[%swap3A_29], %broadcast_in_dim3A_5 {strides = array<i32>} : memref<640xf32, #tpu.memory_space<vmem>>, vector<16xf32>,
    %swap3A_31 = arith.constant 128 : index
    %swap3A_32 = tpu.vector_load %arg6[%swap3A_31] {strides = array<i32>} : memref<640xf32, #tpu.memory_space<vmem>>, vector<16xf32>,
    tpu.vector_store %arg6[%swap3A_31], %broadcast_in_dim3A_5 {strides = array<i32>} : memref<640xf32, #tpu.memory_space<vmem>>, vector<16xf32>,
    %swap3A_33 = arith.constant 144 : index
    %swap3A_34 = tpu.vector_load %arg6[%swap3A_33] {strides = array<i32>} : memref<640xf32, #tpu.memory_space<vmem>>, vector<16xf32>,
    tpu.vector_store %arg6[%swap3A_33], %broadcast_in_dim3A_5 {strides = array<i32>} : memref<640xf32, #tpu.memory_space<vmem>>, vector<16xf32>,
    %swap3A_35 = arith.constant 160 : index
    %swap3A_36 = tpu.vector_load %arg6[%swap3A_35] {strides = array<i32>} : memref<640xf32, #tpu.memory_space<vmem>>, vector<16xf32>,
    tpu.vector_store %arg6[%swap3A_35], %broadcast_in_dim3A_5 {strides = array<i32>} : memref<640xf32, #tpu.memory_space<vmem>>, vector<16xf32>,
    %swap3A_37 = arith.constant 176 : index
    %swap3A_38 = tpu.vector_load %arg6[%swap3A_37] {strides = array<i32>} : memref<640xf32, #tpu.memory_space<vmem>>, vector<16xf32>,
    tpu.vector_store %arg6[%swap3A_37], %broadcast_in_dim3A_5 {strides = array<i32>} : memref<640xf32, #tpu.memory_space<vmem>>, vector<16xf32>,
    %swap3A_39 = arith.constant 192 : index
    %swap3A_40 = tpu.vector_load %arg6[%swap3A_39] {strides = array<i32>} : memref<640xf32, #tpu.memory_space<vmem>>, vector<16xf32>,
    tpu.vector_store %arg6[%swap3A_39], %broadcast_in_dim3A_5 {strides = array<i32>} : memref<640xf32, #tpu.memory_space<vmem>>, vector<16xf32>,
    %swap3A_41 = arith.constant 208 : index
    %swap3A_42 = tpu.vector_load %arg6[%swap3A_41] {strides = array<i32>} : memref<640xf32, #tpu.memory_space<vmem>>, vector<16xf32>,
    tpu.vector_store %arg6[%swap3A_41], %broadcast_in_dim3A_5 {strides = array<i32>} : memref<640xf32, #tpu.memory_space<vmem>>, vector<16xf32>,
    %swap3A_43 = arith.constant 224 : index
    %swap3A_44 = tpu.vector_load %arg6[%swap3A_43] {strides = array<i32>} : memref<640xf32, #tpu.memory_space<vmem>>, vector<16xf32>,
    tpu.vector_store %arg6[%swap3A_43], %broadcast_in_dim3A_5 {strides = array<i32>} : memref<640xf32, #tpu.memory_space<vmem>>, vector<16xf32>,
    %swap3A_45 = arith.constant 240 : index
    %swap3A_46 = tpu.vector_load %arg6[%swap3A_45] {strides = array<i32>} : memref<640xf32, #tpu.memory_space<vmem>>, vector<16xf32>,
    tpu.vector_store %arg6[%swap3A_45], %broadcast_in_dim3A_5 {strides = array<i32>} : memref<640xf32, #tpu.memory_space<vmem>>, vector<16xf32>,
    %swap3A_47 = arith.constant 256 : index
    %swap3A_48 = tpu.vector_load %arg6[%swap3A_47] {strides = array<i32>} : memref<640xf32, #tpu.memory_space<vmem>>, vector<16xf32>,
    tpu.vector_store %arg6[%swap3A_47], %broadcast_in_dim3A_5 {strides = array<i32>} : memref<640xf32, #tpu.memory_space<vmem>>, vector<16xf32>,
    %swap3A_49 = arith.constant 272 : index
    %swap3A_50 = tpu.vector_load %arg6[%swap3A_49] {strides = array<i32>} : memref<640xf32, #tpu.memory_space<vmem>>, vector<16xf32>,
    tpu.vector_store %arg6[%swap3A_49], %broadcast_in_dim3A_5 {strides = array<i32>} : memref<640xf32, #tpu.memory_space<vmem>>, vector<16xf32>,
    %swap3A_51 = arith.constant 288 : index
    %swap3A_52 = tpu.vector_load %arg6[%swap3A_51] {strides = array<i32>} : memref<640xf32, #tpu.memory_space<vmem>>, vector<16xf32>,
    tpu.vector_store %arg6[%swap3A_51], %broadcast_in_dim3A_5 {strides = array<i32>} : memref<640xf32, #tpu.memory_space<vmem>>, vector<16xf32>,
    %swap3A_53 = arith.constant 304 : index
    %swap3A_54 = tpu.vector_load %arg6[%swap3A_53] {strides = array<i32>} : memref<640xf32, #tpu.memory_space<vmem>>, vector<16xf32>,
    tpu.vector_store %arg6[%swap3A_53], %broadcast_in_dim3A_5 {strides = array<i32>} : memref<640xf32, #tpu.memory_space<vmem>>, vector<16xf32>,
    %swap3A_55 = arith.constant 320 : index
    %swap3A_56 = tpu.vector_load %arg6[%swap3A_55] {strides = array<i32>} : memref<640xf32, #tpu.memory_space<vmem>>, vector<16xf32>,
    tpu.vector_store %arg6[%swap3A_55], %broadcast_in_dim3A_5 {strides = array<i32>} : memref<640xf32, #tpu.memory_space<vmem>>, vector<16xf32>,
    %swap3A_57 = arith.constant 336 : index
    %swap3A_58 = tpu.vector_load %arg6[%swap3A_57] {strides = array<i32>} : memref<640xf32, #tpu.memory_space<vmem>>, vector<16xf32>,
    tpu.vector_store %arg6[%swap3A_57], %broadcast_in_dim3A_5 {strides = array<i32>} : memref<640xf32, #tpu.memory_space<vmem>>, vector<16xf32>,
    %swap3A_59 = arith.constant 352 : index
    %swap3A_60 = tpu.vector_load %arg6[%swap3A_59] {strides = array<i32>} : memref<640xf32, #tpu.memory_space<vmem>>, vector<16xf32>,
    tpu.vector_store %arg6[%swap3A_59], %broadcast_in_dim3A_5 {strides = array<i32>} : memref<640xf32, #tpu.memory_space<vmem>>, vector<16xf32>,
    %swap3A_61 = arith.constant 368 : index
    %swap3A_62 = tpu.vector_load %arg6[%swap3A_61] {strides = array<i32>} : memref<640xf32, #tpu.memory_space<vmem>>, vector<16xf32>,
    tpu.vector_store %arg6[%swap3A_61], %broadcast_in_dim3A_5 {strides = array<i32>} : memref<640xf32, #tpu.memory_space<vmem>>, vector<16xf32>,
    %swap3A_63 = arith.constant 384 : index
    %swap3A_64 = tpu.vector_load %arg6[%swap3A_63] {strides = array<i32>} : memref<640xf32, #tpu.memory_space<vmem>>, vector<16xf32>,
    tpu.vector_store %arg6[%swap3A_63], %broadcast_in_dim3A_5 {strides = array<i32>} : memref<640xf32, #tpu.memory_space<vmem>>, vector<16xf32>,
    %swap3A_65 = arith.constant 400 : index
    %swap3A_66 = tpu.vector_load %arg6[%swap3A_65] {strides = array<i32>} : memref<640xf32, #tpu.memory_space<vmem>>, vector<16xf32>,
    tpu.vector_store %arg6[%swap3A_65], %broadcast_in_dim3A_5 {strides = array<i32>} : memref<640xf32, #tpu.memory_space<vmem>>, vector<16xf32>,
    %swap3A_67 = arith.constant 416 : index
    %swap3A_68 = tpu.vector_load %arg6[%swap3A_67] {strides = array<i32>} : memref<640xf32, #tpu.memory_space<vmem>>, vector<16xf32>,
    tpu.vector_store %arg6[%swap3A_67], %broadcast_in_dim3A_5 {strides = array<i32>} : memref<640xf32, #tpu.memory_space<vmem>>, vector<16xf32>,
    %swap3A_69 = arith.constant 432 : index
    %swap3A_70 = tpu.vector_load %arg6[%swap3A_69] {strides = array<i32>} : memref<640xf32, #tpu.memory_space<vmem>>, vector<16xf32>,
    tpu.vector_store %arg6[%swap3A_69], %broadcast_in_dim3A_5 {strides = array<i32>} : memref<640xf32, #tpu.memory_space<vmem>>, vector<16xf32>,
    %swap3A_71 = arith.constant 448 : index
    %swap3A_72 = tpu.vector_load %arg6[%swap3A_71] {strides = array<i32>} : memref<640xf32, #tpu.memory_space<vmem>>, vector<16xf32>,
    tpu.vector_store %arg6[%swap3A_71], %broadcast_in_dim3A_5 {strides = array<i32>} : memref<640xf32, #tpu.memory_space<vmem>>, vector<16xf32>,
    %swap3A_73 = arith.constant 464 : index
    %swap3A_74 = tpu.vector_load %arg6[%swap3A_73] {strides = array<i32>} : memref<640xf32, #tpu.memory_space<vmem>>, vector<16xf32>,
    tpu.vector_store %arg6[%swap3A_73], %broadcast_in_dim3A_5 {strides = array<i32>} : memref<640xf32, #tpu.memory_space<vmem>>, vector<16xf32>,
    %swap3A_75 = arith.constant 480 : index
    %swap3A_76 = tpu.vector_load %arg6[%swap3A_75] {strides = array<i32>} : memref<640xf32, #tpu.memory_space<vmem>>, vector<16xf32>,
    tpu.vector_store %arg6[%swap3A_75], %broadcast_in_dim3A_5 {strides = array<i32>} : memref<640xf32, #tpu.memory_space<vmem>>, vector<16xf32>,
    %swap3A_77 = arith.constant 496 : index
    %swap3A_78 = tpu.vector_load %arg6[%swap3A_77] {strides = array<i32>} : memref<640xf32, #tpu.memory_space<vmem>>, vector<16xf32>,
    tpu.vector_store %arg6[%swap3A_77], %broadcast_in_dim3A_5 {strides = array<i32>} : memref<640xf32, #tpu.memory_space<vmem>>, vector<16xf32>,
    %swap3A_79 = arith.constant 512 : index
    %swap3A_80 = tpu.vector_load %arg6[%swap3A_79] {strides = array<i32>} : memref<640xf32, #tpu.memory_space<vmem>>, vector<16xf32>,
    tpu.vector_store %arg6[%swap3A_79], %broadcast_in_dim3A_5 {strides = array<i32>} : memref<640xf32, #tpu.memory_space<vmem>>, vector<16xf32>,
    %swap3A_81 = arith.constant 528 : index
    %swap3A_82 = tpu.vector_load %arg6[%swap3A_81] {strides = array<i32>} : memref<640xf32, #tpu.memory_space<vmem>>, vector<16xf32>,
    tpu.vector_store %arg6[%swap3A_81], %broadcast_in_dim3A_5 {strides = array<i32>} : memref<640xf32, #tpu.memory_space<vmem>>, vector<16xf32>,
    %swap3A_83 = arith.constant 544 : index
    %swap3A_84 = tpu.vector_load %arg6[%swap3A_83] {strides = array<i32>} : memref<640xf32, #tpu.memory_space<vmem>>, vector<16xf32>,
    tpu.vector_store %arg6[%swap3A_83], %broadcast_in_dim3A_5 {strides = array<i32>} : memref<640xf32, #tpu.memory_space<vmem>>, vector<16xf32>,
    %swap3A_85 = arith.constant 560 : index
    %swap3A_86 = tpu.vector_load %arg6[%swap3A_85] {strides = array<i32>} : memref<640xf32, #tpu.memory_space<vmem>>, vector<16xf32>,
    tpu.vector_store %arg6[%swap3A_85], %broadcast_in_dim3A_5 {strides = array<i32>} : memref<640xf32, #tpu.memory_space<vmem>>, vector<16xf32>,
    %swap3A_87 = arith.constant 576 : index
    %swap3A_88 = tpu.vector_load %arg6[%swap3A_87] {strides = array<i32>} : memref<640xf32, #tpu.memory_space<vmem>>, vector<16xf32>,
    tpu.vector_store %arg6[%swap3A_87], %broadcast_in_dim3A_5 {strides = array<i32>} : memref<640xf32, #tpu.memory_space<vmem>>, vector<16xf32>,
    %swap3A_89 = arith.constant 592 : index
    %swap3A_90 = tpu.vector_load %arg6[%swap3A_89] {strides = array<i32>} : memref<640xf32, #tpu.memory_space<vmem>>, vector<16xf32>,
    tpu.vector_store %arg6[%swap3A_89], %broadcast_in_dim3A_5 {strides = array<i32>} : memref<640xf32, #tpu.memory_space<vmem>>, vector<16xf32>,
    %swap3A_91 = arith.constant 608 : index
    %swap3A_92 = tpu.vector_load %arg6[%swap3A_91] {strides = array<i32>} : memref<640xf32, #tpu.memory_space<vmem>>, vector<16xf32>,
    tpu.vector_store %arg6[%swap3A_91], %broadcast_in_dim3A_5 {strides = array<i32>} : memref<640xf32, #tpu.memory_space<vmem>>, vector<16xf32>,
    %swap3A_93 = arith.constant 624 : index
    %swap3A_94 = tpu.vector_load %arg6[%swap3A_93] {strides = array<i32>} : memref<640xf32, #tpu.memory_space<vmem>>, vector<16xf32>,
    tpu.vector_store %arg6[%swap3A_93], %broadcast_in_dim3A_5 {strides = array<i32>} : memref<640xf32, #tpu.memory_space<vmem>>, vector<16xf32>,
    "tpu.region"() ({
      %run_scoped3A_141 = tpu.sem_alloc : memref<!tpu.dma_semaphore, #tpu.memory_space<semaphore_mem>>
      %dma_start3A_142 = tpu.memref_slice %arg7[%mul3A_2] : memref<10240xf32, #tpu.memory_space<vmem_shared>> -> memref<640xf32, #tpu.memory_space<vmem_shared>>
      %dma_start3A_143 = tpu.memref_slice %arg7[%mul3A_2] : memref<10240xf32, #tpu.memory_space<vmem_shared>> -> memref<640xf32, #tpu.memory_space<vmem_shared>>
      tpu.enqueue_dma source(%arg6 : memref<640xf32, #tpu.memory_space<vmem>>) target(%dma_start3A_143 : memref<640xf32, #tpu.memory_space<vmem_shared>>) target_semaphore(%run_scoped3A_141 : memref<!tpu.dma_semaphore, #tpu.memory_space<semaphore_mem>>)
      %dma_wait3A_144 = tpu.memref_slice %arg7[%mul3A_2] : memref<10240xf32, #tpu.memory_space<vmem_shared>> -> memref<640xf32, #tpu.memory_space<vmem_shared>>
      %dma_wait3A_145 = tpu.memref_slice %arg7[%mul3A_2] : memref<10240xf32, #tpu.memory_space<vmem_shared>> -> memref<640xf32, #tpu.memory_space<vmem_shared>>
      tpu.wait_dma2 semaphore(%run_scoped3A_141 : memref<!tpu.dma_semaphore, #tpu.memory_space<semaphore_mem>>) src(%arg6 : memref<640xf32, #tpu.memory_space<vmem>>) dst(%dma_wait3A_145 : memref<640xf32, #tpu.memory_space<vmem_shared>>)
      tpu.yield
    }) : () -> ()
    %mul3A_95 = arith.constant 10000 : i32
    %mul3A_96 = arith.muli %add3A, %mul3A_95 : i32
    %run_scoped3A = arith.constant 1 : i32
    "tpu.region"() ({
      %run_scoped3A_141 = tpu.sem_alloc : memref<!tpu.dma_semaphore, #tpu.memory_space<semaphore_mem>>
      %dma_start3A_142 = arith.constant 0 : i32
      %dma_start3A_143 = tpu.memref_slice %arg2[%run_scoped3A, %dma_start3A_142] : memref<2x320000xi32, #tpu.memory_space<hbm>> -> memref<1x320000xi32, #tpu.memory_space<hbm>>
      %dma_start3A_144 = tpu.memref_squeeze %dma_start3A_143 : memref<1x320000xi32, #tpu.memory_space<hbm>> -> memref<320000xi32, #tpu.memory_space<hbm>>
      %dma_start3A_145 = tpu.memref_slice %dma_start3A_144[%mul3A_96] : memref<320000xi32, #tpu.memory_space<hbm>> -> memref<10000xi32, #tpu.memory_space<hbm>>
      %dma_start3A_146 = arith.constant 0 : i32
      %dma_start3A_147 = tpu.memref_slice %arg2[%run_scoped3A, %dma_start3A_146] : memref<2x320000xi32, #tpu.memory_space<hbm>> -> memref<1x320000xi32, #tpu.memory_space<hbm>>
      %dma_start3A_148 = tpu.memref_squeeze %dma_start3A_147 : memref<1x320000xi32, #tpu.memory_space<hbm>> -> memref<320000xi32, #tpu.memory_space<hbm>>
      %dma_start3A_149 = tpu.memref_slice %dma_start3A_148[%mul3A_96] : memref<320000xi32, #tpu.memory_space<hbm>> -> memref<10000xi32, #tpu.memory_space<hbm>>
      tpu.enqueue_dma source(%dma_start3A_149 : memref<10000xi32, #tpu.memory_space<hbm>>) target(%arg4 : memref<10000xi32, #tpu.memory_space<vmem>>) target_semaphore(%run_scoped3A_141 : memref<!tpu.dma_semaphore, #tpu.memory_space<semaphore_mem>>)
      %dma_wait3A_150 = arith.constant 0 : i32
      %dma_wait3A_151 = tpu.memref_slice %arg2[%run_scoped3A, %dma_wait3A_150] : memref<2x320000xi32, #tpu.memory_space<hbm>> -> memref<1x320000xi32, #tpu.memory_space<hbm>>
      %dma_wait3A_152 = tpu.memref_squeeze %dma_wait3A_151 : memref<1x320000xi32, #tpu.memory_space<hbm>> -> memref<320000xi32, #tpu.memory_space<hbm>>
      %dma_wait3A_153 = tpu.memref_slice %dma_wait3A_152[%mul3A_96] : memref<320000xi32, #tpu.memory_space<hbm>> -> memref<10000xi32, #tpu.memory_space<hbm>>
      %dma_wait3A_154 = arith.constant 0 : i32
      %dma_wait3A_155 = tpu.memref_slice %arg2[%run_scoped3A, %dma_wait3A_154] : memref<2x320000xi32, #tpu.memory_space<hbm>> -> memref<1x320000xi32, #tpu.memory_space<hbm>>
      %dma_wait3A_156 = tpu.memref_squeeze %dma_wait3A_155 : memref<1x320000xi32, #tpu.memory_space<hbm>> -> memref<320000xi32, #tpu.memory_space<hbm>>
      %dma_wait3A_157 = tpu.memref_slice %dma_wait3A_156[%mul3A_96] : memref<320000xi32, #tpu.memory_space<hbm>> -> memref<10000xi32, #tpu.memory_space<hbm>>
      tpu.wait_dma2 semaphore(%run_scoped3A_141 : memref<!tpu.dma_semaphore, #tpu.memory_space<semaphore_mem>>) src(%dma_wait3A_157 : memref<10000xi32, #tpu.memory_space<hbm>>) dst(%arg4 : memref<10000xi32, #tpu.memory_space<vmem>>)
      tpu.yield
    }) : () -> ()
    %barrier3A = arith.constant 0 : index
    tpu.barrier barrier_id(%barrier3A)
    %dma_start3A = arith.constant 0 : i32
    %dma_start3A_97 = tpu.memref_slice %arg4[%dma_start3A] : memref<10000xi32, #tpu.memory_space<vmem>> -> memref<80xi32, #tpu.memory_space<vmem>>
    %dma_start3A_98 = arith.constant 0 : i32
    %dma_start3A_99 = tpu.memref_slice %arg7[%dma_start3A_98] : memref<10240xf32, #tpu.memory_space<vmem_shared>> -> memref<10240xf32, #tpu.memory_space<vmem_shared>>
    tpu.enqueue_indirect_dma source(%arg5 : memref<80xf32, #tpu.memory_space<vmem>>) target(%dma_start3A_99 : memref<10240xf32, #tpu.memory_space<vmem_shared>>) offsets(%dma_start3A_97 : memref<80xi32, #tpu.memory_space<vmem>>) semaphore(%arg8 : memref<!tpu.dma_semaphore, #tpu.memory_space<semaphore_mem>>) {add = true}
    %dma_start3A_100 = arith.constant 80 : i32
    %dma_start3A_101 = tpu.memref_slice %arg4[%dma_start3A_100] : memref<10000xi32, #tpu.memory_space<vmem>> -> memref<80xi32, #tpu.memory_space<vmem>>
    %dma_start3A_102 = arith.constant 0 : i32
    %dma_start3A_103 = tpu.memref_slice %arg7[%dma_start3A_102] : memref<10240xf32, #tpu.memory_space<vmem_shared>> -> memref<10240xf32, #tpu.memory_space<vmem_shared>>
    tpu.enqueue_indirect_dma source(%arg5 : memref<80xf32, #tpu.memory_space<vmem>>) target(%dma_start3A_103 : memref<10240xf32, #tpu.memory_space<vmem_shared>>) offsets(%dma_start3A_101 : memref<80xi32, #tpu.memory_space<vmem>>) semaphore(%arg9 : memref<!tpu.dma_semaphore, #tpu.memory_space<semaphore_mem>>) {add = true}
    %dma_start3A_104 = arith.constant 160 : i32
    %dma_start3A_105 = tpu.memref_slice %arg4[%dma_start3A_104] : memref<10000xi32, #tpu.memory_space<vmem>> -> memref<80xi32, #tpu.memory_space<vmem>>
    %dma_start3A_106 = arith.constant 0 : i32
    %dma_start3A_107 = tpu.memref_slice %arg7[%dma_start3A_106] : memref<10240xf32, #tpu.memory_space<vmem_shared>> -> memref<10240xf32, #tpu.memory_space<vmem_shared>>
    tpu.enqueue_indirect_dma source(%arg5 : memref<80xf32, #tpu.memory_space<vmem>>) target(%dma_start3A_107 : memref<10240xf32, #tpu.memory_space<vmem_shared>>) offsets(%dma_start3A_105 : memref<80xi32, #tpu.memory_space<vmem>>) semaphore(%arg10 : memref<!tpu.dma_semaphore, #tpu.memory_space<semaphore_mem>>) {add = true}
    %dma_start3A_108 = arith.constant 240 : i32
    %dma_start3A_109 = tpu.memref_slice %arg4[%dma_start3A_108] : memref<10000xi32, #tpu.memory_space<vmem>> -> memref<80xi32, #tpu.memory_space<vmem>>
    %dma_start3A_110 = arith.constant 0 : i32
    %dma_start3A_111 = tpu.memref_slice %arg7[%dma_start3A_110] : memref<10240xf32, #tpu.memory_space<vmem_shared>> -> memref<10240xf32, #tpu.memory_space<vmem_shared>>
    tpu.enqueue_indirect_dma source(%arg5 : memref<80xf32, #tpu.memory_space<vmem>>) target(%dma_start3A_111 : memref<10240xf32, #tpu.memory_space<vmem_shared>>) offsets(%dma_start3A_109 : memref<80xi32, #tpu.memory_space<vmem>>) semaphore(%arg11 : memref<!tpu.dma_semaphore, #tpu.memory_space<semaphore_mem>>) {add = true}
    %dma_start3A_112 = arith.constant 320 : i32
    %dma_start3A_113 = tpu.memref_slice %arg4[%dma_start3A_112] : memref<10000xi32, #tpu.memory_space<vmem>> -> memref<80xi32, #tpu.memory_space<vmem>>
    %dma_start3A_114 = arith.constant 0 : i32
    %dma_start3A_115 = tpu.memref_slice %arg7[%dma_start3A_114] : memref<10240xf32, #tpu.memory_space<vmem_shared>> -> memref<10240xf32, #tpu.memory_space<vmem_shared>>
    tpu.enqueue_indirect_dma source(%arg5 : memref<80xf32, #tpu.memory_space<vmem>>) target(%dma_start3A_115 : memref<10240xf32, #tpu.memory_space<vmem_shared>>) offsets(%dma_start3A_113 : memref<80xi32, #tpu.memory_space<vmem>>) semaphore(%arg12 : memref<!tpu.dma_semaphore, #tpu.memory_space<semaphore_mem>>) {add = true}
    %scan3A = arith.constant 0 : i32
    %scan3A_116 = arith.constant 0 : i32
    %scan3A_117 = arith.constant 24 : i32
    %scan3A_118 = arith.addi %scan3A_116, %scan3A_117 : i32
    %scan3A_119 = arith.constant 1 : i32
    scf.for %scan3A_141 = %scan3A_116 to %scan3A_118 step %scan3A_119  : i32 {
      %mul3A_142 = arith.constant 5 : i32
      %mul3A_143 = arith.muli %scan3A_141, %mul3A_142 : i32
      %add3A_144 = arith.constant 0 : i32
      %add3A_145 = arith.addi %mul3A_143, %add3A_144 : i32
      %mul3A_146 = arith.constant 80 : i32
      %mul3A_147 = arith.muli %add3A_145, %mul3A_146 : i32
      %dma_wait3A_148 = tpu.memref_slice %arg4[%mul3A_147] : memref<10000xi32, #tpu.memory_space<vmem>> -> memref<80xi32, #tpu.memory_space<vmem>>
      %dma_wait3A_149 = arith.constant 0 : i32
      %dma_wait3A_150 = tpu.memref_slice %arg7[%dma_wait3A_149] : memref<10240xf32, #tpu.memory_space<vmem_shared>> -> memref<10240xf32, #tpu.memory_space<vmem_shared>>
      tpu.wait_indirect_dma semaphore(%arg8 : memref<!tpu.dma_semaphore, #tpu.memory_space<semaphore_mem>>) src(%arg5 : memref<80xf32, #tpu.memory_space<vmem>>) dst(%dma_wait3A_150 : memref<10240xf32, #tpu.memory_space<vmem_shared>>)
      %add3A_151 = arith.constant 5 : i32
      %add3A_152 = arith.addi %add3A_145, %add3A_151 : i32
      %mul3A_153 = arith.constant 80 : i32
      %mul3A_154 = arith.muli %add3A_152, %mul3A_153 : i32
      %dma_start3A_155 = tpu.memref_slice %arg4[%mul3A_154] : memref<10000xi32, #tpu.memory_space<vmem>> -> memref<80xi32, #tpu.memory_space<vmem>>
      %dma_start3A_156 = arith.constant 0 : i32
      %dma_start3A_157 = tpu.memref_slice %arg7[%dma_start3A_156] : memref<10240xf32, #tpu.memory_space<vmem_shared>> -> memref<10240xf32, #tpu.memory_space<vmem_shared>>
      tpu.enqueue_indirect_dma source(%arg5 : memref<80xf32, #tpu.memory_space<vmem>>) target(%dma_start3A_157 : memref<10240xf32, #tpu.memory_space<vmem_shared>>) offsets(%dma_start3A_155 : memref<80xi32, #tpu.memory_space<vmem>>) semaphore(%arg8 : memref<!tpu.dma_semaphore, #tpu.memory_space<semaphore_mem>>) {add = true}
      %mul3A_158 = arith.constant 5 : i32
      %mul3A_159 = arith.muli %scan3A_141, %mul3A_158 : i32
      %add3A_160 = arith.constant 1 : i32
      %add3A_161 = arith.addi %mul3A_159, %add3A_160 : i32
      %mul3A_162 = arith.constant 80 : i32
      %mul3A_163 = arith.muli %add3A_161, %mul3A_162 : i32
      %dma_wait3A_164 = tpu.memref_slice %arg4[%mul3A_163] : memref<10000xi32, #tpu.memory_space<vmem>> -> memref<80xi32, #tpu.memory_space<vmem>>
      %dma_wait3A_165 = arith.constant 0 : i32
      %dma_wait3A_166 = tpu.memref_slice %arg7[%dma_wait3A_165] : memref<10240xf32, #tpu.memory_space<vmem_shared>> -> memref<10240xf32, #tpu.memory_space<vmem_shared>>
      tpu.wait_indirect_dma semaphore(%arg9 : memref<!tpu.dma_semaphore, #tpu.memory_space<semaphore_mem>>) src(%arg5 : memref<80xf32, #tpu.memory_space<vmem>>) dst(%dma_wait3A_166 : memref<10240xf32, #tpu.memory_space<vmem_shared>>)
      %add3A_167 = arith.constant 5 : i32
      %add3A_168 = arith.addi %add3A_161, %add3A_167 : i32
      %mul3A_169 = arith.constant 80 : i32
      %mul3A_170 = arith.muli %add3A_168, %mul3A_169 : i32
      %dma_start3A_171 = tpu.memref_slice %arg4[%mul3A_170] : memref<10000xi32, #tpu.memory_space<vmem>> -> memref<80xi32, #tpu.memory_space<vmem>>
      %dma_start3A_172 = arith.constant 0 : i32
      %dma_start3A_173 = tpu.memref_slice %arg7[%dma_start3A_172] : memref<10240xf32, #tpu.memory_space<vmem_shared>> -> memref<10240xf32, #tpu.memory_space<vmem_shared>>
      tpu.enqueue_indirect_dma source(%arg5 : memref<80xf32, #tpu.memory_space<vmem>>) target(%dma_start3A_173 : memref<10240xf32, #tpu.memory_space<vmem_shared>>) offsets(%dma_start3A_171 : memref<80xi32, #tpu.memory_space<vmem>>) semaphore(%arg9 : memref<!tpu.dma_semaphore, #tpu.memory_space<semaphore_mem>>) {add = true}
      %mul3A_174 = arith.constant 5 : i32
      %mul3A_175 = arith.muli %scan3A_141, %mul3A_174 : i32
      %add3A_176 = arith.constant 2 : i32
      %add3A_177 = arith.addi %mul3A_175, %add3A_176 : i32
      %mul3A_178 = arith.constant 80 : i32
      %mul3A_179 = arith.muli %add3A_177, %mul3A_178 : i32
      %dma_wait3A_180 = tpu.memref_slice %arg4[%mul3A_179] : memref<10000xi32, #tpu.memory_space<vmem>> -> memref<80xi32, #tpu.memory_space<vmem>>
      %dma_wait3A_181 = arith.constant 0 : i32
      %dma_wait3A_182 = tpu.memref_slice %arg7[%dma_wait3A_181] : memref<10240xf32, #tpu.memory_space<vmem_shared>> -> memref<10240xf32, #tpu.memory_space<vmem_shared>>
      tpu.wait_indirect_dma semaphore(%arg10 : memref<!tpu.dma_semaphore, #tpu.memory_space<semaphore_mem>>) src(%arg5 : memref<80xf32, #tpu.memory_space<vmem>>) dst(%dma_wait3A_182 : memref<10240xf32, #tpu.memory_space<vmem_shared>>)
      %add3A_183 = arith.constant 5 : i32
      %add3A_184 = arith.addi %add3A_177, %add3A_183 : i32
      %mul3A_185 = arith.constant 80 : i32
      %mul3A_186 = arith.muli %add3A_184, %mul3A_185 : i32
      %dma_start3A_187 = tpu.memref_slice %arg4[%mul3A_186] : memref<10000xi32, #tpu.memory_space<vmem>> -> memref<80xi32, #tpu.memory_space<vmem>>
      %dma_start3A_188 = arith.constant 0 : i32
      %dma_start3A_189 = tpu.memref_slice %arg7[%dma_start3A_188] : memref<10240xf32, #tpu.memory_space<vmem_shared>> -> memref<10240xf32, #tpu.memory_space<vmem_shared>>
      tpu.enqueue_indirect_dma source(%arg5 : memref<80xf32, #tpu.memory_space<vmem>>) target(%dma_start3A_189 : memref<10240xf32, #tpu.memory_space<vmem_shared>>) offsets(%dma_start3A_187 : memref<80xi32, #tpu.memory_space<vmem>>) semaphore(%arg10 : memref<!tpu.dma_semaphore, #tpu.memory_space<semaphore_mem>>) {add = true}
      %mul3A_190 = arith.constant 5 : i32
      %mul3A_191 = arith.muli %scan3A_141, %mul3A_190 : i32
      %add3A_192 = arith.constant 3 : i32
      %add3A_193 = arith.addi %mul3A_191, %add3A_192 : i32
      %mul3A_194 = arith.constant 80 : i32
      %mul3A_195 = arith.muli %add3A_193, %mul3A_194 : i32
      %dma_wait3A_196 = tpu.memref_slice %arg4[%mul3A_195] : memref<10000xi32, #tpu.memory_space<vmem>> -> memref<80xi32, #tpu.memory_space<vmem>>
      %dma_wait3A_197 = arith.constant 0 : i32
      %dma_wait3A_198 = tpu.memref_slice %arg7[%dma_wait3A_197] : memref<10240xf32, #tpu.memory_space<vmem_shared>> -> memref<10240xf32, #tpu.memory_space<vmem_shared>>
      tpu.wait_indirect_dma semaphore(%arg11 : memref<!tpu.dma_semaphore, #tpu.memory_space<semaphore_mem>>) src(%arg5 : memref<80xf32, #tpu.memory_space<vmem>>) dst(%dma_wait3A_198 : memref<10240xf32, #tpu.memory_space<vmem_shared>>)
      %add3A_199 = arith.constant 5 : i32
      %add3A_200 = arith.addi %add3A_193, %add3A_199 : i32
      %mul3A_201 = arith.constant 80 : i32
      %mul3A_202 = arith.muli %add3A_200, %mul3A_201 : i32
      %dma_start3A_203 = tpu.memref_slice %arg4[%mul3A_202] : memref<10000xi32, #tpu.memory_space<vmem>> -> memref<80xi32, #tpu.memory_space<vmem>>
      %dma_start3A_204 = arith.constant 0 : i32
      %dma_start3A_205 = tpu.memref_slice %arg7[%dma_start3A_204] : memref<10240xf32, #tpu.memory_space<vmem_shared>> -> memref<10240xf32, #tpu.memory_space<vmem_shared>>
      tpu.enqueue_indirect_dma source(%arg5 : memref<80xf32, #tpu.memory_space<vmem>>) target(%dma_start3A_205 : memref<10240xf32, #tpu.memory_space<vmem_shared>>) offsets(%dma_start3A_203 : memref<80xi32, #tpu.memory_space<vmem>>) semaphore(%arg11 : memref<!tpu.dma_semaphore, #tpu.memory_space<semaphore_mem>>) {add = true}
      %mul3A_206 = arith.constant 5 : i32
      %mul3A_207 = arith.muli %scan3A_141, %mul3A_206 : i32
      %add3A_208 = arith.constant 4 : i32
      %add3A_209 = arith.addi %mul3A_207, %add3A_208 : i32
      %mul3A_210 = arith.constant 80 : i32
      %mul3A_211 = arith.muli %add3A_209, %mul3A_210 : i32
      %dma_wait3A_212 = tpu.memref_slice %arg4[%mul3A_211] : memref<10000xi32, #tpu.memory_space<vmem>> -> memref<80xi32, #tpu.memory_space<vmem>>
      %dma_wait3A_213 = arith.constant 0 : i32
      %dma_wait3A_214 = tpu.memref_slice %arg7[%dma_wait3A_213] : memref<10240xf32, #tpu.memory_space<vmem_shared>> -> memref<10240xf32, #tpu.memory_space<vmem_shared>>
      tpu.wait_indirect_dma semaphore(%arg12 : memref<!tpu.dma_semaphore, #tpu.memory_space<semaphore_mem>>) src(%arg5 : memref<80xf32, #tpu.memory_space<vmem>>) dst(%dma_wait3A_214 : memref<10240xf32, #tpu.memory_space<vmem_shared>>)
      %add3A_215 = arith.constant 5 : i32
      %add3A_216 = arith.addi %add3A_209, %add3A_215 : i32
      %mul3A_217 = arith.constant 80 : i32
      %mul3A_218 = arith.muli %add3A_216, %mul3A_217 : i32
      %dma_start3A_219 = tpu.memref_slice %arg4[%mul3A_218] : memref<10000xi32, #tpu.memory_space<vmem>> -> memref<80xi32, #tpu.memory_space<vmem>>
      %dma_start3A_220 = arith.constant 0 : i32
      %dma_start3A_221 = tpu.memref_slice %arg7[%dma_start3A_220] : memref<10240xf32, #tpu.memory_space<vmem_shared>> -> memref<10240xf32, #tpu.memory_space<vmem_shared>>
      tpu.enqueue_indirect_dma source(%arg5 : memref<80xf32, #tpu.memory_space<vmem>>) target(%dma_start3A_221 : memref<10240xf32, #tpu.memory_space<vmem_shared>>) offsets(%dma_start3A_219 : memref<80xi32, #tpu.memory_space<vmem>>) semaphore(%arg12 : memref<!tpu.dma_semaphore, #tpu.memory_space<semaphore_mem>>) {add = true}
    }
    %scan3A_120 = arith.constant 24 : i32
    %dma_wait3A = arith.constant 9600 : i32
    %dma_wait3A_121 = tpu.memref_slice %arg4[%dma_wait3A] : memref<10000xi32, #tpu.memory_space<vmem>> -> memref<80xi32, #tpu.memory_space<vmem>>
    %dma_wait3A_122 = arith.constant 0 : i32
    %dma_wait3A_123 = tpu.memref_slice %arg7[%dma_wait3A_122] : memref<10240xf32, #tpu.memory_space<vmem_shared>> -> memref<10240xf32, #tpu.memory_space<vmem_shared>>
    tpu.wait_indirect_dma semaphore(%arg8 : memref<!tpu.dma_semaphore, #tpu.memory_space<semaphore_mem>>) src(%arg5 : memref<80xf32, #tpu.memory_space<vmem>>) dst(%dma_wait3A_123 : memref<10240xf32, #tpu.memory_space<vmem_shared>>)
    %dma_wait3A_124 = arith.constant 9680 : i32
    %dma_wait3A_125 = tpu.memref_slice %arg4[%dma_wait3A_124] : memref<10000xi32, #tpu.memory_space<vmem>> -> memref<80xi32, #tpu.memory_space<vmem>>
    %dma_wait3A_126 = arith.constant 0 : i32
    %dma_wait3A_127 = tpu.memref_slice %arg7[%dma_wait3A_126] : memref<10240xf32, #tpu.memory_space<vmem_shared>> -> memref<10240xf32, #tpu.memory_space<vmem_shared>>
    tpu.wait_indirect_dma semaphore(%arg9 : memref<!tpu.dma_semaphore, #tpu.memory_space<semaphore_mem>>) src(%arg5 : memref<80xf32, #tpu.memory_space<vmem>>) dst(%dma_wait3A_127 : memref<10240xf32, #tpu.memory_space<vmem_shared>>)
    %dma_wait3A_128 = arith.constant 9760 : i32
    %dma_wait3A_129 = tpu.memref_slice %arg4[%dma_wait3A_128] : memref<10000xi32, #tpu.memory_space<vmem>> -> memref<80xi32, #tpu.memory_space<vmem>>
    %dma_wait3A_130 = arith.constant 0 : i32
    %dma_wait3A_131 = tpu.memref_slice %arg7[%dma_wait3A_130] : memref<10240xf32, #tpu.memory_space<vmem_shared>> -> memref<10240xf32, #tpu.memory_space<vmem_shared>>
    tpu.wait_indirect_dma semaphore(%arg10 : memref<!tpu.dma_semaphore, #tpu.memory_space<semaphore_mem>>) src(%arg5 : memref<80xf32, #tpu.memory_space<vmem>>) dst(%dma_wait3A_131 : memref<10240xf32, #tpu.memory_space<vmem_shared>>)
    %dma_wait3A_132 = arith.constant 9840 : i32
    %dma_wait3A_133 = tpu.memref_slice %arg4[%dma_wait3A_132] : memref<10000xi32, #tpu.memory_space<vmem>> -> memref<80xi32, #tpu.memory_space<vmem>>
    %dma_wait3A_134 = arith.constant 0 : i32
    %dma_wait3A_135 = tpu.memref_slice %arg7[%dma_wait3A_134] : memref<10240xf32, #tpu.memory_space<vmem_shared>> -> memref<10240xf32, #tpu.memory_space<vmem_shared>>
    tpu.wait_indirect_dma semaphore(%arg11 : memref<!tpu.dma_semaphore, #tpu.memory_space<semaphore_mem>>) src(%arg5 : memref<80xf32, #tpu.memory_space<vmem>>) dst(%dma_wait3A_135 : memref<10240xf32, #tpu.memory_space<vmem_shared>>)
    %dma_wait3A_136 = arith.constant 9920 : i32
    %dma_wait3A_137 = tpu.memref_slice %arg4[%dma_wait3A_136] : memref<10000xi32, #tpu.memory_space<vmem>> -> memref<80xi32, #tpu.memory_space<vmem>>
    %dma_wait3A_138 = arith.constant 0 : i32
    %dma_wait3A_139 = tpu.memref_slice %arg7[%dma_wait3A_138] : memref<10240xf32, #tpu.memory_space<vmem_shared>> -> memref<10240xf32, #tpu.memory_space<vmem_shared>>
    tpu.wait_indirect_dma semaphore(%arg12 : memref<!tpu.dma_semaphore, #tpu.memory_space<semaphore_mem>>) src(%arg5 : memref<80xf32, #tpu.memory_space<vmem>>) dst(%dma_wait3A_139 : memref<10240xf32, #tpu.memory_space<vmem_shared>>)
    %barrier3A_140 = arith.constant 0 : index
    tpu.barrier barrier_id(%barrier3A_140)
    "tpu.region"() ({
      %run_scoped3A_141 = tpu.sem_alloc : memref<!tpu.dma_semaphore, #tpu.memory_space<semaphore_mem>>
      %dma_start3A_142 = arith.constant 0 : i32
      %dma_start3A_143 = tpu.memref_slice %arg3[%arg0, %dma_start3A_142] : memref<2x10240xf32, #tpu.memory_space<hbm>> -> memref<1x10240xf32, #tpu.memory_space<hbm>>
      %dma_start3A_144 = tpu.memref_squeeze %dma_start3A_143 : memref<1x10240xf32, #tpu.memory_space<hbm>> -> memref<10240xf32, #tpu.memory_space<hbm>>
      %dma_start3A_145 = tpu.memref_slice %dma_start3A_144[%mul3A_2] : memref<10240xf32, #tpu.memory_space<hbm>> -> memref<640xf32, #tpu.memory_space<hbm>>
      %dma_start3A_146 = tpu.memref_slice %arg7[%mul3A_2] : memref<10240xf32, #tpu.memory_space<vmem_shared>> -> memref<640xf32, #tpu.memory_space<vmem_shared>>
      tpu.enqueue_dma source(%dma_start3A_146 : memref<640xf32, #tpu.memory_space<vmem_shared>>) target(%dma_start3A_145 : memref<640xf32, #tpu.memory_space<hbm>>) target_semaphore(%run_scoped3A_141 : memref<!tpu.dma_semaphore, #tpu.memory_space<semaphore_mem>>)
      %dma_wait3A_147 = arith.constant 0 : i32
      %dma_wait3A_148 = tpu.memref_slice %arg3[%arg0, %dma_wait3A_147] : memref<2x10240xf32, #tpu.memory_space<hbm>> -> memref<1x10240xf32, #tpu.memory_space<hbm>>
      %dma_wait3A_149 = tpu.memref_squeeze %dma_wait3A_148 : memref<1x10240xf32, #tpu.memory_space<hbm>> -> memref<10240xf32, #tpu.memory_space<hbm>>
      %dma_wait3A_150 = tpu.memref_slice %dma_wait3A_149[%mul3A_2] : memref<10240xf32, #tpu.memory_space<hbm>> -> memref<640xf32, #tpu.memory_space<hbm>>
      %dma_wait3A_151 = tpu.memref_slice %arg7[%mul3A_2] : memref<10240xf32, #tpu.memory_space<vmem_shared>> -> memref<640xf32, #tpu.memory_space<vmem_shared>>
      tpu.wait_dma2 semaphore(%run_scoped3A_141 : memref<!tpu.dma_semaphore, #tpu.memory_space<semaphore_mem>>) src(%dma_wait3A_151 : memref<640xf32, #tpu.memory_space<vmem_shared>>) dst(%dma_wait3A_150 : memref<640xf32, #tpu.memory_space<hbm>>)
      tpu.yield
    }) : () -> ()
    return
  }
}

#map = affine_map<(d0, d1) -> (0, 0, 0)>
#map1 = affine_map<(d0, d1) -> (0, 0)>
#map2 = affine_map<(d0, d1) -> (0)>
module attributes {stable_mosaic.version = 14 : i64} {
  func.func @_combine_kernel(%arg0: i32, %arg1: i32, %arg2: memref<2x10240x16xf32, #tpu.memory_space<hbm>>, %arg3: memref<10240x16xf32, #tpu.memory_space<hbm>>, %arg4: memref<2x10240xf32, #tpu.memory_space<hbm>>, %arg5: memref<16xf32, #tpu.memory_space<hbm>>, %arg6: memref<10240x16xf32, #tpu.memory_space<hbm>>, %arg7: memref<320x16xf32, #tpu.memory_space<vmem>>, %arg8: memref<320x16xf32, #tpu.memory_space<vmem>>, %arg9: memref<320x16xf32, #tpu.memory_space<vmem>>, %arg10: memref<320xf32, #tpu.memory_space<vmem>>, %arg11: memref<320xf32, #tpu.memory_space<vmem>>, %arg12: memref<16xf32, #tpu.memory_space<vmem>>) attributes {dimension_semantics = [#tpu.dimension_semantics<core_parallel>, #tpu.dimension_semantics<subcore_parallel>], iteration_bounds = array<i64: 2, 16>, scalar_prefetch = 0 : i64, scratch_operands = 6 : i64, tpu.core_type = #tpu.core_type<sc_vector_subcore>, window_params = [{transform_indices = #map}, {transform_indices = #map1}, {transform_indices = #map1}, {transform_indices = #map2}, {transform_indices = #map1}]} {
    %mul3A = arith.constant 2 : i32
    %mul3A_0 = arith.muli %arg1, %mul3A : i32
    %add3A = arith.addi %mul3A_0, %arg0 : i32
    %mul3A_1 = arith.constant 320 : i32
    %mul3A_2 = arith.muli %add3A, %mul3A_1 : i32
    %run_scoped3A = arith.constant 0 : i32
    "tpu.region"() ({
      %run_scoped3A_12 = tpu.sem_alloc : memref<!tpu.dma_semaphore, #tpu.memory_space<semaphore_mem>>
      %dma_start3A = arith.constant 0 : i32
      %dma_start3A_13 = arith.constant 0 : i32
      %dma_start3A_14 = tpu.memref_slice %arg2[%run_scoped3A, %dma_start3A, %dma_start3A_13] : memref<2x10240x16xf32, #tpu.memory_space<hbm>> -> memref<1x10240x16xf32, #tpu.memory_space<hbm>>
      %dma_start3A_15 = tpu.memref_squeeze %dma_start3A_14 : memref<1x10240x16xf32, #tpu.memory_space<hbm>> -> memref<10240x16xf32, #tpu.memory_space<hbm>>
      %dma_start3A_16 = arith.constant 0 : i32
      %dma_start3A_17 = tpu.memref_slice %dma_start3A_15[%mul3A_2, %dma_start3A_16] : memref<10240x16xf32, #tpu.memory_space<hbm>> -> memref<320x16xf32, #tpu.memory_space<hbm>>
      %dma_start3A_18 = arith.constant 0 : i32
      %dma_start3A_19 = arith.constant 0 : i32
      %dma_start3A_20 = tpu.memref_slice %arg2[%run_scoped3A, %dma_start3A_18, %dma_start3A_19] : memref<2x10240x16xf32, #tpu.memory_space<hbm>> -> memref<1x10240x16xf32, #tpu.memory_space<hbm>>
      %dma_start3A_21 = tpu.memref_squeeze %dma_start3A_20 : memref<1x10240x16xf32, #tpu.memory_space<hbm>> -> memref<10240x16xf32, #tpu.memory_space<hbm>>
      %dma_start3A_22 = arith.constant 0 : i32
      %dma_start3A_23 = tpu.memref_slice %dma_start3A_21[%mul3A_2, %dma_start3A_22] : memref<10240x16xf32, #tpu.memory_space<hbm>> -> memref<320x16xf32, #tpu.memory_space<hbm>>
      tpu.enqueue_dma source(%dma_start3A_23 : memref<320x16xf32, #tpu.memory_space<hbm>>) target(%arg7 : memref<320x16xf32, #tpu.memory_space<vmem>>) target_semaphore(%run_scoped3A_12 : memref<!tpu.dma_semaphore, #tpu.memory_space<semaphore_mem>>)
      %dma_wait3A = arith.constant 0 : i32
      %dma_wait3A_24 = arith.constant 0 : i32
      %dma_wait3A_25 = tpu.memref_slice %arg2[%run_scoped3A, %dma_wait3A, %dma_wait3A_24] : memref<2x10240x16xf32, #tpu.memory_space<hbm>> -> memref<1x10240x16xf32, #tpu.memory_space<hbm>>
      %dma_wait3A_26 = tpu.memref_squeeze %dma_wait3A_25 : memref<1x10240x16xf32, #tpu.memory_space<hbm>> -> memref<10240x16xf32, #tpu.memory_space<hbm>>
      %dma_wait3A_27 = arith.constant 0 : i32
      %dma_wait3A_28 = tpu.memref_slice %dma_wait3A_26[%mul3A_2, %dma_wait3A_27] : memref<10240x16xf32, #tpu.memory_space<hbm>> -> memref<320x16xf32, #tpu.memory_space<hbm>>
      %dma_wait3A_29 = arith.constant 0 : i32
      %dma_wait3A_30 = arith.constant 0 : i32
      %dma_wait3A_31 = tpu.memref_slice %arg2[%run_scoped3A, %dma_wait3A_29, %dma_wait3A_30] : memref<2x10240x16xf32, #tpu.memory_space<hbm>> -> memref<1x10240x16xf32, #tpu.memory_space<hbm>>
      %dma_wait3A_32 = tpu.memref_squeeze %dma_wait3A_31 : memref<1x10240x16xf32, #tpu.memory_space<hbm>> -> memref<10240x16xf32, #tpu.memory_space<hbm>>
      %dma_wait3A_33 = arith.constant 0 : i32
      %dma_wait3A_34 = tpu.memref_slice %dma_wait3A_32[%mul3A_2, %dma_wait3A_33] : memref<10240x16xf32, #tpu.memory_space<hbm>> -> memref<320x16xf32, #tpu.memory_space<hbm>>
      tpu.wait_dma2 semaphore(%run_scoped3A_12 : memref<!tpu.dma_semaphore, #tpu.memory_space<semaphore_mem>>) src(%dma_wait3A_34 : memref<320x16xf32, #tpu.memory_space<hbm>>) dst(%arg7 : memref<320x16xf32, #tpu.memory_space<vmem>>)
      tpu.yield
    }) : () -> ()
    %run_scoped3A_3 = arith.constant 1 : i32
    "tpu.region"() ({
      %run_scoped3A_12 = tpu.sem_alloc : memref<!tpu.dma_semaphore, #tpu.memory_space<semaphore_mem>>
      %dma_start3A = arith.constant 0 : i32
      %dma_start3A_13 = arith.constant 0 : i32
      %dma_start3A_14 = tpu.memref_slice %arg2[%run_scoped3A_3, %dma_start3A, %dma_start3A_13] : memref<2x10240x16xf32, #tpu.memory_space<hbm>> -> memref<1x10240x16xf32, #tpu.memory_space<hbm>>
      %dma_start3A_15 = tpu.memref_squeeze %dma_start3A_14 : memref<1x10240x16xf32, #tpu.memory_space<hbm>> -> memref<10240x16xf32, #tpu.memory_space<hbm>>
      %dma_start3A_16 = arith.constant 0 : i32
      %dma_start3A_17 = tpu.memref_slice %dma_start3A_15[%mul3A_2, %dma_start3A_16] : memref<10240x16xf32, #tpu.memory_space<hbm>> -> memref<320x16xf32, #tpu.memory_space<hbm>>
      %dma_start3A_18 = arith.constant 0 : i32
      %dma_start3A_19 = arith.constant 0 : i32
      %dma_start3A_20 = tpu.memref_slice %arg2[%run_scoped3A_3, %dma_start3A_18, %dma_start3A_19] : memref<2x10240x16xf32, #tpu.memory_space<hbm>> -> memref<1x10240x16xf32, #tpu.memory_space<hbm>>
      %dma_start3A_21 = tpu.memref_squeeze %dma_start3A_20 : memref<1x10240x16xf32, #tpu.memory_space<hbm>> -> memref<10240x16xf32, #tpu.memory_space<hbm>>
      %dma_start3A_22 = arith.constant 0 : i32
      %dma_start3A_23 = tpu.memref_slice %dma_start3A_21[%mul3A_2, %dma_start3A_22] : memref<10240x16xf32, #tpu.memory_space<hbm>> -> memref<320x16xf32, #tpu.memory_space<hbm>>
      tpu.enqueue_dma source(%dma_start3A_23 : memref<320x16xf32, #tpu.memory_space<hbm>>) target(%arg8 : memref<320x16xf32, #tpu.memory_space<vmem>>) target_semaphore(%run_scoped3A_12 : memref<!tpu.dma_semaphore, #tpu.memory_space<semaphore_mem>>)
      %dma_wait3A = arith.constant 0 : i32
      %dma_wait3A_24 = arith.constant 0 : i32
      %dma_wait3A_25 = tpu.memref_slice %arg2[%run_scoped3A_3, %dma_wait3A, %dma_wait3A_24] : memref<2x10240x16xf32, #tpu.memory_space<hbm>> -> memref<1x10240x16xf32, #tpu.memory_space<hbm>>
      %dma_wait3A_26 = tpu.memref_squeeze %dma_wait3A_25 : memref<1x10240x16xf32, #tpu.memory_space<hbm>> -> memref<10240x16xf32, #tpu.memory_space<hbm>>
      %dma_wait3A_27 = arith.constant 0 : i32
      %dma_wait3A_28 = tpu.memref_slice %dma_wait3A_26[%mul3A_2, %dma_wait3A_27] : memref<10240x16xf32, #tpu.memory_space<hbm>> -> memref<320x16xf32, #tpu.memory_space<hbm>>
      %dma_wait3A_29 = arith.constant 0 : i32
      %dma_wait3A_30 = arith.constant 0 : i32
      %dma_wait3A_31 = tpu.memref_slice %arg2[%run_scoped3A_3, %dma_wait3A_29, %dma_wait3A_30] : memref<2x10240x16xf32, #tpu.memory_space<hbm>> -> memref<1x10240x16xf32, #tpu.memory_space<hbm>>
      %dma_wait3A_32 = tpu.memref_squeeze %dma_wait3A_31 : memref<1x10240x16xf32, #tpu.memory_space<hbm>> -> memref<10240x16xf32, #tpu.memory_space<hbm>>
      %dma_wait3A_33 = arith.constant 0 : i32
      %dma_wait3A_34 = tpu.memref_slice %dma_wait3A_32[%mul3A_2, %dma_wait3A_33] : memref<10240x16xf32, #tpu.memory_space<hbm>> -> memref<320x16xf32, #tpu.memory_space<hbm>>
      tpu.wait_dma2 semaphore(%run_scoped3A_12 : memref<!tpu.dma_semaphore, #tpu.memory_space<semaphore_mem>>) src(%dma_wait3A_34 : memref<320x16xf32, #tpu.memory_space<hbm>>) dst(%arg8 : memref<320x16xf32, #tpu.memory_space<vmem>>)
      tpu.yield
    }) : () -> ()
    "tpu.region"() ({
      %run_scoped3A_12 = tpu.sem_alloc : memref<!tpu.dma_semaphore, #tpu.memory_space<semaphore_mem>>
      %dma_start3A = arith.constant 0 : i32
      %dma_start3A_13 = tpu.memref_slice %arg3[%mul3A_2, %dma_start3A] : memref<10240x16xf32, #tpu.memory_space<hbm>> -> memref<320x16xf32, #tpu.memory_space<hbm>>
      %dma_start3A_14 = arith.constant 0 : i32
      %dma_start3A_15 = tpu.memref_slice %arg3[%mul3A_2, %dma_start3A_14] : memref<10240x16xf32, #tpu.memory_space<hbm>> -> memref<320x16xf32, #tpu.memory_space<hbm>>
      tpu.enqueue_dma source(%dma_start3A_15 : memref<320x16xf32, #tpu.memory_space<hbm>>) target(%arg9 : memref<320x16xf32, #tpu.memory_space<vmem>>) target_semaphore(%run_scoped3A_12 : memref<!tpu.dma_semaphore, #tpu.memory_space<semaphore_mem>>)
      %dma_wait3A = arith.constant 0 : i32
      %dma_wait3A_16 = tpu.memref_slice %arg3[%mul3A_2, %dma_wait3A] : memref<10240x16xf32, #tpu.memory_space<hbm>> -> memref<320x16xf32, #tpu.memory_space<hbm>>
      %dma_wait3A_17 = arith.constant 0 : i32
      %dma_wait3A_18 = tpu.memref_slice %arg3[%mul3A_2, %dma_wait3A_17] : memref<10240x16xf32, #tpu.memory_space<hbm>> -> memref<320x16xf32, #tpu.memory_space<hbm>>
      tpu.wait_dma2 semaphore(%run_scoped3A_12 : memref<!tpu.dma_semaphore, #tpu.memory_space<semaphore_mem>>) src(%dma_wait3A_18 : memref<320x16xf32, #tpu.memory_space<hbm>>) dst(%arg9 : memref<320x16xf32, #tpu.memory_space<vmem>>)
      tpu.yield
    }) : () -> ()
    %run_scoped3A_4 = arith.constant 0 : i32
    "tpu.region"() ({
      %run_scoped3A_12 = tpu.sem_alloc : memref<!tpu.dma_semaphore, #tpu.memory_space<semaphore_mem>>
      %dma_start3A = arith.constant 0 : i32
      %dma_start3A_13 = tpu.memref_slice %arg4[%run_scoped3A_4, %dma_start3A] : memref<2x10240xf32, #tpu.memory_space<hbm>> -> memref<1x10240xf32, #tpu.memory_space<hbm>>
      %dma_start3A_14 = tpu.memref_squeeze %dma_start3A_13 : memref<1x10240xf32, #tpu.memory_space<hbm>> -> memref<10240xf32, #tpu.memory_space<hbm>>
      %dma_start3A_15 = tpu.memref_slice %dma_start3A_14[%mul3A_2] : memref<10240xf32, #tpu.memory_space<hbm>> -> memref<320xf32, #tpu.memory_space<hbm>>
      %dma_start3A_16 = arith.constant 0 : i32
      %dma_start3A_17 = tpu.memref_slice %arg4[%run_scoped3A_4, %dma_start3A_16] : memref<2x10240xf32, #tpu.memory_space<hbm>> -> memref<1x10240xf32, #tpu.memory_space<hbm>>
      %dma_start3A_18 = tpu.memref_squeeze %dma_start3A_17 : memref<1x10240xf32, #tpu.memory_space<hbm>> -> memref<10240xf32, #tpu.memory_space<hbm>>
      %dma_start3A_19 = tpu.memref_slice %dma_start3A_18[%mul3A_2] : memref<10240xf32, #tpu.memory_space<hbm>> -> memref<320xf32, #tpu.memory_space<hbm>>
      tpu.enqueue_dma source(%dma_start3A_19 : memref<320xf32, #tpu.memory_space<hbm>>) target(%arg10 : memref<320xf32, #tpu.memory_space<vmem>>) target_semaphore(%run_scoped3A_12 : memref<!tpu.dma_semaphore, #tpu.memory_space<semaphore_mem>>)
      %dma_wait3A = arith.constant 0 : i32
      %dma_wait3A_20 = tpu.memref_slice %arg4[%run_scoped3A_4, %dma_wait3A] : memref<2x10240xf32, #tpu.memory_space<hbm>> -> memref<1x10240xf32, #tpu.memory_space<hbm>>
      %dma_wait3A_21 = tpu.memref_squeeze %dma_wait3A_20 : memref<1x10240xf32, #tpu.memory_space<hbm>> -> memref<10240xf32, #tpu.memory_space<hbm>>
      %dma_wait3A_22 = tpu.memref_slice %dma_wait3A_21[%mul3A_2] : memref<10240xf32, #tpu.memory_space<hbm>> -> memref<320xf32, #tpu.memory_space<hbm>>
      %dma_wait3A_23 = arith.constant 0 : i32
      %dma_wait3A_24 = tpu.memref_slice %arg4[%run_scoped3A_4, %dma_wait3A_23] : memref<2x10240xf32, #tpu.memory_space<hbm>> -> memref<1x10240xf32, #tpu.memory_space<hbm>>
      %dma_wait3A_25 = tpu.memref_squeeze %dma_wait3A_24 : memref<1x10240xf32, #tpu.memory_space<hbm>> -> memref<10240xf32, #tpu.memory_space<hbm>>
      %dma_wait3A_26 = tpu.memref_slice %dma_wait3A_25[%mul3A_2] : memref<10240xf32, #tpu.memory_space<hbm>> -> memref<320xf32, #tpu.memory_space<hbm>>
      tpu.wait_dma2 semaphore(%run_scoped3A_12 : memref<!tpu.dma_semaphore, #tpu.memory_space<semaphore_mem>>) src(%dma_wait3A_26 : memref<320xf32, #tpu.memory_space<hbm>>) dst(%arg10 : memref<320xf32, #tpu.memory_space<vmem>>)
      tpu.yield
    }) : () -> ()
    %run_scoped3A_5 = arith.constant 1 : i32
    "tpu.region"() ({
      %run_scoped3A_12 = tpu.sem_alloc : memref<!tpu.dma_semaphore, #tpu.memory_space<semaphore_mem>>
      %dma_start3A = arith.constant 0 : i32
      %dma_start3A_13 = tpu.memref_slice %arg4[%run_scoped3A_5, %dma_start3A] : memref<2x10240xf32, #tpu.memory_space<hbm>> -> memref<1x10240xf32, #tpu.memory_space<hbm>>
      %dma_start3A_14 = tpu.memref_squeeze %dma_start3A_13 : memref<1x10240xf32, #tpu.memory_space<hbm>> -> memref<10240xf32, #tpu.memory_space<hbm>>
      %dma_start3A_15 = tpu.memref_slice %dma_start3A_14[%mul3A_2] : memref<10240xf32, #tpu.memory_space<hbm>> -> memref<320xf32, #tpu.memory_space<hbm>>
      %dma_start3A_16 = arith.constant 0 : i32
      %dma_start3A_17 = tpu.memref_slice %arg4[%run_scoped3A_5, %dma_start3A_16] : memref<2x10240xf32, #tpu.memory_space<hbm>> -> memref<1x10240xf32, #tpu.memory_space<hbm>>
      %dma_start3A_18 = tpu.memref_squeeze %dma_start3A_17 : memref<1x10240xf32, #tpu.memory_space<hbm>> -> memref<10240xf32, #tpu.memory_space<hbm>>
      %dma_start3A_19 = tpu.memref_slice %dma_start3A_18[%mul3A_2] : memref<10240xf32, #tpu.memory_space<hbm>> -> memref<320xf32, #tpu.memory_space<hbm>>
      tpu.enqueue_dma source(%dma_start3A_19 : memref<320xf32, #tpu.memory_space<hbm>>) target(%arg11 : memref<320xf32, #tpu.memory_space<vmem>>) target_semaphore(%run_scoped3A_12 : memref<!tpu.dma_semaphore, #tpu.memory_space<semaphore_mem>>)
      %dma_wait3A = arith.constant 0 : i32
      %dma_wait3A_20 = tpu.memref_slice %arg4[%run_scoped3A_5, %dma_wait3A] : memref<2x10240xf32, #tpu.memory_space<hbm>> -> memref<1x10240xf32, #tpu.memory_space<hbm>>
      %dma_wait3A_21 = tpu.memref_squeeze %dma_wait3A_20 : memref<1x10240xf32, #tpu.memory_space<hbm>> -> memref<10240xf32, #tpu.memory_space<hbm>>
      %dma_wait3A_22 = tpu.memref_slice %dma_wait3A_21[%mul3A_2] : memref<10240xf32, #tpu.memory_space<hbm>> -> memref<320xf32, #tpu.memory_space<hbm>>
      %dma_wait3A_23 = arith.constant 0 : i32
      %dma_wait3A_24 = tpu.memref_slice %arg4[%run_scoped3A_5, %dma_wait3A_23] : memref<2x10240xf32, #tpu.memory_space<hbm>> -> memref<1x10240xf32, #tpu.memory_space<hbm>>
      %dma_wait3A_25 = tpu.memref_squeeze %dma_wait3A_24 : memref<1x10240xf32, #tpu.memory_space<hbm>> -> memref<10240xf32, #tpu.memory_space<hbm>>
      %dma_wait3A_26 = tpu.memref_slice %dma_wait3A_25[%mul3A_2] : memref<10240xf32, #tpu.memory_space<hbm>> -> memref<320xf32, #tpu.memory_space<hbm>>
      tpu.wait_dma2 semaphore(%run_scoped3A_12 : memref<!tpu.dma_semaphore, #tpu.memory_space<semaphore_mem>>) src(%dma_wait3A_26 : memref<320xf32, #tpu.memory_space<hbm>>) dst(%arg11 : memref<320xf32, #tpu.memory_space<vmem>>)
      tpu.yield
    }) : () -> ()
    "tpu.region"() ({
      %run_scoped3A_12 = tpu.sem_alloc : memref<!tpu.dma_semaphore, #tpu.memory_space<semaphore_mem>>
      tpu.enqueue_dma source(%arg5 : memref<16xf32, #tpu.memory_space<hbm>>) target(%arg12 : memref<16xf32, #tpu.memory_space<vmem>>) target_semaphore(%run_scoped3A_12 : memref<!tpu.dma_semaphore, #tpu.memory_space<semaphore_mem>>)
      tpu.wait_dma2 semaphore(%run_scoped3A_12 : memref<!tpu.dma_semaphore, #tpu.memory_space<semaphore_mem>>) src(%arg5 : memref<16xf32, #tpu.memory_space<hbm>>) dst(%arg12 : memref<16xf32, #tpu.memory_space<vmem>>)
      tpu.yield
    }) : () -> ()
    %get3A = arith.constant 0 : index
    %get3A_6 = tpu.vector_load %arg12[%get3A] {strides = array<i32>} : memref<16xf32, #tpu.memory_space<vmem>>, vector<16xf32>,
    %scan3A = arith.constant 0 : i32
    %scan3A_7 = arith.constant 0 : i32
    %scan3A_8 = arith.constant 20 : i32
    %scan3A_9 = arith.addi %scan3A_7, %scan3A_8 : i32
    %scan3A_10 = arith.constant 1 : i32
    scf.for %scan3A_12 = %scan3A_7 to %scan3A_9 step %scan3A_10  : i32 {
      %mul3A_13 = arith.constant 16 : i32
      %mul3A_14 = arith.muli %scan3A_12, %mul3A_13 : i32
      %get3A_15 = arith.index_cast %mul3A_14 : i32 to index
      %get3A_16 = tpu.vector_load %arg10[%get3A_15] {strides = array<i32>} : memref<320xf32, #tpu.memory_space<vmem>>, vector<16xf32>,
      %mul3A_17 = arith.constant 16 : i32
      %mul3A_18 = arith.muli %scan3A_12, %mul3A_17 : i32
      %get3A_19 = arith.index_cast %mul3A_18 : i32 to index
      %get3A_20 = tpu.vector_load %arg11[%get3A_19] {strides = array<i32>} : memref<320xf32, #tpu.memory_space<vmem>>, vector<16xf32>,
      %add3A_21 = arith.addf %get3A_16, %get3A_20 : vector<16xf32>
      %add3A_22 = arith.constant 1.000000e+00 : f32
      %add3A_23 = vector.broadcast %add3A_22 : f32 to vector<16xf32>
      %add3A_24 = arith.addf %add3A_21, %add3A_23 : vector<16xf32>
      %bitcast3A = vector.bitcast %add3A_24 : vector<16xf32> to vector<16xi32>
      %shift_right_logical3A = arith.constant 1 : i32
      %shift_right_logical3A_25 = vector.broadcast %shift_right_logical3A : i32 to vector<16xi32>
      %shift_right_logical3A_26 = arith.shrui %bitcast3A, %shift_right_logical3A_25 : vector<16xi32>
      %sub3A = arith.constant 1597463007 : i32
      %sub3A_27 = vector.broadcast %sub3A : i32 to vector<16xi32>
      %sub3A_28 = arith.subi %sub3A_27, %shift_right_logical3A_26 : vector<16xi32>
      %bitcast3A_29 = vector.bitcast %sub3A_28 : vector<16xi32> to vector<16xf32>
      %mul3A_30 = arith.constant 5.000000e-01 : f32
      %mul3A_31 = vector.broadcast %mul3A_30 : f32 to vector<16xf32>
      %mul3A_32 = arith.mulf %mul3A_31, %add3A_24 : vector<16xf32>
      %mul3A_33 = arith.mulf %mul3A_32, %bitcast3A_29 : vector<16xf32>
      %mul3A_34 = arith.mulf %mul3A_33, %bitcast3A_29 : vector<16xf32>
      %sub3A_35 = arith.constant 1.500000e+00 : f32
      %sub3A_36 = vector.broadcast %sub3A_35 : f32 to vector<16xf32>
      %sub3A_37 = arith.subf %sub3A_36, %mul3A_34 : vector<16xf32>
      %mul3A_38 = arith.mulf %bitcast3A_29, %sub3A_37 : vector<16xf32>
      %mul3A_39 = arith.constant 5.000000e-01 : f32
      %mul3A_40 = vector.broadcast %mul3A_39 : f32 to vector<16xf32>
      %mul3A_41 = arith.mulf %mul3A_40, %add3A_24 : vector<16xf32>
      %mul3A_42 = arith.mulf %mul3A_41, %mul3A_38 : vector<16xf32>
      %mul3A_43 = arith.mulf %mul3A_42, %mul3A_38 : vector<16xf32>
      %sub3A_44 = arith.constant 1.500000e+00 : f32
      %sub3A_45 = vector.broadcast %sub3A_44 : f32 to vector<16xf32>
      %sub3A_46 = arith.subf %sub3A_45, %mul3A_43 : vector<16xf32>
      %mul3A_47 = arith.mulf %mul3A_38, %sub3A_46 : vector<16xf32>
      %mul3A_48 = arith.constant 5.000000e-01 : f32
      %mul3A_49 = vector.broadcast %mul3A_48 : f32 to vector<16xf32>
      %mul3A_50 = arith.mulf %mul3A_49, %add3A_24 : vector<16xf32>
      %mul3A_51 = arith.mulf %mul3A_50, %mul3A_47 : vector<16xf32>
      %mul3A_52 = arith.mulf %mul3A_51, %mul3A_47 : vector<16xf32>
      %sub3A_53 = arith.constant 1.500000e+00 : f32
      %sub3A_54 = vector.broadcast %sub3A_53 : f32 to vector<16xf32>
      %sub3A_55 = arith.subf %sub3A_54, %mul3A_52 : vector<16xf32>
      %mul3A_56 = arith.mulf %mul3A_47, %sub3A_55 : vector<16xf32>
      %mul3A_57 = arith.constant 16 : i32
      %mul3A_58 = arith.muli %scan3A_12, %mul3A_57 : i32
      %add3A_59 = arith.constant 0 : i32
      %add3A_60 = arith.addi %mul3A_58, %add3A_59 : i32
      %get3A_61 = arith.index_cast %add3A_60 : i32 to index
      %get3A_62 = arith.constant 0 : index
      %get3A_63 = tpu.vector_load %arg7[%get3A_61, %get3A_62] {strides = array<i32>} : memref<320x16xf32, #tpu.memory_space<vmem>>, vector<16xf32>,
      %get3A_64 = arith.index_cast %add3A_60 : i32 to index
      %get3A_65 = arith.constant 0 : index
      %get3A_66 = tpu.vector_load %arg8[%get3A_64, %get3A_65] {strides = array<i32>} : memref<320x16xf32, #tpu.memory_space<vmem>>, vector<16xf32>,
      %add3A_67 = arith.addf %get3A_63, %get3A_66 : vector<16xf32>
      %get3A_68 = arith.index_cast %add3A_60 : i32 to index
      %get3A_69 = arith.constant 0 : index
      %get3A_70 = tpu.vector_load %arg9[%get3A_68, %get3A_69] {strides = array<i32>} : memref<320x16xf32, #tpu.memory_space<vmem>>, vector<16xf32>,
      %slice3A = vector.extract_strided_slice %mul3A_56 {offsets = [0], sizes = [1], strides = [1]} : vector<16xf32> to vector<1xf32>
      %squeeze3A = vector.extract %slice3A[0] : f32 from vector<1xf32>
      %mul3A_71 = vector.broadcast %squeeze3A : f32 to vector<16xf32>
      %mul3A_72 = arith.mulf %get3A_70, %mul3A_71 : vector<16xf32>
      %add3A_73 = arith.addf %add3A_67, %mul3A_72 : vector<16xf32>
      %slice3A_74 = vector.extract_strided_slice %mul3A_56 {offsets = [0], sizes = [1], strides = [1]} : vector<16xf32> to vector<1xf32>
      %squeeze3A_75 = vector.extract %slice3A_74[0] : f32 from vector<1xf32>
      %mul3A_76 = vector.broadcast %squeeze3A_75 : f32 to vector<16xf32>
      %mul3A_77 = arith.mulf %add3A_73, %mul3A_76 : vector<16xf32>
      %add3A_78 = arith.addf %mul3A_77, %get3A_6 : vector<16xf32>
      %swap3A = arith.index_cast %add3A_60 : i32 to index
      %swap3A_79 = arith.constant 0 : index
      %swap3A_80 = tpu.vector_load %arg9[%swap3A, %swap3A_79] {strides = array<i32>} : memref<320x16xf32, #tpu.memory_space<vmem>>, vector<16xf32>,
      tpu.vector_store %arg9[%swap3A, %swap3A_79], %add3A_78 {strides = array<i32>} : memref<320x16xf32, #tpu.memory_space<vmem>>, vector<16xf32>,
      %mul3A_81 = arith.constant 16 : i32
      %mul3A_82 = arith.muli %scan3A_12, %mul3A_81 : i32
      %add3A_83 = arith.constant 1 : i32
      %add3A_84 = arith.addi %mul3A_82, %add3A_83 : i32
      %get3A_85 = arith.index_cast %add3A_84 : i32 to index
      %get3A_86 = arith.constant 0 : index
      %get3A_87 = tpu.vector_load %arg7[%get3A_85, %get3A_86] {strides = array<i32>} : memref<320x16xf32, #tpu.memory_space<vmem>>, vector<16xf32>,
      %get3A_88 = arith.index_cast %add3A_84 : i32 to index
      %get3A_89 = arith.constant 0 : index
      %get3A_90 = tpu.vector_load %arg8[%get3A_88, %get3A_89] {strides = array<i32>} : memref<320x16xf32, #tpu.memory_space<vmem>>, vector<16xf32>,
      %add3A_91 = arith.addf %get3A_87, %get3A_90 : vector<16xf32>
      %get3A_92 = arith.index_cast %add3A_84 : i32 to index
      %get3A_93 = arith.constant 0 : index
      %get3A_94 = tpu.vector_load %arg9[%get3A_92, %get3A_93] {strides = array<i32>} : memref<320x16xf32, #tpu.memory_space<vmem>>, vector<16xf32>,
      %slice3A_95 = vector.extract_strided_slice %mul3A_56 {offsets = [1], sizes = [1], strides = [1]} : vector<16xf32> to vector<1xf32>
      %squeeze3A_96 = vector.extract %slice3A_95[0] : f32 from vector<1xf32>
      %mul3A_97 = vector.broadcast %squeeze3A_96 : f32 to vector<16xf32>
      %mul3A_98 = arith.mulf %get3A_94, %mul3A_97 : vector<16xf32>
      %add3A_99 = arith.addf %add3A_91, %mul3A_98 : vector<16xf32>
      %slice3A_100 = vector.extract_strided_slice %mul3A_56 {offsets = [1], sizes = [1], strides = [1]} : vector<16xf32> to vector<1xf32>
      %squeeze3A_101 = vector.extract %slice3A_100[0] : f32 from vector<1xf32>
      %mul3A_102 = vector.broadcast %squeeze3A_101 : f32 to vector<16xf32>
      %mul3A_103 = arith.mulf %add3A_99, %mul3A_102 : vector<16xf32>
      %add3A_104 = arith.addf %mul3A_103, %get3A_6 : vector<16xf32>
      %swap3A_105 = arith.index_cast %add3A_84 : i32 to index
      %swap3A_106 = arith.constant 0 : index
      %swap3A_107 = tpu.vector_load %arg9[%swap3A_105, %swap3A_106] {strides = array<i32>} : memref<320x16xf32, #tpu.memory_space<vmem>>, vector<16xf32>,
      tpu.vector_store %arg9[%swap3A_105, %swap3A_106], %add3A_104 {strides = array<i32>} : memref<320x16xf32, #tpu.memory_space<vmem>>, vector<16xf32>,
      %mul3A_108 = arith.constant 16 : i32
      %mul3A_109 = arith.muli %scan3A_12, %mul3A_108 : i32
      %add3A_110 = arith.constant 2 : i32
      %add3A_111 = arith.addi %mul3A_109, %add3A_110 : i32
      %get3A_112 = arith.index_cast %add3A_111 : i32 to index
      %get3A_113 = arith.constant 0 : index
      %get3A_114 = tpu.vector_load %arg7[%get3A_112, %get3A_113] {strides = array<i32>} : memref<320x16xf32, #tpu.memory_space<vmem>>, vector<16xf32>,
      %get3A_115 = arith.index_cast %add3A_111 : i32 to index
      %get3A_116 = arith.constant 0 : index
      %get3A_117 = tpu.vector_load %arg8[%get3A_115, %get3A_116] {strides = array<i32>} : memref<320x16xf32, #tpu.memory_space<vmem>>, vector<16xf32>,
      %add3A_118 = arith.addf %get3A_114, %get3A_117 : vector<16xf32>
      %get3A_119 = arith.index_cast %add3A_111 : i32 to index
      %get3A_120 = arith.constant 0 : index
      %get3A_121 = tpu.vector_load %arg9[%get3A_119, %get3A_120] {strides = array<i32>} : memref<320x16xf32, #tpu.memory_space<vmem>>, vector<16xf32>,
      %slice3A_122 = vector.extract_strided_slice %mul3A_56 {offsets = [2], sizes = [1], strides = [1]} : vector<16xf32> to vector<1xf32>
      %squeeze3A_123 = vector.extract %slice3A_122[0] : f32 from vector<1xf32>
      %mul3A_124 = vector.broadcast %squeeze3A_123 : f32 to vector<16xf32>
      %mul3A_125 = arith.mulf %get3A_121, %mul3A_124 : vector<16xf32>
      %add3A_126 = arith.addf %add3A_118, %mul3A_125 : vector<16xf32>
      %slice3A_127 = vector.extract_strided_slice %mul3A_56 {offsets = [2], sizes = [1], strides = [1]} : vector<16xf32> to vector<1xf32>
      %squeeze3A_128 = vector.extract %slice3A_127[0] : f32 from vector<1xf32>
      %mul3A_129 = vector.broadcast %squeeze3A_128 : f32 to vector<16xf32>
      %mul3A_130 = arith.mulf %add3A_126, %mul3A_129 : vector<16xf32>
      %add3A_131 = arith.addf %mul3A_130, %get3A_6 : vector<16xf32>
      %swap3A_132 = arith.index_cast %add3A_111 : i32 to index
      %swap3A_133 = arith.constant 0 : index
      %swap3A_134 = tpu.vector_load %arg9[%swap3A_132, %swap3A_133] {strides = array<i32>} : memref<320x16xf32, #tpu.memory_space<vmem>>, vector<16xf32>,
      tpu.vector_store %arg9[%swap3A_132, %swap3A_133], %add3A_131 {strides = array<i32>} : memref<320x16xf32, #tpu.memory_space<vmem>>, vector<16xf32>,
      %mul3A_135 = arith.constant 16 : i32
      %mul3A_136 = arith.muli %scan3A_12, %mul3A_135 : i32
      %add3A_137 = arith.constant 3 : i32
      %add3A_138 = arith.addi %mul3A_136, %add3A_137 : i32
      %get3A_139 = arith.index_cast %add3A_138 : i32 to index
      %get3A_140 = arith.constant 0 : index
      %get3A_141 = tpu.vector_load %arg7[%get3A_139, %get3A_140] {strides = array<i32>} : memref<320x16xf32, #tpu.memory_space<vmem>>, vector<16xf32>,
      %get3A_142 = arith.index_cast %add3A_138 : i32 to index
      %get3A_143 = arith.constant 0 : index
      %get3A_144 = tpu.vector_load %arg8[%get3A_142, %get3A_143] {strides = array<i32>} : memref<320x16xf32, #tpu.memory_space<vmem>>, vector<16xf32>,
      %add3A_145 = arith.addf %get3A_141, %get3A_144 : vector<16xf32>
      %get3A_146 = arith.index_cast %add3A_138 : i32 to index
      %get3A_147 = arith.constant 0 : index
      %get3A_148 = tpu.vector_load %arg9[%get3A_146, %get3A_147] {strides = array<i32>} : memref<320x16xf32, #tpu.memory_space<vmem>>, vector<16xf32>,
      %slice3A_149 = vector.extract_strided_slice %mul3A_56 {offsets = [3], sizes = [1], strides = [1]} : vector<16xf32> to vector<1xf32>
      %squeeze3A_150 = vector.extract %slice3A_149[0] : f32 from vector<1xf32>
      %mul3A_151 = vector.broadcast %squeeze3A_150 : f32 to vector<16xf32>
      %mul3A_152 = arith.mulf %get3A_148, %mul3A_151 : vector<16xf32>
      %add3A_153 = arith.addf %add3A_145, %mul3A_152 : vector<16xf32>
      %slice3A_154 = vector.extract_strided_slice %mul3A_56 {offsets = [3], sizes = [1], strides = [1]} : vector<16xf32> to vector<1xf32>
      %squeeze3A_155 = vector.extract %slice3A_154[0] : f32 from vector<1xf32>
      %mul3A_156 = vector.broadcast %squeeze3A_155 : f32 to vector<16xf32>
      %mul3A_157 = arith.mulf %add3A_153, %mul3A_156 : vector<16xf32>
      %add3A_158 = arith.addf %mul3A_157, %get3A_6 : vector<16xf32>
      %swap3A_159 = arith.index_cast %add3A_138 : i32 to index
      %swap3A_160 = arith.constant 0 : index
      %swap3A_161 = tpu.vector_load %arg9[%swap3A_159, %swap3A_160] {strides = array<i32>} : memref<320x16xf32, #tpu.memory_space<vmem>>, vector<16xf32>,
      tpu.vector_store %arg9[%swap3A_159, %swap3A_160], %add3A_158 {strides = array<i32>} : memref<320x16xf32, #tpu.memory_space<vmem>>, vector<16xf32>,
      %mul3A_162 = arith.constant 16 : i32
      %mul3A_163 = arith.muli %scan3A_12, %mul3A_162 : i32
      %add3A_164 = arith.constant 4 : i32
      %add3A_165 = arith.addi %mul3A_163, %add3A_164 : i32
      %get3A_166 = arith.index_cast %add3A_165 : i32 to index
      %get3A_167 = arith.constant 0 : index
      %get3A_168 = tpu.vector_load %arg7[%get3A_166, %get3A_167] {strides = array<i32>} : memref<320x16xf32, #tpu.memory_space<vmem>>, vector<16xf32>,
      %get3A_169 = arith.index_cast %add3A_165 : i32 to index
      %get3A_170 = arith.constant 0 : index
      %get3A_171 = tpu.vector_load %arg8[%get3A_169, %get3A_170] {strides = array<i32>} : memref<320x16xf32, #tpu.memory_space<vmem>>, vector<16xf32>,
      %add3A_172 = arith.addf %get3A_168, %get3A_171 : vector<16xf32>
      %get3A_173 = arith.index_cast %add3A_165 : i32 to index
      %get3A_174 = arith.constant 0 : index
      %get3A_175 = tpu.vector_load %arg9[%get3A_173, %get3A_174] {strides = array<i32>} : memref<320x16xf32, #tpu.memory_space<vmem>>, vector<16xf32>,
      %slice3A_176 = vector.extract_strided_slice %mul3A_56 {offsets = [4], sizes = [1], strides = [1]} : vector<16xf32> to vector<1xf32>
      %squeeze3A_177 = vector.extract %slice3A_176[0] : f32 from vector<1xf32>
      %mul3A_178 = vector.broadcast %squeeze3A_177 : f32 to vector<16xf32>
      %mul3A_179 = arith.mulf %get3A_175, %mul3A_178 : vector<16xf32>
      %add3A_180 = arith.addf %add3A_172, %mul3A_179 : vector<16xf32>
      %slice3A_181 = vector.extract_strided_slice %mul3A_56 {offsets = [4], sizes = [1], strides = [1]} : vector<16xf32> to vector<1xf32>
      %squeeze3A_182 = vector.extract %slice3A_181[0] : f32 from vector<1xf32>
      %mul3A_183 = vector.broadcast %squeeze3A_182 : f32 to vector<16xf32>
      %mul3A_184 = arith.mulf %add3A_180, %mul3A_183 : vector<16xf32>
      %add3A_185 = arith.addf %mul3A_184, %get3A_6 : vector<16xf32>
      %swap3A_186 = arith.index_cast %add3A_165 : i32 to index
      %swap3A_187 = arith.constant 0 : index
      %swap3A_188 = tpu.vector_load %arg9[%swap3A_186, %swap3A_187] {strides = array<i32>} : memref<320x16xf32, #tpu.memory_space<vmem>>, vector<16xf32>,
      tpu.vector_store %arg9[%swap3A_186, %swap3A_187], %add3A_185 {strides = array<i32>} : memref<320x16xf32, #tpu.memory_space<vmem>>, vector<16xf32>,
      %mul3A_189 = arith.constant 16 : i32
      %mul3A_190 = arith.muli %scan3A_12, %mul3A_189 : i32
      %add3A_191 = arith.constant 5 : i32
      %add3A_192 = arith.addi %mul3A_190, %add3A_191 : i32
      %get3A_193 = arith.index_cast %add3A_192 : i32 to index
      %get3A_194 = arith.constant 0 : index
      %get3A_195 = tpu.vector_load %arg7[%get3A_193, %get3A_194] {strides = array<i32>} : memref<320x16xf32, #tpu.memory_space<vmem>>, vector<16xf32>,
      %get3A_196 = arith.index_cast %add3A_192 : i32 to index
      %get3A_197 = arith.constant 0 : index
      %get3A_198 = tpu.vector_load %arg8[%get3A_196, %get3A_197] {strides = array<i32>} : memref<320x16xf32, #tpu.memory_space<vmem>>, vector<16xf32>,
      %add3A_199 = arith.addf %get3A_195, %get3A_198 : vector<16xf32>
      %get3A_200 = arith.index_cast %add3A_192 : i32 to index
      %get3A_201 = arith.constant 0 : index
      %get3A_202 = tpu.vector_load %arg9[%get3A_200, %get3A_201] {strides = array<i32>} : memref<320x16xf32, #tpu.memory_space<vmem>>, vector<16xf32>,
      %slice3A_203 = vector.extract_strided_slice %mul3A_56 {offsets = [5], sizes = [1], strides = [1]} : vector<16xf32> to vector<1xf32>
      %squeeze3A_204 = vector.extract %slice3A_203[0] : f32 from vector<1xf32>
      %mul3A_205 = vector.broadcast %squeeze3A_204 : f32 to vector<16xf32>
      %mul3A_206 = arith.mulf %get3A_202, %mul3A_205 : vector<16xf32>
      %add3A_207 = arith.addf %add3A_199, %mul3A_206 : vector<16xf32>
      %slice3A_208 = vector.extract_strided_slice %mul3A_56 {offsets = [5], sizes = [1], strides = [1]} : vector<16xf32> to vector<1xf32>
      %squeeze3A_209 = vector.extract %slice3A_208[0] : f32 from vector<1xf32>
      %mul3A_210 = vector.broadcast %squeeze3A_209 : f32 to vector<16xf32>
      %mul3A_211 = arith.mulf %add3A_207, %mul3A_210 : vector<16xf32>
      %add3A_212 = arith.addf %mul3A_211, %get3A_6 : vector<16xf32>
      %swap3A_213 = arith.index_cast %add3A_192 : i32 to index
      %swap3A_214 = arith.constant 0 : index
      %swap3A_215 = tpu.vector_load %arg9[%swap3A_213, %swap3A_214] {strides = array<i32>} : memref<320x16xf32, #tpu.memory_space<vmem>>, vector<16xf32>,
      tpu.vector_store %arg9[%swap3A_213, %swap3A_214], %add3A_212 {strides = array<i32>} : memref<320x16xf32, #tpu.memory_space<vmem>>, vector<16xf32>,
      %mul3A_216 = arith.constant 16 : i32
      %mul3A_217 = arith.muli %scan3A_12, %mul3A_216 : i32
      %add3A_218 = arith.constant 6 : i32
      %add3A_219 = arith.addi %mul3A_217, %add3A_218 : i32
      %get3A_220 = arith.index_cast %add3A_219 : i32 to index
      %get3A_221 = arith.constant 0 : index
      %get3A_222 = tpu.vector_load %arg7[%get3A_220, %get3A_221] {strides = array<i32>} : memref<320x16xf32, #tpu.memory_space<vmem>>, vector<16xf32>,
      %get3A_223 = arith.index_cast %add3A_219 : i32 to index
      %get3A_224 = arith.constant 0 : index
      %get3A_225 = tpu.vector_load %arg8[%get3A_223, %get3A_224] {strides = array<i32>} : memref<320x16xf32, #tpu.memory_space<vmem>>, vector<16xf32>,
      %add3A_226 = arith.addf %get3A_222, %get3A_225 : vector<16xf32>
      %get3A_227 = arith.index_cast %add3A_219 : i32 to index
      %get3A_228 = arith.constant 0 : index
      %get3A_229 = tpu.vector_load %arg9[%get3A_227, %get3A_228] {strides = array<i32>} : memref<320x16xf32, #tpu.memory_space<vmem>>, vector<16xf32>,
      %slice3A_230 = vector.extract_strided_slice %mul3A_56 {offsets = [6], sizes = [1], strides = [1]} : vector<16xf32> to vector<1xf32>
      %squeeze3A_231 = vector.extract %slice3A_230[0] : f32 from vector<1xf32>
      %mul3A_232 = vector.broadcast %squeeze3A_231 : f32 to vector<16xf32>
      %mul3A_233 = arith.mulf %get3A_229, %mul3A_232 : vector<16xf32>
      %add3A_234 = arith.addf %add3A_226, %mul3A_233 : vector<16xf32>
      %slice3A_235 = vector.extract_strided_slice %mul3A_56 {offsets = [6], sizes = [1], strides = [1]} : vector<16xf32> to vector<1xf32>
      %squeeze3A_236 = vector.extract %slice3A_235[0] : f32 from vector<1xf32>
      %mul3A_237 = vector.broadcast %squeeze3A_236 : f32 to vector<16xf32>
      %mul3A_238 = arith.mulf %add3A_234, %mul3A_237 : vector<16xf32>
      %add3A_239 = arith.addf %mul3A_238, %get3A_6 : vector<16xf32>
      %swap3A_240 = arith.index_cast %add3A_219 : i32 to index
      %swap3A_241 = arith.constant 0 : index
      %swap3A_242 = tpu.vector_load %arg9[%swap3A_240, %swap3A_241] {strides = array<i32>} : memref<320x16xf32, #tpu.memory_space<vmem>>, vector<16xf32>,
      tpu.vector_store %arg9[%swap3A_240, %swap3A_241], %add3A_239 {strides = array<i32>} : memref<320x16xf32, #tpu.memory_space<vmem>>, vector<16xf32>,
      %mul3A_243 = arith.constant 16 : i32
      %mul3A_244 = arith.muli %scan3A_12, %mul3A_243 : i32
      %add3A_245 = arith.constant 7 : i32
      %add3A_246 = arith.addi %mul3A_244, %add3A_245 : i32
      %get3A_247 = arith.index_cast %add3A_246 : i32 to index
      %get3A_248 = arith.constant 0 : index
      %get3A_249 = tpu.vector_load %arg7[%get3A_247, %get3A_248] {strides = array<i32>} : memref<320x16xf32, #tpu.memory_space<vmem>>, vector<16xf32>,
      %get3A_250 = arith.index_cast %add3A_246 : i32 to index
      %get3A_251 = arith.constant 0 : index
      %get3A_252 = tpu.vector_load %arg8[%get3A_250, %get3A_251] {strides = array<i32>} : memref<320x16xf32, #tpu.memory_space<vmem>>, vector<16xf32>,
      %add3A_253 = arith.addf %get3A_249, %get3A_252 : vector<16xf32>
      %get3A_254 = arith.index_cast %add3A_246 : i32 to index
      %get3A_255 = arith.constant 0 : index
      %get3A_256 = tpu.vector_load %arg9[%get3A_254, %get3A_255] {strides = array<i32>} : memref<320x16xf32, #tpu.memory_space<vmem>>, vector<16xf32>,
      %slice3A_257 = vector.extract_strided_slice %mul3A_56 {offsets = [7], sizes = [1], strides = [1]} : vector<16xf32> to vector<1xf32>
      %squeeze3A_258 = vector.extract %slice3A_257[0] : f32 from vector<1xf32>
      %mul3A_259 = vector.broadcast %squeeze3A_258 : f32 to vector<16xf32>
      %mul3A_260 = arith.mulf %get3A_256, %mul3A_259 : vector<16xf32>
      %add3A_261 = arith.addf %add3A_253, %mul3A_260 : vector<16xf32>
      %slice3A_262 = vector.extract_strided_slice %mul3A_56 {offsets = [7], sizes = [1], strides = [1]} : vector<16xf32> to vector<1xf32>
      %squeeze3A_263 = vector.extract %slice3A_262[0] : f32 from vector<1xf32>
      %mul3A_264 = vector.broadcast %squeeze3A_263 : f32 to vector<16xf32>
      %mul3A_265 = arith.mulf %add3A_261, %mul3A_264 : vector<16xf32>
      %add3A_266 = arith.addf %mul3A_265, %get3A_6 : vector<16xf32>
      %swap3A_267 = arith.index_cast %add3A_246 : i32 to index
      %swap3A_268 = arith.constant 0 : index
      %swap3A_269 = tpu.vector_load %arg9[%swap3A_267, %swap3A_268] {strides = array<i32>} : memref<320x16xf32, #tpu.memory_space<vmem>>, vector<16xf32>,
      tpu.vector_store %arg9[%swap3A_267, %swap3A_268], %add3A_266 {strides = array<i32>} : memref<320x16xf32, #tpu.memory_space<vmem>>, vector<16xf32>,
      %mul3A_270 = arith.constant 16 : i32
      %mul3A_271 = arith.muli %scan3A_12, %mul3A_270 : i32
      %add3A_272 = arith.constant 8 : i32
      %add3A_273 = arith.addi %mul3A_271, %add3A_272 : i32
      %get3A_274 = arith.index_cast %add3A_273 : i32 to index
      %get3A_275 = arith.constant 0 : index
      %get3A_276 = tpu.vector_load %arg7[%get3A_274, %get3A_275] {strides = array<i32>} : memref<320x16xf32, #tpu.memory_space<vmem>>, vector<16xf32>,
      %get3A_277 = arith.index_cast %add3A_273 : i32 to index
      %get3A_278 = arith.constant 0 : index
      %get3A_279 = tpu.vector_load %arg8[%get3A_277, %get3A_278] {strides = array<i32>} : memref<320x16xf32, #tpu.memory_space<vmem>>, vector<16xf32>,
      %add3A_280 = arith.addf %get3A_276, %get3A_279 : vector<16xf32>
      %get3A_281 = arith.index_cast %add3A_273 : i32 to index
      %get3A_282 = arith.constant 0 : index
      %get3A_283 = tpu.vector_load %arg9[%get3A_281, %get3A_282] {strides = array<i32>} : memref<320x16xf32, #tpu.memory_space<vmem>>, vector<16xf32>,
      %slice3A_284 = vector.extract_strided_slice %mul3A_56 {offsets = [8], sizes = [1], strides = [1]} : vector<16xf32> to vector<1xf32>
      %squeeze3A_285 = vector.extract %slice3A_284[0] : f32 from vector<1xf32>
      %mul3A_286 = vector.broadcast %squeeze3A_285 : f32 to vector<16xf32>
      %mul3A_287 = arith.mulf %get3A_283, %mul3A_286 : vector<16xf32>
      %add3A_288 = arith.addf %add3A_280, %mul3A_287 : vector<16xf32>
      %slice3A_289 = vector.extract_strided_slice %mul3A_56 {offsets = [8], sizes = [1], strides = [1]} : vector<16xf32> to vector<1xf32>
      %squeeze3A_290 = vector.extract %slice3A_289[0] : f32 from vector<1xf32>
      %mul3A_291 = vector.broadcast %squeeze3A_290 : f32 to vector<16xf32>
      %mul3A_292 = arith.mulf %add3A_288, %mul3A_291 : vector<16xf32>
      %add3A_293 = arith.addf %mul3A_292, %get3A_6 : vector<16xf32>
      %swap3A_294 = arith.index_cast %add3A_273 : i32 to index
      %swap3A_295 = arith.constant 0 : index
      %swap3A_296 = tpu.vector_load %arg9[%swap3A_294, %swap3A_295] {strides = array<i32>} : memref<320x16xf32, #tpu.memory_space<vmem>>, vector<16xf32>,
      tpu.vector_store %arg9[%swap3A_294, %swap3A_295], %add3A_293 {strides = array<i32>} : memref<320x16xf32, #tpu.memory_space<vmem>>, vector<16xf32>,
      %mul3A_297 = arith.constant 16 : i32
      %mul3A_298 = arith.muli %scan3A_12, %mul3A_297 : i32
      %add3A_299 = arith.constant 9 : i32
      %add3A_300 = arith.addi %mul3A_298, %add3A_299 : i32
      %get3A_301 = arith.index_cast %add3A_300 : i32 to index
      %get3A_302 = arith.constant 0 : index
      %get3A_303 = tpu.vector_load %arg7[%get3A_301, %get3A_302] {strides = array<i32>} : memref<320x16xf32, #tpu.memory_space<vmem>>, vector<16xf32>,
      %get3A_304 = arith.index_cast %add3A_300 : i32 to index
      %get3A_305 = arith.constant 0 : index
      %get3A_306 = tpu.vector_load %arg8[%get3A_304, %get3A_305] {strides = array<i32>} : memref<320x16xf32, #tpu.memory_space<vmem>>, vector<16xf32>,
      %add3A_307 = arith.addf %get3A_303, %get3A_306 : vector<16xf32>
      %get3A_308 = arith.index_cast %add3A_300 : i32 to index
      %get3A_309 = arith.constant 0 : index
      %get3A_310 = tpu.vector_load %arg9[%get3A_308, %get3A_309] {strides = array<i32>} : memref<320x16xf32, #tpu.memory_space<vmem>>, vector<16xf32>,
      %slice3A_311 = vector.extract_strided_slice %mul3A_56 {offsets = [9], sizes = [1], strides = [1]} : vector<16xf32> to vector<1xf32>
      %squeeze3A_312 = vector.extract %slice3A_311[0] : f32 from vector<1xf32>
      %mul3A_313 = vector.broadcast %squeeze3A_312 : f32 to vector<16xf32>
      %mul3A_314 = arith.mulf %get3A_310, %mul3A_313 : vector<16xf32>
      %add3A_315 = arith.addf %add3A_307, %mul3A_314 : vector<16xf32>
      %slice3A_316 = vector.extract_strided_slice %mul3A_56 {offsets = [9], sizes = [1], strides = [1]} : vector<16xf32> to vector<1xf32>
      %squeeze3A_317 = vector.extract %slice3A_316[0] : f32 from vector<1xf32>
      %mul3A_318 = vector.broadcast %squeeze3A_317 : f32 to vector<16xf32>
      %mul3A_319 = arith.mulf %add3A_315, %mul3A_318 : vector<16xf32>
      %add3A_320 = arith.addf %mul3A_319, %get3A_6 : vector<16xf32>
      %swap3A_321 = arith.index_cast %add3A_300 : i32 to index
      %swap3A_322 = arith.constant 0 : index
      %swap3A_323 = tpu.vector_load %arg9[%swap3A_321, %swap3A_322] {strides = array<i32>} : memref<320x16xf32, #tpu.memory_space<vmem>>, vector<16xf32>,
      tpu.vector_store %arg9[%swap3A_321, %swap3A_322], %add3A_320 {strides = array<i32>} : memref<320x16xf32, #tpu.memory_space<vmem>>, vector<16xf32>,
      %mul3A_324 = arith.constant 16 : i32
      %mul3A_325 = arith.muli %scan3A_12, %mul3A_324 : i32
      %add3A_326 = arith.constant 10 : i32
      %add3A_327 = arith.addi %mul3A_325, %add3A_326 : i32
      %get3A_328 = arith.index_cast %add3A_327 : i32 to index
      %get3A_329 = arith.constant 0 : index
      %get3A_330 = tpu.vector_load %arg7[%get3A_328, %get3A_329] {strides = array<i32>} : memref<320x16xf32, #tpu.memory_space<vmem>>, vector<16xf32>,
      %get3A_331 = arith.index_cast %add3A_327 : i32 to index
      %get3A_332 = arith.constant 0 : index
      %get3A_333 = tpu.vector_load %arg8[%get3A_331, %get3A_332] {strides = array<i32>} : memref<320x16xf32, #tpu.memory_space<vmem>>, vector<16xf32>,
      %add3A_334 = arith.addf %get3A_330, %get3A_333 : vector<16xf32>
      %get3A_335 = arith.index_cast %add3A_327 : i32 to index
      %get3A_336 = arith.constant 0 : index
      %get3A_337 = tpu.vector_load %arg9[%get3A_335, %get3A_336] {strides = array<i32>} : memref<320x16xf32, #tpu.memory_space<vmem>>, vector<16xf32>,
      %slice3A_338 = vector.extract_strided_slice %mul3A_56 {offsets = [10], sizes = [1], strides = [1]} : vector<16xf32> to vector<1xf32>
      %squeeze3A_339 = vector.extract %slice3A_338[0] : f32 from vector<1xf32>
      %mul3A_340 = vector.broadcast %squeeze3A_339 : f32 to vector<16xf32>
      %mul3A_341 = arith.mulf %get3A_337, %mul3A_340 : vector<16xf32>
      %add3A_342 = arith.addf %add3A_334, %mul3A_341 : vector<16xf32>
      %slice3A_343 = vector.extract_strided_slice %mul3A_56 {offsets = [10], sizes = [1], strides = [1]} : vector<16xf32> to vector<1xf32>
      %squeeze3A_344 = vector.extract %slice3A_343[0] : f32 from vector<1xf32>
      %mul3A_345 = vector.broadcast %squeeze3A_344 : f32 to vector<16xf32>
      %mul3A_346 = arith.mulf %add3A_342, %mul3A_345 : vector<16xf32>
      %add3A_347 = arith.addf %mul3A_346, %get3A_6 : vector<16xf32>
      %swap3A_348 = arith.index_cast %add3A_327 : i32 to index
      %swap3A_349 = arith.constant 0 : index
      %swap3A_350 = tpu.vector_load %arg9[%swap3A_348, %swap3A_349] {strides = array<i32>} : memref<320x16xf32, #tpu.memory_space<vmem>>, vector<16xf32>,
      tpu.vector_store %arg9[%swap3A_348, %swap3A_349], %add3A_347 {strides = array<i32>} : memref<320x16xf32, #tpu.memory_space<vmem>>, vector<16xf32>,
      %mul3A_351 = arith.constant 16 : i32
      %mul3A_352 = arith.muli %scan3A_12, %mul3A_351 : i32
      %add3A_353 = arith.constant 11 : i32
      %add3A_354 = arith.addi %mul3A_352, %add3A_353 : i32
      %get3A_355 = arith.index_cast %add3A_354 : i32 to index
      %get3A_356 = arith.constant 0 : index
      %get3A_357 = tpu.vector_load %arg7[%get3A_355, %get3A_356] {strides = array<i32>} : memref<320x16xf32, #tpu.memory_space<vmem>>, vector<16xf32>,
      %get3A_358 = arith.index_cast %add3A_354 : i32 to index
      %get3A_359 = arith.constant 0 : index
      %get3A_360 = tpu.vector_load %arg8[%get3A_358, %get3A_359] {strides = array<i32>} : memref<320x16xf32, #tpu.memory_space<vmem>>, vector<16xf32>,
      %add3A_361 = arith.addf %get3A_357, %get3A_360 : vector<16xf32>
      %get3A_362 = arith.index_cast %add3A_354 : i32 to index
      %get3A_363 = arith.constant 0 : index
      %get3A_364 = tpu.vector_load %arg9[%get3A_362, %get3A_363] {strides = array<i32>} : memref<320x16xf32, #tpu.memory_space<vmem>>, vector<16xf32>,
      %slice3A_365 = vector.extract_strided_slice %mul3A_56 {offsets = [11], sizes = [1], strides = [1]} : vector<16xf32> to vector<1xf32>
      %squeeze3A_366 = vector.extract %slice3A_365[0] : f32 from vector<1xf32>
      %mul3A_367 = vector.broadcast %squeeze3A_366 : f32 to vector<16xf32>
      %mul3A_368 = arith.mulf %get3A_364, %mul3A_367 : vector<16xf32>
      %add3A_369 = arith.addf %add3A_361, %mul3A_368 : vector<16xf32>
      %slice3A_370 = vector.extract_strided_slice %mul3A_56 {offsets = [11], sizes = [1], strides = [1]} : vector<16xf32> to vector<1xf32>
      %squeeze3A_371 = vector.extract %slice3A_370[0] : f32 from vector<1xf32>
      %mul3A_372 = vector.broadcast %squeeze3A_371 : f32 to vector<16xf32>
      %mul3A_373 = arith.mulf %add3A_369, %mul3A_372 : vector<16xf32>
      %add3A_374 = arith.addf %mul3A_373, %get3A_6 : vector<16xf32>
      %swap3A_375 = arith.index_cast %add3A_354 : i32 to index
      %swap3A_376 = arith.constant 0 : index
      %swap3A_377 = tpu.vector_load %arg9[%swap3A_375, %swap3A_376] {strides = array<i32>} : memref<320x16xf32, #tpu.memory_space<vmem>>, vector<16xf32>,
      tpu.vector_store %arg9[%swap3A_375, %swap3A_376], %add3A_374 {strides = array<i32>} : memref<320x16xf32, #tpu.memory_space<vmem>>, vector<16xf32>,
      %mul3A_378 = arith.constant 16 : i32
      %mul3A_379 = arith.muli %scan3A_12, %mul3A_378 : i32
      %add3A_380 = arith.constant 12 : i32
      %add3A_381 = arith.addi %mul3A_379, %add3A_380 : i32
      %get3A_382 = arith.index_cast %add3A_381 : i32 to index
      %get3A_383 = arith.constant 0 : index
      %get3A_384 = tpu.vector_load %arg7[%get3A_382, %get3A_383] {strides = array<i32>} : memref<320x16xf32, #tpu.memory_space<vmem>>, vector<16xf32>,
      %get3A_385 = arith.index_cast %add3A_381 : i32 to index
      %get3A_386 = arith.constant 0 : index
      %get3A_387 = tpu.vector_load %arg8[%get3A_385, %get3A_386] {strides = array<i32>} : memref<320x16xf32, #tpu.memory_space<vmem>>, vector<16xf32>,
      %add3A_388 = arith.addf %get3A_384, %get3A_387 : vector<16xf32>
      %get3A_389 = arith.index_cast %add3A_381 : i32 to index
      %get3A_390 = arith.constant 0 : index
      %get3A_391 = tpu.vector_load %arg9[%get3A_389, %get3A_390] {strides = array<i32>} : memref<320x16xf32, #tpu.memory_space<vmem>>, vector<16xf32>,
      %slice3A_392 = vector.extract_strided_slice %mul3A_56 {offsets = [12], sizes = [1], strides = [1]} : vector<16xf32> to vector<1xf32>
      %squeeze3A_393 = vector.extract %slice3A_392[0] : f32 from vector<1xf32>
      %mul3A_394 = vector.broadcast %squeeze3A_393 : f32 to vector<16xf32>
      %mul3A_395 = arith.mulf %get3A_391, %mul3A_394 : vector<16xf32>
      %add3A_396 = arith.addf %add3A_388, %mul3A_395 : vector<16xf32>
      %slice3A_397 = vector.extract_strided_slice %mul3A_56 {offsets = [12], sizes = [1], strides = [1]} : vector<16xf32> to vector<1xf32>
      %squeeze3A_398 = vector.extract %slice3A_397[0] : f32 from vector<1xf32>
      %mul3A_399 = vector.broadcast %squeeze3A_398 : f32 to vector<16xf32>
      %mul3A_400 = arith.mulf %add3A_396, %mul3A_399 : vector<16xf32>
      %add3A_401 = arith.addf %mul3A_400, %get3A_6 : vector<16xf32>
      %swap3A_402 = arith.index_cast %add3A_381 : i32 to index
      %swap3A_403 = arith.constant 0 : index
      %swap3A_404 = tpu.vector_load %arg9[%swap3A_402, %swap3A_403] {strides = array<i32>} : memref<320x16xf32, #tpu.memory_space<vmem>>, vector<16xf32>,
      tpu.vector_store %arg9[%swap3A_402, %swap3A_403], %add3A_401 {strides = array<i32>} : memref<320x16xf32, #tpu.memory_space<vmem>>, vector<16xf32>,
      %mul3A_405 = arith.constant 16 : i32
      %mul3A_406 = arith.muli %scan3A_12, %mul3A_405 : i32
      %add3A_407 = arith.constant 13 : i32
      %add3A_408 = arith.addi %mul3A_406, %add3A_407 : i32
      %get3A_409 = arith.index_cast %add3A_408 : i32 to index
      %get3A_410 = arith.constant 0 : index
      %get3A_411 = tpu.vector_load %arg7[%get3A_409, %get3A_410] {strides = array<i32>} : memref<320x16xf32, #tpu.memory_space<vmem>>, vector<16xf32>,
      %get3A_412 = arith.index_cast %add3A_408 : i32 to index
      %get3A_413 = arith.constant 0 : index
      %get3A_414 = tpu.vector_load %arg8[%get3A_412, %get3A_413] {strides = array<i32>} : memref<320x16xf32, #tpu.memory_space<vmem>>, vector<16xf32>,
      %add3A_415 = arith.addf %get3A_411, %get3A_414 : vector<16xf32>
      %get3A_416 = arith.index_cast %add3A_408 : i32 to index
      %get3A_417 = arith.constant 0 : index
      %get3A_418 = tpu.vector_load %arg9[%get3A_416, %get3A_417] {strides = array<i32>} : memref<320x16xf32, #tpu.memory_space<vmem>>, vector<16xf32>,
      %slice3A_419 = vector.extract_strided_slice %mul3A_56 {offsets = [13], sizes = [1], strides = [1]} : vector<16xf32> to vector<1xf32>
      %squeeze3A_420 = vector.extract %slice3A_419[0] : f32 from vector<1xf32>
      %mul3A_421 = vector.broadcast %squeeze3A_420 : f32 to vector<16xf32>
      %mul3A_422 = arith.mulf %get3A_418, %mul3A_421 : vector<16xf32>
      %add3A_423 = arith.addf %add3A_415, %mul3A_422 : vector<16xf32>
      %slice3A_424 = vector.extract_strided_slice %mul3A_56 {offsets = [13], sizes = [1], strides = [1]} : vector<16xf32> to vector<1xf32>
      %squeeze3A_425 = vector.extract %slice3A_424[0] : f32 from vector<1xf32>
      %mul3A_426 = vector.broadcast %squeeze3A_425 : f32 to vector<16xf32>
      %mul3A_427 = arith.mulf %add3A_423, %mul3A_426 : vector<16xf32>
      %add3A_428 = arith.addf %mul3A_427, %get3A_6 : vector<16xf32>
      %swap3A_429 = arith.index_cast %add3A_408 : i32 to index
      %swap3A_430 = arith.constant 0 : index
      %swap3A_431 = tpu.vector_load %arg9[%swap3A_429, %swap3A_430] {strides = array<i32>} : memref<320x16xf32, #tpu.memory_space<vmem>>, vector<16xf32>,
      tpu.vector_store %arg9[%swap3A_429, %swap3A_430], %add3A_428 {strides = array<i32>} : memref<320x16xf32, #tpu.memory_space<vmem>>, vector<16xf32>,
      %mul3A_432 = arith.constant 16 : i32
      %mul3A_433 = arith.muli %scan3A_12, %mul3A_432 : i32
      %add3A_434 = arith.constant 14 : i32
      %add3A_435 = arith.addi %mul3A_433, %add3A_434 : i32
      %get3A_436 = arith.index_cast %add3A_435 : i32 to index
      %get3A_437 = arith.constant 0 : index
      %get3A_438 = tpu.vector_load %arg7[%get3A_436, %get3A_437] {strides = array<i32>} : memref<320x16xf32, #tpu.memory_space<vmem>>, vector<16xf32>,
      %get3A_439 = arith.index_cast %add3A_435 : i32 to index
      %get3A_440 = arith.constant 0 : index
      %get3A_441 = tpu.vector_load %arg8[%get3A_439, %get3A_440] {strides = array<i32>} : memref<320x16xf32, #tpu.memory_space<vmem>>, vector<16xf32>,
      %add3A_442 = arith.addf %get3A_438, %get3A_441 : vector<16xf32>
      %get3A_443 = arith.index_cast %add3A_435 : i32 to index
      %get3A_444 = arith.constant 0 : index
      %get3A_445 = tpu.vector_load %arg9[%get3A_443, %get3A_444] {strides = array<i32>} : memref<320x16xf32, #tpu.memory_space<vmem>>, vector<16xf32>,
      %slice3A_446 = vector.extract_strided_slice %mul3A_56 {offsets = [14], sizes = [1], strides = [1]} : vector<16xf32> to vector<1xf32>
      %squeeze3A_447 = vector.extract %slice3A_446[0] : f32 from vector<1xf32>
      %mul3A_448 = vector.broadcast %squeeze3A_447 : f32 to vector<16xf32>
      %mul3A_449 = arith.mulf %get3A_445, %mul3A_448 : vector<16xf32>
      %add3A_450 = arith.addf %add3A_442, %mul3A_449 : vector<16xf32>
      %slice3A_451 = vector.extract_strided_slice %mul3A_56 {offsets = [14], sizes = [1], strides = [1]} : vector<16xf32> to vector<1xf32>
      %squeeze3A_452 = vector.extract %slice3A_451[0] : f32 from vector<1xf32>
      %mul3A_453 = vector.broadcast %squeeze3A_452 : f32 to vector<16xf32>
      %mul3A_454 = arith.mulf %add3A_450, %mul3A_453 : vector<16xf32>
      %add3A_455 = arith.addf %mul3A_454, %get3A_6 : vector<16xf32>
      %swap3A_456 = arith.index_cast %add3A_435 : i32 to index
      %swap3A_457 = arith.constant 0 : index
      %swap3A_458 = tpu.vector_load %arg9[%swap3A_456, %swap3A_457] {strides = array<i32>} : memref<320x16xf32, #tpu.memory_space<vmem>>, vector<16xf32>,
      tpu.vector_store %arg9[%swap3A_456, %swap3A_457], %add3A_455 {strides = array<i32>} : memref<320x16xf32, #tpu.memory_space<vmem>>, vector<16xf32>,
      %mul3A_459 = arith.constant 16 : i32
      %mul3A_460 = arith.muli %scan3A_12, %mul3A_459 : i32
      %add3A_461 = arith.constant 15 : i32
      %add3A_462 = arith.addi %mul3A_460, %add3A_461 : i32
      %get3A_463 = arith.index_cast %add3A_462 : i32 to index
      %get3A_464 = arith.constant 0 : index
      %get3A_465 = tpu.vector_load %arg7[%get3A_463, %get3A_464] {strides = array<i32>} : memref<320x16xf32, #tpu.memory_space<vmem>>, vector<16xf32>,
      %get3A_466 = arith.index_cast %add3A_462 : i32 to index
      %get3A_467 = arith.constant 0 : index
      %get3A_468 = tpu.vector_load %arg8[%get3A_466, %get3A_467] {strides = array<i32>} : memref<320x16xf32, #tpu.memory_space<vmem>>, vector<16xf32>,
      %add3A_469 = arith.addf %get3A_465, %get3A_468 : vector<16xf32>
      %get3A_470 = arith.index_cast %add3A_462 : i32 to index
      %get3A_471 = arith.constant 0 : index
      %get3A_472 = tpu.vector_load %arg9[%get3A_470, %get3A_471] {strides = array<i32>} : memref<320x16xf32, #tpu.memory_space<vmem>>, vector<16xf32>,
      %slice3A_473 = vector.extract_strided_slice %mul3A_56 {offsets = [15], sizes = [1], strides = [1]} : vector<16xf32> to vector<1xf32>
      %squeeze3A_474 = vector.extract %slice3A_473[0] : f32 from vector<1xf32>
      %mul3A_475 = vector.broadcast %squeeze3A_474 : f32 to vector<16xf32>
      %mul3A_476 = arith.mulf %get3A_472, %mul3A_475 : vector<16xf32>
      %add3A_477 = arith.addf %add3A_469, %mul3A_476 : vector<16xf32>
      %slice3A_478 = vector.extract_strided_slice %mul3A_56 {offsets = [15], sizes = [1], strides = [1]} : vector<16xf32> to vector<1xf32>
      %squeeze3A_479 = vector.extract %slice3A_478[0] : f32 from vector<1xf32>
      %mul3A_480 = vector.broadcast %squeeze3A_479 : f32 to vector<16xf32>
      %mul3A_481 = arith.mulf %add3A_477, %mul3A_480 : vector<16xf32>
      %add3A_482 = arith.addf %mul3A_481, %get3A_6 : vector<16xf32>
      %swap3A_483 = arith.index_cast %add3A_462 : i32 to index
      %swap3A_484 = arith.constant 0 : index
      %swap3A_485 = tpu.vector_load %arg9[%swap3A_483, %swap3A_484] {strides = array<i32>} : memref<320x16xf32, #tpu.memory_space<vmem>>, vector<16xf32>,
      tpu.vector_store %arg9[%swap3A_483, %swap3A_484], %add3A_482 {strides = array<i32>} : memref<320x16xf32, #tpu.memory_space<vmem>>, vector<16xf32>,
    }
    %scan3A_11 = arith.constant 20 : i32
    "tpu.region"() ({
      %run_scoped3A_12 = tpu.sem_alloc : memref<!tpu.dma_semaphore, #tpu.memory_space<semaphore_mem>>
      %dma_start3A = arith.constant 0 : i32
      %dma_start3A_13 = tpu.memref_slice %arg6[%mul3A_2, %dma_start3A] : memref<10240x16xf32, #tpu.memory_space<hbm>> -> memref<320x16xf32, #tpu.memory_space<hbm>>
      %dma_start3A_14 = arith.constant 0 : i32
      %dma_start3A_15 = tpu.memref_slice %arg6[%mul3A_2, %dma_start3A_14] : memref<10240x16xf32, #tpu.memory_space<hbm>> -> memref<320x16xf32, #tpu.memory_space<hbm>>
      tpu.enqueue_dma source(%arg9 : memref<320x16xf32, #tpu.memory_space<vmem>>) target(%dma_start3A_15 : memref<320x16xf32, #tpu.memory_space<hbm>>) target_semaphore(%run_scoped3A_12 : memref<!tpu.dma_semaphore, #tpu.memory_space<semaphore_mem>>)
      %dma_wait3A = arith.constant 0 : i32
      %dma_wait3A_16 = tpu.memref_slice %arg6[%mul3A_2, %dma_wait3A] : memref<10240x16xf32, #tpu.memory_space<hbm>> -> memref<320x16xf32, #tpu.memory_space<hbm>>
      %dma_wait3A_17 = arith.constant 0 : i32
      %dma_wait3A_18 = tpu.memref_slice %arg6[%mul3A_2, %dma_wait3A_17] : memref<10240x16xf32, #tpu.memory_space<hbm>> -> memref<320x16xf32, #tpu.memory_space<hbm>>
      tpu.wait_dma2 semaphore(%run_scoped3A_12 : memref<!tpu.dma_semaphore, #tpu.memory_space<semaphore_mem>>) src(%arg9 : memref<320x16xf32, #tpu.memory_space<vmem>>) dst(%dma_wait3A_18 : memref<320x16xf32, #tpu.memory_space<hbm>>)
      tpu.yield
    }) : () -> ()
    return
  }
}

#map = affine_map<(d0, d1) -> (0, 0)>
#map1 = affine_map<(d0, d1) -> (0, 0, 0)>
module attributes {stable_mosaic.version = 14 : i64} {
  func.func @_agg_kernel(%arg0: i32, %arg1: i32, %arg2: memref<2x320000xi32, #tpu.memory_space<hbm>>, %arg3: memref<10240x16xf32, #tpu.memory_space<hbm>>, %arg4: memref<2x10240xf32, #tpu.memory_space<hbm>>, %arg5: memref<2x10240x16xf32, #tpu.memory_space<hbm>>, %arg6: memref<10000xi32, #tpu.memory_space<vmem>>, %arg7: memref<10000xi32, #tpu.memory_space<vmem>>, %arg8: memref<640xf32, #tpu.memory_space<vmem>>, %arg9: memref<640xf32, #tpu.memory_space<vmem>>, %arg10: memref<640x16xf32, #tpu.memory_space<vmem>>, %arg11: memref<5x80x16xf32, #tpu.memory_space<vmem>>, %arg12: memref<10240x16xf32, #tpu.memory_space<vmem_shared>>, %arg13: memref<10240x16xf32, #tpu.memory_space<vmem_shared>>, %arg14: memref<!tpu.dma_semaphore, #tpu.memory_space<semaphore_mem>>, %arg15: memref<!tpu.dma_semaphore, #tpu.memory_space<semaphore_mem>>, %arg16: memref<!tpu.dma_semaphore, #tpu.memory_space<semaphore_mem>>, %arg17: memref<!tpu.dma_semaphore, #tpu.memory_space<semaphore_mem>>, %arg18: memref<!tpu.dma_semaphore, #tpu.memory_space<semaphore_mem>>, %arg19: memref<!tpu.dma_semaphore, #tpu.memory_space<semaphore_mem>>, %arg20: memref<!tpu.dma_semaphore, #tpu.memory_space<semaphore_mem>>, %arg21: memref<!tpu.dma_semaphore, #tpu.memory_space<semaphore_mem>>, %arg22: memref<!tpu.dma_semaphore, #tpu.memory_space<semaphore_mem>>, %arg23: memref<!tpu.dma_semaphore, #tpu.memory_space<semaphore_mem>>) attributes {dimension_semantics = [#tpu.dimension_semantics<core_parallel>, #tpu.dimension_semantics<subcore_parallel>], iteration_bounds = array<i64: 2, 16>, scalar_prefetch = 0 : i64, scratch_operands = 18 : i64, tpu.core_type = #tpu.core_type<sc_vector_subcore>, window_params = [{transform_indices = #map}, {transform_indices = #map}, {transform_indices = #map}, {transform_indices = #map1}]} {
    %mul3A = arith.constant 2 : i32
    %mul3A_0 = arith.muli %arg1, %mul3A : i32
    %add3A = arith.addi %mul3A_0, %arg0 : i32
    %mul3A_1 = arith.constant 640 : i32
    %mul3A_2 = arith.muli %arg1, %mul3A_1 : i32
    %broadcast_in_dim3A = arith.constant 0.000000e+00 : f32
    %broadcast_in_dim3A_3 = vector.broadcast %broadcast_in_dim3A : f32 to vector<16xf32>
    %swap3A = arith.constant 0 : i32
    %swap3A_4 = arith.constant 0 : i32
    %swap3A_5 = arith.index_cast %swap3A : i32 to index
    %swap3A_6 = arith.index_cast %swap3A_4 : i32 to index
    %swap3A_7 = arith.constant 0 : index
    %swap3A_8 = tpu.vector_load %arg11[%swap3A_5, %swap3A_6, %swap3A_7] {strides = array<i32>} : memref<5x80x16xf32, #tpu.memory_space<vmem>>, vector<16xf32>,
    tpu.vector_store %arg11[%swap3A_5, %swap3A_6, %swap3A_7], %broadcast_in_dim3A_3 {strides = array<i32>} : memref<5x80x16xf32, #tpu.memory_space<vmem>>, vector<16xf32>,
    %swap3A_9 = arith.constant 0 : i32
    %swap3A_10 = arith.constant 1 : i32
    %swap3A_11 = arith.index_cast %swap3A_9 : i32 to index
    %swap3A_12 = arith.index_cast %swap3A_10 : i32 to index
    %swap3A_13 = arith.constant 0 : index
    %swap3A_14 = tpu.vector_load %arg11[%swap3A_11, %swap3A_12, %swap3A_13] {strides = array<i32>} : memref<5x80x16xf32, #tpu.memory_space<vmem>>, vector<16xf32>,
    tpu.vector_store %arg11[%swap3A_11, %swap3A_12, %swap3A_13], %broadcast_in_dim3A_3 {strides = array<i32>} : memref<5x80x16xf32, #tpu.memory_space<vmem>>, vector<16xf32>,
    %swap3A_15 = arith.constant 0 : i32
    %swap3A_16 = arith.constant 2 : i32
    %swap3A_17 = arith.index_cast %swap3A_15 : i32 to index
    %swap3A_18 = arith.index_cast %swap3A_16 : i32 to index
    %swap3A_19 = arith.constant 0 : index
    %swap3A_20 = tpu.vector_load %arg11[%swap3A_17, %swap3A_18, %swap3A_19] {strides = array<i32>} : memref<5x80x16xf32, #tpu.memory_space<vmem>>, vector<16xf32>,
    tpu.vector_store %arg11[%swap3A_17, %swap3A_18, %swap3A_19], %broadcast_in_dim3A_3 {strides = array<i32>} : memref<5x80x16xf32, #tpu.memory_space<vmem>>, vector<16xf32>,
    %swap3A_21 = arith.constant 0 : i32
    %swap3A_22 = arith.constant 3 : i32
    %swap3A_23 = arith.index_cast %swap3A_21 : i32 to index
    %swap3A_24 = arith.index_cast %swap3A_22 : i32 to index
    %swap3A_25 = arith.constant 0 : index
    %swap3A_26 = tpu.vector_load %arg11[%swap3A_23, %swap3A_24, %swap3A_25] {strides = array<i32>} : memref<5x80x16xf32, #tpu.memory_space<vmem>>, vector<16xf32>,
    tpu.vector_store %arg11[%swap3A_23, %swap3A_24, %swap3A_25], %broadcast_in_dim3A_3 {strides = array<i32>} : memref<5x80x16xf32, #tpu.memory_space<vmem>>, vector<16xf32>,
    %swap3A_27 = arith.constant 0 : i32
    %swap3A_28 = arith.constant 4 : i32
    %swap3A_29 = arith.index_cast %swap3A_27 : i32 to index
    %swap3A_30 = arith.index_cast %swap3A_28 : i32 to index
    %swap3A_31 = arith.constant 0 : index
    %swap3A_32 = tpu.vector_load %arg11[%swap3A_29, %swap3A_30, %swap3A_31] {strides = array<i32>} : memref<5x80x16xf32, #tpu.memory_space<vmem>>, vector<16xf32>,
    tpu.vector_store %arg11[%swap3A_29, %swap3A_30, %swap3A_31], %broadcast_in_dim3A_3 {strides = array<i32>} : memref<5x80x16xf32, #tpu.memory_space<vmem>>, vector<16xf32>,
    %swap3A_33 = arith.constant 0 : i32
    %swap3A_34 = arith.constant 5 : i32
    %swap3A_35 = arith.index_cast %swap3A_33 : i32 to index
    %swap3A_36 = arith.index_cast %swap3A_34 : i32 to index
    %swap3A_37 = arith.constant 0 : index
    %swap3A_38 = tpu.vector_load %arg11[%swap3A_35, %swap3A_36, %swap3A_37] {strides = array<i32>} : memref<5x80x16xf32, #tpu.memory_space<vmem>>, vector<16xf32>,
    tpu.vector_store %arg11[%swap3A_35, %swap3A_36, %swap3A_37], %broadcast_in_dim3A_3 {strides = array<i32>} : memref<5x80x16xf32, #tpu.memory_space<vmem>>, vector<16xf32>,
    %swap3A_39 = arith.constant 0 : i32
    %swap3A_40 = arith.constant 6 : i32
    %swap3A_41 = arith.index_cast %swap3A_39 : i32 to index
    %swap3A_42 = arith.index_cast %swap3A_40 : i32 to index
    %swap3A_43 = arith.constant 0 : index
    %swap3A_44 = tpu.vector_load %arg11[%swap3A_41, %swap3A_42, %swap3A_43] {strides = array<i32>} : memref<5x80x16xf32, #tpu.memory_space<vmem>>, vector<16xf32>,
    tpu.vector_store %arg11[%swap3A_41, %swap3A_42, %swap3A_43], %broadcast_in_dim3A_3 {strides = array<i32>} : memref<5x80x16xf32, #tpu.memory_space<vmem>>, vector<16xf32>,
    %swap3A_45 = arith.constant 0 : i32
    %swap3A_46 = arith.constant 7 : i32
    %swap3A_47 = arith.index_cast %swap3A_45 : i32 to index
    %swap3A_48 = arith.index_cast %swap3A_46 : i32 to index
    %swap3A_49 = arith.constant 0 : index
    %swap3A_50 = tpu.vector_load %arg11[%swap3A_47, %swap3A_48, %swap3A_49] {strides = array<i32>} : memref<5x80x16xf32, #tpu.memory_space<vmem>>, vector<16xf32>,
    tpu.vector_store %arg11[%swap3A_47, %swap3A_48, %swap3A_49], %broadcast_in_dim3A_3 {strides = array<i32>} : memref<5x80x16xf32, #tpu.memory_space<vmem>>, vector<16xf32>,
    %swap3A_51 = arith.constant 0 : i32
    %swap3A_52 = arith.constant 8 : i32
    %swap3A_53 = arith.index_cast %swap3A_51 : i32 to index
    %swap3A_54 = arith.index_cast %swap3A_52 : i32 to index
    %swap3A_55 = arith.constant 0 : index
    %swap3A_56 = tpu.vector_load %arg11[%swap3A_53, %swap3A_54, %swap3A_55] {strides = array<i32>} : memref<5x80x16xf32, #tpu.memory_space<vmem>>, vector<16xf32>,
    tpu.vector_store %arg11[%swap3A_53, %swap3A_54, %swap3A_55], %broadcast_in_dim3A_3 {strides = array<i32>} : memref<5x80x16xf32, #tpu.memory_space<vmem>>, vector<16xf32>,
    %swap3A_57 = arith.constant 0 : i32
    %swap3A_58 = arith.constant 9 : i32
    %swap3A_59 = arith.index_cast %swap3A_57 : i32 to index
    %swap3A_60 = arith.index_cast %swap3A_58 : i32 to index
    %swap3A_61 = arith.constant 0 : index
    %swap3A_62 = tpu.vector_load %arg11[%swap3A_59, %swap3A_60, %swap3A_61] {strides = array<i32>} : memref<5x80x16xf32, #tpu.memory_space<vmem>>, vector<16xf32>,
    tpu.vector_store %arg11[%swap3A_59, %swap3A_60, %swap3A_61], %broadcast_in_dim3A_3 {strides = array<i32>} : memref<5x80x16xf32, #tpu.memory_space<vmem>>, vector<16xf32>,
    %swap3A_63 = arith.constant 0 : i32
    %swap3A_64 = arith.constant 10 : i32
    %swap3A_65 = arith.index_cast %swap3A_63 : i32 to index
    %swap3A_66 = arith.index_cast %swap3A_64 : i32 to index
    %swap3A_67 = arith.constant 0 : index
    %swap3A_68 = tpu.vector_load %arg11[%swap3A_65, %swap3A_66, %swap3A_67] {strides = array<i32>} : memref<5x80x16xf32, #tpu.memory_space<vmem>>, vector<16xf32>,
    tpu.vector_store %arg11[%swap3A_65, %swap3A_66, %swap3A_67], %broadcast_in_dim3A_3 {strides = array<i32>} : memref<5x80x16xf32, #tpu.memory_space<vmem>>, vector<16xf32>,
    %swap3A_69 = arith.constant 0 : i32
    %swap3A_70 = arith.constant 11 : i32
    %swap3A_71 = arith.index_cast %swap3A_69 : i32 to index
    %swap3A_72 = arith.index_cast %swap3A_70 : i32 to index
    %swap3A_73 = arith.constant 0 : index
    %swap3A_74 = tpu.vector_load %arg11[%swap3A_71, %swap3A_72, %swap3A_73] {strides = array<i32>} : memref<5x80x16xf32, #tpu.memory_space<vmem>>, vector<16xf32>,
    tpu.vector_store %arg11[%swap3A_71, %swap3A_72, %swap3A_73], %broadcast_in_dim3A_3 {strides = array<i32>} : memref<5x80x16xf32, #tpu.memory_space<vmem>>, vector<16xf32>,
    %swap3A_75 = arith.constant 0 : i32
    %swap3A_76 = arith.constant 12 : i32
    %swap3A_77 = arith.index_cast %swap3A_75 : i32 to index
    %swap3A_78 = arith.index_cast %swap3A_76 : i32 to index
    %swap3A_79 = arith.constant 0 : index
    %swap3A_80 = tpu.vector_load %arg11[%swap3A_77, %swap3A_78, %swap3A_79] {strides = array<i32>} : memref<5x80x16xf32, #tpu.memory_space<vmem>>, vector<16xf32>,
    tpu.vector_store %arg11[%swap3A_77, %swap3A_78, %swap3A_79], %broadcast_in_dim3A_3 {strides = array<i32>} : memref<5x80x16xf32, #tpu.memory_space<vmem>>, vector<16xf32>,
    %swap3A_81 = arith.constant 0 : i32
    %swap3A_82 = arith.constant 13 : i32
    %swap3A_83 = arith.index_cast %swap3A_81 : i32 to index
    %swap3A_84 = arith.index_cast %swap3A_82 : i32 to index
    %swap3A_85 = arith.constant 0 : index
    %swap3A_86 = tpu.vector_load %arg11[%swap3A_83, %swap3A_84, %swap3A_85] {strides = array<i32>} : memref<5x80x16xf32, #tpu.memory_space<vmem>>, vector<16xf32>,
    tpu.vector_store %arg11[%swap3A_83, %swap3A_84, %swap3A_85], %broadcast_in_dim3A_3 {strides = array<i32>} : memref<5x80x16xf32, #tpu.memory_space<vmem>>, vector<16xf32>,
    %swap3A_87 = arith.constant 0 : i32
    %swap3A_88 = arith.constant 14 : i32
    %swap3A_89 = arith.index_cast %swap3A_87 : i32 to index
    %swap3A_90 = arith.index_cast %swap3A_88 : i32 to index
    %swap3A_91 = arith.constant 0 : index
    %swap3A_92 = tpu.vector_load %arg11[%swap3A_89, %swap3A_90, %swap3A_91] {strides = array<i32>} : memref<5x80x16xf32, #tpu.memory_space<vmem>>, vector<16xf32>,
    tpu.vector_store %arg11[%swap3A_89, %swap3A_90, %swap3A_91], %broadcast_in_dim3A_3 {strides = array<i32>} : memref<5x80x16xf32, #tpu.memory_space<vmem>>, vector<16xf32>,
    %swap3A_93 = arith.constant 0 : i32
    %swap3A_94 = arith.constant 15 : i32
    %swap3A_95 = arith.index_cast %swap3A_93 : i32 to index
    %swap3A_96 = arith.index_cast %swap3A_94 : i32 to index
    %swap3A_97 = arith.constant 0 : index
    %swap3A_98 = tpu.vector_load %arg11[%swap3A_95, %swap3A_96, %swap3A_97] {strides = array<i32>} : memref<5x80x16xf32, #tpu.memory_space<vmem>>, vector<16xf32>,
    tpu.vector_store %arg11[%swap3A_95, %swap3A_96, %swap3A_97], %broadcast_in_dim3A_3 {strides = array<i32>} : memref<5x80x16xf32, #tpu.memory_space<vmem>>, vector<16xf32>,
    %swap3A_99 = arith.constant 0 : i32
    %swap3A_100 = arith.constant 16 : i32
    %swap3A_101 = arith.index_cast %swap3A_99 : i32 to index
    %swap3A_102 = arith.index_cast %swap3A_100 : i32 to index
    %swap3A_103 = arith.constant 0 : index
    %swap3A_104 = tpu.vector_load %arg11[%swap3A_101, %swap3A_102, %swap3A_103] {strides = array<i32>} : memref<5x80x16xf32, #tpu.memory_space<vmem>>, vector<16xf32>,
    tpu.vector_store %arg11[%swap3A_101, %swap3A_102, %swap3A_103], %broadcast_in_dim3A_3 {strides = array<i32>} : memref<5x80x16xf32, #tpu.memory_space<vmem>>, vector<16xf32>,
    %swap3A_105 = arith.constant 0 : i32
    %swap3A_106 = arith.constant 17 : i32
    %swap3A_107 = arith.index_cast %swap3A_105 : i32 to index
    %swap3A_108 = arith.index_cast %swap3A_106 : i32 to index
    %swap3A_109 = arith.constant 0 : index
    %swap3A_110 = tpu.vector_load %arg11[%swap3A_107, %swap3A_108, %swap3A_109] {strides = array<i32>} : memref<5x80x16xf32, #tpu.memory_space<vmem>>, vector<16xf32>,
    tpu.vector_store %arg11[%swap3A_107, %swap3A_108, %swap3A_109], %broadcast_in_dim3A_3 {strides = array<i32>} : memref<5x80x16xf32, #tpu.memory_space<vmem>>, vector<16xf32>,
    %swap3A_111 = arith.constant 0 : i32
    %swap3A_112 = arith.constant 18 : i32
    %swap3A_113 = arith.index_cast %swap3A_111 : i32 to index
    %swap3A_114 = arith.index_cast %swap3A_112 : i32 to index
    %swap3A_115 = arith.constant 0 : index
    %swap3A_116 = tpu.vector_load %arg11[%swap3A_113, %swap3A_114, %swap3A_115] {strides = array<i32>} : memref<5x80x16xf32, #tpu.memory_space<vmem>>, vector<16xf32>,
    tpu.vector_store %arg11[%swap3A_113, %swap3A_114, %swap3A_115], %broadcast_in_dim3A_3 {strides = array<i32>} : memref<5x80x16xf32, #tpu.memory_space<vmem>>, vector<16xf32>,
    %swap3A_117 = arith.constant 0 : i32
    %swap3A_118 = arith.constant 19 : i32
    %swap3A_119 = arith.index_cast %swap3A_117 : i32 to index
    %swap3A_120 = arith.index_cast %swap3A_118 : i32 to index
    %swap3A_121 = arith.constant 0 : index
    %swap3A_122 = tpu.vector_load %arg11[%swap3A_119, %swap3A_120, %swap3A_121] {strides = array<i32>} : memref<5x80x16xf32, #tpu.memory_space<vmem>>, vector<16xf32>,
    tpu.vector_store %arg11[%swap3A_119, %swap3A_120, %swap3A_121], %broadcast_in_dim3A_3 {strides = array<i32>} : memref<5x80x16xf32, #tpu.memory_space<vmem>>, vector<16xf32>,
    %swap3A_123 = arith.constant 0 : i32
    %swap3A_124 = arith.constant 20 : i32
    %swap3A_125 = arith.index_cast %swap3A_123 : i32 to index
    %swap3A_126 = arith.index_cast %swap3A_124 : i32 to index
    %swap3A_127 = arith.constant 0 : index
    %swap3A_128 = tpu.vector_load %arg11[%swap3A_125, %swap3A_126, %swap3A_127] {strides = array<i32>} : memref<5x80x16xf32, #tpu.memory_space<vmem>>, vector<16xf32>,
    tpu.vector_store %arg11[%swap3A_125, %swap3A_126, %swap3A_127], %broadcast_in_dim3A_3 {strides = array<i32>} : memref<5x80x16xf32, #tpu.memory_space<vmem>>, vector<16xf32>,
    %swap3A_129 = arith.constant 0 : i32
    %swap3A_130 = arith.constant 21 : i32
    %swap3A_131 = arith.index_cast %swap3A_129 : i32 to index
    %swap3A_132 = arith.index_cast %swap3A_130 : i32 to index
    %swap3A_133 = arith.constant 0 : index
    %swap3A_134 = tpu.vector_load %arg11[%swap3A_131, %swap3A_132, %swap3A_133] {strides = array<i32>} : memref<5x80x16xf32, #tpu.memory_space<vmem>>, vector<16xf32>,
    tpu.vector_store %arg11[%swap3A_131, %swap3A_132, %swap3A_133], %broadcast_in_dim3A_3 {strides = array<i32>} : memref<5x80x16xf32, #tpu.memory_space<vmem>>, vector<16xf32>,
    %swap3A_135 = arith.constant 0 : i32
    %swap3A_136 = arith.constant 22 : i32
    %swap3A_137 = arith.index_cast %swap3A_135 : i32 to index
    %swap3A_138 = arith.index_cast %swap3A_136 : i32 to index
    %swap3A_139 = arith.constant 0 : index
    %swap3A_140 = tpu.vector_load %arg11[%swap3A_137, %swap3A_138, %swap3A_139] {strides = array<i32>} : memref<5x80x16xf32, #tpu.memory_space<vmem>>, vector<16xf32>,
    tpu.vector_store %arg11[%swap3A_137, %swap3A_138, %swap3A_139], %broadcast_in_dim3A_3 {strides = array<i32>} : memref<5x80x16xf32, #tpu.memory_space<vmem>>, vector<16xf32>,
    %swap3A_141 = arith.constant 0 : i32
    %swap3A_142 = arith.constant 23 : i32
    %swap3A_143 = arith.index_cast %swap3A_141 : i32 to index
    %swap3A_144 = arith.index_cast %swap3A_142 : i32 to index
    %swap3A_145 = arith.constant 0 : index
    %swap3A_146 = tpu.vector_load %arg11[%swap3A_143, %swap3A_144, %swap3A_145] {strides = array<i32>} : memref<5x80x16xf32, #tpu.memory_space<vmem>>, vector<16xf32>,
    tpu.vector_store %arg11[%swap3A_143, %swap3A_144, %swap3A_145], %broadcast_in_dim3A_3 {strides = array<i32>} : memref<5x80x16xf32, #tpu.memory_space<vmem>>, vector<16xf32>,
    %swap3A_147 = arith.constant 0 : i32
    %swap3A_148 = arith.constant 24 : i32
    %swap3A_149 = arith.index_cast %swap3A_147 : i32 to index
    %swap3A_150 = arith.index_cast %swap3A_148 : i32 to index
    %swap3A_151 = arith.constant 0 : index
    %swap3A_152 = tpu.vector_load %arg11[%swap3A_149, %swap3A_150, %swap3A_151] {strides = array<i32>} : memref<5x80x16xf32, #tpu.memory_space<vmem>>, vector<16xf32>,
    tpu.vector_store %arg11[%swap3A_149, %swap3A_150, %swap3A_151], %broadcast_in_dim3A_3 {strides = array<i32>} : memref<5x80x16xf32, #tpu.memory_space<vmem>>, vector<16xf32>,
    %swap3A_153 = arith.constant 0 : i32
    %swap3A_154 = arith.constant 25 : i32
    %swap3A_155 = arith.index_cast %swap3A_153 : i32 to index
    %swap3A_156 = arith.index_cast %swap3A_154 : i32 to index
    %swap3A_157 = arith.constant 0 : index
    %swap3A_158 = tpu.vector_load %arg11[%swap3A_155, %swap3A_156, %swap3A_157] {strides = array<i32>} : memref<5x80x16xf32, #tpu.memory_space<vmem>>, vector<16xf32>,
    tpu.vector_store %arg11[%swap3A_155, %swap3A_156, %swap3A_157], %broadcast_in_dim3A_3 {strides = array<i32>} : memref<5x80x16xf32, #tpu.memory_space<vmem>>, vector<16xf32>,
    %swap3A_159 = arith.constant 0 : i32
    %swap3A_160 = arith.constant 26 : i32
    %swap3A_161 = arith.index_cast %swap3A_159 : i32 to index
    %swap3A_162 = arith.index_cast %swap3A_160 : i32 to index
    %swap3A_163 = arith.constant 0 : index
    %swap3A_164 = tpu.vector_load %arg11[%swap3A_161, %swap3A_162, %swap3A_163] {strides = array<i32>} : memref<5x80x16xf32, #tpu.memory_space<vmem>>, vector<16xf32>,
    tpu.vector_store %arg11[%swap3A_161, %swap3A_162, %swap3A_163], %broadcast_in_dim3A_3 {strides = array<i32>} : memref<5x80x16xf32, #tpu.memory_space<vmem>>, vector<16xf32>,
    %swap3A_165 = arith.constant 0 : i32
    %swap3A_166 = arith.constant 27 : i32
    %swap3A_167 = arith.index_cast %swap3A_165 : i32 to index
    %swap3A_168 = arith.index_cast %swap3A_166 : i32 to index
    %swap3A_169 = arith.constant 0 : index
    %swap3A_170 = tpu.vector_load %arg11[%swap3A_167, %swap3A_168, %swap3A_169] {strides = array<i32>} : memref<5x80x16xf32, #tpu.memory_space<vmem>>, vector<16xf32>,
    tpu.vector_store %arg11[%swap3A_167, %swap3A_168, %swap3A_169], %broadcast_in_dim3A_3 {strides = array<i32>} : memref<5x80x16xf32, #tpu.memory_space<vmem>>, vector<16xf32>,
    %swap3A_171 = arith.constant 0 : i32
    %swap3A_172 = arith.constant 28 : i32
    %swap3A_173 = arith.index_cast %swap3A_171 : i32 to index
    %swap3A_174 = arith.index_cast %swap3A_172 : i32 to index
    %swap3A_175 = arith.constant 0 : index
    %swap3A_176 = tpu.vector_load %arg11[%swap3A_173, %swap3A_174, %swap3A_175] {strides = array<i32>} : memref<5x80x16xf32, #tpu.memory_space<vmem>>, vector<16xf32>,
    tpu.vector_store %arg11[%swap3A_173, %swap3A_174, %swap3A_175], %broadcast_in_dim3A_3 {strides = array<i32>} : memref<5x80x16xf32, #tpu.memory_space<vmem>>, vector<16xf32>,
    %swap3A_177 = arith.constant 0 : i32
    %swap3A_178 = arith.constant 29 : i32
    %swap3A_179 = arith.index_cast %swap3A_177 : i32 to index
    %swap3A_180 = arith.index_cast %swap3A_178 : i32 to index
    %swap3A_181 = arith.constant 0 : index
    %swap3A_182 = tpu.vector_load %arg11[%swap3A_179, %swap3A_180, %swap3A_181] {strides = array<i32>} : memref<5x80x16xf32, #tpu.memory_space<vmem>>, vector<16xf32>,
    tpu.vector_store %arg11[%swap3A_179, %swap3A_180, %swap3A_181], %broadcast_in_dim3A_3 {strides = array<i32>} : memref<5x80x16xf32, #tpu.memory_space<vmem>>, vector<16xf32>,
    %swap3A_183 = arith.constant 0 : i32
    %swap3A_184 = arith.constant 30 : i32
    %swap3A_185 = arith.index_cast %swap3A_183 : i32 to index
    %swap3A_186 = arith.index_cast %swap3A_184 : i32 to index
    %swap3A_187 = arith.constant 0 : index
    %swap3A_188 = tpu.vector_load %arg11[%swap3A_185, %swap3A_186, %swap3A_187] {strides = array<i32>} : memref<5x80x16xf32, #tpu.memory_space<vmem>>, vector<16xf32>,
    tpu.vector_store %arg11[%swap3A_185, %swap3A_186, %swap3A_187], %broadcast_in_dim3A_3 {strides = array<i32>} : memref<5x80x16xf32, #tpu.memory_space<vmem>>, vector<16xf32>,
    %swap3A_189 = arith.constant 0 : i32
    %swap3A_190 = arith.constant 31 : i32
    %swap3A_191 = arith.index_cast %swap3A_189 : i32 to index
    %swap3A_192 = arith.index_cast %swap3A_190 : i32 to index
    %swap3A_193 = arith.constant 0 : index
    %swap3A_194 = tpu.vector_load %arg11[%swap3A_191, %swap3A_192, %swap3A_193] {strides = array<i32>} : memref<5x80x16xf32, #tpu.memory_space<vmem>>, vector<16xf32>,
    tpu.vector_store %arg11[%swap3A_191, %swap3A_192, %swap3A_193], %broadcast_in_dim3A_3 {strides = array<i32>} : memref<5x80x16xf32, #tpu.memory_space<vmem>>, vector<16xf32>,
    %swap3A_195 = arith.constant 0 : i32
    %swap3A_196 = arith.constant 32 : i32
    %swap3A_197 = arith.index_cast %swap3A_195 : i32 to index
    %swap3A_198 = arith.index_cast %swap3A_196 : i32 to index
    %swap3A_199 = arith.constant 0 : index
    %swap3A_200 = tpu.vector_load %arg11[%swap3A_197, %swap3A_198, %swap3A_199] {strides = array<i32>} : memref<5x80x16xf32, #tpu.memory_space<vmem>>, vector<16xf32>,
    tpu.vector_store %arg11[%swap3A_197, %swap3A_198, %swap3A_199], %broadcast_in_dim3A_3 {strides = array<i32>} : memref<5x80x16xf32, #tpu.memory_space<vmem>>, vector<16xf32>,
    %swap3A_201 = arith.constant 0 : i32
    %swap3A_202 = arith.constant 33 : i32
    %swap3A_203 = arith.index_cast %swap3A_201 : i32 to index
    %swap3A_204 = arith.index_cast %swap3A_202 : i32 to index
    %swap3A_205 = arith.constant 0 : index
    %swap3A_206 = tpu.vector_load %arg11[%swap3A_203, %swap3A_204, %swap3A_205] {strides = array<i32>} : memref<5x80x16xf32, #tpu.memory_space<vmem>>, vector<16xf32>,
    tpu.vector_store %arg11[%swap3A_203, %swap3A_204, %swap3A_205], %broadcast_in_dim3A_3 {strides = array<i32>} : memref<5x80x16xf32, #tpu.memory_space<vmem>>, vector<16xf32>,
    %swap3A_207 = arith.constant 0 : i32
    %swap3A_208 = arith.constant 34 : i32
    %swap3A_209 = arith.index_cast %swap3A_207 : i32 to index
    %swap3A_210 = arith.index_cast %swap3A_208 : i32 to index
    %swap3A_211 = arith.constant 0 : index
    %swap3A_212 = tpu.vector_load %arg11[%swap3A_209, %swap3A_210, %swap3A_211] {strides = array<i32>} : memref<5x80x16xf32, #tpu.memory_space<vmem>>, vector<16xf32>,
    tpu.vector_store %arg11[%swap3A_209, %swap3A_210, %swap3A_211], %broadcast_in_dim3A_3 {strides = array<i32>} : memref<5x80x16xf32, #tpu.memory_space<vmem>>, vector<16xf32>,
    %swap3A_213 = arith.constant 0 : i32
    %swap3A_214 = arith.constant 35 : i32
    %swap3A_215 = arith.index_cast %swap3A_213 : i32 to index
    %swap3A_216 = arith.index_cast %swap3A_214 : i32 to index
    %swap3A_217 = arith.constant 0 : index
    %swap3A_218 = tpu.vector_load %arg11[%swap3A_215, %swap3A_216, %swap3A_217] {strides = array<i32>} : memref<5x80x16xf32, #tpu.memory_space<vmem>>, vector<16xf32>,
    tpu.vector_store %arg11[%swap3A_215, %swap3A_216, %swap3A_217], %broadcast_in_dim3A_3 {strides = array<i32>} : memref<5x80x16xf32, #tpu.memory_space<vmem>>, vector<16xf32>,
    %swap3A_219 = arith.constant 0 : i32
    %swap3A_220 = arith.constant 36 : i32
    %swap3A_221 = arith.index_cast %swap3A_219 : i32 to index
    %swap3A_222 = arith.index_cast %swap3A_220 : i32 to index
    %swap3A_223 = arith.constant 0 : index
    %swap3A_224 = tpu.vector_load %arg11[%swap3A_221, %swap3A_222, %swap3A_223] {strides = array<i32>} : memref<5x80x16xf32, #tpu.memory_space<vmem>>, vector<16xf32>,
    tpu.vector_store %arg11[%swap3A_221, %swap3A_222, %swap3A_223], %broadcast_in_dim3A_3 {strides = array<i32>} : memref<5x80x16xf32, #tpu.memory_space<vmem>>, vector<16xf32>,
    %swap3A_225 = arith.constant 0 : i32
    %swap3A_226 = arith.constant 37 : i32
    %swap3A_227 = arith.index_cast %swap3A_225 : i32 to index
    %swap3A_228 = arith.index_cast %swap3A_226 : i32 to index
    %swap3A_229 = arith.constant 0 : index
    %swap3A_230 = tpu.vector_load %arg11[%swap3A_227, %swap3A_228, %swap3A_229] {strides = array<i32>} : memref<5x80x16xf32, #tpu.memory_space<vmem>>, vector<16xf32>,
    tpu.vector_store %arg11[%swap3A_227, %swap3A_228, %swap3A_229], %broadcast_in_dim3A_3 {strides = array<i32>} : memref<5x80x16xf32, #tpu.memory_space<vmem>>, vector<16xf32>,
    %swap3A_231 = arith.constant 0 : i32
    %swap3A_232 = arith.constant 38 : i32
    %swap3A_233 = arith.index_cast %swap3A_231 : i32 to index
    %swap3A_234 = arith.index_cast %swap3A_232 : i32 to index
    %swap3A_235 = arith.constant 0 : index
    %swap3A_236 = tpu.vector_load %arg11[%swap3A_233, %swap3A_234, %swap3A_235] {strides = array<i32>} : memref<5x80x16xf32, #tpu.memory_space<vmem>>, vector<16xf32>,
    tpu.vector_store %arg11[%swap3A_233, %swap3A_234, %swap3A_235], %broadcast_in_dim3A_3 {strides = array<i32>} : memref<5x80x16xf32, #tpu.memory_space<vmem>>, vector<16xf32>,
    %swap3A_237 = arith.constant 0 : i32
    %swap3A_238 = arith.constant 39 : i32
    %swap3A_239 = arith.index_cast %swap3A_237 : i32 to index
    %swap3A_240 = arith.index_cast %swap3A_238 : i32 to index
    %swap3A_241 = arith.constant 0 : index
    %swap3A_242 = tpu.vector_load %arg11[%swap3A_239, %swap3A_240, %swap3A_241] {strides = array<i32>} : memref<5x80x16xf32, #tpu.memory_space<vmem>>, vector<16xf32>,
    tpu.vector_store %arg11[%swap3A_239, %swap3A_240, %swap3A_241], %broadcast_in_dim3A_3 {strides = array<i32>} : memref<5x80x16xf32, #tpu.memory_space<vmem>>, vector<16xf32>,
    %swap3A_243 = arith.constant 0 : i32
    %swap3A_244 = arith.constant 40 : i32
    %swap3A_245 = arith.index_cast %swap3A_243 : i32 to index
    %swap3A_246 = arith.index_cast %swap3A_244 : i32 to index
    %swap3A_247 = arith.constant 0 : index
    %swap3A_248 = tpu.vector_load %arg11[%swap3A_245, %swap3A_246, %swap3A_247] {strides = array<i32>} : memref<5x80x16xf32, #tpu.memory_space<vmem>>, vector<16xf32>,
    tpu.vector_store %arg11[%swap3A_245, %swap3A_246, %swap3A_247], %broadcast_in_dim3A_3 {strides = array<i32>} : memref<5x80x16xf32, #tpu.memory_space<vmem>>, vector<16xf32>,
    %swap3A_249 = arith.constant 0 : i32
    %swap3A_250 = arith.constant 41 : i32
    %swap3A_251 = arith.index_cast %swap3A_249 : i32 to index
    %swap3A_252 = arith.index_cast %swap3A_250 : i32 to index
    %swap3A_253 = arith.constant 0 : index
    %swap3A_254 = tpu.vector_load %arg11[%swap3A_251, %swap3A_252, %swap3A_253] {strides = array<i32>} : memref<5x80x16xf32, #tpu.memory_space<vmem>>, vector<16xf32>,
    tpu.vector_store %arg11[%swap3A_251, %swap3A_252, %swap3A_253], %broadcast_in_dim3A_3 {strides = array<i32>} : memref<5x80x16xf32, #tpu.memory_space<vmem>>, vector<16xf32>,
    %swap3A_255 = arith.constant 0 : i32
    %swap3A_256 = arith.constant 42 : i32
    %swap3A_257 = arith.index_cast %swap3A_255 : i32 to index
    %swap3A_258 = arith.index_cast %swap3A_256 : i32 to index
    %swap3A_259 = arith.constant 0 : index
    %swap3A_260 = tpu.vector_load %arg11[%swap3A_257, %swap3A_258, %swap3A_259] {strides = array<i32>} : memref<5x80x16xf32, #tpu.memory_space<vmem>>, vector<16xf32>,
    tpu.vector_store %arg11[%swap3A_257, %swap3A_258, %swap3A_259], %broadcast_in_dim3A_3 {strides = array<i32>} : memref<5x80x16xf32, #tpu.memory_space<vmem>>, vector<16xf32>,
    %swap3A_261 = arith.constant 0 : i32
    %swap3A_262 = arith.constant 43 : i32
    %swap3A_263 = arith.index_cast %swap3A_261 : i32 to index
    %swap3A_264 = arith.index_cast %swap3A_262 : i32 to index
    %swap3A_265 = arith.constant 0 : index
    %swap3A_266 = tpu.vector_load %arg11[%swap3A_263, %swap3A_264, %swap3A_265] {strides = array<i32>} : memref<5x80x16xf32, #tpu.memory_space<vmem>>, vector<16xf32>,
    tpu.vector_store %arg11[%swap3A_263, %swap3A_264, %swap3A_265], %broadcast_in_dim3A_3 {strides = array<i32>} : memref<5x80x16xf32, #tpu.memory_space<vmem>>, vector<16xf32>,
    %swap3A_267 = arith.constant 0 : i32
    %swap3A_268 = arith.constant 44 : i32
    %swap3A_269 = arith.index_cast %swap3A_267 : i32 to index
    %swap3A_270 = arith.index_cast %swap3A_268 : i32 to index
    %swap3A_271 = arith.constant 0 : index
    %swap3A_272 = tpu.vector_load %arg11[%swap3A_269, %swap3A_270, %swap3A_271] {strides = array<i32>} : memref<5x80x16xf32, #tpu.memory_space<vmem>>, vector<16xf32>,
    tpu.vector_store %arg11[%swap3A_269, %swap3A_270, %swap3A_271], %broadcast_in_dim3A_3 {strides = array<i32>} : memref<5x80x16xf32, #tpu.memory_space<vmem>>, vector<16xf32>,
    %swap3A_273 = arith.constant 0 : i32
    %swap3A_274 = arith.constant 45 : i32
    %swap3A_275 = arith.index_cast %swap3A_273 : i32 to index
    %swap3A_276 = arith.index_cast %swap3A_274 : i32 to index
    %swap3A_277 = arith.constant 0 : index
    %swap3A_278 = tpu.vector_load %arg11[%swap3A_275, %swap3A_276, %swap3A_277] {strides = array<i32>} : memref<5x80x16xf32, #tpu.memory_space<vmem>>, vector<16xf32>,
    tpu.vector_store %arg11[%swap3A_275, %swap3A_276, %swap3A_277], %broadcast_in_dim3A_3 {strides = array<i32>} : memref<5x80x16xf32, #tpu.memory_space<vmem>>, vector<16xf32>,
    %swap3A_279 = arith.constant 0 : i32
    %swap3A_280 = arith.constant 46 : i32
    %swap3A_281 = arith.index_cast %swap3A_279 : i32 to index
    %swap3A_282 = arith.index_cast %swap3A_280 : i32 to index
    %swap3A_283 = arith.constant 0 : index
    %swap3A_284 = tpu.vector_load %arg11[%swap3A_281, %swap3A_282, %swap3A_283] {strides = array<i32>} : memref<5x80x16xf32, #tpu.memory_space<vmem>>, vector<16xf32>,
    tpu.vector_store %arg11[%swap3A_281, %swap3A_282, %swap3A_283], %broadcast_in_dim3A_3 {strides = array<i32>} : memref<5x80x16xf32, #tpu.memory_space<vmem>>, vector<16xf32>,
    %swap3A_285 = arith.constant 0 : i32
    %swap3A_286 = arith.constant 47 : i32
    %swap3A_287 = arith.index_cast %swap3A_285 : i32 to index
    %swap3A_288 = arith.index_cast %swap3A_286 : i32 to index
    %swap3A_289 = arith.constant 0 : index
    %swap3A_290 = tpu.vector_load %arg11[%swap3A_287, %swap3A_288, %swap3A_289] {strides = array<i32>} : memref<5x80x16xf32, #tpu.memory_space<vmem>>, vector<16xf32>,
    tpu.vector_store %arg11[%swap3A_287, %swap3A_288, %swap3A_289], %broadcast_in_dim3A_3 {strides = array<i32>} : memref<5x80x16xf32, #tpu.memory_space<vmem>>, vector<16xf32>,
    %swap3A_291 = arith.constant 0 : i32
    %swap3A_292 = arith.constant 48 : i32
    %swap3A_293 = arith.index_cast %swap3A_291 : i32 to index
    %swap3A_294 = arith.index_cast %swap3A_292 : i32 to index
    %swap3A_295 = arith.constant 0 : index
    %swap3A_296 = tpu.vector_load %arg11[%swap3A_293, %swap3A_294, %swap3A_295] {strides = array<i32>} : memref<5x80x16xf32, #tpu.memory_space<vmem>>, vector<16xf32>,
    tpu.vector_store %arg11[%swap3A_293, %swap3A_294, %swap3A_295], %broadcast_in_dim3A_3 {strides = array<i32>} : memref<5x80x16xf32, #tpu.memory_space<vmem>>, vector<16xf32>,
    %swap3A_297 = arith.constant 0 : i32
    %swap3A_298 = arith.constant 49 : i32
    %swap3A_299 = arith.index_cast %swap3A_297 : i32 to index
    %swap3A_300 = arith.index_cast %swap3A_298 : i32 to index
    %swap3A_301 = arith.constant 0 : index
    %swap3A_302 = tpu.vector_load %arg11[%swap3A_299, %swap3A_300, %swap3A_301] {strides = array<i32>} : memref<5x80x16xf32, #tpu.memory_space<vmem>>, vector<16xf32>,
    tpu.vector_store %arg11[%swap3A_299, %swap3A_300, %swap3A_301], %broadcast_in_dim3A_3 {strides = array<i32>} : memref<5x80x16xf32, #tpu.memory_space<vmem>>, vector<16xf32>,
    %swap3A_303 = arith.constant 0 : i32
    %swap3A_304 = arith.constant 50 : i32
    %swap3A_305 = arith.index_cast %swap3A_303 : i32 to index
    %swap3A_306 = arith.index_cast %swap3A_304 : i32 to index
    %swap3A_307 = arith.constant 0 : index
    %swap3A_308 = tpu.vector_load %arg11[%swap3A_305, %swap3A_306, %swap3A_307] {strides = array<i32>} : memref<5x80x16xf32, #tpu.memory_space<vmem>>, vector<16xf32>,
    tpu.vector_store %arg11[%swap3A_305, %swap3A_306, %swap3A_307], %broadcast_in_dim3A_3 {strides = array<i32>} : memref<5x80x16xf32, #tpu.memory_space<vmem>>, vector<16xf32>,
    %swap3A_309 = arith.constant 0 : i32
    %swap3A_310 = arith.constant 51 : i32
    %swap3A_311 = arith.index_cast %swap3A_309 : i32 to index
    %swap3A_312 = arith.index_cast %swap3A_310 : i32 to index
    %swap3A_313 = arith.constant 0 : index
    %swap3A_314 = tpu.vector_load %arg11[%swap3A_311, %swap3A_312, %swap3A_313] {strides = array<i32>} : memref<5x80x16xf32, #tpu.memory_space<vmem>>, vector<16xf32>,
    tpu.vector_store %arg11[%swap3A_311, %swap3A_312, %swap3A_313], %broadcast_in_dim3A_3 {strides = array<i32>} : memref<5x80x16xf32, #tpu.memory_space<vmem>>, vector<16xf32>,
    %swap3A_315 = arith.constant 0 : i32
    %swap3A_316 = arith.constant 52 : i32
    %swap3A_317 = arith.index_cast %swap3A_315 : i32 to index
    %swap3A_318 = arith.index_cast %swap3A_316 : i32 to index
    %swap3A_319 = arith.constant 0 : index
    %swap3A_320 = tpu.vector_load %arg11[%swap3A_317, %swap3A_318, %swap3A_319] {strides = array<i32>} : memref<5x80x16xf32, #tpu.memory_space<vmem>>, vector<16xf32>,
    tpu.vector_store %arg11[%swap3A_317, %swap3A_318, %swap3A_319], %broadcast_in_dim3A_3 {strides = array<i32>} : memref<5x80x16xf32, #tpu.memory_space<vmem>>, vector<16xf32>,
    %swap3A_321 = arith.constant 0 : i32
    %swap3A_322 = arith.constant 53 : i32
    %swap3A_323 = arith.index_cast %swap3A_321 : i32 to index
    %swap3A_324 = arith.index_cast %swap3A_322 : i32 to index
    %swap3A_325 = arith.constant 0 : index
    %swap3A_326 = tpu.vector_load %arg11[%swap3A_323, %swap3A_324, %swap3A_325] {strides = array<i32>} : memref<5x80x16xf32, #tpu.memory_space<vmem>>, vector<16xf32>,
    tpu.vector_store %arg11[%swap3A_323, %swap3A_324, %swap3A_325], %broadcast_in_dim3A_3 {strides = array<i32>} : memref<5x80x16xf32, #tpu.memory_space<vmem>>, vector<16xf32>,
    %swap3A_327 = arith.constant 0 : i32
    %swap3A_328 = arith.constant 54 : i32
    %swap3A_329 = arith.index_cast %swap3A_327 : i32 to index
    %swap3A_330 = arith.index_cast %swap3A_328 : i32 to index
    %swap3A_331 = arith.constant 0 : index
    %swap3A_332 = tpu.vector_load %arg11[%swap3A_329, %swap3A_330, %swap3A_331] {strides = array<i32>} : memref<5x80x16xf32, #tpu.memory_space<vmem>>, vector<16xf32>,
    tpu.vector_store %arg11[%swap3A_329, %swap3A_330, %swap3A_331], %broadcast_in_dim3A_3 {strides = array<i32>} : memref<5x80x16xf32, #tpu.memory_space<vmem>>, vector<16xf32>,
    %swap3A_333 = arith.constant 0 : i32
    %swap3A_334 = arith.constant 55 : i32
    %swap3A_335 = arith.index_cast %swap3A_333 : i32 to index
    %swap3A_336 = arith.index_cast %swap3A_334 : i32 to index
    %swap3A_337 = arith.constant 0 : index
    %swap3A_338 = tpu.vector_load %arg11[%swap3A_335, %swap3A_336, %swap3A_337] {strides = array<i32>} : memref<5x80x16xf32, #tpu.memory_space<vmem>>, vector<16xf32>,
    tpu.vector_store %arg11[%swap3A_335, %swap3A_336, %swap3A_337], %broadcast_in_dim3A_3 {strides = array<i32>} : memref<5x80x16xf32, #tpu.memory_space<vmem>>, vector<16xf32>,
    %swap3A_339 = arith.constant 0 : i32
    %swap3A_340 = arith.constant 56 : i32
    %swap3A_341 = arith.index_cast %swap3A_339 : i32 to index
    %swap3A_342 = arith.index_cast %swap3A_340 : i32 to index
    %swap3A_343 = arith.constant 0 : index
    %swap3A_344 = tpu.vector_load %arg11[%swap3A_341, %swap3A_342, %swap3A_343] {strides = array<i32>} : memref<5x80x16xf32, #tpu.memory_space<vmem>>, vector<16xf32>,
    tpu.vector_store %arg11[%swap3A_341, %swap3A_342, %swap3A_343], %broadcast_in_dim3A_3 {strides = array<i32>} : memref<5x80x16xf32, #tpu.memory_space<vmem>>, vector<16xf32>,
    %swap3A_345 = arith.constant 0 : i32
    %swap3A_346 = arith.constant 57 : i32
    %swap3A_347 = arith.index_cast %swap3A_345 : i32 to index
    %swap3A_348 = arith.index_cast %swap3A_346 : i32 to index
    %swap3A_349 = arith.constant 0 : index
    %swap3A_350 = tpu.vector_load %arg11[%swap3A_347, %swap3A_348, %swap3A_349] {strides = array<i32>} : memref<5x80x16xf32, #tpu.memory_space<vmem>>, vector<16xf32>,
    tpu.vector_store %arg11[%swap3A_347, %swap3A_348, %swap3A_349], %broadcast_in_dim3A_3 {strides = array<i32>} : memref<5x80x16xf32, #tpu.memory_space<vmem>>, vector<16xf32>,
    %swap3A_351 = arith.constant 0 : i32
    %swap3A_352 = arith.constant 58 : i32
    %swap3A_353 = arith.index_cast %swap3A_351 : i32 to index
    %swap3A_354 = arith.index_cast %swap3A_352 : i32 to index
    %swap3A_355 = arith.constant 0 : index
    %swap3A_356 = tpu.vector_load %arg11[%swap3A_353, %swap3A_354, %swap3A_355] {strides = array<i32>} : memref<5x80x16xf32, #tpu.memory_space<vmem>>, vector<16xf32>,
    tpu.vector_store %arg11[%swap3A_353, %swap3A_354, %swap3A_355], %broadcast_in_dim3A_3 {strides = array<i32>} : memref<5x80x16xf32, #tpu.memory_space<vmem>>, vector<16xf32>,
    %swap3A_357 = arith.constant 0 : i32
    %swap3A_358 = arith.constant 59 : i32
    %swap3A_359 = arith.index_cast %swap3A_357 : i32 to index
    %swap3A_360 = arith.index_cast %swap3A_358 : i32 to index
    %swap3A_361 = arith.constant 0 : index
    %swap3A_362 = tpu.vector_load %arg11[%swap3A_359, %swap3A_360, %swap3A_361] {strides = array<i32>} : memref<5x80x16xf32, #tpu.memory_space<vmem>>, vector<16xf32>,
    tpu.vector_store %arg11[%swap3A_359, %swap3A_360, %swap3A_361], %broadcast_in_dim3A_3 {strides = array<i32>} : memref<5x80x16xf32, #tpu.memory_space<vmem>>, vector<16xf32>,
    %swap3A_363 = arith.constant 0 : i32
    %swap3A_364 = arith.constant 60 : i32
    %swap3A_365 = arith.index_cast %swap3A_363 : i32 to index
    %swap3A_366 = arith.index_cast %swap3A_364 : i32 to index
    %swap3A_367 = arith.constant 0 : index
    %swap3A_368 = tpu.vector_load %arg11[%swap3A_365, %swap3A_366, %swap3A_367] {strides = array<i32>} : memref<5x80x16xf32, #tpu.memory_space<vmem>>, vector<16xf32>,
    tpu.vector_store %arg11[%swap3A_365, %swap3A_366, %swap3A_367], %broadcast_in_dim3A_3 {strides = array<i32>} : memref<5x80x16xf32, #tpu.memory_space<vmem>>, vector<16xf32>,
    %swap3A_369 = arith.constant 0 : i32
    %swap3A_370 = arith.constant 61 : i32
    %swap3A_371 = arith.index_cast %swap3A_369 : i32 to index
    %swap3A_372 = arith.index_cast %swap3A_370 : i32 to index
    %swap3A_373 = arith.constant 0 : index
    %swap3A_374 = tpu.vector_load %arg11[%swap3A_371, %swap3A_372, %swap3A_373] {strides = array<i32>} : memref<5x80x16xf32, #tpu.memory_space<vmem>>, vector<16xf32>,
    tpu.vector_store %arg11[%swap3A_371, %swap3A_372, %swap3A_373], %broadcast_in_dim3A_3 {strides = array<i32>} : memref<5x80x16xf32, #tpu.memory_space<vmem>>, vector<16xf32>,
    %swap3A_375 = arith.constant 0 : i32
    %swap3A_376 = arith.constant 62 : i32
    %swap3A_377 = arith.index_cast %swap3A_375 : i32 to index
    %swap3A_378 = arith.index_cast %swap3A_376 : i32 to index
    %swap3A_379 = arith.constant 0 : index
    %swap3A_380 = tpu.vector_load %arg11[%swap3A_377, %swap3A_378, %swap3A_379] {strides = array<i32>} : memref<5x80x16xf32, #tpu.memory_space<vmem>>, vector<16xf32>,
    tpu.vector_store %arg11[%swap3A_377, %swap3A_378, %swap3A_379], %broadcast_in_dim3A_3 {strides = array<i32>} : memref<5x80x16xf32, #tpu.memory_space<vmem>>, vector<16xf32>,
    %swap3A_381 = arith.constant 0 : i32
    %swap3A_382 = arith.constant 63 : i32
    %swap3A_383 = arith.index_cast %swap3A_381 : i32 to index
    %swap3A_384 = arith.index_cast %swap3A_382 : i32 to index
    %swap3A_385 = arith.constant 0 : index
    %swap3A_386 = tpu.vector_load %arg11[%swap3A_383, %swap3A_384, %swap3A_385] {strides = array<i32>} : memref<5x80x16xf32, #tpu.memory_space<vmem>>, vector<16xf32>,
    tpu.vector_store %arg11[%swap3A_383, %swap3A_384, %swap3A_385], %broadcast_in_dim3A_3 {strides = array<i32>} : memref<5x80x16xf32, #tpu.memory_space<vmem>>, vector<16xf32>,
    %swap3A_387 = arith.constant 0 : i32
    %swap3A_388 = arith.constant 64 : i32
    %swap3A_389 = arith.index_cast %swap3A_387 : i32 to index
    %swap3A_390 = arith.index_cast %swap3A_388 : i32 to index
    %swap3A_391 = arith.constant 0 : index
    %swap3A_392 = tpu.vector_load %arg11[%swap3A_389, %swap3A_390, %swap3A_391] {strides = array<i32>} : memref<5x80x16xf32, #tpu.memory_space<vmem>>, vector<16xf32>,
    tpu.vector_store %arg11[%swap3A_389, %swap3A_390, %swap3A_391], %broadcast_in_dim3A_3 {strides = array<i32>} : memref<5x80x16xf32, #tpu.memory_space<vmem>>, vector<16xf32>,
    %swap3A_393 = arith.constant 0 : i32
    %swap3A_394 = arith.constant 65 : i32
    %swap3A_395 = arith.index_cast %swap3A_393 : i32 to index
    %swap3A_396 = arith.index_cast %swap3A_394 : i32 to index
    %swap3A_397 = arith.constant 0 : index
    %swap3A_398 = tpu.vector_load %arg11[%swap3A_395, %swap3A_396, %swap3A_397] {strides = array<i32>} : memref<5x80x16xf32, #tpu.memory_space<vmem>>, vector<16xf32>,
    tpu.vector_store %arg11[%swap3A_395, %swap3A_396, %swap3A_397], %broadcast_in_dim3A_3 {strides = array<i32>} : memref<5x80x16xf32, #tpu.memory_space<vmem>>, vector<16xf32>,
    %swap3A_399 = arith.constant 0 : i32
    %swap3A_400 = arith.constant 66 : i32
    %swap3A_401 = arith.index_cast %swap3A_399 : i32 to index
    %swap3A_402 = arith.index_cast %swap3A_400 : i32 to index
    %swap3A_403 = arith.constant 0 : index
    %swap3A_404 = tpu.vector_load %arg11[%swap3A_401, %swap3A_402, %swap3A_403] {strides = array<i32>} : memref<5x80x16xf32, #tpu.memory_space<vmem>>, vector<16xf32>,
    tpu.vector_store %arg11[%swap3A_401, %swap3A_402, %swap3A_403], %broadcast_in_dim3A_3 {strides = array<i32>} : memref<5x80x16xf32, #tpu.memory_space<vmem>>, vector<16xf32>,
    %swap3A_405 = arith.constant 0 : i32
    %swap3A_406 = arith.constant 67 : i32
    %swap3A_407 = arith.index_cast %swap3A_405 : i32 to index
    %swap3A_408 = arith.index_cast %swap3A_406 : i32 to index
    %swap3A_409 = arith.constant 0 : index
    %swap3A_410 = tpu.vector_load %arg11[%swap3A_407, %swap3A_408, %swap3A_409] {strides = array<i32>} : memref<5x80x16xf32, #tpu.memory_space<vmem>>, vector<16xf32>,
    tpu.vector_store %arg11[%swap3A_407, %swap3A_408, %swap3A_409], %broadcast_in_dim3A_3 {strides = array<i32>} : memref<5x80x16xf32, #tpu.memory_space<vmem>>, vector<16xf32>,
    %swap3A_411 = arith.constant 0 : i32
    %swap3A_412 = arith.constant 68 : i32
    %swap3A_413 = arith.index_cast %swap3A_411 : i32 to index
    %swap3A_414 = arith.index_cast %swap3A_412 : i32 to index
    %swap3A_415 = arith.constant 0 : index
    %swap3A_416 = tpu.vector_load %arg11[%swap3A_413, %swap3A_414, %swap3A_415] {strides = array<i32>} : memref<5x80x16xf32, #tpu.memory_space<vmem>>, vector<16xf32>,
    tpu.vector_store %arg11[%swap3A_413, %swap3A_414, %swap3A_415], %broadcast_in_dim3A_3 {strides = array<i32>} : memref<5x80x16xf32, #tpu.memory_space<vmem>>, vector<16xf32>,
    %swap3A_417 = arith.constant 0 : i32
    %swap3A_418 = arith.constant 69 : i32
    %swap3A_419 = arith.index_cast %swap3A_417 : i32 to index
    %swap3A_420 = arith.index_cast %swap3A_418 : i32 to index
    %swap3A_421 = arith.constant 0 : index
    %swap3A_422 = tpu.vector_load %arg11[%swap3A_419, %swap3A_420, %swap3A_421] {strides = array<i32>} : memref<5x80x16xf32, #tpu.memory_space<vmem>>, vector<16xf32>,
    tpu.vector_store %arg11[%swap3A_419, %swap3A_420, %swap3A_421], %broadcast_in_dim3A_3 {strides = array<i32>} : memref<5x80x16xf32, #tpu.memory_space<vmem>>, vector<16xf32>,
    %swap3A_423 = arith.constant 0 : i32
    %swap3A_424 = arith.constant 70 : i32
    %swap3A_425 = arith.index_cast %swap3A_423 : i32 to index
    %swap3A_426 = arith.index_cast %swap3A_424 : i32 to index
    %swap3A_427 = arith.constant 0 : index
    %swap3A_428 = tpu.vector_load %arg11[%swap3A_425, %swap3A_426, %swap3A_427] {strides = array<i32>} : memref<5x80x16xf32, #tpu.memory_space<vmem>>, vector<16xf32>,
    tpu.vector_store %arg11[%swap3A_425, %swap3A_426, %swap3A_427], %broadcast_in_dim3A_3 {strides = array<i32>} : memref<5x80x16xf32, #tpu.memory_space<vmem>>, vector<16xf32>,
    %swap3A_429 = arith.constant 0 : i32
    %swap3A_430 = arith.constant 71 : i32
    %swap3A_431 = arith.index_cast %swap3A_429 : i32 to index
    %swap3A_432 = arith.index_cast %swap3A_430 : i32 to index
    %swap3A_433 = arith.constant 0 : index
    %swap3A_434 = tpu.vector_load %arg11[%swap3A_431, %swap3A_432, %swap3A_433] {strides = array<i32>} : memref<5x80x16xf32, #tpu.memory_space<vmem>>, vector<16xf32>,
    tpu.vector_store %arg11[%swap3A_431, %swap3A_432, %swap3A_433], %broadcast_in_dim3A_3 {strides = array<i32>} : memref<5x80x16xf32, #tpu.memory_space<vmem>>, vector<16xf32>,
    %swap3A_435 = arith.constant 0 : i32
    %swap3A_436 = arith.constant 72 : i32
    %swap3A_437 = arith.index_cast %swap3A_435 : i32 to index
    %swap3A_438 = arith.index_cast %swap3A_436 : i32 to index
    %swap3A_439 = arith.constant 0 : index
    %swap3A_440 = tpu.vector_load %arg11[%swap3A_437, %swap3A_438, %swap3A_439] {strides = array<i32>} : memref<5x80x16xf32, #tpu.memory_space<vmem>>, vector<16xf32>,
    tpu.vector_store %arg11[%swap3A_437, %swap3A_438, %swap3A_439], %broadcast_in_dim3A_3 {strides = array<i32>} : memref<5x80x16xf32, #tpu.memory_space<vmem>>, vector<16xf32>,
    %swap3A_441 = arith.constant 0 : i32
    %swap3A_442 = arith.constant 73 : i32
    %swap3A_443 = arith.index_cast %swap3A_441 : i32 to index
    %swap3A_444 = arith.index_cast %swap3A_442 : i32 to index
    %swap3A_445 = arith.constant 0 : index
    %swap3A_446 = tpu.vector_load %arg11[%swap3A_443, %swap3A_444, %swap3A_445] {strides = array<i32>} : memref<5x80x16xf32, #tpu.memory_space<vmem>>, vector<16xf32>,
    tpu.vector_store %arg11[%swap3A_443, %swap3A_444, %swap3A_445], %broadcast_in_dim3A_3 {strides = array<i32>} : memref<5x80x16xf32, #tpu.memory_space<vmem>>, vector<16xf32>,
    %swap3A_447 = arith.constant 0 : i32
    %swap3A_448 = arith.constant 74 : i32
    %swap3A_449 = arith.index_cast %swap3A_447 : i32 to index
    %swap3A_450 = arith.index_cast %swap3A_448 : i32 to index
    %swap3A_451 = arith.constant 0 : index
    %swap3A_452 = tpu.vector_load %arg11[%swap3A_449, %swap3A_450, %swap3A_451] {strides = array<i32>} : memref<5x80x16xf32, #tpu.memory_space<vmem>>, vector<16xf32>,
    tpu.vector_store %arg11[%swap3A_449, %swap3A_450, %swap3A_451], %broadcast_in_dim3A_3 {strides = array<i32>} : memref<5x80x16xf32, #tpu.memory_space<vmem>>, vector<16xf32>,
    %swap3A_453 = arith.constant 0 : i32
    %swap3A_454 = arith.constant 75 : i32
    %swap3A_455 = arith.index_cast %swap3A_453 : i32 to index
    %swap3A_456 = arith.index_cast %swap3A_454 : i32 to index
    %swap3A_457 = arith.constant 0 : index
    %swap3A_458 = tpu.vector_load %arg11[%swap3A_455, %swap3A_456, %swap3A_457] {strides = array<i32>} : memref<5x80x16xf32, #tpu.memory_space<vmem>>, vector<16xf32>,
    tpu.vector_store %arg11[%swap3A_455, %swap3A_456, %swap3A_457], %broadcast_in_dim3A_3 {strides = array<i32>} : memref<5x80x16xf32, #tpu.memory_space<vmem>>, vector<16xf32>,
    %swap3A_459 = arith.constant 0 : i32
    %swap3A_460 = arith.constant 76 : i32
    %swap3A_461 = arith.index_cast %swap3A_459 : i32 to index
    %swap3A_462 = arith.index_cast %swap3A_460 : i32 to index
    %swap3A_463 = arith.constant 0 : index
    %swap3A_464 = tpu.vector_load %arg11[%swap3A_461, %swap3A_462, %swap3A_463] {strides = array<i32>} : memref<5x80x16xf32, #tpu.memory_space<vmem>>, vector<16xf32>,
    tpu.vector_store %arg11[%swap3A_461, %swap3A_462, %swap3A_463], %broadcast_in_dim3A_3 {strides = array<i32>} : memref<5x80x16xf32, #tpu.memory_space<vmem>>, vector<16xf32>,
    %swap3A_465 = arith.constant 0 : i32
    %swap3A_466 = arith.constant 77 : i32
    %swap3A_467 = arith.index_cast %swap3A_465 : i32 to index
    %swap3A_468 = arith.index_cast %swap3A_466 : i32 to index
    %swap3A_469 = arith.constant 0 : index
    %swap3A_470 = tpu.vector_load %arg11[%swap3A_467, %swap3A_468, %swap3A_469] {strides = array<i32>} : memref<5x80x16xf32, #tpu.memory_space<vmem>>, vector<16xf32>,
    tpu.vector_store %arg11[%swap3A_467, %swap3A_468, %swap3A_469], %broadcast_in_dim3A_3 {strides = array<i32>} : memref<5x80x16xf32, #tpu.memory_space<vmem>>, vector<16xf32>,
    %swap3A_471 = arith.constant 0 : i32
    %swap3A_472 = arith.constant 78 : i32
    %swap3A_473 = arith.index_cast %swap3A_471 : i32 to index
    %swap3A_474 = arith.index_cast %swap3A_472 : i32 to index
    %swap3A_475 = arith.constant 0 : index
    %swap3A_476 = tpu.vector_load %arg11[%swap3A_473, %swap3A_474, %swap3A_475] {strides = array<i32>} : memref<5x80x16xf32, #tpu.memory_space<vmem>>, vector<16xf32>,
    tpu.vector_store %arg11[%swap3A_473, %swap3A_474, %swap3A_475], %broadcast_in_dim3A_3 {strides = array<i32>} : memref<5x80x16xf32, #tpu.memory_space<vmem>>, vector<16xf32>,
    %swap3A_477 = arith.constant 0 : i32
    %swap3A_478 = arith.constant 79 : i32
    %swap3A_479 = arith.index_cast %swap3A_477 : i32 to index
    %swap3A_480 = arith.index_cast %swap3A_478 : i32 to index
    %swap3A_481 = arith.constant 0 : index
    %swap3A_482 = tpu.vector_load %arg11[%swap3A_479, %swap3A_480, %swap3A_481] {strides = array<i32>} : memref<5x80x16xf32, #tpu.memory_space<vmem>>, vector<16xf32>,
    tpu.vector_store %arg11[%swap3A_479, %swap3A_480, %swap3A_481], %broadcast_in_dim3A_3 {strides = array<i32>} : memref<5x80x16xf32, #tpu.memory_space<vmem>>, vector<16xf32>,
    %add3A_483 = arith.constant 0 : i32
    %add3A_484 = arith.addi %mul3A_2, %add3A_483 : i32
    %run_scoped3A = arith.constant 0 : i32
    "tpu.region"() ({
      %run_scoped3A_730 = tpu.sem_alloc : memref<!tpu.dma_semaphore, #tpu.memory_space<semaphore_mem>>
      %dma_start3A_731 = arith.constant 0 : i32
      %dma_start3A_732 = arith.constant 0 : i32
      %dma_start3A_733 = tpu.memref_slice %arg11[%run_scoped3A, %dma_start3A_731, %dma_start3A_732] : memref<5x80x16xf32, #tpu.memory_space<vmem>> -> memref<1x80x16xf32, #tpu.memory_space<vmem>>
      %dma_start3A_734 = tpu.memref_squeeze %dma_start3A_733 : memref<1x80x16xf32, #tpu.memory_space<vmem>> -> memref<80x16xf32, #tpu.memory_space<vmem>>
      %dma_start3A_735 = arith.constant 0 : i32
      %dma_start3A_736 = tpu.memref_slice %arg13[%add3A_484, %dma_start3A_735] : memref<10240x16xf32, #tpu.memory_space<vmem_shared>> -> memref<80x16xf32, #tpu.memory_space<vmem_shared>>
      %dma_start3A_737 = arith.constant 0 : i32
      %dma_start3A_738 = tpu.memref_slice %arg13[%add3A_484, %dma_start3A_737] : memref<10240x16xf32, #tpu.memory_space<vmem_shared>> -> memref<80x16xf32, #tpu.memory_space<vmem_shared>>
      %dma_start3A_739 = arith.constant 0 : i32
      %dma_start3A_740 = arith.constant 0 : i32
      %dma_start3A_741 = tpu.memref_slice %arg11[%run_scoped3A, %dma_start3A_739, %dma_start3A_740] : memref<5x80x16xf32, #tpu.memory_space<vmem>> -> memref<1x80x16xf32, #tpu.memory_space<vmem>>
      %dma_start3A_742 = tpu.memref_squeeze %dma_start3A_741 : memref<1x80x16xf32, #tpu.memory_space<vmem>> -> memref<80x16xf32, #tpu.memory_space<vmem>>
      tpu.enqueue_dma source(%dma_start3A_742 : memref<80x16xf32, #tpu.memory_space<vmem>>) target(%dma_start3A_738 : memref<80x16xf32, #tpu.memory_space<vmem_shared>>) target_semaphore(%run_scoped3A_730 : memref<!tpu.dma_semaphore, #tpu.memory_space<semaphore_mem>>)
      %dma_wait3A_743 = arith.constant 0 : i32
      %dma_wait3A_744 = arith.constant 0 : i32
      %dma_wait3A_745 = tpu.memref_slice %arg11[%run_scoped3A, %dma_wait3A_743, %dma_wait3A_744] : memref<5x80x16xf32, #tpu.memory_space<vmem>> -> memref<1x80x16xf32, #tpu.memory_space<vmem>>
      %dma_wait3A_746 = tpu.memref_squeeze %dma_wait3A_745 : memref<1x80x16xf32, #tpu.memory_space<vmem>> -> memref<80x16xf32, #tpu.memory_space<vmem>>
      %dma_wait3A_747 = arith.constant 0 : i32
      %dma_wait3A_748 = tpu.memref_slice %arg13[%add3A_484, %dma_wait3A_747] : memref<10240x16xf32, #tpu.memory_space<vmem_shared>> -> memref<80x16xf32, #tpu.memory_space<vmem_shared>>
      %dma_wait3A_749 = arith.constant 0 : i32
      %dma_wait3A_750 = tpu.memref_slice %arg13[%add3A_484, %dma_wait3A_749] : memref<10240x16xf32, #tpu.memory_space<vmem_shared>> -> memref<80x16xf32, #tpu.memory_space<vmem_shared>>
      %dma_wait3A_751 = arith.constant 0 : i32
      %dma_wait3A_752 = arith.constant 0 : i32
      %dma_wait3A_753 = tpu.memref_slice %arg11[%run_scoped3A, %dma_wait3A_751, %dma_wait3A_752] : memref<5x80x16xf32, #tpu.memory_space<vmem>> -> memref<1x80x16xf32, #tpu.memory_space<vmem>>
      %dma_wait3A_754 = tpu.memref_squeeze %dma_wait3A_753 : memref<1x80x16xf32, #tpu.memory_space<vmem>> -> memref<80x16xf32, #tpu.memory_space<vmem>>
      tpu.wait_dma2 semaphore(%run_scoped3A_730 : memref<!tpu.dma_semaphore, #tpu.memory_space<semaphore_mem>>) src(%dma_wait3A_754 : memref<80x16xf32, #tpu.memory_space<vmem>>) dst(%dma_wait3A_750 : memref<80x16xf32, #tpu.memory_space<vmem_shared>>)
      tpu.yield
    }) : () -> ()
    %add3A_485 = arith.constant 80 : i32
    %add3A_486 = arith.addi %mul3A_2, %add3A_485 : i32
    %run_scoped3A_487 = arith.constant 0 : i32
    "tpu.region"() ({
      %run_scoped3A_730 = tpu.sem_alloc : memref<!tpu.dma_semaphore, #tpu.memory_space<semaphore_mem>>
      %dma_start3A_731 = arith.constant 0 : i32
      %dma_start3A_732 = arith.constant 0 : i32
      %dma_start3A_733 = tpu.memref_slice %arg11[%run_scoped3A_487, %dma_start3A_731, %dma_start3A_732] : memref<5x80x16xf32, #tpu.memory_space<vmem>> -> memref<1x80x16xf32, #tpu.memory_space<vmem>>
      %dma_start3A_734 = tpu.memref_squeeze %dma_start3A_733 : memref<1x80x16xf32, #tpu.memory_space<vmem>> -> memref<80x16xf32, #tpu.memory_space<vmem>>
      %dma_start3A_735 = arith.constant 0 : i32
      %dma_start3A_736 = tpu.memref_slice %arg13[%add3A_486, %dma_start3A_735] : memref<10240x16xf32, #tpu.memory_space<vmem_shared>> -> memref<80x16xf32, #tpu.memory_space<vmem_shared>>
      %dma_start3A_737 = arith.constant 0 : i32
      %dma_start3A_738 = tpu.memref_slice %arg13[%add3A_486, %dma_start3A_737] : memref<10240x16xf32, #tpu.memory_space<vmem_shared>> -> memref<80x16xf32, #tpu.memory_space<vmem_shared>>
      %dma_start3A_739 = arith.constant 0 : i32
      %dma_start3A_740 = arith.constant 0 : i32
      %dma_start3A_741 = tpu.memref_slice %arg11[%run_scoped3A_487, %dma_start3A_739, %dma_start3A_740] : memref<5x80x16xf32, #tpu.memory_space<vmem>> -> memref<1x80x16xf32, #tpu.memory_space<vmem>>
      %dma_start3A_742 = tpu.memref_squeeze %dma_start3A_741 : memref<1x80x16xf32, #tpu.memory_space<vmem>> -> memref<80x16xf32, #tpu.memory_space<vmem>>
      tpu.enqueue_dma source(%dma_start3A_742 : memref<80x16xf32, #tpu.memory_space<vmem>>) target(%dma_start3A_738 : memref<80x16xf32, #tpu.memory_space<vmem_shared>>) target_semaphore(%run_scoped3A_730 : memref<!tpu.dma_semaphore, #tpu.memory_space<semaphore_mem>>)
      %dma_wait3A_743 = arith.constant 0 : i32
      %dma_wait3A_744 = arith.constant 0 : i32
      %dma_wait3A_745 = tpu.memref_slice %arg11[%run_scoped3A_487, %dma_wait3A_743, %dma_wait3A_744] : memref<5x80x16xf32, #tpu.memory_space<vmem>> -> memref<1x80x16xf32, #tpu.memory_space<vmem>>
      %dma_wait3A_746 = tpu.memref_squeeze %dma_wait3A_745 : memref<1x80x16xf32, #tpu.memory_space<vmem>> -> memref<80x16xf32, #tpu.memory_space<vmem>>
      %dma_wait3A_747 = arith.constant 0 : i32
      %dma_wait3A_748 = tpu.memref_slice %arg13[%add3A_486, %dma_wait3A_747] : memref<10240x16xf32, #tpu.memory_space<vmem_shared>> -> memref<80x16xf32, #tpu.memory_space<vmem_shared>>
      %dma_wait3A_749 = arith.constant 0 : i32
      %dma_wait3A_750 = tpu.memref_slice %arg13[%add3A_486, %dma_wait3A_749] : memref<10240x16xf32, #tpu.memory_space<vmem_shared>> -> memref<80x16xf32, #tpu.memory_space<vmem_shared>>
      %dma_wait3A_751 = arith.constant 0 : i32
      %dma_wait3A_752 = arith.constant 0 : i32
      %dma_wait3A_753 = tpu.memref_slice %arg11[%run_scoped3A_487, %dma_wait3A_751, %dma_wait3A_752] : memref<5x80x16xf32, #tpu.memory_space<vmem>> -> memref<1x80x16xf32, #tpu.memory_space<vmem>>
      %dma_wait3A_754 = tpu.memref_squeeze %dma_wait3A_753 : memref<1x80x16xf32, #tpu.memory_space<vmem>> -> memref<80x16xf32, #tpu.memory_space<vmem>>
      tpu.wait_dma2 semaphore(%run_scoped3A_730 : memref<!tpu.dma_semaphore, #tpu.memory_space<semaphore_mem>>) src(%dma_wait3A_754 : memref<80x16xf32, #tpu.memory_space<vmem>>) dst(%dma_wait3A_750 : memref<80x16xf32, #tpu.memory_space<vmem_shared>>)
      tpu.yield
    }) : () -> ()
    %add3A_488 = arith.constant 160 : i32
    %add3A_489 = arith.addi %mul3A_2, %add3A_488 : i32
    %run_scoped3A_490 = arith.constant 0 : i32
    "tpu.region"() ({
      %run_scoped3A_730 = tpu.sem_alloc : memref<!tpu.dma_semaphore, #tpu.memory_space<semaphore_mem>>
      %dma_start3A_731 = arith.constant 0 : i32
      %dma_start3A_732 = arith.constant 0 : i32
      %dma_start3A_733 = tpu.memref_slice %arg11[%run_scoped3A_490, %dma_start3A_731, %dma_start3A_732] : memref<5x80x16xf32, #tpu.memory_space<vmem>> -> memref<1x80x16xf32, #tpu.memory_space<vmem>>
      %dma_start3A_734 = tpu.memref_squeeze %dma_start3A_733 : memref<1x80x16xf32, #tpu.memory_space<vmem>> -> memref<80x16xf32, #tpu.memory_space<vmem>>
      %dma_start3A_735 = arith.constant 0 : i32
      %dma_start3A_736 = tpu.memref_slice %arg13[%add3A_489, %dma_start3A_735] : memref<10240x16xf32, #tpu.memory_space<vmem_shared>> -> memref<80x16xf32, #tpu.memory_space<vmem_shared>>
      %dma_start3A_737 = arith.constant 0 : i32
      %dma_start3A_738 = tpu.memref_slice %arg13[%add3A_489, %dma_start3A_737] : memref<10240x16xf32, #tpu.memory_space<vmem_shared>> -> memref<80x16xf32, #tpu.memory_space<vmem_shared>>
      %dma_start3A_739 = arith.constant 0 : i32
      %dma_start3A_740 = arith.constant 0 : i32
      %dma_start3A_741 = tpu.memref_slice %arg11[%run_scoped3A_490, %dma_start3A_739, %dma_start3A_740] : memref<5x80x16xf32, #tpu.memory_space<vmem>> -> memref<1x80x16xf32, #tpu.memory_space<vmem>>
      %dma_start3A_742 = tpu.memref_squeeze %dma_start3A_741 : memref<1x80x16xf32, #tpu.memory_space<vmem>> -> memref<80x16xf32, #tpu.memory_space<vmem>>
      tpu.enqueue_dma source(%dma_start3A_742 : memref<80x16xf32, #tpu.memory_space<vmem>>) target(%dma_start3A_738 : memref<80x16xf32, #tpu.memory_space<vmem_shared>>) target_semaphore(%run_scoped3A_730 : memref<!tpu.dma_semaphore, #tpu.memory_space<semaphore_mem>>)
      %dma_wait3A_743 = arith.constant 0 : i32
      %dma_wait3A_744 = arith.constant 0 : i32
      %dma_wait3A_745 = tpu.memref_slice %arg11[%run_scoped3A_490, %dma_wait3A_743, %dma_wait3A_744] : memref<5x80x16xf32, #tpu.memory_space<vmem>> -> memref<1x80x16xf32, #tpu.memory_space<vmem>>
      %dma_wait3A_746 = tpu.memref_squeeze %dma_wait3A_745 : memref<1x80x16xf32, #tpu.memory_space<vmem>> -> memref<80x16xf32, #tpu.memory_space<vmem>>
      %dma_wait3A_747 = arith.constant 0 : i32
      %dma_wait3A_748 = tpu.memref_slice %arg13[%add3A_489, %dma_wait3A_747] : memref<10240x16xf32, #tpu.memory_space<vmem_shared>> -> memref<80x16xf32, #tpu.memory_space<vmem_shared>>
      %dma_wait3A_749 = arith.constant 0 : i32
      %dma_wait3A_750 = tpu.memref_slice %arg13[%add3A_489, %dma_wait3A_749] : memref<10240x16xf32, #tpu.memory_space<vmem_shared>> -> memref<80x16xf32, #tpu.memory_space<vmem_shared>>
      %dma_wait3A_751 = arith.constant 0 : i32
      %dma_wait3A_752 = arith.constant 0 : i32
      %dma_wait3A_753 = tpu.memref_slice %arg11[%run_scoped3A_490, %dma_wait3A_751, %dma_wait3A_752] : memref<5x80x16xf32, #tpu.memory_space<vmem>> -> memref<1x80x16xf32, #tpu.memory_space<vmem>>
      %dma_wait3A_754 = tpu.memref_squeeze %dma_wait3A_753 : memref<1x80x16xf32, #tpu.memory_space<vmem>> -> memref<80x16xf32, #tpu.memory_space<vmem>>
      tpu.wait_dma2 semaphore(%run_scoped3A_730 : memref<!tpu.dma_semaphore, #tpu.memory_space<semaphore_mem>>) src(%dma_wait3A_754 : memref<80x16xf32, #tpu.memory_space<vmem>>) dst(%dma_wait3A_750 : memref<80x16xf32, #tpu.memory_space<vmem_shared>>)
      tpu.yield
    }) : () -> ()
    %add3A_491 = arith.constant 240 : i32
    %add3A_492 = arith.addi %mul3A_2, %add3A_491 : i32
    %run_scoped3A_493 = arith.constant 0 : i32
    "tpu.region"() ({
      %run_scoped3A_730 = tpu.sem_alloc : memref<!tpu.dma_semaphore, #tpu.memory_space<semaphore_mem>>
      %dma_start3A_731 = arith.constant 0 : i32
      %dma_start3A_732 = arith.constant 0 : i32
      %dma_start3A_733 = tpu.memref_slice %arg11[%run_scoped3A_493, %dma_start3A_731, %dma_start3A_732] : memref<5x80x16xf32, #tpu.memory_space<vmem>> -> memref<1x80x16xf32, #tpu.memory_space<vmem>>
      %dma_start3A_734 = tpu.memref_squeeze %dma_start3A_733 : memref<1x80x16xf32, #tpu.memory_space<vmem>> -> memref<80x16xf32, #tpu.memory_space<vmem>>
      %dma_start3A_735 = arith.constant 0 : i32
      %dma_start3A_736 = tpu.memref_slice %arg13[%add3A_492, %dma_start3A_735] : memref<10240x16xf32, #tpu.memory_space<vmem_shared>> -> memref<80x16xf32, #tpu.memory_space<vmem_shared>>
      %dma_start3A_737 = arith.constant 0 : i32
      %dma_start3A_738 = tpu.memref_slice %arg13[%add3A_492, %dma_start3A_737] : memref<10240x16xf32, #tpu.memory_space<vmem_shared>> -> memref<80x16xf32, #tpu.memory_space<vmem_shared>>
      %dma_start3A_739 = arith.constant 0 : i32
      %dma_start3A_740 = arith.constant 0 : i32
      %dma_start3A_741 = tpu.memref_slice %arg11[%run_scoped3A_493, %dma_start3A_739, %dma_start3A_740] : memref<5x80x16xf32, #tpu.memory_space<vmem>> -> memref<1x80x16xf32, #tpu.memory_space<vmem>>
      %dma_start3A_742 = tpu.memref_squeeze %dma_start3A_741 : memref<1x80x16xf32, #tpu.memory_space<vmem>> -> memref<80x16xf32, #tpu.memory_space<vmem>>
      tpu.enqueue_dma source(%dma_start3A_742 : memref<80x16xf32, #tpu.memory_space<vmem>>) target(%dma_start3A_738 : memref<80x16xf32, #tpu.memory_space<vmem_shared>>) target_semaphore(%run_scoped3A_730 : memref<!tpu.dma_semaphore, #tpu.memory_space<semaphore_mem>>)
      %dma_wait3A_743 = arith.constant 0 : i32
      %dma_wait3A_744 = arith.constant 0 : i32
      %dma_wait3A_745 = tpu.memref_slice %arg11[%run_scoped3A_493, %dma_wait3A_743, %dma_wait3A_744] : memref<5x80x16xf32, #tpu.memory_space<vmem>> -> memref<1x80x16xf32, #tpu.memory_space<vmem>>
      %dma_wait3A_746 = tpu.memref_squeeze %dma_wait3A_745 : memref<1x80x16xf32, #tpu.memory_space<vmem>> -> memref<80x16xf32, #tpu.memory_space<vmem>>
      %dma_wait3A_747 = arith.constant 0 : i32
      %dma_wait3A_748 = tpu.memref_slice %arg13[%add3A_492, %dma_wait3A_747] : memref<10240x16xf32, #tpu.memory_space<vmem_shared>> -> memref<80x16xf32, #tpu.memory_space<vmem_shared>>
      %dma_wait3A_749 = arith.constant 0 : i32
      %dma_wait3A_750 = tpu.memref_slice %arg13[%add3A_492, %dma_wait3A_749] : memref<10240x16xf32, #tpu.memory_space<vmem_shared>> -> memref<80x16xf32, #tpu.memory_space<vmem_shared>>
      %dma_wait3A_751 = arith.constant 0 : i32
      %dma_wait3A_752 = arith.constant 0 : i32
      %dma_wait3A_753 = tpu.memref_slice %arg11[%run_scoped3A_493, %dma_wait3A_751, %dma_wait3A_752] : memref<5x80x16xf32, #tpu.memory_space<vmem>> -> memref<1x80x16xf32, #tpu.memory_space<vmem>>
      %dma_wait3A_754 = tpu.memref_squeeze %dma_wait3A_753 : memref<1x80x16xf32, #tpu.memory_space<vmem>> -> memref<80x16xf32, #tpu.memory_space<vmem>>
      tpu.wait_dma2 semaphore(%run_scoped3A_730 : memref<!tpu.dma_semaphore, #tpu.memory_space<semaphore_mem>>) src(%dma_wait3A_754 : memref<80x16xf32, #tpu.memory_space<vmem>>) dst(%dma_wait3A_750 : memref<80x16xf32, #tpu.memory_space<vmem_shared>>)
      tpu.yield
    }) : () -> ()
    %add3A_494 = arith.constant 320 : i32
    %add3A_495 = arith.addi %mul3A_2, %add3A_494 : i32
    %run_scoped3A_496 = arith.constant 0 : i32
    "tpu.region"() ({
      %run_scoped3A_730 = tpu.sem_alloc : memref<!tpu.dma_semaphore, #tpu.memory_space<semaphore_mem>>
      %dma_start3A_731 = arith.constant 0 : i32
      %dma_start3A_732 = arith.constant 0 : i32
      %dma_start3A_733 = tpu.memref_slice %arg11[%run_scoped3A_496, %dma_start3A_731, %dma_start3A_732] : memref<5x80x16xf32, #tpu.memory_space<vmem>> -> memref<1x80x16xf32, #tpu.memory_space<vmem>>
      %dma_start3A_734 = tpu.memref_squeeze %dma_start3A_733 : memref<1x80x16xf32, #tpu.memory_space<vmem>> -> memref<80x16xf32, #tpu.memory_space<vmem>>
      %dma_start3A_735 = arith.constant 0 : i32
      %dma_start3A_736 = tpu.memref_slice %arg13[%add3A_495, %dma_start3A_735] : memref<10240x16xf32, #tpu.memory_space<vmem_shared>> -> memref<80x16xf32, #tpu.memory_space<vmem_shared>>
      %dma_start3A_737 = arith.constant 0 : i32
      %dma_start3A_738 = tpu.memref_slice %arg13[%add3A_495, %dma_start3A_737] : memref<10240x16xf32, #tpu.memory_space<vmem_shared>> -> memref<80x16xf32, #tpu.memory_space<vmem_shared>>
      %dma_start3A_739 = arith.constant 0 : i32
      %dma_start3A_740 = arith.constant 0 : i32
      %dma_start3A_741 = tpu.memref_slice %arg11[%run_scoped3A_496, %dma_start3A_739, %dma_start3A_740] : memref<5x80x16xf32, #tpu.memory_space<vmem>> -> memref<1x80x16xf32, #tpu.memory_space<vmem>>
      %dma_start3A_742 = tpu.memref_squeeze %dma_start3A_741 : memref<1x80x16xf32, #tpu.memory_space<vmem>> -> memref<80x16xf32, #tpu.memory_space<vmem>>
      tpu.enqueue_dma source(%dma_start3A_742 : memref<80x16xf32, #tpu.memory_space<vmem>>) target(%dma_start3A_738 : memref<80x16xf32, #tpu.memory_space<vmem_shared>>) target_semaphore(%run_scoped3A_730 : memref<!tpu.dma_semaphore, #tpu.memory_space<semaphore_mem>>)
      %dma_wait3A_743 = arith.constant 0 : i32
      %dma_wait3A_744 = arith.constant 0 : i32
      %dma_wait3A_745 = tpu.memref_slice %arg11[%run_scoped3A_496, %dma_wait3A_743, %dma_wait3A_744] : memref<5x80x16xf32, #tpu.memory_space<vmem>> -> memref<1x80x16xf32, #tpu.memory_space<vmem>>
      %dma_wait3A_746 = tpu.memref_squeeze %dma_wait3A_745 : memref<1x80x16xf32, #tpu.memory_space<vmem>> -> memref<80x16xf32, #tpu.memory_space<vmem>>
      %dma_wait3A_747 = arith.constant 0 : i32
      %dma_wait3A_748 = tpu.memref_slice %arg13[%add3A_495, %dma_wait3A_747] : memref<10240x16xf32, #tpu.memory_space<vmem_shared>> -> memref<80x16xf32, #tpu.memory_space<vmem_shared>>
      %dma_wait3A_749 = arith.constant 0 : i32
      %dma_wait3A_750 = tpu.memref_slice %arg13[%add3A_495, %dma_wait3A_749] : memref<10240x16xf32, #tpu.memory_space<vmem_shared>> -> memref<80x16xf32, #tpu.memory_space<vmem_shared>>
      %dma_wait3A_751 = arith.constant 0 : i32
      %dma_wait3A_752 = arith.constant 0 : i32
      %dma_wait3A_753 = tpu.memref_slice %arg11[%run_scoped3A_496, %dma_wait3A_751, %dma_wait3A_752] : memref<5x80x16xf32, #tpu.memory_space<vmem>> -> memref<1x80x16xf32, #tpu.memory_space<vmem>>
      %dma_wait3A_754 = tpu.memref_squeeze %dma_wait3A_753 : memref<1x80x16xf32, #tpu.memory_space<vmem>> -> memref<80x16xf32, #tpu.memory_space<vmem>>
      tpu.wait_dma2 semaphore(%run_scoped3A_730 : memref<!tpu.dma_semaphore, #tpu.memory_space<semaphore_mem>>) src(%dma_wait3A_754 : memref<80x16xf32, #tpu.memory_space<vmem>>) dst(%dma_wait3A_750 : memref<80x16xf32, #tpu.memory_space<vmem_shared>>)
      tpu.yield
    }) : () -> ()
    %add3A_497 = arith.constant 400 : i32
    %add3A_498 = arith.addi %mul3A_2, %add3A_497 : i32
    %run_scoped3A_499 = arith.constant 0 : i32
    "tpu.region"() ({
      %run_scoped3A_730 = tpu.sem_alloc : memref<!tpu.dma_semaphore, #tpu.memory_space<semaphore_mem>>
      %dma_start3A_731 = arith.constant 0 : i32
      %dma_start3A_732 = arith.constant 0 : i32
      %dma_start3A_733 = tpu.memref_slice %arg11[%run_scoped3A_499, %dma_start3A_731, %dma_start3A_732] : memref<5x80x16xf32, #tpu.memory_space<vmem>> -> memref<1x80x16xf32, #tpu.memory_space<vmem>>
      %dma_start3A_734 = tpu.memref_squeeze %dma_start3A_733 : memref<1x80x16xf32, #tpu.memory_space<vmem>> -> memref<80x16xf32, #tpu.memory_space<vmem>>
      %dma_start3A_735 = arith.constant 0 : i32
      %dma_start3A_736 = tpu.memref_slice %arg13[%add3A_498, %dma_start3A_735] : memref<10240x16xf32, #tpu.memory_space<vmem_shared>> -> memref<80x16xf32, #tpu.memory_space<vmem_shared>>
      %dma_start3A_737 = arith.constant 0 : i32
      %dma_start3A_738 = tpu.memref_slice %arg13[%add3A_498, %dma_start3A_737] : memref<10240x16xf32, #tpu.memory_space<vmem_shared>> -> memref<80x16xf32, #tpu.memory_space<vmem_shared>>
      %dma_start3A_739 = arith.constant 0 : i32
      %dma_start3A_740 = arith.constant 0 : i32
      %dma_start3A_741 = tpu.memref_slice %arg11[%run_scoped3A_499, %dma_start3A_739, %dma_start3A_740] : memref<5x80x16xf32, #tpu.memory_space<vmem>> -> memref<1x80x16xf32, #tpu.memory_space<vmem>>
      %dma_start3A_742 = tpu.memref_squeeze %dma_start3A_741 : memref<1x80x16xf32, #tpu.memory_space<vmem>> -> memref<80x16xf32, #tpu.memory_space<vmem>>
      tpu.enqueue_dma source(%dma_start3A_742 : memref<80x16xf32, #tpu.memory_space<vmem>>) target(%dma_start3A_738 : memref<80x16xf32, #tpu.memory_space<vmem_shared>>) target_semaphore(%run_scoped3A_730 : memref<!tpu.dma_semaphore, #tpu.memory_space<semaphore_mem>>)
      %dma_wait3A_743 = arith.constant 0 : i32
      %dma_wait3A_744 = arith.constant 0 : i32
      %dma_wait3A_745 = tpu.memref_slice %arg11[%run_scoped3A_499, %dma_wait3A_743, %dma_wait3A_744] : memref<5x80x16xf32, #tpu.memory_space<vmem>> -> memref<1x80x16xf32, #tpu.memory_space<vmem>>
      %dma_wait3A_746 = tpu.memref_squeeze %dma_wait3A_745 : memref<1x80x16xf32, #tpu.memory_space<vmem>> -> memref<80x16xf32, #tpu.memory_space<vmem>>
      %dma_wait3A_747 = arith.constant 0 : i32
      %dma_wait3A_748 = tpu.memref_slice %arg13[%add3A_498, %dma_wait3A_747] : memref<10240x16xf32, #tpu.memory_space<vmem_shared>> -> memref<80x16xf32, #tpu.memory_space<vmem_shared>>
      %dma_wait3A_749 = arith.constant 0 : i32
      %dma_wait3A_750 = tpu.memref_slice %arg13[%add3A_498, %dma_wait3A_749] : memref<10240x16xf32, #tpu.memory_space<vmem_shared>> -> memref<80x16xf32, #tpu.memory_space<vmem_shared>>
      %dma_wait3A_751 = arith.constant 0 : i32
      %dma_wait3A_752 = arith.constant 0 : i32
      %dma_wait3A_753 = tpu.memref_slice %arg11[%run_scoped3A_499, %dma_wait3A_751, %dma_wait3A_752] : memref<5x80x16xf32, #tpu.memory_space<vmem>> -> memref<1x80x16xf32, #tpu.memory_space<vmem>>
      %dma_wait3A_754 = tpu.memref_squeeze %dma_wait3A_753 : memref<1x80x16xf32, #tpu.memory_space<vmem>> -> memref<80x16xf32, #tpu.memory_space<vmem>>
      tpu.wait_dma2 semaphore(%run_scoped3A_730 : memref<!tpu.dma_semaphore, #tpu.memory_space<semaphore_mem>>) src(%dma_wait3A_754 : memref<80x16xf32, #tpu.memory_space<vmem>>) dst(%dma_wait3A_750 : memref<80x16xf32, #tpu.memory_space<vmem_shared>>)
      tpu.yield
    }) : () -> ()
    %add3A_500 = arith.constant 480 : i32
    %add3A_501 = arith.addi %mul3A_2, %add3A_500 : i32
    %run_scoped3A_502 = arith.constant 0 : i32
    "tpu.region"() ({
      %run_scoped3A_730 = tpu.sem_alloc : memref<!tpu.dma_semaphore, #tpu.memory_space<semaphore_mem>>
      %dma_start3A_731 = arith.constant 0 : i32
      %dma_start3A_732 = arith.constant 0 : i32
      %dma_start3A_733 = tpu.memref_slice %arg11[%run_scoped3A_502, %dma_start3A_731, %dma_start3A_732] : memref<5x80x16xf32, #tpu.memory_space<vmem>> -> memref<1x80x16xf32, #tpu.memory_space<vmem>>
      %dma_start3A_734 = tpu.memref_squeeze %dma_start3A_733 : memref<1x80x16xf32, #tpu.memory_space<vmem>> -> memref<80x16xf32, #tpu.memory_space<vmem>>
      %dma_start3A_735 = arith.constant 0 : i32
      %dma_start3A_736 = tpu.memref_slice %arg13[%add3A_501, %dma_start3A_735] : memref<10240x16xf32, #tpu.memory_space<vmem_shared>> -> memref<80x16xf32, #tpu.memory_space<vmem_shared>>
      %dma_start3A_737 = arith.constant 0 : i32
      %dma_start3A_738 = tpu.memref_slice %arg13[%add3A_501, %dma_start3A_737] : memref<10240x16xf32, #tpu.memory_space<vmem_shared>> -> memref<80x16xf32, #tpu.memory_space<vmem_shared>>
      %dma_start3A_739 = arith.constant 0 : i32
      %dma_start3A_740 = arith.constant 0 : i32
      %dma_start3A_741 = tpu.memref_slice %arg11[%run_scoped3A_502, %dma_start3A_739, %dma_start3A_740] : memref<5x80x16xf32, #tpu.memory_space<vmem>> -> memref<1x80x16xf32, #tpu.memory_space<vmem>>
      %dma_start3A_742 = tpu.memref_squeeze %dma_start3A_741 : memref<1x80x16xf32, #tpu.memory_space<vmem>> -> memref<80x16xf32, #tpu.memory_space<vmem>>
      tpu.enqueue_dma source(%dma_start3A_742 : memref<80x16xf32, #tpu.memory_space<vmem>>) target(%dma_start3A_738 : memref<80x16xf32, #tpu.memory_space<vmem_shared>>) target_semaphore(%run_scoped3A_730 : memref<!tpu.dma_semaphore, #tpu.memory_space<semaphore_mem>>)
      %dma_wait3A_743 = arith.constant 0 : i32
      %dma_wait3A_744 = arith.constant 0 : i32
      %dma_wait3A_745 = tpu.memref_slice %arg11[%run_scoped3A_502, %dma_wait3A_743, %dma_wait3A_744] : memref<5x80x16xf32, #tpu.memory_space<vmem>> -> memref<1x80x16xf32, #tpu.memory_space<vmem>>
      %dma_wait3A_746 = tpu.memref_squeeze %dma_wait3A_745 : memref<1x80x16xf32, #tpu.memory_space<vmem>> -> memref<80x16xf32, #tpu.memory_space<vmem>>
      %dma_wait3A_747 = arith.constant 0 : i32
      %dma_wait3A_748 = tpu.memref_slice %arg13[%add3A_501, %dma_wait3A_747] : memref<10240x16xf32, #tpu.memory_space<vmem_shared>> -> memref<80x16xf32, #tpu.memory_space<vmem_shared>>
      %dma_wait3A_749 = arith.constant 0 : i32
      %dma_wait3A_750 = tpu.memref_slice %arg13[%add3A_501, %dma_wait3A_749] : memref<10240x16xf32, #tpu.memory_space<vmem_shared>> -> memref<80x16xf32, #tpu.memory_space<vmem_shared>>
      %dma_wait3A_751 = arith.constant 0 : i32
      %dma_wait3A_752 = arith.constant 0 : i32
      %dma_wait3A_753 = tpu.memref_slice %arg11[%run_scoped3A_502, %dma_wait3A_751, %dma_wait3A_752] : memref<5x80x16xf32, #tpu.memory_space<vmem>> -> memref<1x80x16xf32, #tpu.memory_space<vmem>>
      %dma_wait3A_754 = tpu.memref_squeeze %dma_wait3A_753 : memref<1x80x16xf32, #tpu.memory_space<vmem>> -> memref<80x16xf32, #tpu.memory_space<vmem>>
      tpu.wait_dma2 semaphore(%run_scoped3A_730 : memref<!tpu.dma_semaphore, #tpu.memory_space<semaphore_mem>>) src(%dma_wait3A_754 : memref<80x16xf32, #tpu.memory_space<vmem>>) dst(%dma_wait3A_750 : memref<80x16xf32, #tpu.memory_space<vmem_shared>>)
      tpu.yield
    }) : () -> ()
    %add3A_503 = arith.constant 560 : i32
    %add3A_504 = arith.addi %mul3A_2, %add3A_503 : i32
    %run_scoped3A_505 = arith.constant 0 : i32
    "tpu.region"() ({
      %run_scoped3A_730 = tpu.sem_alloc : memref<!tpu.dma_semaphore, #tpu.memory_space<semaphore_mem>>
      %dma_start3A_731 = arith.constant 0 : i32
      %dma_start3A_732 = arith.constant 0 : i32
      %dma_start3A_733 = tpu.memref_slice %arg11[%run_scoped3A_505, %dma_start3A_731, %dma_start3A_732] : memref<5x80x16xf32, #tpu.memory_space<vmem>> -> memref<1x80x16xf32, #tpu.memory_space<vmem>>
      %dma_start3A_734 = tpu.memref_squeeze %dma_start3A_733 : memref<1x80x16xf32, #tpu.memory_space<vmem>> -> memref<80x16xf32, #tpu.memory_space<vmem>>
      %dma_start3A_735 = arith.constant 0 : i32
      %dma_start3A_736 = tpu.memref_slice %arg13[%add3A_504, %dma_start3A_735] : memref<10240x16xf32, #tpu.memory_space<vmem_shared>> -> memref<80x16xf32, #tpu.memory_space<vmem_shared>>
      %dma_start3A_737 = arith.constant 0 : i32
      %dma_start3A_738 = tpu.memref_slice %arg13[%add3A_504, %dma_start3A_737] : memref<10240x16xf32, #tpu.memory_space<vmem_shared>> -> memref<80x16xf32, #tpu.memory_space<vmem_shared>>
      %dma_start3A_739 = arith.constant 0 : i32
      %dma_start3A_740 = arith.constant 0 : i32
      %dma_start3A_741 = tpu.memref_slice %arg11[%run_scoped3A_505, %dma_start3A_739, %dma_start3A_740] : memref<5x80x16xf32, #tpu.memory_space<vmem>> -> memref<1x80x16xf32, #tpu.memory_space<vmem>>
      %dma_start3A_742 = tpu.memref_squeeze %dma_start3A_741 : memref<1x80x16xf32, #tpu.memory_space<vmem>> -> memref<80x16xf32, #tpu.memory_space<vmem>>
      tpu.enqueue_dma source(%dma_start3A_742 : memref<80x16xf32, #tpu.memory_space<vmem>>) target(%dma_start3A_738 : memref<80x16xf32, #tpu.memory_space<vmem_shared>>) target_semaphore(%run_scoped3A_730 : memref<!tpu.dma_semaphore, #tpu.memory_space<semaphore_mem>>)
      %dma_wait3A_743 = arith.constant 0 : i32
      %dma_wait3A_744 = arith.constant 0 : i32
      %dma_wait3A_745 = tpu.memref_slice %arg11[%run_scoped3A_505, %dma_wait3A_743, %dma_wait3A_744] : memref<5x80x16xf32, #tpu.memory_space<vmem>> -> memref<1x80x16xf32, #tpu.memory_space<vmem>>
      %dma_wait3A_746 = tpu.memref_squeeze %dma_wait3A_745 : memref<1x80x16xf32, #tpu.memory_space<vmem>> -> memref<80x16xf32, #tpu.memory_space<vmem>>
      %dma_wait3A_747 = arith.constant 0 : i32
      %dma_wait3A_748 = tpu.memref_slice %arg13[%add3A_504, %dma_wait3A_747] : memref<10240x16xf32, #tpu.memory_space<vmem_shared>> -> memref<80x16xf32, #tpu.memory_space<vmem_shared>>
      %dma_wait3A_749 = arith.constant 0 : i32
      %dma_wait3A_750 = tpu.memref_slice %arg13[%add3A_504, %dma_wait3A_749] : memref<10240x16xf32, #tpu.memory_space<vmem_shared>> -> memref<80x16xf32, #tpu.memory_space<vmem_shared>>
      %dma_wait3A_751 = arith.constant 0 : i32
      %dma_wait3A_752 = arith.constant 0 : i32
      %dma_wait3A_753 = tpu.memref_slice %arg11[%run_scoped3A_505, %dma_wait3A_751, %dma_wait3A_752] : memref<5x80x16xf32, #tpu.memory_space<vmem>> -> memref<1x80x16xf32, #tpu.memory_space<vmem>>
      %dma_wait3A_754 = tpu.memref_squeeze %dma_wait3A_753 : memref<1x80x16xf32, #tpu.memory_space<vmem>> -> memref<80x16xf32, #tpu.memory_space<vmem>>
      tpu.wait_dma2 semaphore(%run_scoped3A_730 : memref<!tpu.dma_semaphore, #tpu.memory_space<semaphore_mem>>) src(%dma_wait3A_754 : memref<80x16xf32, #tpu.memory_space<vmem>>) dst(%dma_wait3A_750 : memref<80x16xf32, #tpu.memory_space<vmem_shared>>)
      tpu.yield
    }) : () -> ()
    %mul3A_506 = arith.constant 10000 : i32
    %mul3A_507 = arith.muli %add3A, %mul3A_506 : i32
    %run_scoped3A_508 = arith.constant 0 : i32
    "tpu.region"() ({
      %run_scoped3A_730 = tpu.sem_alloc : memref<!tpu.dma_semaphore, #tpu.memory_space<semaphore_mem>>
      %dma_start3A_731 = arith.constant 0 : i32
      %dma_start3A_732 = tpu.memref_slice %arg2[%run_scoped3A_508, %dma_start3A_731] : memref<2x320000xi32, #tpu.memory_space<hbm>> -> memref<1x320000xi32, #tpu.memory_space<hbm>>
      %dma_start3A_733 = tpu.memref_squeeze %dma_start3A_732 : memref<1x320000xi32, #tpu.memory_space<hbm>> -> memref<320000xi32, #tpu.memory_space<hbm>>
      %dma_start3A_734 = tpu.memref_slice %dma_start3A_733[%mul3A_507] : memref<320000xi32, #tpu.memory_space<hbm>> -> memref<10000xi32, #tpu.memory_space<hbm>>
      %dma_start3A_735 = arith.constant 0 : i32
      %dma_start3A_736 = tpu.memref_slice %arg2[%run_scoped3A_508, %dma_start3A_735] : memref<2x320000xi32, #tpu.memory_space<hbm>> -> memref<1x320000xi32, #tpu.memory_space<hbm>>
      %dma_start3A_737 = tpu.memref_squeeze %dma_start3A_736 : memref<1x320000xi32, #tpu.memory_space<hbm>> -> memref<320000xi32, #tpu.memory_space<hbm>>
      %dma_start3A_738 = tpu.memref_slice %dma_start3A_737[%mul3A_507] : memref<320000xi32, #tpu.memory_space<hbm>> -> memref<10000xi32, #tpu.memory_space<hbm>>
      tpu.enqueue_dma source(%dma_start3A_738 : memref<10000xi32, #tpu.memory_space<hbm>>) target(%arg6 : memref<10000xi32, #tpu.memory_space<vmem>>) target_semaphore(%run_scoped3A_730 : memref<!tpu.dma_semaphore, #tpu.memory_space<semaphore_mem>>)
      %dma_wait3A_739 = arith.constant 0 : i32
      %dma_wait3A_740 = tpu.memref_slice %arg2[%run_scoped3A_508, %dma_wait3A_739] : memref<2x320000xi32, #tpu.memory_space<hbm>> -> memref<1x320000xi32, #tpu.memory_space<hbm>>
      %dma_wait3A_741 = tpu.memref_squeeze %dma_wait3A_740 : memref<1x320000xi32, #tpu.memory_space<hbm>> -> memref<320000xi32, #tpu.memory_space<hbm>>
      %dma_wait3A_742 = tpu.memref_slice %dma_wait3A_741[%mul3A_507] : memref<320000xi32, #tpu.memory_space<hbm>> -> memref<10000xi32, #tpu.memory_space<hbm>>
      %dma_wait3A_743 = arith.constant 0 : i32
      %dma_wait3A_744 = tpu.memref_slice %arg2[%run_scoped3A_508, %dma_wait3A_743] : memref<2x320000xi32, #tpu.memory_space<hbm>> -> memref<1x320000xi32, #tpu.memory_space<hbm>>
      %dma_wait3A_745 = tpu.memref_squeeze %dma_wait3A_744 : memref<1x320000xi32, #tpu.memory_space<hbm>> -> memref<320000xi32, #tpu.memory_space<hbm>>
      %dma_wait3A_746 = tpu.memref_slice %dma_wait3A_745[%mul3A_507] : memref<320000xi32, #tpu.memory_space<hbm>> -> memref<10000xi32, #tpu.memory_space<hbm>>
      tpu.wait_dma2 semaphore(%run_scoped3A_730 : memref<!tpu.dma_semaphore, #tpu.memory_space<semaphore_mem>>) src(%dma_wait3A_746 : memref<10000xi32, #tpu.memory_space<hbm>>) dst(%arg6 : memref<10000xi32, #tpu.memory_space<vmem>>)
      tpu.yield
    }) : () -> ()
    %mul3A_509 = arith.constant 10000 : i32
    %mul3A_510 = arith.muli %add3A, %mul3A_509 : i32
    %run_scoped3A_511 = arith.constant 1 : i32
    "tpu.region"() ({
      %run_scoped3A_730 = tpu.sem_alloc : memref<!tpu.dma_semaphore, #tpu.memory_space<semaphore_mem>>
      %dma_start3A_731 = arith.constant 0 : i32
      %dma_start3A_732 = tpu.memref_slice %arg2[%run_scoped3A_511, %dma_start3A_731] : memref<2x320000xi32, #tpu.memory_space<hbm>> -> memref<1x320000xi32, #tpu.memory_space<hbm>>
      %dma_start3A_733 = tpu.memref_squeeze %dma_start3A_732 : memref<1x320000xi32, #tpu.memory_space<hbm>> -> memref<320000xi32, #tpu.memory_space<hbm>>
      %dma_start3A_734 = tpu.memref_slice %dma_start3A_733[%mul3A_510] : memref<320000xi32, #tpu.memory_space<hbm>> -> memref<10000xi32, #tpu.memory_space<hbm>>
      %dma_start3A_735 = arith.constant 0 : i32
      %dma_start3A_736 = tpu.memref_slice %arg2[%run_scoped3A_511, %dma_start3A_735] : memref<2x320000xi32, #tpu.memory_space<hbm>> -> memref<1x320000xi32, #tpu.memory_space<hbm>>
      %dma_start3A_737 = tpu.memref_squeeze %dma_start3A_736 : memref<1x320000xi32, #tpu.memory_space<hbm>> -> memref<320000xi32, #tpu.memory_space<hbm>>
      %dma_start3A_738 = tpu.memref_slice %dma_start3A_737[%mul3A_510] : memref<320000xi32, #tpu.memory_space<hbm>> -> memref<10000xi32, #tpu.memory_space<hbm>>
      tpu.enqueue_dma source(%dma_start3A_738 : memref<10000xi32, #tpu.memory_space<hbm>>) target(%arg7 : memref<10000xi32, #tpu.memory_space<vmem>>) target_semaphore(%run_scoped3A_730 : memref<!tpu.dma_semaphore, #tpu.memory_space<semaphore_mem>>)
      %dma_wait3A_739 = arith.constant 0 : i32
      %dma_wait3A_740 = tpu.memref_slice %arg2[%run_scoped3A_511, %dma_wait3A_739] : memref<2x320000xi32, #tpu.memory_space<hbm>> -> memref<1x320000xi32, #tpu.memory_space<hbm>>
      %dma_wait3A_741 = tpu.memref_squeeze %dma_wait3A_740 : memref<1x320000xi32, #tpu.memory_space<hbm>> -> memref<320000xi32, #tpu.memory_space<hbm>>
      %dma_wait3A_742 = tpu.memref_slice %dma_wait3A_741[%mul3A_510] : memref<320000xi32, #tpu.memory_space<hbm>> -> memref<10000xi32, #tpu.memory_space<hbm>>
      %dma_wait3A_743 = arith.constant 0 : i32
      %dma_wait3A_744 = tpu.memref_slice %arg2[%run_scoped3A_511, %dma_wait3A_743] : memref<2x320000xi32, #tpu.memory_space<hbm>> -> memref<1x320000xi32, #tpu.memory_space<hbm>>
      %dma_wait3A_745 = tpu.memref_squeeze %dma_wait3A_744 : memref<1x320000xi32, #tpu.memory_space<hbm>> -> memref<320000xi32, #tpu.memory_space<hbm>>
      %dma_wait3A_746 = tpu.memref_slice %dma_wait3A_745[%mul3A_510] : memref<320000xi32, #tpu.memory_space<hbm>> -> memref<10000xi32, #tpu.memory_space<hbm>>
      tpu.wait_dma2 semaphore(%run_scoped3A_730 : memref<!tpu.dma_semaphore, #tpu.memory_space<semaphore_mem>>) src(%dma_wait3A_746 : memref<10000xi32, #tpu.memory_space<hbm>>) dst(%arg7 : memref<10000xi32, #tpu.memory_space<vmem>>)
      tpu.yield
    }) : () -> ()
    "tpu.region"() ({
      %run_scoped3A_730 = tpu.sem_alloc : memref<!tpu.dma_semaphore, #tpu.memory_space<semaphore_mem>>
      %dma_start3A_731 = arith.constant 0 : i32
      %dma_start3A_732 = tpu.memref_slice %arg3[%mul3A_2, %dma_start3A_731] : memref<10240x16xf32, #tpu.memory_space<hbm>> -> memref<640x16xf32, #tpu.memory_space<hbm>>
      %dma_start3A_733 = arith.constant 0 : i32
      %dma_start3A_734 = tpu.memref_slice %arg3[%mul3A_2, %dma_start3A_733] : memref<10240x16xf32, #tpu.memory_space<hbm>> -> memref<640x16xf32, #tpu.memory_space<hbm>>
      tpu.enqueue_dma source(%dma_start3A_734 : memref<640x16xf32, #tpu.memory_space<hbm>>) target(%arg10 : memref<640x16xf32, #tpu.memory_space<vmem>>) target_semaphore(%run_scoped3A_730 : memref<!tpu.dma_semaphore, #tpu.memory_space<semaphore_mem>>)
      %dma_wait3A_735 = arith.constant 0 : i32
      %dma_wait3A_736 = tpu.memref_slice %arg3[%mul3A_2, %dma_wait3A_735] : memref<10240x16xf32, #tpu.memory_space<hbm>> -> memref<640x16xf32, #tpu.memory_space<hbm>>
      %dma_wait3A_737 = arith.constant 0 : i32
      %dma_wait3A_738 = tpu.memref_slice %arg3[%mul3A_2, %dma_wait3A_737] : memref<10240x16xf32, #tpu.memory_space<hbm>> -> memref<640x16xf32, #tpu.memory_space<hbm>>
      tpu.wait_dma2 semaphore(%run_scoped3A_730 : memref<!tpu.dma_semaphore, #tpu.memory_space<semaphore_mem>>) src(%dma_wait3A_738 : memref<640x16xf32, #tpu.memory_space<hbm>>) dst(%arg10 : memref<640x16xf32, #tpu.memory_space<vmem>>)
      tpu.yield
    }) : () -> ()
    %run_scoped3A_512 = arith.constant 0 : i32
    "tpu.region"() ({
      %run_scoped3A_730 = tpu.sem_alloc : memref<!tpu.dma_semaphore, #tpu.memory_space<semaphore_mem>>
      %dma_start3A_731 = arith.constant 0 : i32
      %dma_start3A_732 = tpu.memref_slice %arg4[%run_scoped3A_512, %dma_start3A_731] : memref<2x10240xf32, #tpu.memory_space<hbm>> -> memref<1x10240xf32, #tpu.memory_space<hbm>>
      %dma_start3A_733 = tpu.memref_squeeze %dma_start3A_732 : memref<1x10240xf32, #tpu.memory_space<hbm>> -> memref<10240xf32, #tpu.memory_space<hbm>>
      %dma_start3A_734 = tpu.memref_slice %dma_start3A_733[%mul3A_2] : memref<10240xf32, #tpu.memory_space<hbm>> -> memref<640xf32, #tpu.memory_space<hbm>>
      %dma_start3A_735 = arith.constant 0 : i32
      %dma_start3A_736 = tpu.memref_slice %arg4[%run_scoped3A_512, %dma_start3A_735] : memref<2x10240xf32, #tpu.memory_space<hbm>> -> memref<1x10240xf32, #tpu.memory_space<hbm>>
      %dma_start3A_737 = tpu.memref_squeeze %dma_start3A_736 : memref<1x10240xf32, #tpu.memory_space<hbm>> -> memref<10240xf32, #tpu.memory_space<hbm>>
      %dma_start3A_738 = tpu.memref_slice %dma_start3A_737[%mul3A_2] : memref<10240xf32, #tpu.memory_space<hbm>> -> memref<640xf32, #tpu.memory_space<hbm>>
      tpu.enqueue_dma source(%dma_start3A_738 : memref<640xf32, #tpu.memory_space<hbm>>) target(%arg8 : memref<640xf32, #tpu.memory_space<vmem>>) target_semaphore(%run_scoped3A_730 : memref<!tpu.dma_semaphore, #tpu.memory_space<semaphore_mem>>)
      %dma_wait3A_739 = arith.constant 0 : i32
      %dma_wait3A_740 = tpu.memref_slice %arg4[%run_scoped3A_512, %dma_wait3A_739] : memref<2x10240xf32, #tpu.memory_space<hbm>> -> memref<1x10240xf32, #tpu.memory_space<hbm>>
      %dma_wait3A_741 = tpu.memref_squeeze %dma_wait3A_740 : memref<1x10240xf32, #tpu.memory_space<hbm>> -> memref<10240xf32, #tpu.memory_space<hbm>>
      %dma_wait3A_742 = tpu.memref_slice %dma_wait3A_741[%mul3A_2] : memref<10240xf32, #tpu.memory_space<hbm>> -> memref<640xf32, #tpu.memory_space<hbm>>
      %dma_wait3A_743 = arith.constant 0 : i32
      %dma_wait3A_744 = tpu.memref_slice %arg4[%run_scoped3A_512, %dma_wait3A_743] : memref<2x10240xf32, #tpu.memory_space<hbm>> -> memref<1x10240xf32, #tpu.memory_space<hbm>>
      %dma_wait3A_745 = tpu.memref_squeeze %dma_wait3A_744 : memref<1x10240xf32, #tpu.memory_space<hbm>> -> memref<10240xf32, #tpu.memory_space<hbm>>
      %dma_wait3A_746 = tpu.memref_slice %dma_wait3A_745[%mul3A_2] : memref<10240xf32, #tpu.memory_space<hbm>> -> memref<640xf32, #tpu.memory_space<hbm>>
      tpu.wait_dma2 semaphore(%run_scoped3A_730 : memref<!tpu.dma_semaphore, #tpu.memory_space<semaphore_mem>>) src(%dma_wait3A_746 : memref<640xf32, #tpu.memory_space<hbm>>) dst(%arg8 : memref<640xf32, #tpu.memory_space<vmem>>)
      tpu.yield
    }) : () -> ()
    %run_scoped3A_513 = arith.constant 1 : i32
    "tpu.region"() ({
      %run_scoped3A_730 = tpu.sem_alloc : memref<!tpu.dma_semaphore, #tpu.memory_space<semaphore_mem>>
      %dma_start3A_731 = arith.constant 0 : i32
      %dma_start3A_732 = tpu.memref_slice %arg4[%run_scoped3A_513, %dma_start3A_731] : memref<2x10240xf32, #tpu.memory_space<hbm>> -> memref<1x10240xf32, #tpu.memory_space<hbm>>
      %dma_start3A_733 = tpu.memref_squeeze %dma_start3A_732 : memref<1x10240xf32, #tpu.memory_space<hbm>> -> memref<10240xf32, #tpu.memory_space<hbm>>
      %dma_start3A_734 = tpu.memref_slice %dma_start3A_733[%mul3A_2] : memref<10240xf32, #tpu.memory_space<hbm>> -> memref<640xf32, #tpu.memory_space<hbm>>
      %dma_start3A_735 = arith.constant 0 : i32
      %dma_start3A_736 = tpu.memref_slice %arg4[%run_scoped3A_513, %dma_start3A_735] : memref<2x10240xf32, #tpu.memory_space<hbm>> -> memref<1x10240xf32, #tpu.memory_space<hbm>>
      %dma_start3A_737 = tpu.memref_squeeze %dma_start3A_736 : memref<1x10240xf32, #tpu.memory_space<hbm>> -> memref<10240xf32, #tpu.memory_space<hbm>>
      %dma_start3A_738 = tpu.memref_slice %dma_start3A_737[%mul3A_2] : memref<10240xf32, #tpu.memory_space<hbm>> -> memref<640xf32, #tpu.memory_space<hbm>>
      tpu.enqueue_dma source(%dma_start3A_738 : memref<640xf32, #tpu.memory_space<hbm>>) target(%arg9 : memref<640xf32, #tpu.memory_space<vmem>>) target_semaphore(%run_scoped3A_730 : memref<!tpu.dma_semaphore, #tpu.memory_space<semaphore_mem>>)
      %dma_wait3A_739 = arith.constant 0 : i32
      %dma_wait3A_740 = tpu.memref_slice %arg4[%run_scoped3A_513, %dma_wait3A_739] : memref<2x10240xf32, #tpu.memory_space<hbm>> -> memref<1x10240xf32, #tpu.memory_space<hbm>>
      %dma_wait3A_741 = tpu.memref_squeeze %dma_wait3A_740 : memref<1x10240xf32, #tpu.memory_space<hbm>> -> memref<10240xf32, #tpu.memory_space<hbm>>
      %dma_wait3A_742 = tpu.memref_slice %dma_wait3A_741[%mul3A_2] : memref<10240xf32, #tpu.memory_space<hbm>> -> memref<640xf32, #tpu.memory_space<hbm>>
      %dma_wait3A_743 = arith.constant 0 : i32
      %dma_wait3A_744 = tpu.memref_slice %arg4[%run_scoped3A_513, %dma_wait3A_743] : memref<2x10240xf32, #tpu.memory_space<hbm>> -> memref<1x10240xf32, #tpu.memory_space<hbm>>
      %dma_wait3A_745 = tpu.memref_squeeze %dma_wait3A_744 : memref<1x10240xf32, #tpu.memory_space<hbm>> -> memref<10240xf32, #tpu.memory_space<hbm>>
      %dma_wait3A_746 = tpu.memref_slice %dma_wait3A_745[%mul3A_2] : memref<10240xf32, #tpu.memory_space<hbm>> -> memref<640xf32, #tpu.memory_space<hbm>>
      tpu.wait_dma2 semaphore(%run_scoped3A_730 : memref<!tpu.dma_semaphore, #tpu.memory_space<semaphore_mem>>) src(%dma_wait3A_746 : memref<640xf32, #tpu.memory_space<hbm>>) dst(%arg9 : memref<640xf32, #tpu.memory_space<vmem>>)
      tpu.yield
    }) : () -> ()
    %scan3A = arith.constant 0 : i32
    %scan3A_514 = arith.constant 0 : i32
    %scan3A_515 = arith.constant 40 : i32
    %scan3A_516 = arith.addi %scan3A_514, %scan3A_515 : i32
    %scan3A_517 = arith.constant 1 : i32
    scf.for %scan3A_730 = %scan3A_514 to %scan3A_516 step %scan3A_517  : i32 {
      %mul3A_731 = arith.constant 16 : i32
      %mul3A_732 = arith.muli %scan3A_730, %mul3A_731 : i32
      %get3A = arith.index_cast %mul3A_732 : i32 to index
      %get3A_733 = tpu.vector_load %arg8[%get3A] {strides = array<i32>} : memref<640xf32, #tpu.memory_space<vmem>>, vector<16xf32>,
      %mul3A_734 = arith.constant 16 : i32
      %mul3A_735 = arith.muli %scan3A_730, %mul3A_734 : i32
      %get3A_736 = arith.index_cast %mul3A_735 : i32 to index
      %get3A_737 = tpu.vector_load %arg9[%get3A_736] {strides = array<i32>} : memref<640xf32, #tpu.memory_space<vmem>>, vector<16xf32>,
      %add3A_738 = arith.addf %get3A_733, %get3A_737 : vector<16xf32>
      %add3A_739 = arith.constant 1.000000e+00 : f32
      %add3A_740 = vector.broadcast %add3A_739 : f32 to vector<16xf32>
      %add3A_741 = arith.addf %add3A_738, %add3A_740 : vector<16xf32>
      %bitcast3A = vector.bitcast %add3A_741 : vector<16xf32> to vector<16xi32>
      %shift_right_logical3A = arith.constant 1 : i32
      %shift_right_logical3A_742 = vector.broadcast %shift_right_logical3A : i32 to vector<16xi32>
      %shift_right_logical3A_743 = arith.shrui %bitcast3A, %shift_right_logical3A_742 : vector<16xi32>
      %sub3A = arith.constant 1597463007 : i32
      %sub3A_744 = vector.broadcast %sub3A : i32 to vector<16xi32>
      %sub3A_745 = arith.subi %sub3A_744, %shift_right_logical3A_743 : vector<16xi32>
      %bitcast3A_746 = vector.bitcast %sub3A_745 : vector<16xi32> to vector<16xf32>
      %mul3A_747 = arith.constant 5.000000e-01 : f32
      %mul3A_748 = vector.broadcast %mul3A_747 : f32 to vector<16xf32>
      %mul3A_749 = arith.mulf %mul3A_748, %add3A_741 : vector<16xf32>
      %mul3A_750 = arith.mulf %mul3A_749, %bitcast3A_746 : vector<16xf32>
      %mul3A_751 = arith.mulf %mul3A_750, %bitcast3A_746 : vector<16xf32>
      %sub3A_752 = arith.constant 1.500000e+00 : f32
      %sub3A_753 = vector.broadcast %sub3A_752 : f32 to vector<16xf32>
      %sub3A_754 = arith.subf %sub3A_753, %mul3A_751 : vector<16xf32>
      %mul3A_755 = arith.mulf %bitcast3A_746, %sub3A_754 : vector<16xf32>
      %mul3A_756 = arith.constant 5.000000e-01 : f32
      %mul3A_757 = vector.broadcast %mul3A_756 : f32 to vector<16xf32>
      %mul3A_758 = arith.mulf %mul3A_757, %add3A_741 : vector<16xf32>
      %mul3A_759 = arith.mulf %mul3A_758, %mul3A_755 : vector<16xf32>
      %mul3A_760 = arith.mulf %mul3A_759, %mul3A_755 : vector<16xf32>
      %sub3A_761 = arith.constant 1.500000e+00 : f32
      %sub3A_762 = vector.broadcast %sub3A_761 : f32 to vector<16xf32>
      %sub3A_763 = arith.subf %sub3A_762, %mul3A_760 : vector<16xf32>
      %mul3A_764 = arith.mulf %mul3A_755, %sub3A_763 : vector<16xf32>
      %mul3A_765 = arith.constant 5.000000e-01 : f32
      %mul3A_766 = vector.broadcast %mul3A_765 : f32 to vector<16xf32>
      %mul3A_767 = arith.mulf %mul3A_766, %add3A_741 : vector<16xf32>
      %mul3A_768 = arith.mulf %mul3A_767, %mul3A_764 : vector<16xf32>
      %mul3A_769 = arith.mulf %mul3A_768, %mul3A_764 : vector<16xf32>
      %sub3A_770 = arith.constant 1.500000e+00 : f32
      %sub3A_771 = vector.broadcast %sub3A_770 : f32 to vector<16xf32>
      %sub3A_772 = arith.subf %sub3A_771, %mul3A_769 : vector<16xf32>
      %mul3A_773 = arith.mulf %mul3A_764, %sub3A_772 : vector<16xf32>
      %mul3A_774 = arith.constant 16 : i32
      %mul3A_775 = arith.muli %scan3A_730, %mul3A_774 : i32
      %swap3A_776 = arith.index_cast %mul3A_775 : i32 to index
      %swap3A_777 = tpu.vector_load %arg9[%swap3A_776] {strides = array<i32>} : memref<640xf32, #tpu.memory_space<vmem>>, vector<16xf32>,
      tpu.vector_store %arg9[%swap3A_776], %mul3A_773 {strides = array<i32>} : memref<640xf32, #tpu.memory_space<vmem>>, vector<16xf32>,
    }
    %scan3A_518 = arith.constant 40 : i32
    %scan3A_519 = arith.constant 0 : i32
    %scan3A_520 = arith.constant 0 : i32
    %scan3A_521 = arith.constant 40 : i32
    %scan3A_522 = arith.addi %scan3A_520, %scan3A_521 : i32
    %scan3A_523 = arith.constant 1 : i32
    scf.for %scan3A_730 = %scan3A_520 to %scan3A_522 step %scan3A_523  : i32 {
      %mul3A_731 = arith.constant 16 : i32
      %mul3A_732 = arith.muli %scan3A_730, %mul3A_731 : i32
      %get3A = arith.index_cast %mul3A_732 : i32 to index
      %get3A_733 = tpu.vector_load %arg9[%get3A] {strides = array<i32>} : memref<640xf32, #tpu.memory_space<vmem>>, vector<16xf32>,
      %mul3A_734 = arith.constant 16 : i32
      %mul3A_735 = arith.muli %scan3A_730, %mul3A_734 : i32
      %add3A_736 = arith.constant 0 : i32
      %add3A_737 = arith.addi %mul3A_735, %add3A_736 : i32
      %get3A_738 = arith.index_cast %add3A_737 : i32 to index
      %get3A_739 = arith.constant 0 : index
      %get3A_740 = tpu.vector_load %arg10[%get3A_738, %get3A_739] {strides = array<i32>} : memref<640x16xf32, #tpu.memory_space<vmem>>, vector<16xf32>,
      %slice3A = vector.extract_strided_slice %get3A_733 {offsets = [0], sizes = [1], strides = [1]} : vector<16xf32> to vector<1xf32>
      %squeeze3A = vector.extract %slice3A[0] : f32 from vector<1xf32>
      %mul3A_741 = vector.broadcast %squeeze3A : f32 to vector<16xf32>
      %mul3A_742 = arith.mulf %get3A_740, %mul3A_741 : vector<16xf32>
      %swap3A_743 = arith.index_cast %add3A_737 : i32 to index
      %swap3A_744 = arith.constant 0 : index
      %swap3A_745 = tpu.vector_load %arg10[%swap3A_743, %swap3A_744] {strides = array<i32>} : memref<640x16xf32, #tpu.memory_space<vmem>>, vector<16xf32>,
      tpu.vector_store %arg10[%swap3A_743, %swap3A_744], %mul3A_742 {strides = array<i32>} : memref<640x16xf32, #tpu.memory_space<vmem>>, vector<16xf32>,
      %mul3A_746 = arith.constant 16 : i32
      %mul3A_747 = arith.muli %scan3A_730, %mul3A_746 : i32
      %add3A_748 = arith.constant 1 : i32
      %add3A_749 = arith.addi %mul3A_747, %add3A_748 : i32
      %get3A_750 = arith.index_cast %add3A_749 : i32 to index
      %get3A_751 = arith.constant 0 : index
      %get3A_752 = tpu.vector_load %arg10[%get3A_750, %get3A_751] {strides = array<i32>} : memref<640x16xf32, #tpu.memory_space<vmem>>, vector<16xf32>,
      %slice3A_753 = vector.extract_strided_slice %get3A_733 {offsets = [1], sizes = [1], strides = [1]} : vector<16xf32> to vector<1xf32>
      %squeeze3A_754 = vector.extract %slice3A_753[0] : f32 from vector<1xf32>
      %mul3A_755 = vector.broadcast %squeeze3A_754 : f32 to vector<16xf32>
      %mul3A_756 = arith.mulf %get3A_752, %mul3A_755 : vector<16xf32>
      %swap3A_757 = arith.index_cast %add3A_749 : i32 to index
      %swap3A_758 = arith.constant 0 : index
      %swap3A_759 = tpu.vector_load %arg10[%swap3A_757, %swap3A_758] {strides = array<i32>} : memref<640x16xf32, #tpu.memory_space<vmem>>, vector<16xf32>,
      tpu.vector_store %arg10[%swap3A_757, %swap3A_758], %mul3A_756 {strides = array<i32>} : memref<640x16xf32, #tpu.memory_space<vmem>>, vector<16xf32>,
      %mul3A_760 = arith.constant 16 : i32
      %mul3A_761 = arith.muli %scan3A_730, %mul3A_760 : i32
      %add3A_762 = arith.constant 2 : i32
      %add3A_763 = arith.addi %mul3A_761, %add3A_762 : i32
      %get3A_764 = arith.index_cast %add3A_763 : i32 to index
      %get3A_765 = arith.constant 0 : index
      %get3A_766 = tpu.vector_load %arg10[%get3A_764, %get3A_765] {strides = array<i32>} : memref<640x16xf32, #tpu.memory_space<vmem>>, vector<16xf32>,
      %slice3A_767 = vector.extract_strided_slice %get3A_733 {offsets = [2], sizes = [1], strides = [1]} : vector<16xf32> to vector<1xf32>
      %squeeze3A_768 = vector.extract %slice3A_767[0] : f32 from vector<1xf32>
      %mul3A_769 = vector.broadcast %squeeze3A_768 : f32 to vector<16xf32>
      %mul3A_770 = arith.mulf %get3A_766, %mul3A_769 : vector<16xf32>
      %swap3A_771 = arith.index_cast %add3A_763 : i32 to index
      %swap3A_772 = arith.constant 0 : index
      %swap3A_773 = tpu.vector_load %arg10[%swap3A_771, %swap3A_772] {strides = array<i32>} : memref<640x16xf32, #tpu.memory_space<vmem>>, vector<16xf32>,
      tpu.vector_store %arg10[%swap3A_771, %swap3A_772], %mul3A_770 {strides = array<i32>} : memref<640x16xf32, #tpu.memory_space<vmem>>, vector<16xf32>,
      %mul3A_774 = arith.constant 16 : i32
      %mul3A_775 = arith.muli %scan3A_730, %mul3A_774 : i32
      %add3A_776 = arith.constant 3 : i32
      %add3A_777 = arith.addi %mul3A_775, %add3A_776 : i32
      %get3A_778 = arith.index_cast %add3A_777 : i32 to index
      %get3A_779 = arith.constant 0 : index
      %get3A_780 = tpu.vector_load %arg10[%get3A_778, %get3A_779] {strides = array<i32>} : memref<640x16xf32, #tpu.memory_space<vmem>>, vector<16xf32>,
      %slice3A_781 = vector.extract_strided_slice %get3A_733 {offsets = [3], sizes = [1], strides = [1]} : vector<16xf32> to vector<1xf32>
      %squeeze3A_782 = vector.extract %slice3A_781[0] : f32 from vector<1xf32>
      %mul3A_783 = vector.broadcast %squeeze3A_782 : f32 to vector<16xf32>
      %mul3A_784 = arith.mulf %get3A_780, %mul3A_783 : vector<16xf32>
      %swap3A_785 = arith.index_cast %add3A_777 : i32 to index
      %swap3A_786 = arith.constant 0 : index
      %swap3A_787 = tpu.vector_load %arg10[%swap3A_785, %swap3A_786] {strides = array<i32>} : memref<640x16xf32, #tpu.memory_space<vmem>>, vector<16xf32>,
      tpu.vector_store %arg10[%swap3A_785, %swap3A_786], %mul3A_784 {strides = array<i32>} : memref<640x16xf32, #tpu.memory_space<vmem>>, vector<16xf32>,
      %mul3A_788 = arith.constant 16 : i32
      %mul3A_789 = arith.muli %scan3A_730, %mul3A_788 : i32
      %add3A_790 = arith.constant 4 : i32
      %add3A_791 = arith.addi %mul3A_789, %add3A_790 : i32
      %get3A_792 = arith.index_cast %add3A_791 : i32 to index
      %get3A_793 = arith.constant 0 : index
      %get3A_794 = tpu.vector_load %arg10[%get3A_792, %get3A_793] {strides = array<i32>} : memref<640x16xf32, #tpu.memory_space<vmem>>, vector<16xf32>,
      %slice3A_795 = vector.extract_strided_slice %get3A_733 {offsets = [4], sizes = [1], strides = [1]} : vector<16xf32> to vector<1xf32>
      %squeeze3A_796 = vector.extract %slice3A_795[0] : f32 from vector<1xf32>
      %mul3A_797 = vector.broadcast %squeeze3A_796 : f32 to vector<16xf32>
      %mul3A_798 = arith.mulf %get3A_794, %mul3A_797 : vector<16xf32>
      %swap3A_799 = arith.index_cast %add3A_791 : i32 to index
      %swap3A_800 = arith.constant 0 : index
      %swap3A_801 = tpu.vector_load %arg10[%swap3A_799, %swap3A_800] {strides = array<i32>} : memref<640x16xf32, #tpu.memory_space<vmem>>, vector<16xf32>,
      tpu.vector_store %arg10[%swap3A_799, %swap3A_800], %mul3A_798 {strides = array<i32>} : memref<640x16xf32, #tpu.memory_space<vmem>>, vector<16xf32>,
      %mul3A_802 = arith.constant 16 : i32
      %mul3A_803 = arith.muli %scan3A_730, %mul3A_802 : i32
      %add3A_804 = arith.constant 5 : i32
      %add3A_805 = arith.addi %mul3A_803, %add3A_804 : i32
      %get3A_806 = arith.index_cast %add3A_805 : i32 to index
      %get3A_807 = arith.constant 0 : index
      %get3A_808 = tpu.vector_load %arg10[%get3A_806, %get3A_807] {strides = array<i32>} : memref<640x16xf32, #tpu.memory_space<vmem>>, vector<16xf32>,
      %slice3A_809 = vector.extract_strided_slice %get3A_733 {offsets = [5], sizes = [1], strides = [1]} : vector<16xf32> to vector<1xf32>
      %squeeze3A_810 = vector.extract %slice3A_809[0] : f32 from vector<1xf32>
      %mul3A_811 = vector.broadcast %squeeze3A_810 : f32 to vector<16xf32>
      %mul3A_812 = arith.mulf %get3A_808, %mul3A_811 : vector<16xf32>
      %swap3A_813 = arith.index_cast %add3A_805 : i32 to index
      %swap3A_814 = arith.constant 0 : index
      %swap3A_815 = tpu.vector_load %arg10[%swap3A_813, %swap3A_814] {strides = array<i32>} : memref<640x16xf32, #tpu.memory_space<vmem>>, vector<16xf32>,
      tpu.vector_store %arg10[%swap3A_813, %swap3A_814], %mul3A_812 {strides = array<i32>} : memref<640x16xf32, #tpu.memory_space<vmem>>, vector<16xf32>,
      %mul3A_816 = arith.constant 16 : i32
      %mul3A_817 = arith.muli %scan3A_730, %mul3A_816 : i32
      %add3A_818 = arith.constant 6 : i32
      %add3A_819 = arith.addi %mul3A_817, %add3A_818 : i32
      %get3A_820 = arith.index_cast %add3A_819 : i32 to index
      %get3A_821 = arith.constant 0 : index
      %get3A_822 = tpu.vector_load %arg10[%get3A_820, %get3A_821] {strides = array<i32>} : memref<640x16xf32, #tpu.memory_space<vmem>>, vector<16xf32>,
      %slice3A_823 = vector.extract_strided_slice %get3A_733 {offsets = [6], sizes = [1], strides = [1]} : vector<16xf32> to vector<1xf32>
      %squeeze3A_824 = vector.extract %slice3A_823[0] : f32 from vector<1xf32>
      %mul3A_825 = vector.broadcast %squeeze3A_824 : f32 to vector<16xf32>
      %mul3A_826 = arith.mulf %get3A_822, %mul3A_825 : vector<16xf32>
      %swap3A_827 = arith.index_cast %add3A_819 : i32 to index
      %swap3A_828 = arith.constant 0 : index
      %swap3A_829 = tpu.vector_load %arg10[%swap3A_827, %swap3A_828] {strides = array<i32>} : memref<640x16xf32, #tpu.memory_space<vmem>>, vector<16xf32>,
      tpu.vector_store %arg10[%swap3A_827, %swap3A_828], %mul3A_826 {strides = array<i32>} : memref<640x16xf32, #tpu.memory_space<vmem>>, vector<16xf32>,
      %mul3A_830 = arith.constant 16 : i32
      %mul3A_831 = arith.muli %scan3A_730, %mul3A_830 : i32
      %add3A_832 = arith.constant 7 : i32
      %add3A_833 = arith.addi %mul3A_831, %add3A_832 : i32
      %get3A_834 = arith.index_cast %add3A_833 : i32 to index
      %get3A_835 = arith.constant 0 : index
      %get3A_836 = tpu.vector_load %arg10[%get3A_834, %get3A_835] {strides = array<i32>} : memref<640x16xf32, #tpu.memory_space<vmem>>, vector<16xf32>,
      %slice3A_837 = vector.extract_strided_slice %get3A_733 {offsets = [7], sizes = [1], strides = [1]} : vector<16xf32> to vector<1xf32>
      %squeeze3A_838 = vector.extract %slice3A_837[0] : f32 from vector<1xf32>
      %mul3A_839 = vector.broadcast %squeeze3A_838 : f32 to vector<16xf32>
      %mul3A_840 = arith.mulf %get3A_836, %mul3A_839 : vector<16xf32>
      %swap3A_841 = arith.index_cast %add3A_833 : i32 to index
      %swap3A_842 = arith.constant 0 : index
      %swap3A_843 = tpu.vector_load %arg10[%swap3A_841, %swap3A_842] {strides = array<i32>} : memref<640x16xf32, #tpu.memory_space<vmem>>, vector<16xf32>,
      tpu.vector_store %arg10[%swap3A_841, %swap3A_842], %mul3A_840 {strides = array<i32>} : memref<640x16xf32, #tpu.memory_space<vmem>>, vector<16xf32>,
      %mul3A_844 = arith.constant 16 : i32
      %mul3A_845 = arith.muli %scan3A_730, %mul3A_844 : i32
      %add3A_846 = arith.constant 8 : i32
      %add3A_847 = arith.addi %mul3A_845, %add3A_846 : i32
      %get3A_848 = arith.index_cast %add3A_847 : i32 to index
      %get3A_849 = arith.constant 0 : index
      %get3A_850 = tpu.vector_load %arg10[%get3A_848, %get3A_849] {strides = array<i32>} : memref<640x16xf32, #tpu.memory_space<vmem>>, vector<16xf32>,
      %slice3A_851 = vector.extract_strided_slice %get3A_733 {offsets = [8], sizes = [1], strides = [1]} : vector<16xf32> to vector<1xf32>
      %squeeze3A_852 = vector.extract %slice3A_851[0] : f32 from vector<1xf32>
      %mul3A_853 = vector.broadcast %squeeze3A_852 : f32 to vector<16xf32>
      %mul3A_854 = arith.mulf %get3A_850, %mul3A_853 : vector<16xf32>
      %swap3A_855 = arith.index_cast %add3A_847 : i32 to index
      %swap3A_856 = arith.constant 0 : index
      %swap3A_857 = tpu.vector_load %arg10[%swap3A_855, %swap3A_856] {strides = array<i32>} : memref<640x16xf32, #tpu.memory_space<vmem>>, vector<16xf32>,
      tpu.vector_store %arg10[%swap3A_855, %swap3A_856], %mul3A_854 {strides = array<i32>} : memref<640x16xf32, #tpu.memory_space<vmem>>, vector<16xf32>,
      %mul3A_858 = arith.constant 16 : i32
      %mul3A_859 = arith.muli %scan3A_730, %mul3A_858 : i32
      %add3A_860 = arith.constant 9 : i32
      %add3A_861 = arith.addi %mul3A_859, %add3A_860 : i32
      %get3A_862 = arith.index_cast %add3A_861 : i32 to index
      %get3A_863 = arith.constant 0 : index
      %get3A_864 = tpu.vector_load %arg10[%get3A_862, %get3A_863] {strides = array<i32>} : memref<640x16xf32, #tpu.memory_space<vmem>>, vector<16xf32>,
      %slice3A_865 = vector.extract_strided_slice %get3A_733 {offsets = [9], sizes = [1], strides = [1]} : vector<16xf32> to vector<1xf32>
      %squeeze3A_866 = vector.extract %slice3A_865[0] : f32 from vector<1xf32>
      %mul3A_867 = vector.broadcast %squeeze3A_866 : f32 to vector<16xf32>
      %mul3A_868 = arith.mulf %get3A_864, %mul3A_867 : vector<16xf32>
      %swap3A_869 = arith.index_cast %add3A_861 : i32 to index
      %swap3A_870 = arith.constant 0 : index
      %swap3A_871 = tpu.vector_load %arg10[%swap3A_869, %swap3A_870] {strides = array<i32>} : memref<640x16xf32, #tpu.memory_space<vmem>>, vector<16xf32>,
      tpu.vector_store %arg10[%swap3A_869, %swap3A_870], %mul3A_868 {strides = array<i32>} : memref<640x16xf32, #tpu.memory_space<vmem>>, vector<16xf32>,
      %mul3A_872 = arith.constant 16 : i32
      %mul3A_873 = arith.muli %scan3A_730, %mul3A_872 : i32
      %add3A_874 = arith.constant 10 : i32
      %add3A_875 = arith.addi %mul3A_873, %add3A_874 : i32
      %get3A_876 = arith.index_cast %add3A_875 : i32 to index
      %get3A_877 = arith.constant 0 : index
      %get3A_878 = tpu.vector_load %arg10[%get3A_876, %get3A_877] {strides = array<i32>} : memref<640x16xf32, #tpu.memory_space<vmem>>, vector<16xf32>,
      %slice3A_879 = vector.extract_strided_slice %get3A_733 {offsets = [10], sizes = [1], strides = [1]} : vector<16xf32> to vector<1xf32>
      %squeeze3A_880 = vector.extract %slice3A_879[0] : f32 from vector<1xf32>
      %mul3A_881 = vector.broadcast %squeeze3A_880 : f32 to vector<16xf32>
      %mul3A_882 = arith.mulf %get3A_878, %mul3A_881 : vector<16xf32>
      %swap3A_883 = arith.index_cast %add3A_875 : i32 to index
      %swap3A_884 = arith.constant 0 : index
      %swap3A_885 = tpu.vector_load %arg10[%swap3A_883, %swap3A_884] {strides = array<i32>} : memref<640x16xf32, #tpu.memory_space<vmem>>, vector<16xf32>,
      tpu.vector_store %arg10[%swap3A_883, %swap3A_884], %mul3A_882 {strides = array<i32>} : memref<640x16xf32, #tpu.memory_space<vmem>>, vector<16xf32>,
      %mul3A_886 = arith.constant 16 : i32
      %mul3A_887 = arith.muli %scan3A_730, %mul3A_886 : i32
      %add3A_888 = arith.constant 11 : i32
      %add3A_889 = arith.addi %mul3A_887, %add3A_888 : i32
      %get3A_890 = arith.index_cast %add3A_889 : i32 to index
      %get3A_891 = arith.constant 0 : index
      %get3A_892 = tpu.vector_load %arg10[%get3A_890, %get3A_891] {strides = array<i32>} : memref<640x16xf32, #tpu.memory_space<vmem>>, vector<16xf32>,
      %slice3A_893 = vector.extract_strided_slice %get3A_733 {offsets = [11], sizes = [1], strides = [1]} : vector<16xf32> to vector<1xf32>
      %squeeze3A_894 = vector.extract %slice3A_893[0] : f32 from vector<1xf32>
      %mul3A_895 = vector.broadcast %squeeze3A_894 : f32 to vector<16xf32>
      %mul3A_896 = arith.mulf %get3A_892, %mul3A_895 : vector<16xf32>
      %swap3A_897 = arith.index_cast %add3A_889 : i32 to index
      %swap3A_898 = arith.constant 0 : index
      %swap3A_899 = tpu.vector_load %arg10[%swap3A_897, %swap3A_898] {strides = array<i32>} : memref<640x16xf32, #tpu.memory_space<vmem>>, vector<16xf32>,
      tpu.vector_store %arg10[%swap3A_897, %swap3A_898], %mul3A_896 {strides = array<i32>} : memref<640x16xf32, #tpu.memory_space<vmem>>, vector<16xf32>,
      %mul3A_900 = arith.constant 16 : i32
      %mul3A_901 = arith.muli %scan3A_730, %mul3A_900 : i32
      %add3A_902 = arith.constant 12 : i32
      %add3A_903 = arith.addi %mul3A_901, %add3A_902 : i32
      %get3A_904 = arith.index_cast %add3A_903 : i32 to index
      %get3A_905 = arith.constant 0 : index
      %get3A_906 = tpu.vector_load %arg10[%get3A_904, %get3A_905] {strides = array<i32>} : memref<640x16xf32, #tpu.memory_space<vmem>>, vector<16xf32>,
      %slice3A_907 = vector.extract_strided_slice %get3A_733 {offsets = [12], sizes = [1], strides = [1]} : vector<16xf32> to vector<1xf32>
      %squeeze3A_908 = vector.extract %slice3A_907[0] : f32 from vector<1xf32>
      %mul3A_909 = vector.broadcast %squeeze3A_908 : f32 to vector<16xf32>
      %mul3A_910 = arith.mulf %get3A_906, %mul3A_909 : vector<16xf32>
      %swap3A_911 = arith.index_cast %add3A_903 : i32 to index
      %swap3A_912 = arith.constant 0 : index
      %swap3A_913 = tpu.vector_load %arg10[%swap3A_911, %swap3A_912] {strides = array<i32>} : memref<640x16xf32, #tpu.memory_space<vmem>>, vector<16xf32>,
      tpu.vector_store %arg10[%swap3A_911, %swap3A_912], %mul3A_910 {strides = array<i32>} : memref<640x16xf32, #tpu.memory_space<vmem>>, vector<16xf32>,
      %mul3A_914 = arith.constant 16 : i32
      %mul3A_915 = arith.muli %scan3A_730, %mul3A_914 : i32
      %add3A_916 = arith.constant 13 : i32
      %add3A_917 = arith.addi %mul3A_915, %add3A_916 : i32
      %get3A_918 = arith.index_cast %add3A_917 : i32 to index
      %get3A_919 = arith.constant 0 : index
      %get3A_920 = tpu.vector_load %arg10[%get3A_918, %get3A_919] {strides = array<i32>} : memref<640x16xf32, #tpu.memory_space<vmem>>, vector<16xf32>,
      %slice3A_921 = vector.extract_strided_slice %get3A_733 {offsets = [13], sizes = [1], strides = [1]} : vector<16xf32> to vector<1xf32>
      %squeeze3A_922 = vector.extract %slice3A_921[0] : f32 from vector<1xf32>
      %mul3A_923 = vector.broadcast %squeeze3A_922 : f32 to vector<16xf32>
      %mul3A_924 = arith.mulf %get3A_920, %mul3A_923 : vector<16xf32>
      %swap3A_925 = arith.index_cast %add3A_917 : i32 to index
      %swap3A_926 = arith.constant 0 : index
      %swap3A_927 = tpu.vector_load %arg10[%swap3A_925, %swap3A_926] {strides = array<i32>} : memref<640x16xf32, #tpu.memory_space<vmem>>, vector<16xf32>,
      tpu.vector_store %arg10[%swap3A_925, %swap3A_926], %mul3A_924 {strides = array<i32>} : memref<640x16xf32, #tpu.memory_space<vmem>>, vector<16xf32>,
      %mul3A_928 = arith.constant 16 : i32
      %mul3A_929 = arith.muli %scan3A_730, %mul3A_928 : i32
      %add3A_930 = arith.constant 14 : i32
      %add3A_931 = arith.addi %mul3A_929, %add3A_930 : i32
      %get3A_932 = arith.index_cast %add3A_931 : i32 to index
      %get3A_933 = arith.constant 0 : index
      %get3A_934 = tpu.vector_load %arg10[%get3A_932, %get3A_933] {strides = array<i32>} : memref<640x16xf32, #tpu.memory_space<vmem>>, vector<16xf32>,
      %slice3A_935 = vector.extract_strided_slice %get3A_733 {offsets = [14], sizes = [1], strides = [1]} : vector<16xf32> to vector<1xf32>
      %squeeze3A_936 = vector.extract %slice3A_935[0] : f32 from vector<1xf32>
      %mul3A_937 = vector.broadcast %squeeze3A_936 : f32 to vector<16xf32>
      %mul3A_938 = arith.mulf %get3A_934, %mul3A_937 : vector<16xf32>
      %swap3A_939 = arith.index_cast %add3A_931 : i32 to index
      %swap3A_940 = arith.constant 0 : index
      %swap3A_941 = tpu.vector_load %arg10[%swap3A_939, %swap3A_940] {strides = array<i32>} : memref<640x16xf32, #tpu.memory_space<vmem>>, vector<16xf32>,
      tpu.vector_store %arg10[%swap3A_939, %swap3A_940], %mul3A_938 {strides = array<i32>} : memref<640x16xf32, #tpu.memory_space<vmem>>, vector<16xf32>,
      %mul3A_942 = arith.constant 16 : i32
      %mul3A_943 = arith.muli %scan3A_730, %mul3A_942 : i32
      %add3A_944 = arith.constant 15 : i32
      %add3A_945 = arith.addi %mul3A_943, %add3A_944 : i32
      %get3A_946 = arith.index_cast %add3A_945 : i32 to index
      %get3A_947 = arith.constant 0 : index
      %get3A_948 = tpu.vector_load %arg10[%get3A_946, %get3A_947] {strides = array<i32>} : memref<640x16xf32, #tpu.memory_space<vmem>>, vector<16xf32>,
      %slice3A_949 = vector.extract_strided_slice %get3A_733 {offsets = [15], sizes = [1], strides = [1]} : vector<16xf32> to vector<1xf32>
      %squeeze3A_950 = vector.extract %slice3A_949[0] : f32 from vector<1xf32>
      %mul3A_951 = vector.broadcast %squeeze3A_950 : f32 to vector<16xf32>
      %mul3A_952 = arith.mulf %get3A_948, %mul3A_951 : vector<16xf32>
      %swap3A_953 = arith.index_cast %add3A_945 : i32 to index
      %swap3A_954 = arith.constant 0 : index
      %swap3A_955 = tpu.vector_load %arg10[%swap3A_953, %swap3A_954] {strides = array<i32>} : memref<640x16xf32, #tpu.memory_space<vmem>>, vector<16xf32>,
      tpu.vector_store %arg10[%swap3A_953, %swap3A_954], %mul3A_952 {strides = array<i32>} : memref<640x16xf32, #tpu.memory_space<vmem>>, vector<16xf32>,
    }
    %scan3A_524 = arith.constant 40 : i32
    "tpu.region"() ({
      %run_scoped3A_730 = tpu.sem_alloc : memref<!tpu.dma_semaphore, #tpu.memory_space<semaphore_mem>>
      %dma_start3A_731 = arith.constant 0 : i32
      %dma_start3A_732 = tpu.memref_slice %arg12[%mul3A_2, %dma_start3A_731] : memref<10240x16xf32, #tpu.memory_space<vmem_shared>> -> memref<640x16xf32, #tpu.memory_space<vmem_shared>>
      %dma_start3A_733 = arith.constant 0 : i32
      %dma_start3A_734 = tpu.memref_slice %arg12[%mul3A_2, %dma_start3A_733] : memref<10240x16xf32, #tpu.memory_space<vmem_shared>> -> memref<640x16xf32, #tpu.memory_space<vmem_shared>>
      tpu.enqueue_dma source(%arg10 : memref<640x16xf32, #tpu.memory_space<vmem>>) target(%dma_start3A_734 : memref<640x16xf32, #tpu.memory_space<vmem_shared>>) target_semaphore(%run_scoped3A_730 : memref<!tpu.dma_semaphore, #tpu.memory_space<semaphore_mem>>)
      %dma_wait3A_735 = arith.constant 0 : i32
      %dma_wait3A_736 = tpu.memref_slice %arg12[%mul3A_2, %dma_wait3A_735] : memref<10240x16xf32, #tpu.memory_space<vmem_shared>> -> memref<640x16xf32, #tpu.memory_space<vmem_shared>>
      %dma_wait3A_737 = arith.constant 0 : i32
      %dma_wait3A_738 = tpu.memref_slice %arg12[%mul3A_2, %dma_wait3A_737] : memref<10240x16xf32, #tpu.memory_space<vmem_shared>> -> memref<640x16xf32, #tpu.memory_space<vmem_shared>>
      tpu.wait_dma2 semaphore(%run_scoped3A_730 : memref<!tpu.dma_semaphore, #tpu.memory_space<semaphore_mem>>) src(%arg10 : memref<640x16xf32, #tpu.memory_space<vmem>>) dst(%dma_wait3A_738 : memref<640x16xf32, #tpu.memory_space<vmem_shared>>)
      tpu.yield
    }) : () -> ()
    %barrier3A = arith.constant 0 : index
    tpu.barrier barrier_id(%barrier3A)
    %dma_start3A = arith.constant 0 : i32
    %dma_start3A_525 = arith.constant 0 : i32
    %dma_start3A_526 = arith.constant 0 : i32
    %dma_start3A_527 = tpu.memref_slice %arg11[%dma_start3A, %dma_start3A_525, %dma_start3A_526] : memref<5x80x16xf32, #tpu.memory_space<vmem>> -> memref<1x80x16xf32, #tpu.memory_space<vmem>>
    %dma_start3A_528 = tpu.memref_squeeze %dma_start3A_527 : memref<1x80x16xf32, #tpu.memory_space<vmem>> -> memref<80x16xf32, #tpu.memory_space<vmem>>
    %dma_start3A_529 = arith.constant 0 : i32
    %dma_start3A_530 = tpu.memref_slice %arg6[%dma_start3A_529] : memref<10000xi32, #tpu.memory_space<vmem>> -> memref<80xi32, #tpu.memory_space<vmem>>
    %dma_start3A_531 = arith.constant 0 : i32
    %dma_start3A_532 = arith.constant 0 : i32
    %dma_start3A_533 = tpu.memref_slice %arg12[%dma_start3A_531, %dma_start3A_532] : memref<10240x16xf32, #tpu.memory_space<vmem_shared>> -> memref<10240x16xf32, #tpu.memory_space<vmem_shared>>
    tpu.enqueue_indirect_dma source(%dma_start3A_533 : memref<10240x16xf32, #tpu.memory_space<vmem_shared>>) target(%dma_start3A_528 : memref<80x16xf32, #tpu.memory_space<vmem>>) offsets(%dma_start3A_530 : memref<80xi32, #tpu.memory_space<vmem>>) semaphore(%arg14 : memref<!tpu.dma_semaphore, #tpu.memory_space<semaphore_mem>>)
    %dma_start3A_534 = arith.constant 1 : i32
    %dma_start3A_535 = arith.constant 0 : i32
    %dma_start3A_536 = arith.constant 0 : i32
    %dma_start3A_537 = tpu.memref_slice %arg11[%dma_start3A_534, %dma_start3A_535, %dma_start3A_536] : memref<5x80x16xf32, #tpu.memory_space<vmem>> -> memref<1x80x16xf32, #tpu.memory_space<vmem>>
    %dma_start3A_538 = tpu.memref_squeeze %dma_start3A_537 : memref<1x80x16xf32, #tpu.memory_space<vmem>> -> memref<80x16xf32, #tpu.memory_space<vmem>>
    %dma_start3A_539 = arith.constant 80 : i32
    %dma_start3A_540 = tpu.memref_slice %arg6[%dma_start3A_539] : memref<10000xi32, #tpu.memory_space<vmem>> -> memref<80xi32, #tpu.memory_space<vmem>>
    %dma_start3A_541 = arith.constant 0 : i32
    %dma_start3A_542 = arith.constant 0 : i32
    %dma_start3A_543 = tpu.memref_slice %arg12[%dma_start3A_541, %dma_start3A_542] : memref<10240x16xf32, #tpu.memory_space<vmem_shared>> -> memref<10240x16xf32, #tpu.memory_space<vmem_shared>>
    tpu.enqueue_indirect_dma source(%dma_start3A_543 : memref<10240x16xf32, #tpu.memory_space<vmem_shared>>) target(%dma_start3A_538 : memref<80x16xf32, #tpu.memory_space<vmem>>) offsets(%dma_start3A_540 : memref<80xi32, #tpu.memory_space<vmem>>) semaphore(%arg15 : memref<!tpu.dma_semaphore, #tpu.memory_space<semaphore_mem>>)
    %dma_start3A_544 = arith.constant 2 : i32
    %dma_start3A_545 = arith.constant 0 : i32
    %dma_start3A_546 = arith.constant 0 : i32
    %dma_start3A_547 = tpu.memref_slice %arg11[%dma_start3A_544, %dma_start3A_545, %dma_start3A_546] : memref<5x80x16xf32, #tpu.memory_space<vmem>> -> memref<1x80x16xf32, #tpu.memory_space<vmem>>
    %dma_start3A_548 = tpu.memref_squeeze %dma_start3A_547 : memref<1x80x16xf32, #tpu.memory_space<vmem>> -> memref<80x16xf32, #tpu.memory_space<vmem>>
    %dma_start3A_549 = arith.constant 160 : i32
    %dma_start3A_550 = tpu.memref_slice %arg6[%dma_start3A_549] : memref<10000xi32, #tpu.memory_space<vmem>> -> memref<80xi32, #tpu.memory_space<vmem>>
    %dma_start3A_551 = arith.constant 0 : i32
    %dma_start3A_552 = arith.constant 0 : i32
    %dma_start3A_553 = tpu.memref_slice %arg12[%dma_start3A_551, %dma_start3A_552] : memref<10240x16xf32, #tpu.memory_space<vmem_shared>> -> memref<10240x16xf32, #tpu.memory_space<vmem_shared>>
    tpu.enqueue_indirect_dma source(%dma_start3A_553 : memref<10240x16xf32, #tpu.memory_space<vmem_shared>>) target(%dma_start3A_548 : memref<80x16xf32, #tpu.memory_space<vmem>>) offsets(%dma_start3A_550 : memref<80xi32, #tpu.memory_space<vmem>>) semaphore(%arg16 : memref<!tpu.dma_semaphore, #tpu.memory_space<semaphore_mem>>)
    %dma_start3A_554 = arith.constant 3 : i32
    %dma_start3A_555 = arith.constant 0 : i32
    %dma_start3A_556 = arith.constant 0 : i32
    %dma_start3A_557 = tpu.memref_slice %arg11[%dma_start3A_554, %dma_start3A_555, %dma_start3A_556] : memref<5x80x16xf32, #tpu.memory_space<vmem>> -> memref<1x80x16xf32, #tpu.memory_space<vmem>>
    %dma_start3A_558 = tpu.memref_squeeze %dma_start3A_557 : memref<1x80x16xf32, #tpu.memory_space<vmem>> -> memref<80x16xf32, #tpu.memory_space<vmem>>
    %dma_start3A_559 = arith.constant 240 : i32
    %dma_start3A_560 = tpu.memref_slice %arg6[%dma_start3A_559] : memref<10000xi32, #tpu.memory_space<vmem>> -> memref<80xi32, #tpu.memory_space<vmem>>
    %dma_start3A_561 = arith.constant 0 : i32
    %dma_start3A_562 = arith.constant 0 : i32
    %dma_start3A_563 = tpu.memref_slice %arg12[%dma_start3A_561, %dma_start3A_562] : memref<10240x16xf32, #tpu.memory_space<vmem_shared>> -> memref<10240x16xf32, #tpu.memory_space<vmem_shared>>
    tpu.enqueue_indirect_dma source(%dma_start3A_563 : memref<10240x16xf32, #tpu.memory_space<vmem_shared>>) target(%dma_start3A_558 : memref<80x16xf32, #tpu.memory_space<vmem>>) offsets(%dma_start3A_560 : memref<80xi32, #tpu.memory_space<vmem>>) semaphore(%arg17 : memref<!tpu.dma_semaphore, #tpu.memory_space<semaphore_mem>>)
    %dma_start3A_564 = arith.constant 4 : i32
    %dma_start3A_565 = arith.constant 0 : i32
    %dma_start3A_566 = arith.constant 0 : i32
    %dma_start3A_567 = tpu.memref_slice %arg11[%dma_start3A_564, %dma_start3A_565, %dma_start3A_566] : memref<5x80x16xf32, #tpu.memory_space<vmem>> -> memref<1x80x16xf32, #tpu.memory_space<vmem>>
    %dma_start3A_568 = tpu.memref_squeeze %dma_start3A_567 : memref<1x80x16xf32, #tpu.memory_space<vmem>> -> memref<80x16xf32, #tpu.memory_space<vmem>>
    %dma_start3A_569 = arith.constant 320 : i32
    %dma_start3A_570 = tpu.memref_slice %arg6[%dma_start3A_569] : memref<10000xi32, #tpu.memory_space<vmem>> -> memref<80xi32, #tpu.memory_space<vmem>>
    %dma_start3A_571 = arith.constant 0 : i32
    %dma_start3A_572 = arith.constant 0 : i32
    %dma_start3A_573 = tpu.memref_slice %arg12[%dma_start3A_571, %dma_start3A_572] : memref<10240x16xf32, #tpu.memory_space<vmem_shared>> -> memref<10240x16xf32, #tpu.memory_space<vmem_shared>>
    tpu.enqueue_indirect_dma source(%dma_start3A_573 : memref<10240x16xf32, #tpu.memory_space<vmem_shared>>) target(%dma_start3A_568 : memref<80x16xf32, #tpu.memory_space<vmem>>) offsets(%dma_start3A_570 : memref<80xi32, #tpu.memory_space<vmem>>) semaphore(%arg18 : memref<!tpu.dma_semaphore, #tpu.memory_space<semaphore_mem>>)
    %scan3A_574 = arith.constant 0 : i32
    %scan3A_575 = arith.constant 0 : i32
    %scan3A_576 = arith.constant 24 : i32
    %scan3A_577 = arith.addi %scan3A_575, %scan3A_576 : i32
    %scan3A_578 = arith.constant 1 : i32
    scf.for %scan3A_730 = %scan3A_575 to %scan3A_577 step %scan3A_578  : i32 {
      %mul3A_731 = arith.constant 5 : i32
      %mul3A_732 = arith.muli %scan3A_730, %mul3A_731 : i32
      %add3A_733 = arith.constant 0 : i32
      %add3A_734 = arith.addi %mul3A_732, %add3A_733 : i32
      %mul3A_735 = arith.constant 80 : i32
      %mul3A_736 = arith.muli %add3A_734, %mul3A_735 : i32
      %dma_wait3A_737 = arith.constant 0 : i32
      %dma_wait3A_738 = arith.constant 0 : i32
      %dma_wait3A_739 = arith.constant 0 : i32
      %dma_wait3A_740 = tpu.memref_slice %arg11[%dma_wait3A_737, %dma_wait3A_738, %dma_wait3A_739] : memref<5x80x16xf32, #tpu.memory_space<vmem>> -> memref<1x80x16xf32, #tpu.memory_space<vmem>>
      %dma_wait3A_741 = tpu.memref_squeeze %dma_wait3A_740 : memref<1x80x16xf32, #tpu.memory_space<vmem>> -> memref<80x16xf32, #tpu.memory_space<vmem>>
      %dma_wait3A_742 = tpu.memref_slice %arg6[%mul3A_736] : memref<10000xi32, #tpu.memory_space<vmem>> -> memref<80xi32, #tpu.memory_space<vmem>>
      %dma_wait3A_743 = arith.constant 0 : i32
      %dma_wait3A_744 = arith.constant 0 : i32
      %dma_wait3A_745 = tpu.memref_slice %arg12[%dma_wait3A_743, %dma_wait3A_744] : memref<10240x16xf32, #tpu.memory_space<vmem_shared>> -> memref<10240x16xf32, #tpu.memory_space<vmem_shared>>
      tpu.wait_indirect_dma semaphore(%arg14 : memref<!tpu.dma_semaphore, #tpu.memory_space<semaphore_mem>>) src(%dma_wait3A_745 : memref<10240x16xf32, #tpu.memory_space<vmem_shared>>) dst(%dma_wait3A_741 : memref<80x16xf32, #tpu.memory_space<vmem>>)
      %mul3A_746 = arith.constant 80 : i32
      %mul3A_747 = arith.muli %add3A_734, %mul3A_746 : i32
      %dma_start3A_748 = arith.constant 0 : i32
      %dma_start3A_749 = arith.constant 0 : i32
      %dma_start3A_750 = arith.constant 0 : i32
      %dma_start3A_751 = tpu.memref_slice %arg11[%dma_start3A_748, %dma_start3A_749, %dma_start3A_750] : memref<5x80x16xf32, #tpu.memory_space<vmem>> -> memref<1x80x16xf32, #tpu.memory_space<vmem>>
      %dma_start3A_752 = tpu.memref_squeeze %dma_start3A_751 : memref<1x80x16xf32, #tpu.memory_space<vmem>> -> memref<80x16xf32, #tpu.memory_space<vmem>>
      %dma_start3A_753 = tpu.memref_slice %arg7[%mul3A_747] : memref<10000xi32, #tpu.memory_space<vmem>> -> memref<80xi32, #tpu.memory_space<vmem>>
      %dma_start3A_754 = arith.constant 0 : i32
      %dma_start3A_755 = arith.constant 0 : i32
      %dma_start3A_756 = tpu.memref_slice %arg13[%dma_start3A_754, %dma_start3A_755] : memref<10240x16xf32, #tpu.memory_space<vmem_shared>> -> memref<10240x16xf32, #tpu.memory_space<vmem_shared>>
      tpu.enqueue_indirect_dma source(%dma_start3A_752 : memref<80x16xf32, #tpu.memory_space<vmem>>) target(%dma_start3A_756 : memref<10240x16xf32, #tpu.memory_space<vmem_shared>>) offsets(%dma_start3A_753 : memref<80xi32, #tpu.memory_space<vmem>>) semaphore(%arg19 : memref<!tpu.dma_semaphore, #tpu.memory_space<semaphore_mem>>) {add = true}
      %add3A_757 = arith.constant 1 : i32
      %add3A_758 = arith.addi %mul3A_732, %add3A_757 : i32
      %mul3A_759 = arith.constant 80 : i32
      %mul3A_760 = arith.muli %add3A_758, %mul3A_759 : i32
      %dma_wait3A_761 = arith.constant 1 : i32
      %dma_wait3A_762 = arith.constant 0 : i32
      %dma_wait3A_763 = arith.constant 0 : i32
      %dma_wait3A_764 = tpu.memref_slice %arg11[%dma_wait3A_761, %dma_wait3A_762, %dma_wait3A_763] : memref<5x80x16xf32, #tpu.memory_space<vmem>> -> memref<1x80x16xf32, #tpu.memory_space<vmem>>
      %dma_wait3A_765 = tpu.memref_squeeze %dma_wait3A_764 : memref<1x80x16xf32, #tpu.memory_space<vmem>> -> memref<80x16xf32, #tpu.memory_space<vmem>>
      %dma_wait3A_766 = tpu.memref_slice %arg6[%mul3A_760] : memref<10000xi32, #tpu.memory_space<vmem>> -> memref<80xi32, #tpu.memory_space<vmem>>
      %dma_wait3A_767 = arith.constant 0 : i32
      %dma_wait3A_768 = arith.constant 0 : i32
      %dma_wait3A_769 = tpu.memref_slice %arg12[%dma_wait3A_767, %dma_wait3A_768] : memref<10240x16xf32, #tpu.memory_space<vmem_shared>> -> memref<10240x16xf32, #tpu.memory_space<vmem_shared>>
      tpu.wait_indirect_dma semaphore(%arg15 : memref<!tpu.dma_semaphore, #tpu.memory_space<semaphore_mem>>) src(%dma_wait3A_769 : memref<10240x16xf32, #tpu.memory_space<vmem_shared>>) dst(%dma_wait3A_765 : memref<80x16xf32, #tpu.memory_space<vmem>>)
      %mul3A_770 = arith.constant 80 : i32
      %mul3A_771 = arith.muli %add3A_758, %mul3A_770 : i32
      %dma_start3A_772 = arith.constant 1 : i32
      %dma_start3A_773 = arith.constant 0 : i32
      %dma_start3A_774 = arith.constant 0 : i32
      %dma_start3A_775 = tpu.memref_slice %arg11[%dma_start3A_772, %dma_start3A_773, %dma_start3A_774] : memref<5x80x16xf32, #tpu.memory_space<vmem>> -> memref<1x80x16xf32, #tpu.memory_space<vmem>>
      %dma_start3A_776 = tpu.memref_squeeze %dma_start3A_775 : memref<1x80x16xf32, #tpu.memory_space<vmem>> -> memref<80x16xf32, #tpu.memory_space<vmem>>
      %dma_start3A_777 = tpu.memref_slice %arg7[%mul3A_771] : memref<10000xi32, #tpu.memory_space<vmem>> -> memref<80xi32, #tpu.memory_space<vmem>>
      %dma_start3A_778 = arith.constant 0 : i32
      %dma_start3A_779 = arith.constant 0 : i32
      %dma_start3A_780 = tpu.memref_slice %arg13[%dma_start3A_778, %dma_start3A_779] : memref<10240x16xf32, #tpu.memory_space<vmem_shared>> -> memref<10240x16xf32, #tpu.memory_space<vmem_shared>>
      tpu.enqueue_indirect_dma source(%dma_start3A_776 : memref<80x16xf32, #tpu.memory_space<vmem>>) target(%dma_start3A_780 : memref<10240x16xf32, #tpu.memory_space<vmem_shared>>) offsets(%dma_start3A_777 : memref<80xi32, #tpu.memory_space<vmem>>) semaphore(%arg20 : memref<!tpu.dma_semaphore, #tpu.memory_space<semaphore_mem>>) {add = true}
      %add3A_781 = arith.constant 2 : i32
      %add3A_782 = arith.addi %mul3A_732, %add3A_781 : i32
      %mul3A_783 = arith.constant 80 : i32
      %mul3A_784 = arith.muli %add3A_782, %mul3A_783 : i32
      %dma_wait3A_785 = arith.constant 2 : i32
      %dma_wait3A_786 = arith.constant 0 : i32
      %dma_wait3A_787 = arith.constant 0 : i32
      %dma_wait3A_788 = tpu.memref_slice %arg11[%dma_wait3A_785, %dma_wait3A_786, %dma_wait3A_787] : memref<5x80x16xf32, #tpu.memory_space<vmem>> -> memref<1x80x16xf32, #tpu.memory_space<vmem>>
      %dma_wait3A_789 = tpu.memref_squeeze %dma_wait3A_788 : memref<1x80x16xf32, #tpu.memory_space<vmem>> -> memref<80x16xf32, #tpu.memory_space<vmem>>
      %dma_wait3A_790 = tpu.memref_slice %arg6[%mul3A_784] : memref<10000xi32, #tpu.memory_space<vmem>> -> memref<80xi32, #tpu.memory_space<vmem>>
      %dma_wait3A_791 = arith.constant 0 : i32
      %dma_wait3A_792 = arith.constant 0 : i32
      %dma_wait3A_793 = tpu.memref_slice %arg12[%dma_wait3A_791, %dma_wait3A_792] : memref<10240x16xf32, #tpu.memory_space<vmem_shared>> -> memref<10240x16xf32, #tpu.memory_space<vmem_shared>>
      tpu.wait_indirect_dma semaphore(%arg16 : memref<!tpu.dma_semaphore, #tpu.memory_space<semaphore_mem>>) src(%dma_wait3A_793 : memref<10240x16xf32, #tpu.memory_space<vmem_shared>>) dst(%dma_wait3A_789 : memref<80x16xf32, #tpu.memory_space<vmem>>)
      %mul3A_794 = arith.constant 80 : i32
      %mul3A_795 = arith.muli %add3A_782, %mul3A_794 : i32
      %dma_start3A_796 = arith.constant 2 : i32
      %dma_start3A_797 = arith.constant 0 : i32
      %dma_start3A_798 = arith.constant 0 : i32
      %dma_start3A_799 = tpu.memref_slice %arg11[%dma_start3A_796, %dma_start3A_797, %dma_start3A_798] : memref<5x80x16xf32, #tpu.memory_space<vmem>> -> memref<1x80x16xf32, #tpu.memory_space<vmem>>
      %dma_start3A_800 = tpu.memref_squeeze %dma_start3A_799 : memref<1x80x16xf32, #tpu.memory_space<vmem>> -> memref<80x16xf32, #tpu.memory_space<vmem>>
      %dma_start3A_801 = tpu.memref_slice %arg7[%mul3A_795] : memref<10000xi32, #tpu.memory_space<vmem>> -> memref<80xi32, #tpu.memory_space<vmem>>
      %dma_start3A_802 = arith.constant 0 : i32
      %dma_start3A_803 = arith.constant 0 : i32
      %dma_start3A_804 = tpu.memref_slice %arg13[%dma_start3A_802, %dma_start3A_803] : memref<10240x16xf32, #tpu.memory_space<vmem_shared>> -> memref<10240x16xf32, #tpu.memory_space<vmem_shared>>
      tpu.enqueue_indirect_dma source(%dma_start3A_800 : memref<80x16xf32, #tpu.memory_space<vmem>>) target(%dma_start3A_804 : memref<10240x16xf32, #tpu.memory_space<vmem_shared>>) offsets(%dma_start3A_801 : memref<80xi32, #tpu.memory_space<vmem>>) semaphore(%arg21 : memref<!tpu.dma_semaphore, #tpu.memory_space<semaphore_mem>>) {add = true}
      %add3A_805 = arith.constant 3 : i32
      %add3A_806 = arith.addi %mul3A_732, %add3A_805 : i32
      %mul3A_807 = arith.constant 80 : i32
      %mul3A_808 = arith.muli %add3A_806, %mul3A_807 : i32
      %dma_wait3A_809 = arith.constant 3 : i32
      %dma_wait3A_810 = arith.constant 0 : i32
      %dma_wait3A_811 = arith.constant 0 : i32
      %dma_wait3A_812 = tpu.memref_slice %arg11[%dma_wait3A_809, %dma_wait3A_810, %dma_wait3A_811] : memref<5x80x16xf32, #tpu.memory_space<vmem>> -> memref<1x80x16xf32, #tpu.memory_space<vmem>>
      %dma_wait3A_813 = tpu.memref_squeeze %dma_wait3A_812 : memref<1x80x16xf32, #tpu.memory_space<vmem>> -> memref<80x16xf32, #tpu.memory_space<vmem>>
      %dma_wait3A_814 = tpu.memref_slice %arg6[%mul3A_808] : memref<10000xi32, #tpu.memory_space<vmem>> -> memref<80xi32, #tpu.memory_space<vmem>>
      %dma_wait3A_815 = arith.constant 0 : i32
      %dma_wait3A_816 = arith.constant 0 : i32
      %dma_wait3A_817 = tpu.memref_slice %arg12[%dma_wait3A_815, %dma_wait3A_816] : memref<10240x16xf32, #tpu.memory_space<vmem_shared>> -> memref<10240x16xf32, #tpu.memory_space<vmem_shared>>
      tpu.wait_indirect_dma semaphore(%arg17 : memref<!tpu.dma_semaphore, #tpu.memory_space<semaphore_mem>>) src(%dma_wait3A_817 : memref<10240x16xf32, #tpu.memory_space<vmem_shared>>) dst(%dma_wait3A_813 : memref<80x16xf32, #tpu.memory_space<vmem>>)
      %mul3A_818 = arith.constant 80 : i32
      %mul3A_819 = arith.muli %add3A_806, %mul3A_818 : i32
      %dma_start3A_820 = arith.constant 3 : i32
      %dma_start3A_821 = arith.constant 0 : i32
      %dma_start3A_822 = arith.constant 0 : i32
      %dma_start3A_823 = tpu.memref_slice %arg11[%dma_start3A_820, %dma_start3A_821, %dma_start3A_822] : memref<5x80x16xf32, #tpu.memory_space<vmem>> -> memref<1x80x16xf32, #tpu.memory_space<vmem>>
      %dma_start3A_824 = tpu.memref_squeeze %dma_start3A_823 : memref<1x80x16xf32, #tpu.memory_space<vmem>> -> memref<80x16xf32, #tpu.memory_space<vmem>>
      %dma_start3A_825 = tpu.memref_slice %arg7[%mul3A_819] : memref<10000xi32, #tpu.memory_space<vmem>> -> memref<80xi32, #tpu.memory_space<vmem>>
      %dma_start3A_826 = arith.constant 0 : i32
      %dma_start3A_827 = arith.constant 0 : i32
      %dma_start3A_828 = tpu.memref_slice %arg13[%dma_start3A_826, %dma_start3A_827] : memref<10240x16xf32, #tpu.memory_space<vmem_shared>> -> memref<10240x16xf32, #tpu.memory_space<vmem_shared>>
      tpu.enqueue_indirect_dma source(%dma_start3A_824 : memref<80x16xf32, #tpu.memory_space<vmem>>) target(%dma_start3A_828 : memref<10240x16xf32, #tpu.memory_space<vmem_shared>>) offsets(%dma_start3A_825 : memref<80xi32, #tpu.memory_space<vmem>>) semaphore(%arg22 : memref<!tpu.dma_semaphore, #tpu.memory_space<semaphore_mem>>) {add = true}
      %add3A_829 = arith.constant 4 : i32
      %add3A_830 = arith.addi %mul3A_732, %add3A_829 : i32
      %mul3A_831 = arith.constant 80 : i32
      %mul3A_832 = arith.muli %add3A_830, %mul3A_831 : i32
      %dma_wait3A_833 = arith.constant 4 : i32
      %dma_wait3A_834 = arith.constant 0 : i32
      %dma_wait3A_835 = arith.constant 0 : i32
      %dma_wait3A_836 = tpu.memref_slice %arg11[%dma_wait3A_833, %dma_wait3A_834, %dma_wait3A_835] : memref<5x80x16xf32, #tpu.memory_space<vmem>> -> memref<1x80x16xf32, #tpu.memory_space<vmem>>
      %dma_wait3A_837 = tpu.memref_squeeze %dma_wait3A_836 : memref<1x80x16xf32, #tpu.memory_space<vmem>> -> memref<80x16xf32, #tpu.memory_space<vmem>>
      %dma_wait3A_838 = tpu.memref_slice %arg6[%mul3A_832] : memref<10000xi32, #tpu.memory_space<vmem>> -> memref<80xi32, #tpu.memory_space<vmem>>
      %dma_wait3A_839 = arith.constant 0 : i32
      %dma_wait3A_840 = arith.constant 0 : i32
      %dma_wait3A_841 = tpu.memref_slice %arg12[%dma_wait3A_839, %dma_wait3A_840] : memref<10240x16xf32, #tpu.memory_space<vmem_shared>> -> memref<10240x16xf32, #tpu.memory_space<vmem_shared>>
      tpu.wait_indirect_dma semaphore(%arg18 : memref<!tpu.dma_semaphore, #tpu.memory_space<semaphore_mem>>) src(%dma_wait3A_841 : memref<10240x16xf32, #tpu.memory_space<vmem_shared>>) dst(%dma_wait3A_837 : memref<80x16xf32, #tpu.memory_space<vmem>>)
      %mul3A_842 = arith.constant 80 : i32
      %mul3A_843 = arith.muli %add3A_830, %mul3A_842 : i32
      %dma_start3A_844 = arith.constant 4 : i32
      %dma_start3A_845 = arith.constant 0 : i32
      %dma_start3A_846 = arith.constant 0 : i32
      %dma_start3A_847 = tpu.memref_slice %arg11[%dma_start3A_844, %dma_start3A_845, %dma_start3A_846] : memref<5x80x16xf32, #tpu.memory_space<vmem>> -> memref<1x80x16xf32, #tpu.memory_space<vmem>>
      %dma_start3A_848 = tpu.memref_squeeze %dma_start3A_847 : memref<1x80x16xf32, #tpu.memory_space<vmem>> -> memref<80x16xf32, #tpu.memory_space<vmem>>
      %dma_start3A_849 = tpu.memref_slice %arg7[%mul3A_843] : memref<10000xi32, #tpu.memory_space<vmem>> -> memref<80xi32, #tpu.memory_space<vmem>>
      %dma_start3A_850 = arith.constant 0 : i32
      %dma_start3A_851 = arith.constant 0 : i32
      %dma_start3A_852 = tpu.memref_slice %arg13[%dma_start3A_850, %dma_start3A_851] : memref<10240x16xf32, #tpu.memory_space<vmem_shared>> -> memref<10240x16xf32, #tpu.memory_space<vmem_shared>>
      tpu.enqueue_indirect_dma source(%dma_start3A_848 : memref<80x16xf32, #tpu.memory_space<vmem>>) target(%dma_start3A_852 : memref<10240x16xf32, #tpu.memory_space<vmem_shared>>) offsets(%dma_start3A_849 : memref<80xi32, #tpu.memory_space<vmem>>) semaphore(%arg23 : memref<!tpu.dma_semaphore, #tpu.memory_space<semaphore_mem>>) {add = true}
      %add3A_853 = arith.constant 0 : i32
      %add3A_854 = arith.addi %mul3A_732, %add3A_853 : i32
      %mul3A_855 = arith.constant 80 : i32
      %mul3A_856 = arith.muli %add3A_854, %mul3A_855 : i32
      %dma_wait3A_857 = arith.constant 0 : i32
      %dma_wait3A_858 = arith.constant 0 : i32
      %dma_wait3A_859 = arith.constant 0 : i32
      %dma_wait3A_860 = tpu.memref_slice %arg11[%dma_wait3A_857, %dma_wait3A_858, %dma_wait3A_859] : memref<5x80x16xf32, #tpu.memory_space<vmem>> -> memref<1x80x16xf32, #tpu.memory_space<vmem>>
      %dma_wait3A_861 = tpu.memref_squeeze %dma_wait3A_860 : memref<1x80x16xf32, #tpu.memory_space<vmem>> -> memref<80x16xf32, #tpu.memory_space<vmem>>
      %dma_wait3A_862 = tpu.memref_slice %arg7[%mul3A_856] : memref<10000xi32, #tpu.memory_space<vmem>> -> memref<80xi32, #tpu.memory_space<vmem>>
      %dma_wait3A_863 = arith.constant 0 : i32
      %dma_wait3A_864 = arith.constant 0 : i32
      %dma_wait3A_865 = tpu.memref_slice %arg13[%dma_wait3A_863, %dma_wait3A_864] : memref<10240x16xf32, #tpu.memory_space<vmem_shared>> -> memref<10240x16xf32, #tpu.memory_space<vmem_shared>>
      tpu.wait_indirect_dma semaphore(%arg19 : memref<!tpu.dma_semaphore, #tpu.memory_space<semaphore_mem>>) src(%dma_wait3A_861 : memref<80x16xf32, #tpu.memory_space<vmem>>) dst(%dma_wait3A_865 : memref<10240x16xf32, #tpu.memory_space<vmem_shared>>)
      %add3A_866 = arith.constant 5 : i32
      %add3A_867 = arith.addi %add3A_854, %add3A_866 : i32
      %mul3A_868 = arith.constant 80 : i32
      %mul3A_869 = arith.muli %add3A_867, %mul3A_868 : i32
      %dma_start3A_870 = arith.constant 0 : i32
      %dma_start3A_871 = arith.constant 0 : i32
      %dma_start3A_872 = arith.constant 0 : i32
      %dma_start3A_873 = tpu.memref_slice %arg11[%dma_start3A_870, %dma_start3A_871, %dma_start3A_872] : memref<5x80x16xf32, #tpu.memory_space<vmem>> -> memref<1x80x16xf32, #tpu.memory_space<vmem>>
      %dma_start3A_874 = tpu.memref_squeeze %dma_start3A_873 : memref<1x80x16xf32, #tpu.memory_space<vmem>> -> memref<80x16xf32, #tpu.memory_space<vmem>>
      %dma_start3A_875 = tpu.memref_slice %arg6[%mul3A_869] : memref<10000xi32, #tpu.memory_space<vmem>> -> memref<80xi32, #tpu.memory_space<vmem>>
      %dma_start3A_876 = arith.constant 0 : i32
      %dma_start3A_877 = arith.constant 0 : i32
      %dma_start3A_878 = tpu.memref_slice %arg12[%dma_start3A_876, %dma_start3A_877] : memref<10240x16xf32, #tpu.memory_space<vmem_shared>> -> memref<10240x16xf32, #tpu.memory_space<vmem_shared>>
      tpu.enqueue_indirect_dma source(%dma_start3A_878 : memref<10240x16xf32, #tpu.memory_space<vmem_shared>>) target(%dma_start3A_874 : memref<80x16xf32, #tpu.memory_space<vmem>>) offsets(%dma_start3A_875 : memref<80xi32, #tpu.memory_space<vmem>>) semaphore(%arg14 : memref<!tpu.dma_semaphore, #tpu.memory_space<semaphore_mem>>)
      %add3A_879 = arith.constant 1 : i32
      %add3A_880 = arith.addi %mul3A_732, %add3A_879 : i32
      %mul3A_881 = arith.constant 80 : i32
      %mul3A_882 = arith.muli %add3A_880, %mul3A_881 : i32
      %dma_wait3A_883 = arith.constant 1 : i32
      %dma_wait3A_884 = arith.constant 0 : i32
      %dma_wait3A_885 = arith.constant 0 : i32
      %dma_wait3A_886 = tpu.memref_slice %arg11[%dma_wait3A_883, %dma_wait3A_884, %dma_wait3A_885] : memref<5x80x16xf32, #tpu.memory_space<vmem>> -> memref<1x80x16xf32, #tpu.memory_space<vmem>>
      %dma_wait3A_887 = tpu.memref_squeeze %dma_wait3A_886 : memref<1x80x16xf32, #tpu.memory_space<vmem>> -> memref<80x16xf32, #tpu.memory_space<vmem>>
      %dma_wait3A_888 = tpu.memref_slice %arg7[%mul3A_882] : memref<10000xi32, #tpu.memory_space<vmem>> -> memref<80xi32, #tpu.memory_space<vmem>>
      %dma_wait3A_889 = arith.constant 0 : i32
      %dma_wait3A_890 = arith.constant 0 : i32
      %dma_wait3A_891 = tpu.memref_slice %arg13[%dma_wait3A_889, %dma_wait3A_890] : memref<10240x16xf32, #tpu.memory_space<vmem_shared>> -> memref<10240x16xf32, #tpu.memory_space<vmem_shared>>
      tpu.wait_indirect_dma semaphore(%arg20 : memref<!tpu.dma_semaphore, #tpu.memory_space<semaphore_mem>>) src(%dma_wait3A_887 : memref<80x16xf32, #tpu.memory_space<vmem>>) dst(%dma_wait3A_891 : memref<10240x16xf32, #tpu.memory_space<vmem_shared>>)
      %add3A_892 = arith.constant 5 : i32
      %add3A_893 = arith.addi %add3A_880, %add3A_892 : i32
      %mul3A_894 = arith.constant 80 : i32
      %mul3A_895 = arith.muli %add3A_893, %mul3A_894 : i32
      %dma_start3A_896 = arith.constant 1 : i32
      %dma_start3A_897 = arith.constant 0 : i32
      %dma_start3A_898 = arith.constant 0 : i32
      %dma_start3A_899 = tpu.memref_slice %arg11[%dma_start3A_896, %dma_start3A_897, %dma_start3A_898] : memref<5x80x16xf32, #tpu.memory_space<vmem>> -> memref<1x80x16xf32, #tpu.memory_space<vmem>>
      %dma_start3A_900 = tpu.memref_squeeze %dma_start3A_899 : memref<1x80x16xf32, #tpu.memory_space<vmem>> -> memref<80x16xf32, #tpu.memory_space<vmem>>
      %dma_start3A_901 = tpu.memref_slice %arg6[%mul3A_895] : memref<10000xi32, #tpu.memory_space<vmem>> -> memref<80xi32, #tpu.memory_space<vmem>>
      %dma_start3A_902 = arith.constant 0 : i32
      %dma_start3A_903 = arith.constant 0 : i32
      %dma_start3A_904 = tpu.memref_slice %arg12[%dma_start3A_902, %dma_start3A_903] : memref<10240x16xf32, #tpu.memory_space<vmem_shared>> -> memref<10240x16xf32, #tpu.memory_space<vmem_shared>>
      tpu.enqueue_indirect_dma source(%dma_start3A_904 : memref<10240x16xf32, #tpu.memory_space<vmem_shared>>) target(%dma_start3A_900 : memref<80x16xf32, #tpu.memory_space<vmem>>) offsets(%dma_start3A_901 : memref<80xi32, #tpu.memory_space<vmem>>) semaphore(%arg15 : memref<!tpu.dma_semaphore, #tpu.memory_space<semaphore_mem>>)
      %add3A_905 = arith.constant 2 : i32
      %add3A_906 = arith.addi %mul3A_732, %add3A_905 : i32
      %mul3A_907 = arith.constant 80 : i32
      %mul3A_908 = arith.muli %add3A_906, %mul3A_907 : i32
      %dma_wait3A_909 = arith.constant 2 : i32
      %dma_wait3A_910 = arith.constant 0 : i32
      %dma_wait3A_911 = arith.constant 0 : i32
      %dma_wait3A_912 = tpu.memref_slice %arg11[%dma_wait3A_909, %dma_wait3A_910, %dma_wait3A_911] : memref<5x80x16xf32, #tpu.memory_space<vmem>> -> memref<1x80x16xf32, #tpu.memory_space<vmem>>
      %dma_wait3A_913 = tpu.memref_squeeze %dma_wait3A_912 : memref<1x80x16xf32, #tpu.memory_space<vmem>> -> memref<80x16xf32, #tpu.memory_space<vmem>>
      %dma_wait3A_914 = tpu.memref_slice %arg7[%mul3A_908] : memref<10000xi32, #tpu.memory_space<vmem>> -> memref<80xi32, #tpu.memory_space<vmem>>
      %dma_wait3A_915 = arith.constant 0 : i32
      %dma_wait3A_916 = arith.constant 0 : i32
      %dma_wait3A_917 = tpu.memref_slice %arg13[%dma_wait3A_915, %dma_wait3A_916] : memref<10240x16xf32, #tpu.memory_space<vmem_shared>> -> memref<10240x16xf32, #tpu.memory_space<vmem_shared>>
      tpu.wait_indirect_dma semaphore(%arg21 : memref<!tpu.dma_semaphore, #tpu.memory_space<semaphore_mem>>) src(%dma_wait3A_913 : memref<80x16xf32, #tpu.memory_space<vmem>>) dst(%dma_wait3A_917 : memref<10240x16xf32, #tpu.memory_space<vmem_shared>>)
      %add3A_918 = arith.constant 5 : i32
      %add3A_919 = arith.addi %add3A_906, %add3A_918 : i32
      %mul3A_920 = arith.constant 80 : i32
      %mul3A_921 = arith.muli %add3A_919, %mul3A_920 : i32
      %dma_start3A_922 = arith.constant 2 : i32
      %dma_start3A_923 = arith.constant 0 : i32
      %dma_start3A_924 = arith.constant 0 : i32
      %dma_start3A_925 = tpu.memref_slice %arg11[%dma_start3A_922, %dma_start3A_923, %dma_start3A_924] : memref<5x80x16xf32, #tpu.memory_space<vmem>> -> memref<1x80x16xf32, #tpu.memory_space<vmem>>
      %dma_start3A_926 = tpu.memref_squeeze %dma_start3A_925 : memref<1x80x16xf32, #tpu.memory_space<vmem>> -> memref<80x16xf32, #tpu.memory_space<vmem>>
      %dma_start3A_927 = tpu.memref_slice %arg6[%mul3A_921] : memref<10000xi32, #tpu.memory_space<vmem>> -> memref<80xi32, #tpu.memory_space<vmem>>
      %dma_start3A_928 = arith.constant 0 : i32
      %dma_start3A_929 = arith.constant 0 : i32
      %dma_start3A_930 = tpu.memref_slice %arg12[%dma_start3A_928, %dma_start3A_929] : memref<10240x16xf32, #tpu.memory_space<vmem_shared>> -> memref<10240x16xf32, #tpu.memory_space<vmem_shared>>
      tpu.enqueue_indirect_dma source(%dma_start3A_930 : memref<10240x16xf32, #tpu.memory_space<vmem_shared>>) target(%dma_start3A_926 : memref<80x16xf32, #tpu.memory_space<vmem>>) offsets(%dma_start3A_927 : memref<80xi32, #tpu.memory_space<vmem>>) semaphore(%arg16 : memref<!tpu.dma_semaphore, #tpu.memory_space<semaphore_mem>>)
      %add3A_931 = arith.constant 3 : i32
      %add3A_932 = arith.addi %mul3A_732, %add3A_931 : i32
      %mul3A_933 = arith.constant 80 : i32
      %mul3A_934 = arith.muli %add3A_932, %mul3A_933 : i32
      %dma_wait3A_935 = arith.constant 3 : i32
      %dma_wait3A_936 = arith.constant 0 : i32
      %dma_wait3A_937 = arith.constant 0 : i32
      %dma_wait3A_938 = tpu.memref_slice %arg11[%dma_wait3A_935, %dma_wait3A_936, %dma_wait3A_937] : memref<5x80x16xf32, #tpu.memory_space<vmem>> -> memref<1x80x16xf32, #tpu.memory_space<vmem>>
      %dma_wait3A_939 = tpu.memref_squeeze %dma_wait3A_938 : memref<1x80x16xf32, #tpu.memory_space<vmem>> -> memref<80x16xf32, #tpu.memory_space<vmem>>
      %dma_wait3A_940 = tpu.memref_slice %arg7[%mul3A_934] : memref<10000xi32, #tpu.memory_space<vmem>> -> memref<80xi32, #tpu.memory_space<vmem>>
      %dma_wait3A_941 = arith.constant 0 : i32
      %dma_wait3A_942 = arith.constant 0 : i32
      %dma_wait3A_943 = tpu.memref_slice %arg13[%dma_wait3A_941, %dma_wait3A_942] : memref<10240x16xf32, #tpu.memory_space<vmem_shared>> -> memref<10240x16xf32, #tpu.memory_space<vmem_shared>>
      tpu.wait_indirect_dma semaphore(%arg22 : memref<!tpu.dma_semaphore, #tpu.memory_space<semaphore_mem>>) src(%dma_wait3A_939 : memref<80x16xf32, #tpu.memory_space<vmem>>) dst(%dma_wait3A_943 : memref<10240x16xf32, #tpu.memory_space<vmem_shared>>)
      %add3A_944 = arith.constant 5 : i32
      %add3A_945 = arith.addi %add3A_932, %add3A_944 : i32
      %mul3A_946 = arith.constant 80 : i32
      %mul3A_947 = arith.muli %add3A_945, %mul3A_946 : i32
      %dma_start3A_948 = arith.constant 3 : i32
      %dma_start3A_949 = arith.constant 0 : i32
      %dma_start3A_950 = arith.constant 0 : i32
      %dma_start3A_951 = tpu.memref_slice %arg11[%dma_start3A_948, %dma_start3A_949, %dma_start3A_950] : memref<5x80x16xf32, #tpu.memory_space<vmem>> -> memref<1x80x16xf32, #tpu.memory_space<vmem>>
      %dma_start3A_952 = tpu.memref_squeeze %dma_start3A_951 : memref<1x80x16xf32, #tpu.memory_space<vmem>> -> memref<80x16xf32, #tpu.memory_space<vmem>>
      %dma_start3A_953 = tpu.memref_slice %arg6[%mul3A_947] : memref<10000xi32, #tpu.memory_space<vmem>> -> memref<80xi32, #tpu.memory_space<vmem>>
      %dma_start3A_954 = arith.constant 0 : i32
      %dma_start3A_955 = arith.constant 0 : i32
      %dma_start3A_956 = tpu.memref_slice %arg12[%dma_start3A_954, %dma_start3A_955] : memref<10240x16xf32, #tpu.memory_space<vmem_shared>> -> memref<10240x16xf32, #tpu.memory_space<vmem_shared>>
      tpu.enqueue_indirect_dma source(%dma_start3A_956 : memref<10240x16xf32, #tpu.memory_space<vmem_shared>>) target(%dma_start3A_952 : memref<80x16xf32, #tpu.memory_space<vmem>>) offsets(%dma_start3A_953 : memref<80xi32, #tpu.memory_space<vmem>>) semaphore(%arg17 : memref<!tpu.dma_semaphore, #tpu.memory_space<semaphore_mem>>)
      %add3A_957 = arith.constant 4 : i32
      %add3A_958 = arith.addi %mul3A_732, %add3A_957 : i32
      %mul3A_959 = arith.constant 80 : i32
      %mul3A_960 = arith.muli %add3A_958, %mul3A_959 : i32
      %dma_wait3A_961 = arith.constant 4 : i32
      %dma_wait3A_962 = arith.constant 0 : i32
      %dma_wait3A_963 = arith.constant 0 : i32
      %dma_wait3A_964 = tpu.memref_slice %arg11[%dma_wait3A_961, %dma_wait3A_962, %dma_wait3A_963] : memref<5x80x16xf32, #tpu.memory_space<vmem>> -> memref<1x80x16xf32, #tpu.memory_space<vmem>>
      %dma_wait3A_965 = tpu.memref_squeeze %dma_wait3A_964 : memref<1x80x16xf32, #tpu.memory_space<vmem>> -> memref<80x16xf32, #tpu.memory_space<vmem>>
      %dma_wait3A_966 = tpu.memref_slice %arg7[%mul3A_960] : memref<10000xi32, #tpu.memory_space<vmem>> -> memref<80xi32, #tpu.memory_space<vmem>>
      %dma_wait3A_967 = arith.constant 0 : i32
      %dma_wait3A_968 = arith.constant 0 : i32
      %dma_wait3A_969 = tpu.memref_slice %arg13[%dma_wait3A_967, %dma_wait3A_968] : memref<10240x16xf32, #tpu.memory_space<vmem_shared>> -> memref<10240x16xf32, #tpu.memory_space<vmem_shared>>
      tpu.wait_indirect_dma semaphore(%arg23 : memref<!tpu.dma_semaphore, #tpu.memory_space<semaphore_mem>>) src(%dma_wait3A_965 : memref<80x16xf32, #tpu.memory_space<vmem>>) dst(%dma_wait3A_969 : memref<10240x16xf32, #tpu.memory_space<vmem_shared>>)
      %add3A_970 = arith.constant 5 : i32
      %add3A_971 = arith.addi %add3A_958, %add3A_970 : i32
      %mul3A_972 = arith.constant 80 : i32
      %mul3A_973 = arith.muli %add3A_971, %mul3A_972 : i32
      %dma_start3A_974 = arith.constant 4 : i32
      %dma_start3A_975 = arith.constant 0 : i32
      %dma_start3A_976 = arith.constant 0 : i32
      %dma_start3A_977 = tpu.memref_slice %arg11[%dma_start3A_974, %dma_start3A_975, %dma_start3A_976] : memref<5x80x16xf32, #tpu.memory_space<vmem>> -> memref<1x80x16xf32, #tpu.memory_space<vmem>>
      %dma_start3A_978 = tpu.memref_squeeze %dma_start3A_977 : memref<1x80x16xf32, #tpu.memory_space<vmem>> -> memref<80x16xf32, #tpu.memory_space<vmem>>
      %dma_start3A_979 = tpu.memref_slice %arg6[%mul3A_973] : memref<10000xi32, #tpu.memory_space<vmem>> -> memref<80xi32, #tpu.memory_space<vmem>>
      %dma_start3A_980 = arith.constant 0 : i32
      %dma_start3A_981 = arith.constant 0 : i32
      %dma_start3A_982 = tpu.memref_slice %arg12[%dma_start3A_980, %dma_start3A_981] : memref<10240x16xf32, #tpu.memory_space<vmem_shared>> -> memref<10240x16xf32, #tpu.memory_space<vmem_shared>>
      tpu.enqueue_indirect_dma source(%dma_start3A_982 : memref<10240x16xf32, #tpu.memory_space<vmem_shared>>) target(%dma_start3A_978 : memref<80x16xf32, #tpu.memory_space<vmem>>) offsets(%dma_start3A_979 : memref<80xi32, #tpu.memory_space<vmem>>) semaphore(%arg18 : memref<!tpu.dma_semaphore, #tpu.memory_space<semaphore_mem>>)
    }
    %scan3A_579 = arith.constant 24 : i32
    %dma_wait3A = arith.constant 0 : i32
    %dma_wait3A_580 = arith.constant 0 : i32
    %dma_wait3A_581 = arith.constant 0 : i32
    %dma_wait3A_582 = tpu.memref_slice %arg11[%dma_wait3A, %dma_wait3A_580, %dma_wait3A_581] : memref<5x80x16xf32, #tpu.memory_space<vmem>> -> memref<1x80x16xf32, #tpu.memory_space<vmem>>
    %dma_wait3A_583 = tpu.memref_squeeze %dma_wait3A_582 : memref<1x80x16xf32, #tpu.memory_space<vmem>> -> memref<80x16xf32, #tpu.memory_space<vmem>>
    %dma_wait3A_584 = arith.constant 9600 : i32
    %dma_wait3A_585 = tpu.memref_slice %arg6[%dma_wait3A_584] : memref<10000xi32, #tpu.memory_space<vmem>> -> memref<80xi32, #tpu.memory_space<vmem>>
    %dma_wait3A_586 = arith.constant 0 : i32
    %dma_wait3A_587 = arith.constant 0 : i32
    %dma_wait3A_588 = tpu.memref_slice %arg12[%dma_wait3A_586, %dma_wait3A_587] : memref<10240x16xf32, #tpu.memory_space<vmem_shared>> -> memref<10240x16xf32, #tpu.memory_space<vmem_shared>>
    tpu.wait_indirect_dma semaphore(%arg14 : memref<!tpu.dma_semaphore, #tpu.memory_space<semaphore_mem>>) src(%dma_wait3A_588 : memref<10240x16xf32, #tpu.memory_space<vmem_shared>>) dst(%dma_wait3A_583 : memref<80x16xf32, #tpu.memory_space<vmem>>)
    %dma_start3A_589 = arith.constant 0 : i32
    %dma_start3A_590 = arith.constant 0 : i32
    %dma_start3A_591 = arith.constant 0 : i32
    %dma_start3A_592 = tpu.memref_slice %arg11[%dma_start3A_589, %dma_start3A_590, %dma_start3A_591] : memref<5x80x16xf32, #tpu.memory_space<vmem>> -> memref<1x80x16xf32, #tpu.memory_space<vmem>>
    %dma_start3A_593 = tpu.memref_squeeze %dma_start3A_592 : memref<1x80x16xf32, #tpu.memory_space<vmem>> -> memref<80x16xf32, #tpu.memory_space<vmem>>
    %dma_start3A_594 = arith.constant 9600 : i32
    %dma_start3A_595 = tpu.memref_slice %arg7[%dma_start3A_594] : memref<10000xi32, #tpu.memory_space<vmem>> -> memref<80xi32, #tpu.memory_space<vmem>>
    %dma_start3A_596 = arith.constant 0 : i32
    %dma_start3A_597 = arith.constant 0 : i32
    %dma_start3A_598 = tpu.memref_slice %arg13[%dma_start3A_596, %dma_start3A_597] : memref<10240x16xf32, #tpu.memory_space<vmem_shared>> -> memref<10240x16xf32, #tpu.memory_space<vmem_shared>>
    tpu.enqueue_indirect_dma source(%dma_start3A_593 : memref<80x16xf32, #tpu.memory_space<vmem>>) target(%dma_start3A_598 : memref<10240x16xf32, #tpu.memory_space<vmem_shared>>) offsets(%dma_start3A_595 : memref<80xi32, #tpu.memory_space<vmem>>) semaphore(%arg19 : memref<!tpu.dma_semaphore, #tpu.memory_space<semaphore_mem>>) {add = true}
    %dma_wait3A_599 = arith.constant 1 : i32
    %dma_wait3A_600 = arith.constant 0 : i32
    %dma_wait3A_601 = arith.constant 0 : i32
    %dma_wait3A_602 = tpu.memref_slice %arg11[%dma_wait3A_599, %dma_wait3A_600, %dma_wait3A_601] : memref<5x80x16xf32, #tpu.memory_space<vmem>> -> memref<1x80x16xf32, #tpu.memory_space<vmem>>
    %dma_wait3A_603 = tpu.memref_squeeze %dma_wait3A_602 : memref<1x80x16xf32, #tpu.memory_space<vmem>> -> memref<80x16xf32, #tpu.memory_space<vmem>>
    %dma_wait3A_604 = arith.constant 9680 : i32
    %dma_wait3A_605 = tpu.memref_slice %arg6[%dma_wait3A_604] : memref<10000xi32, #tpu.memory_space<vmem>> -> memref<80xi32, #tpu.memory_space<vmem>>
    %dma_wait3A_606 = arith.constant 0 : i32
    %dma_wait3A_607 = arith.constant 0 : i32
    %dma_wait3A_608 = tpu.memref_slice %arg12[%dma_wait3A_606, %dma_wait3A_607] : memref<10240x16xf32, #tpu.memory_space<vmem_shared>> -> memref<10240x16xf32, #tpu.memory_space<vmem_shared>>
    tpu.wait_indirect_dma semaphore(%arg15 : memref<!tpu.dma_semaphore, #tpu.memory_space<semaphore_mem>>) src(%dma_wait3A_608 : memref<10240x16xf32, #tpu.memory_space<vmem_shared>>) dst(%dma_wait3A_603 : memref<80x16xf32, #tpu.memory_space<vmem>>)
    %dma_start3A_609 = arith.constant 1 : i32
    %dma_start3A_610 = arith.constant 0 : i32
    %dma_start3A_611 = arith.constant 0 : i32
    %dma_start3A_612 = tpu.memref_slice %arg11[%dma_start3A_609, %dma_start3A_610, %dma_start3A_611] : memref<5x80x16xf32, #tpu.memory_space<vmem>> -> memref<1x80x16xf32, #tpu.memory_space<vmem>>
    %dma_start3A_613 = tpu.memref_squeeze %dma_start3A_612 : memref<1x80x16xf32, #tpu.memory_space<vmem>> -> memref<80x16xf32, #tpu.memory_space<vmem>>
    %dma_start3A_614 = arith.constant 9680 : i32
    %dma_start3A_615 = tpu.memref_slice %arg7[%dma_start3A_614] : memref<10000xi32, #tpu.memory_space<vmem>> -> memref<80xi32, #tpu.memory_space<vmem>>
    %dma_start3A_616 = arith.constant 0 : i32
    %dma_start3A_617 = arith.constant 0 : i32
    %dma_start3A_618 = tpu.memref_slice %arg13[%dma_start3A_616, %dma_start3A_617] : memref<10240x16xf32, #tpu.memory_space<vmem_shared>> -> memref<10240x16xf32, #tpu.memory_space<vmem_shared>>
    tpu.enqueue_indirect_dma source(%dma_start3A_613 : memref<80x16xf32, #tpu.memory_space<vmem>>) target(%dma_start3A_618 : memref<10240x16xf32, #tpu.memory_space<vmem_shared>>) offsets(%dma_start3A_615 : memref<80xi32, #tpu.memory_space<vmem>>) semaphore(%arg20 : memref<!tpu.dma_semaphore, #tpu.memory_space<semaphore_mem>>) {add = true}
    %dma_wait3A_619 = arith.constant 2 : i32
    %dma_wait3A_620 = arith.constant 0 : i32
    %dma_wait3A_621 = arith.constant 0 : i32
    %dma_wait3A_622 = tpu.memref_slice %arg11[%dma_wait3A_619, %dma_wait3A_620, %dma_wait3A_621] : memref<5x80x16xf32, #tpu.memory_space<vmem>> -> memref<1x80x16xf32, #tpu.memory_space<vmem>>
    %dma_wait3A_623 = tpu.memref_squeeze %dma_wait3A_622 : memref<1x80x16xf32, #tpu.memory_space<vmem>> -> memref<80x16xf32, #tpu.memory_space<vmem>>
    %dma_wait3A_624 = arith.constant 9760 : i32
    %dma_wait3A_625 = tpu.memref_slice %arg6[%dma_wait3A_624] : memref<10000xi32, #tpu.memory_space<vmem>> -> memref<80xi32, #tpu.memory_space<vmem>>
    %dma_wait3A_626 = arith.constant 0 : i32
    %dma_wait3A_627 = arith.constant 0 : i32
    %dma_wait3A_628 = tpu.memref_slice %arg12[%dma_wait3A_626, %dma_wait3A_627] : memref<10240x16xf32, #tpu.memory_space<vmem_shared>> -> memref<10240x16xf32, #tpu.memory_space<vmem_shared>>
    tpu.wait_indirect_dma semaphore(%arg16 : memref<!tpu.dma_semaphore, #tpu.memory_space<semaphore_mem>>) src(%dma_wait3A_628 : memref<10240x16xf32, #tpu.memory_space<vmem_shared>>) dst(%dma_wait3A_623 : memref<80x16xf32, #tpu.memory_space<vmem>>)
    %dma_start3A_629 = arith.constant 2 : i32
    %dma_start3A_630 = arith.constant 0 : i32
    %dma_start3A_631 = arith.constant 0 : i32
    %dma_start3A_632 = tpu.memref_slice %arg11[%dma_start3A_629, %dma_start3A_630, %dma_start3A_631] : memref<5x80x16xf32, #tpu.memory_space<vmem>> -> memref<1x80x16xf32, #tpu.memory_space<vmem>>
    %dma_start3A_633 = tpu.memref_squeeze %dma_start3A_632 : memref<1x80x16xf32, #tpu.memory_space<vmem>> -> memref<80x16xf32, #tpu.memory_space<vmem>>
    %dma_start3A_634 = arith.constant 9760 : i32
    %dma_start3A_635 = tpu.memref_slice %arg7[%dma_start3A_634] : memref<10000xi32, #tpu.memory_space<vmem>> -> memref<80xi32, #tpu.memory_space<vmem>>
    %dma_start3A_636 = arith.constant 0 : i32
    %dma_start3A_637 = arith.constant 0 : i32
    %dma_start3A_638 = tpu.memref_slice %arg13[%dma_start3A_636, %dma_start3A_637] : memref<10240x16xf32, #tpu.memory_space<vmem_shared>> -> memref<10240x16xf32, #tpu.memory_space<vmem_shared>>
    tpu.enqueue_indirect_dma source(%dma_start3A_633 : memref<80x16xf32, #tpu.memory_space<vmem>>) target(%dma_start3A_638 : memref<10240x16xf32, #tpu.memory_space<vmem_shared>>) offsets(%dma_start3A_635 : memref<80xi32, #tpu.memory_space<vmem>>) semaphore(%arg21 : memref<!tpu.dma_semaphore, #tpu.memory_space<semaphore_mem>>) {add = true}
    %dma_wait3A_639 = arith.constant 3 : i32
    %dma_wait3A_640 = arith.constant 0 : i32
    %dma_wait3A_641 = arith.constant 0 : i32
    %dma_wait3A_642 = tpu.memref_slice %arg11[%dma_wait3A_639, %dma_wait3A_640, %dma_wait3A_641] : memref<5x80x16xf32, #tpu.memory_space<vmem>> -> memref<1x80x16xf32, #tpu.memory_space<vmem>>
    %dma_wait3A_643 = tpu.memref_squeeze %dma_wait3A_642 : memref<1x80x16xf32, #tpu.memory_space<vmem>> -> memref<80x16xf32, #tpu.memory_space<vmem>>
    %dma_wait3A_644 = arith.constant 9840 : i32
    %dma_wait3A_645 = tpu.memref_slice %arg6[%dma_wait3A_644] : memref<10000xi32, #tpu.memory_space<vmem>> -> memref<80xi32, #tpu.memory_space<vmem>>
    %dma_wait3A_646 = arith.constant 0 : i32
    %dma_wait3A_647 = arith.constant 0 : i32
    %dma_wait3A_648 = tpu.memref_slice %arg12[%dma_wait3A_646, %dma_wait3A_647] : memref<10240x16xf32, #tpu.memory_space<vmem_shared>> -> memref<10240x16xf32, #tpu.memory_space<vmem_shared>>
    tpu.wait_indirect_dma semaphore(%arg17 : memref<!tpu.dma_semaphore, #tpu.memory_space<semaphore_mem>>) src(%dma_wait3A_648 : memref<10240x16xf32, #tpu.memory_space<vmem_shared>>) dst(%dma_wait3A_643 : memref<80x16xf32, #tpu.memory_space<vmem>>)
    %dma_start3A_649 = arith.constant 3 : i32
    %dma_start3A_650 = arith.constant 0 : i32
    %dma_start3A_651 = arith.constant 0 : i32
    %dma_start3A_652 = tpu.memref_slice %arg11[%dma_start3A_649, %dma_start3A_650, %dma_start3A_651] : memref<5x80x16xf32, #tpu.memory_space<vmem>> -> memref<1x80x16xf32, #tpu.memory_space<vmem>>
    %dma_start3A_653 = tpu.memref_squeeze %dma_start3A_652 : memref<1x80x16xf32, #tpu.memory_space<vmem>> -> memref<80x16xf32, #tpu.memory_space<vmem>>
    %dma_start3A_654 = arith.constant 9840 : i32
    %dma_start3A_655 = tpu.memref_slice %arg7[%dma_start3A_654] : memref<10000xi32, #tpu.memory_space<vmem>> -> memref<80xi32, #tpu.memory_space<vmem>>
    %dma_start3A_656 = arith.constant 0 : i32
    %dma_start3A_657 = arith.constant 0 : i32
    %dma_start3A_658 = tpu.memref_slice %arg13[%dma_start3A_656, %dma_start3A_657] : memref<10240x16xf32, #tpu.memory_space<vmem_shared>> -> memref<10240x16xf32, #tpu.memory_space<vmem_shared>>
    tpu.enqueue_indirect_dma source(%dma_start3A_653 : memref<80x16xf32, #tpu.memory_space<vmem>>) target(%dma_start3A_658 : memref<10240x16xf32, #tpu.memory_space<vmem_shared>>) offsets(%dma_start3A_655 : memref<80xi32, #tpu.memory_space<vmem>>) semaphore(%arg22 : memref<!tpu.dma_semaphore, #tpu.memory_space<semaphore_mem>>) {add = true}
    %dma_wait3A_659 = arith.constant 4 : i32
    %dma_wait3A_660 = arith.constant 0 : i32
    %dma_wait3A_661 = arith.constant 0 : i32
    %dma_wait3A_662 = tpu.memref_slice %arg11[%dma_wait3A_659, %dma_wait3A_660, %dma_wait3A_661] : memref<5x80x16xf32, #tpu.memory_space<vmem>> -> memref<1x80x16xf32, #tpu.memory_space<vmem>>
    %dma_wait3A_663 = tpu.memref_squeeze %dma_wait3A_662 : memref<1x80x16xf32, #tpu.memory_space<vmem>> -> memref<80x16xf32, #tpu.memory_space<vmem>>
    %dma_wait3A_664 = arith.constant 9920 : i32
    %dma_wait3A_665 = tpu.memref_slice %arg6[%dma_wait3A_664] : memref<10000xi32, #tpu.memory_space<vmem>> -> memref<80xi32, #tpu.memory_space<vmem>>
    %dma_wait3A_666 = arith.constant 0 : i32
    %dma_wait3A_667 = arith.constant 0 : i32
    %dma_wait3A_668 = tpu.memref_slice %arg12[%dma_wait3A_666, %dma_wait3A_667] : memref<10240x16xf32, #tpu.memory_space<vmem_shared>> -> memref<10240x16xf32, #tpu.memory_space<vmem_shared>>
    tpu.wait_indirect_dma semaphore(%arg18 : memref<!tpu.dma_semaphore, #tpu.memory_space<semaphore_mem>>) src(%dma_wait3A_668 : memref<10240x16xf32, #tpu.memory_space<vmem_shared>>) dst(%dma_wait3A_663 : memref<80x16xf32, #tpu.memory_space<vmem>>)
    %dma_start3A_669 = arith.constant 4 : i32
    %dma_start3A_670 = arith.constant 0 : i32
    %dma_start3A_671 = arith.constant 0 : i32
    %dma_start3A_672 = tpu.memref_slice %arg11[%dma_start3A_669, %dma_start3A_670, %dma_start3A_671] : memref<5x80x16xf32, #tpu.memory_space<vmem>> -> memref<1x80x16xf32, #tpu.memory_space<vmem>>
    %dma_start3A_673 = tpu.memref_squeeze %dma_start3A_672 : memref<1x80x16xf32, #tpu.memory_space<vmem>> -> memref<80x16xf32, #tpu.memory_space<vmem>>
    %dma_start3A_674 = arith.constant 9920 : i32
    %dma_start3A_675 = tpu.memref_slice %arg7[%dma_start3A_674] : memref<10000xi32, #tpu.memory_space<vmem>> -> memref<80xi32, #tpu.memory_space<vmem>>
    %dma_start3A_676 = arith.constant 0 : i32
    %dma_start3A_677 = arith.constant 0 : i32
    %dma_start3A_678 = tpu.memref_slice %arg13[%dma_start3A_676, %dma_start3A_677] : memref<10240x16xf32, #tpu.memory_space<vmem_shared>> -> memref<10240x16xf32, #tpu.memory_space<vmem_shared>>
    tpu.enqueue_indirect_dma source(%dma_start3A_673 : memref<80x16xf32, #tpu.memory_space<vmem>>) target(%dma_start3A_678 : memref<10240x16xf32, #tpu.memory_space<vmem_shared>>) offsets(%dma_start3A_675 : memref<80xi32, #tpu.memory_space<vmem>>) semaphore(%arg23 : memref<!tpu.dma_semaphore, #tpu.memory_space<semaphore_mem>>) {add = true}
    %dma_wait3A_679 = arith.constant 0 : i32
    %dma_wait3A_680 = arith.constant 0 : i32
    %dma_wait3A_681 = arith.constant 0 : i32
    %dma_wait3A_682 = tpu.memref_slice %arg11[%dma_wait3A_679, %dma_wait3A_680, %dma_wait3A_681] : memref<5x80x16xf32, #tpu.memory_space<vmem>> -> memref<1x80x16xf32, #tpu.memory_space<vmem>>
    %dma_wait3A_683 = tpu.memref_squeeze %dma_wait3A_682 : memref<1x80x16xf32, #tpu.memory_space<vmem>> -> memref<80x16xf32, #tpu.memory_space<vmem>>
    %dma_wait3A_684 = arith.constant 9600 : i32
    %dma_wait3A_685 = tpu.memref_slice %arg7[%dma_wait3A_684] : memref<10000xi32, #tpu.memory_space<vmem>> -> memref<80xi32, #tpu.memory_space<vmem>>
    %dma_wait3A_686 = arith.constant 0 : i32
    %dma_wait3A_687 = arith.constant 0 : i32
    %dma_wait3A_688 = tpu.memref_slice %arg13[%dma_wait3A_686, %dma_wait3A_687] : memref<10240x16xf32, #tpu.memory_space<vmem_shared>> -> memref<10240x16xf32, #tpu.memory_space<vmem_shared>>
    tpu.wait_indirect_dma semaphore(%arg19 : memref<!tpu.dma_semaphore, #tpu.memory_space<semaphore_mem>>) src(%dma_wait3A_683 : memref<80x16xf32, #tpu.memory_space<vmem>>) dst(%dma_wait3A_688 : memref<10240x16xf32, #tpu.memory_space<vmem_shared>>)
    %dma_wait3A_689 = arith.constant 1 : i32
    %dma_wait3A_690 = arith.constant 0 : i32
    %dma_wait3A_691 = arith.constant 0 : i32
    %dma_wait3A_692 = tpu.memref_slice %arg11[%dma_wait3A_689, %dma_wait3A_690, %dma_wait3A_691] : memref<5x80x16xf32, #tpu.memory_space<vmem>> -> memref<1x80x16xf32, #tpu.memory_space<vmem>>
    %dma_wait3A_693 = tpu.memref_squeeze %dma_wait3A_692 : memref<1x80x16xf32, #tpu.memory_space<vmem>> -> memref<80x16xf32, #tpu.memory_space<vmem>>
    %dma_wait3A_694 = arith.constant 9680 : i32
    %dma_wait3A_695 = tpu.memref_slice %arg7[%dma_wait3A_694] : memref<10000xi32, #tpu.memory_space<vmem>> -> memref<80xi32, #tpu.memory_space<vmem>>
    %dma_wait3A_696 = arith.constant 0 : i32
    %dma_wait3A_697 = arith.constant 0 : i32
    %dma_wait3A_698 = tpu.memref_slice %arg13[%dma_wait3A_696, %dma_wait3A_697] : memref<10240x16xf32, #tpu.memory_space<vmem_shared>> -> memref<10240x16xf32, #tpu.memory_space<vmem_shared>>
    tpu.wait_indirect_dma semaphore(%arg20 : memref<!tpu.dma_semaphore, #tpu.memory_space<semaphore_mem>>) src(%dma_wait3A_693 : memref<80x16xf32, #tpu.memory_space<vmem>>) dst(%dma_wait3A_698 : memref<10240x16xf32, #tpu.memory_space<vmem_shared>>)
    %dma_wait3A_699 = arith.constant 2 : i32
    %dma_wait3A_700 = arith.constant 0 : i32
    %dma_wait3A_701 = arith.constant 0 : i32
    %dma_wait3A_702 = tpu.memref_slice %arg11[%dma_wait3A_699, %dma_wait3A_700, %dma_wait3A_701] : memref<5x80x16xf32, #tpu.memory_space<vmem>> -> memref<1x80x16xf32, #tpu.memory_space<vmem>>
    %dma_wait3A_703 = tpu.memref_squeeze %dma_wait3A_702 : memref<1x80x16xf32, #tpu.memory_space<vmem>> -> memref<80x16xf32, #tpu.memory_space<vmem>>
    %dma_wait3A_704 = arith.constant 9760 : i32
    %dma_wait3A_705 = tpu.memref_slice %arg7[%dma_wait3A_704] : memref<10000xi32, #tpu.memory_space<vmem>> -> memref<80xi32, #tpu.memory_space<vmem>>
    %dma_wait3A_706 = arith.constant 0 : i32
    %dma_wait3A_707 = arith.constant 0 : i32
    %dma_wait3A_708 = tpu.memref_slice %arg13[%dma_wait3A_706, %dma_wait3A_707] : memref<10240x16xf32, #tpu.memory_space<vmem_shared>> -> memref<10240x16xf32, #tpu.memory_space<vmem_shared>>
    tpu.wait_indirect_dma semaphore(%arg21 : memref<!tpu.dma_semaphore, #tpu.memory_space<semaphore_mem>>) src(%dma_wait3A_703 : memref<80x16xf32, #tpu.memory_space<vmem>>) dst(%dma_wait3A_708 : memref<10240x16xf32, #tpu.memory_space<vmem_shared>>)
    %dma_wait3A_709 = arith.constant 3 : i32
    %dma_wait3A_710 = arith.constant 0 : i32
    %dma_wait3A_711 = arith.constant 0 : i32
    %dma_wait3A_712 = tpu.memref_slice %arg11[%dma_wait3A_709, %dma_wait3A_710, %dma_wait3A_711] : memref<5x80x16xf32, #tpu.memory_space<vmem>> -> memref<1x80x16xf32, #tpu.memory_space<vmem>>
    %dma_wait3A_713 = tpu.memref_squeeze %dma_wait3A_712 : memref<1x80x16xf32, #tpu.memory_space<vmem>> -> memref<80x16xf32, #tpu.memory_space<vmem>>
    %dma_wait3A_714 = arith.constant 9840 : i32
    %dma_wait3A_715 = tpu.memref_slice %arg7[%dma_wait3A_714] : memref<10000xi32, #tpu.memory_space<vmem>> -> memref<80xi32, #tpu.memory_space<vmem>>
    %dma_wait3A_716 = arith.constant 0 : i32
    %dma_wait3A_717 = arith.constant 0 : i32
    %dma_wait3A_718 = tpu.memref_slice %arg13[%dma_wait3A_716, %dma_wait3A_717] : memref<10240x16xf32, #tpu.memory_space<vmem_shared>> -> memref<10240x16xf32, #tpu.memory_space<vmem_shared>>
    tpu.wait_indirect_dma semaphore(%arg22 : memref<!tpu.dma_semaphore, #tpu.memory_space<semaphore_mem>>) src(%dma_wait3A_713 : memref<80x16xf32, #tpu.memory_space<vmem>>) dst(%dma_wait3A_718 : memref<10240x16xf32, #tpu.memory_space<vmem_shared>>)
    %dma_wait3A_719 = arith.constant 4 : i32
    %dma_wait3A_720 = arith.constant 0 : i32
    %dma_wait3A_721 = arith.constant 0 : i32
    %dma_wait3A_722 = tpu.memref_slice %arg11[%dma_wait3A_719, %dma_wait3A_720, %dma_wait3A_721] : memref<5x80x16xf32, #tpu.memory_space<vmem>> -> memref<1x80x16xf32, #tpu.memory_space<vmem>>
    %dma_wait3A_723 = tpu.memref_squeeze %dma_wait3A_722 : memref<1x80x16xf32, #tpu.memory_space<vmem>> -> memref<80x16xf32, #tpu.memory_space<vmem>>
    %dma_wait3A_724 = arith.constant 9920 : i32
    %dma_wait3A_725 = tpu.memref_slice %arg7[%dma_wait3A_724] : memref<10000xi32, #tpu.memory_space<vmem>> -> memref<80xi32, #tpu.memory_space<vmem>>
    %dma_wait3A_726 = arith.constant 0 : i32
    %dma_wait3A_727 = arith.constant 0 : i32
    %dma_wait3A_728 = tpu.memref_slice %arg13[%dma_wait3A_726, %dma_wait3A_727] : memref<10240x16xf32, #tpu.memory_space<vmem_shared>> -> memref<10240x16xf32, #tpu.memory_space<vmem_shared>>
    tpu.wait_indirect_dma semaphore(%arg23 : memref<!tpu.dma_semaphore, #tpu.memory_space<semaphore_mem>>) src(%dma_wait3A_723 : memref<80x16xf32, #tpu.memory_space<vmem>>) dst(%dma_wait3A_728 : memref<10240x16xf32, #tpu.memory_space<vmem_shared>>)
    %barrier3A_729 = arith.constant 0 : index
    tpu.barrier barrier_id(%barrier3A_729)
    "tpu.region"() ({
      %run_scoped3A_730 = tpu.sem_alloc : memref<!tpu.dma_semaphore, #tpu.memory_space<semaphore_mem>>
      %dma_start3A_731 = arith.constant 0 : i32
      %dma_start3A_732 = arith.constant 0 : i32
      %dma_start3A_733 = tpu.memref_slice %arg5[%arg0, %dma_start3A_731, %dma_start3A_732] : memref<2x10240x16xf32, #tpu.memory_space<hbm>> -> memref<1x10240x16xf32, #tpu.memory_space<hbm>>
      %dma_start3A_734 = tpu.memref_squeeze %dma_start3A_733 : memref<1x10240x16xf32, #tpu.memory_space<hbm>> -> memref<10240x16xf32, #tpu.memory_space<hbm>>
      %dma_start3A_735 = arith.constant 0 : i32
      %dma_start3A_736 = tpu.memref_slice %dma_start3A_734[%mul3A_2, %dma_start3A_735] : memref<10240x16xf32, #tpu.memory_space<hbm>> -> memref<640x16xf32, #tpu.memory_space<hbm>>
      %dma_start3A_737 = arith.constant 0 : i32
      %dma_start3A_738 = tpu.memref_slice %arg13[%mul3A_2, %dma_start3A_737] : memref<10240x16xf32, #tpu.memory_space<vmem_shared>> -> memref<640x16xf32, #tpu.memory_space<vmem_shared>>
      tpu.enqueue_dma source(%dma_start3A_738 : memref<640x16xf32, #tpu.memory_space<vmem_shared>>) target(%dma_start3A_736 : memref<640x16xf32, #tpu.memory_space<hbm>>) target_semaphore(%run_scoped3A_730 : memref<!tpu.dma_semaphore, #tpu.memory_space<semaphore_mem>>)
      %dma_wait3A_739 = arith.constant 0 : i32
      %dma_wait3A_740 = arith.constant 0 : i32
      %dma_wait3A_741 = tpu.memref_slice %arg5[%arg0, %dma_wait3A_739, %dma_wait3A_740] : memref<2x10240x16xf32, #tpu.memory_space<hbm>> -> memref<1x10240x16xf32, #tpu.memory_space<hbm>>
      %dma_wait3A_742 = tpu.memref_squeeze %dma_wait3A_741 : memref<1x10240x16xf32, #tpu.memory_space<hbm>> -> memref<10240x16xf32, #tpu.memory_space<hbm>>
      %dma_wait3A_743 = arith.constant 0 : i32
      %dma_wait3A_744 = tpu.memref_slice %dma_wait3A_742[%mul3A_2, %dma_wait3A_743] : memref<10240x16xf32, #tpu.memory_space<hbm>> -> memref<640x16xf32, #tpu.memory_space<hbm>>
      %dma_wait3A_745 = arith.constant 0 : i32
      %dma_wait3A_746 = tpu.memref_slice %arg13[%mul3A_2, %dma_wait3A_745] : memref<10240x16xf32, #tpu.memory_space<vmem_shared>> -> memref<640x16xf32, #tpu.memory_space<vmem_shared>>
      tpu.wait_dma2 semaphore(%run_scoped3A_730 : memref<!tpu.dma_semaphore, #tpu.memory_space<semaphore_mem>>) src(%dma_wait3A_746 : memref<640x16xf32, #tpu.memory_space<vmem_shared>>) dst(%dma_wait3A_744 : memref<640x16xf32, #tpu.memory_space<hbm>>)
      tpu.yield
    }) : () -> ()
    return
  }
}

module attributes {stable_mosaic.version = 14 : i64} {
  func.func @_linear_body(%arg0: memref<10000x128xf32, #tpu.memory_space<vmem>>, %arg1: memref<16x128xf32, #tpu.memory_space<vmem>>, %arg2: memref<10240x16xf32, #tpu.memory_space<vmem>>) attributes {dimension_semantics = [], scalar_prefetch = 0 : i64, scratch_operands = 0 : i64, tpu.core_type = #tpu.core_type<tc>} {
    %get3A = arith.constant 0 : index
    %get3A_0 = arith.constant 0 : index
    %get3A_1 = vector.load %arg0[%get3A, %get3A_0] : memref<10000x128xf32, #tpu.memory_space<vmem>>, vector<10000x128xf32>
    %get3A_2 = arith.constant 0 : index
    %get3A_3 = arith.constant 0 : index
    %get3A_4 = vector.load %arg1[%get3A_2, %get3A_3] : memref<16x128xf32, #tpu.memory_space<vmem>>, vector<16x128xf32>
    %dot_general3A = arith.constant dense<0.000000e+00> : vector<10000x16xf32>
    %dot_general3A_5 = tpu.matmul %get3A_1, %get3A_4, %dot_general3A {dimension_numbers = #tpu.dot_dimension_numbers<[1], [1], [0], [0], [0, 0, 1, 0], [], []>, transpose_lhs_hint = false} : vector<10000x128xf32>, vector<16x128xf32>, vector<10000x16xf32> -> vector<10000x16xf32>
    %swap3A = arith.constant 0 : index
    %swap3A_6 = arith.constant 0 : index
    %swap3A_7 = vector.load %arg2[%swap3A, %swap3A_6] : memref<10240x16xf32, #tpu.memory_space<vmem>>, vector<10000x16xf32>
    tpu.vector_store %arg2[%swap3A, %swap3A_6], %dot_general3A_5 {strides = array<i32>} : memref<10240x16xf32, #tpu.memory_space<vmem>>, vector<10000x16xf32>,
    %broadcast_in_dim3A = arith.constant 0.000000e+00 : f32
    %broadcast_in_dim3A_8 = vector.broadcast %broadcast_in_dim3A : f32 to vector<240x16xf32>
    %swap3A_9 = arith.constant 10000 : index
    %swap3A_10 = arith.constant 0 : index
    %swap3A_11 = vector.load %arg2[%swap3A_9, %swap3A_10] : memref<10240x16xf32, #tpu.memory_space<vmem>>, vector<240x16xf32>
    tpu.vector_store %arg2[%swap3A_9, %swap3A_10], %broadcast_in_dim3A_8 {strides = array<i32>} : memref<10240x16xf32, #tpu.memory_space<vmem>>, vector<240x16xf32>,
    return
  }
}

</mosaic_0001>

<sc_bundles>
// kernel: kernel.12.cloned.1.call-start
scs
__scs_entry_jumppad:
0x0: {  	(pc) =	sbr.rel $0x88, $3  }
0x1: {  	(tag) =	ssettag $0x0;
	lr =	simm.s32 $0x1  }
0x2: {  	[smem:$0x3F9D] =	sst lr;
	_ =	strace $0xD0000000  }
0x3: {  	_ = 	snop  }
0x4: {  	_ = 	snop  }
0x5: {  	_ = 	snop  }
0x6: {  	_ = 	snop  }
0x7: {  	_ = 	snop  }
__scs_overlays_trampoline_lowered:
0x8: {  	[smem:$0x3FAC] =	sst s0  }
0x9: {  	[smem:$0x3FAD] =	sst s1  }
0xa: {  	[smem:$0x3FAE] =	sst s2  }
0xb: {  	[smem:$0x3FAF] =	sst s3  }
0xc: {  	[smem:$0x3FB0] =	sst s4  }
0xd: {  	[smem:$0x3FB1] =	sst s5  }
0xe: {  	[smem:$0x3FB2] =	sst s6  }
0xf: {  	[smem:$0x3FB3] =	sst s7  }
0x10: {  	[smem:$0x3FB4] =	sst s8  }
0x11: {  	[smem:$0x3FB5] =	sst s9;
	s0 =	simm.s32 @!p0 $0x0  }
0x12: {  	s1 =	sld [smem:$0x3F9B];
	s0 =	simm.s32 @p0 $0x1  }
0x13: {  	[smem:$0x3FB6] =	sst s0;
	s0 =	simm.s32 @!p1 $0x0  }
0x14: {  	s2 =	sld [smem:$0x3F9A];
	s0 =	simm.s32 @p1 $0x1  }
0x15: {  	[smem:$0x3FB7] =	sst s0;
	s0 =	simm.s32 @!p2 $0x0  }
0x16: {  	s3 =	sld [smem:$0x3FDB];
	s0 =	simm.s32 @p2 $0x1  }
0x17: {  	s4 =	simm.s32 $0x1BF5;
	[smem:$0x3FB9] =	sst s0  }
0x18: {  	s0 =	sld [smem:$0x3F9C];
	_ =	swait.ge [sflag:s4], $0x0  }
0x19: {  	s7 =	sld [smem:$0x3F9D]  }
0x1a: {  	s8 =	sadd.s32 $0xFFFFE003, lr  }
0x1b: {  	s9 =	sadd.s32 $0xFFFFFEF7, lr;
	s5 =	simm.s32 $0xFFFFFFFF;
	p2 =	slt.u32 s8, $0xFFFFF086  }
0x1c: {  	p1 =	slt.u32 s9, $0xF7A;
	s5 =	simm.s32 @!p2 $0x0  }
0x1d: {  	s5 =	simm.s32 @p1 $0x1;
	p0 =	seq.s32 s7, s2  }
0x1e: {  	s7 =	smul.u32 @!p0 $0xF7A, s2;
	p2 =	seq.s32 @!p0 s5, $0x0  }
0x1f: {  	s9 =	smul.u32 $0xF7A, s1;
	s8 =	simm.s32 @!p0 $0x1BF5;
	p2 =	por !p2, p0  }
0x20: {  	[sflag:s8] =	ssyncset.s32 @!p0 $0xFFFFF086;
	s6 =	sadd.s32 @!p0 s3, s7;
	s7 =	simm.s32 @!p0 $0x108  }
0x21: {  	s3 =	sadd.s32 s3, s9;
	s6 =	sadd.s32 @!p0 $0x88, s6;
	s7 =	simm.s32 @p2 $0x1082  }
0x22: {  	[simem:s7], [sflag:s8] =	dma.local @!p0 [hbm:s6], $0xF7A  }
0x23: {  	s9 =	sor.u32 $0xD0000000, s2;
	s6 =	simm.s32 $0x108;
	_ =	swait.ge @!p0 [sflag:s8], $0x0  }
0x24: {  	s3 =	sadd.s32 $0x88, s3;
	s6 =	simm.s32 @!p1 $0x1082;
	[sflag:s4] =	ssyncset.s32 $0xFFFFF086  }
0x25: {  	[simem:s6], [sflag:s4] =	dma.local [hbm:s3], $0xF7A  }
0x26: {  	[smem:$0x3F9D] =	sst s1;
	(tag) =	ssettag s2;
	_ =	strace s9  }
0x27: {  	s1 =	sld [smem:$0x3FAD]  }
0x28: {  	s2 =	sld [smem:$0x3FAE]  }
0x29: {  	s4 =	sld [smem:$0x3FB0]  }
0x2a: {  	p0 =	seq.s32 s5, $0x0;
	s5 =	sld [smem:$0x3FB1]  }
0x2b: {  	s6 =	sld [smem:$0x3FB2]  }
0x2c: {  	s7 =	sld [smem:$0x3FB3]  }
0x2d: {  	s3 =	simm.s32 $0x108;
	s8 =	sld [smem:$0x3FB4]  }
0x2e: {  	s3 =	simm.s32 @!p0 $0x1082;
	s9 =	sld [smem:$0x3FB5]  }
0x2f: {  	lr =	sadd.s32 s0, s3;
	s0 =	sld [smem:$0x3FAC]  }
0x30: {  	s3 =	sld [smem:$0x3FAF]  }
0x31: {  	[smem:$0x3FB8] =	sst s10  }
0x32: {  	s10 =	sld [smem:$0x3FB6];
	_ =	sdelay $0x3  }
0x33: {  	p0 =	seq.s32 s10, $0x1;
	s10 =	sld [smem:$0x3FB8];
	_ =	sdelay $0x3  }
0x34: {  	[smem:$0x3FB8] =	sst s10  }
0x35: {  	s10 =	sld [smem:$0x3FB7];
	_ =	sdelay $0x3  }
0x36: {  	p1 =	seq.s32 s10, $0x1;
	s10 =	sld [smem:$0x3FB8];
	_ =	sdelay $0x3  }
0x37: {  	[smem:$0x3FB8] =	sst s10  }
0x38: {  	s10 =	sld [smem:$0x3FB9]  }
0x39: {  	_ = 	snop;
	(pc) =	sbr.ind lr, $3  }
0x3a: {  	_ = 	snop  }
0x3b: {  	_ = 	snop  }
0x3c: {  	p2 =	seq.s32 s10, $0x1;
	s10 =	sld [smem:$0x3FB8]  }
0x3d: {  	_ =	shalt  }
0x3e: {  	_ =	shalt  }
0x3f: {  	_ =	shalt  }
0x40: {  	_ =	shalt  }
0x41: {  	_ =	shalt  }
0x42: {  	_ =	shalt  }
0x43: {  	_ =	shalt  }
0x44: {  	_ =	shalt  }
0x45: {  	_ =	shalt  }
0x46: {  	_ =	shalt  }
0x47: {  	_ =	shalt  }
0x48: {  	_ =	shalt  }
0x49: {  	_ =	shalt  }
0x4a: {  	_ =	shalt  }
0x4b: {  	_ =	shalt  }
0x4c: {  	_ =	shalt  }
0x4d: {  	_ =	shalt  }
0x4e: {  	_ =	shalt  }
0x4f: {  	_ =	shalt  }
0x50: {  	_ =	shalt  }
0x51: {  	_ =	shalt  }
0x52: {  	_ =	shalt  }
0x53: {  	_ =	shalt  }
0x54: {  	_ =	shalt  }
0x55: {  	_ =	shalt  }
0x56: {  	_ =	shalt  }
0x57: {  	_ =	shalt  }
0x58: {  	_ =	shalt  }
0x59: {  	_ =	shalt  }
0x5a: {  	_ =	shalt  }
0x5b: {  	_ =	shalt  }
0x5c: {  	_ =	shalt  }
0x5d: {  	_ =	shalt  }
0x5e: {  	_ =	shalt  }
0x5f: {  	_ =	shalt  }
0x60: {  	_ =	shalt  }
0x61: {  	_ =	shalt  }
0x62: {  	_ =	shalt  }
0x63: {  	_ =	shalt  }
0x64: {  	_ =	shalt  }
0x65: {  	_ =	shalt  }
0x66: {  	_ =	shalt  }
0x67: {  	_ =	shalt  }
0x68: {  	_ =	shalt  }
0x69: {  	_ =	shalt  }
0x6a: {  	_ =	shalt  }
0x6b: {  	_ =	shalt  }
0x6c: {  	_ =	shalt  }
0x6d: {  	_ =	shalt  }
0x6e: {  	_ =	shalt  }
0x6f: {  	_ =	shalt  }
0x70: {  	_ =	shalt  }
0x71: {  	_ =	shalt  }
0x72: {  	_ =	shalt  }
0x73: {  	_ =	shalt  }
0x74: {  	_ =	shalt  }
0x75: {  	_ =	shalt  }
0x76: {  	_ =	shalt  }
0x77: {  	_ =	shalt  }
0x78: {  	_ =	shalt  }
0x79: {  	_ =	shalt  }
0x7a: {  	_ =	shalt  }
0x7b: {  	_ =	shalt  }
0x7c: {  	_ =	shalt  }
0x7d: {  	_ =	shalt  }
0x7e: {  	_ =	shalt  }
0x7f: {  	_ =	shalt  }
0x80: {  	_ =	shalt  }
0x81: {  	_ =	shalt  }
0x82: {  	_ =	shalt  }
0x83: {  	_ =	shalt  }
0x84: {  	_ =	shalt  }
0x85: {  	_ =	shalt  }
0x86: {  	_ =	shalt  }
0x87: {  	_ =	shalt  }
.Lfunc_end0:
.L_simem_size_0:
called_computation.2_lowered:
.L_overlay_start_0:
0x88: {  	s2 =	sld [smem:$0x3FD9]  }
0x89: {  	s3 =	sld [smem:$0x3FFE];
	_ =	sdelay $0x1  }
0x8a: {  	s1 =	srdreg.scid  }
0x8b: {  	s0 =	sand.u32 $0x1, s1  }
0x8c: {  	s17 =	sshll.u32 s0, $0xA;
	s2 =	sadd.s32 s3, s2  }
0x8d: {  	s2 =	sadd.s32 s2, s17  }
0x8e: {  	[smem:$0x3FC4] =	sst s2  }
0x8f: {  	_ = 	snop  }
0x90: {  	s2 =	sld [smem:$0x3FC6]  }
0x91: {  	s18 =	sld [smem:$0x3FD0];
	(tm) =	ssettm $0x1  }
0x92: {  	s4 =	sld [smem:$0x3FFB];
	_ =	sdelay $0x3  }
0x93: {  	_ =	strace s4  }
0x94: {  	s4 =	sld [smem:$0x3FFC];
	_ =	sdelay $0x3  }
0x95: {  	_ =	strace s4  }
0x96: {  	s4 =	sld [smem:$0x3FFD];
	_ =	sdelay $0x3  }
0x97: {  	_ =	strace s4  }
0x98: {  	_ =	strace $0x8FFFFFFF  }
0x99: {  	s19 =	sld [smem:$0x3FDB];
	_ =	sdelay $0x1  }
0x9a: {  	s5 =	simm.s32 $_scs_section_size  }
0x9b: {  	s6 =	simm.s32 $_size__tile_overlayer_lowered;
	s7 =	simm.s32 $_tile_overlayer_lowered  }
0x9c: {  	s22 =	simm.s32 $0x1BFF;
	s21 =	sshll.u32 s7, $0x1;
	s4 =	sadd.s32 s5, s19  }
0x9d: {  	s8 =	simm.s32 $0x0;
	s20 =	sshll.u32 s6, $0x1;
	s6 =	sadd.s32 s21, s4  }
0x9e: {  	[timem:s8], [sflag:s22] =	dma.local [hbm:s6], s20  }
0x9f: {  	_ =	swait.ge [sflag:s22], s20  }
0xa0: {  	s5 =	ssub.s32 $0x0, s20;
	[sflag:s22] =	ssyncset.done $0x0  }
0xa1: {  	[sflag:s22] =	ssyncadd.s32 s5;
	_ =	sdelay $0x1  }
0xa2: {  	s23 =	simm.s32 $0x1B8B  }
0xa3: {  	_ =	swait.ge [sflag:s23], $0x1  }
0xa4: {  	[sflag:s23] =	ssyncset.done $0x0  }
0xa5: {  	s25 =	simm.s32 $0x1B8E;
	s24 =	sld [smem:$0x3FFE];
	[sflag:s23] =	ssyncadd.s32 $0xFFFFFFFF  }
0xa6: {  	s26 =	simm.s32 $execute0_lowered;
	[smem:$0x3FD2] =	sst s25  }
0xa7: {  	s6 =	sshll.u32 s26, $0x1;
	_ =	strace $0x8000004C;
	[dreg:$0x1] =	wrdreg $0xFFFFFFFF  }
0xa8: {  	s28 =	simm.s32 $_size_execute0_lowered;
	s4 =	sadd.s32 s4, s6;
	[dreg:$0x0] =	wrdreg $0x0  }
0xa9: {  	s6 =	sshll.u32 s28, $0x1;
	[dreg:$0x2] =	wrdreg s4  }
0xaa: {  	[dreg:$0x3] =	wrdreg s6  }
0xab: {  	[dreg:$0x4] =	wrdreg $0xC0  }
0xac: {  	_ =	task [dreg:s8], $0x5FFFF  }
0xad: {  	[dreg:$0x1] =	wrdreg $0xFFFFFFFF  }
0xae: {  	[dreg:$0x0] =	wrdreg $0x60  }
0xaf: {  	[dreg:$0x2] =	wrdreg s24  }
0xb0: {  	[dreg:$0x3] =	wrdreg s18  }
0xb1: {  	[dreg:$0x4] =	wrdreg s2  }
0xb2: {  	[dreg:$0x5] =	wrdreg $0x9  }
0xb3: {  	_ =	task.clear_ibuf [dreg:s8], $0x6FFFF;
	_ =	strace $0x9000004C  }
0xb4: {  	s29 =	simm.s32 $0x9;
	_ =	strace $0x8000004E  }
0xb5: {  	_ =	swait.ge [sflag:s29], $0x1  }
0xb6: {  	[sflag:s29] =	ssyncadd.s32 $0xFFFFFFFF  }
0xb7: {  	_ =	strace $0x9000004E  }
0xb8: {  	_ =	sfence  }
0xb9: {  	s30 =	sld [smem:$0x0];
	_ =	sdelay $0x2  }
0xba: {  	s31 =	sshll.u32 s1, $0xD;
	s1 =	sshrl.u32 s1, $0x2  }
0xbb: {  	s3 =	sand.u32 $0x4000, s31;
	s1 =	sadd.s32 s1, s30  }
0xbc: {  	s0 =	sor.u32 s3, s0;
	s1 =	sshll.u32 s1, $0x11  }
0xbd: {  	s0 =	sor.u32 s1, s0  }
0xbe: {  	s0 =	sadd.s32 $0x8F2B, s0  }
0xbf: {  	[sflag:s0] =	ssyncadd.remote.s32 $0x1  }
0xc0: {  	_ =	sfence.sel $0xFFFF  }
0xc1: {  	[dreg:$0x0] =	wrdreg $0xFFFFFFFF;
	(pc) =	sbr.abs _section_cstart, $3  }
0xc2: {  	[dreg:$0x1] =	wrdreg $0xFFFFFFFF  }
0xc3: {  	_ =	task.clear_ibuf [dreg:s8], $0x2FFFF;
	_ =	strace $0x9FFFFFFF  }
0xc4: {  	(tm) =	ssettm $0x7FFFFFFF  }
0xc5: {  	_ =	shalt  }
tec
execute0_lowered:
.L_overlay_start_1:
0x0: {  	(tag) =	ssettag $0x1  }
0x1: {  	s5 =	rddreg [dreg:$0x0]  }
0x2: {  	s7 =	rddreg [dreg:$0x1];
	s1 =	srdreg.scid  }
0x3: {  	s0 =	stileid.u32;
	s2 =	rddreg [dreg:$0x2]  }
0x4: {  	s3 =	simm.s32 $0x0;
	s4 =	sand.u32 $0x1, s1;
	s6 =	sshll.u32 s0, $0x1  }
0x5: {  	s12 =	simm.s32 $0x2800;
	s1 =	rddreg [dreg:$0x3];
	s6 =	sor.u32 s4, s6  }
0x6: {  	s15 =	simm.s32 $0x0;
	[smem:$0x7FF] =	sst s3;
	s10 =	smul.u32 $0x280, s6  }
0x7: {  	s11 =	sadd.s32 $0x1F000, s5;
	s4 =	ssub.s32 $0x2, s4;
	s13 =	smul.u32 $0x28, s6  }
0x8: {  	s14 =	sadd.s32 $0x500, s7;
	_ =	strace $0x8000004D;
	s9 =	sshrl.u32 s4, $0x1  }
0x9: {  	s9 =	ssub.s32 s4, s9;
	s8 =	sadd.s32 s10, s5;
	s6 =	sadd.s32 s7, s13  }
0xa: {  	s10 =	sadd.s32 s10, s11;
	s11 =	simm.s32 $0x1400;
	s13 =	sadd.s32 s13, s14  }
0xb: {  	s14 =	simm.s32 $0x3E80;
	s4 =	sadd.s32 $0x1A000, s8;
	s5 =	sadd.s32 $0x15000, s8  }
0xc: {  	s7 =	sadd.s32 $0x1600, s8;
	s8 =	smax.u32 s9, $0x1;
	s9 =	simm.s32 $0x1  }
.LBB2_1:
0xd: {  	[tilespmem:s3], [sflag:$0x1] =	stream.linear.gather [hbm4b:s4+s3], $0x1400, $0x38;
	[tilespmem:$0x3E90] =	vst v63  }
0xe: {  	_ =	swait.ge [sflag:s9], $0x1400  }
0xf: {  	[sflag:s9] =	ssyncset.done $0x0  }
0x10: {  	[sflag:s9] =	ssyncadd.s32 $0xFFFFEC00  }
0x11: {  	[tilespmem:s11], [sflag:$0x1] =	stream.linear.gather [hbm4b:s10+s3], $0x1400, $0x38;
	[tilespmem:$0x3E90] =	vst v63  }
0x12: {  	_ =	swait.ge [sflag:s9], $0x1400  }
0x13: {  	[sflag:s9] =	ssyncset.done $0x0  }
0x14: {  	[sflag:s9] =	ssyncadd.s32 $0xFFFFEC00  }
0x15: {  	[tilespmem:s12], [sflag:$0x1] =	stream.linear.gather [hbm4b:s5+s3], $0x1400, $0x38;
	[tilespmem:$0x3E90] =	vst v63  }
0x16: {  	_ =	swait.ge [sflag:s9], $0x1400  }
0x17: {  	[sflag:s9] =	ssyncset.done $0x0  }
0x18: {  	s17 =	simm.s32 $0x3C00;
	[sflag:s9] =	ssyncadd.s32 $0xFFFFEC00  }
0x19: {  	[tilespmem:s17], [sflag:$0x1] =	stream.linear.gather [hbm4b:s6+s3], $0x140, $0x38;
	[tilespmem:$0x3E90] =	vst v63  }
0x1a: {  	_ =	swait.ge [sflag:s9], $0x140  }
0x1b: {  	[sflag:s9] =	ssyncset.done $0x0  }
0x1c: {  	s18 =	simm.s32 $0x3D40;
	[sflag:s9] =	ssyncadd.s32 $0xFFFFFEC0  }
0x1d: {  	[tilespmem:s18], [sflag:$0x1] =	stream.linear.gather [hbm4b:s13+s3], $0x140, $0x38;
	[tilespmem:$0x3E90] =	vst v63  }
0x1e: {  	_ =	swait.ge [sflag:s9], $0x140  }
0x1f: {  	[sflag:s9] =	ssyncset.done $0x0  }
0x20: {  	[sflag:s9] =	ssyncadd.s32 $0xFFFFFEC0  }
0x21: {  	[tilespmem:s14], [sflag:$0x1] =	stream.linear.gather [hbm4b:s2+s3], $0x10, $0x38;
	[tilespmem:$0x3E90] =	vst v63  }
0x22: {  	_ =	swait.ge [sflag:s9], $0x10  }
0x23: {  	[sflag:s9] =	ssyncset.done $0x0  }
0x24: {  	[sflag:s9] =	ssyncadd.s32 $0xFFFFFFF0  }
0x25: {  	v1 =	vld [tilespmem:s18+$0x0]  }
0x26: {  	v2 =	vld [tilespmem:s17+$0x0];
	_ =	sdelay $0x1  }
0x27: {  	s16 =	simm.s32 $0x0;
	v0 =	vld [tilespmem:$0x3E80]  }
0x28: {  	v3 =	vld [tilespmem:s16+$0x1480]  }
0x29: {  	v4 =	vld [tilespmem:s16+$0x80]  }
0x2a: {  	v5 =	vld [tilespmem:s16+$0x1410];
	v1 =	vadd.f32 v1, v2  }
0x2b: {  	v9 =	vld [tilespmem:s16+$0x1470]  }
0x2c: {  	v6 =	vld [tilespmem:s16+$0x1490];
	v1 =	vadd.f32 $1.000000000e+00, v1  }
0x2d: {  	v7 =	vld [tilespmem:s16+$0xA0]  }
0x2e: {  	v11 =	vld [tilespmem:s16+$0x14A0];
	v8 =	vshrl.u32 v1, $0x1;
	v10 =	vmul.f32 $5.000000000e-01, v1  }
0x2f: {  	v12 =	vld [tilespmem:s16+$0x40];
	v8 =	vsub.s32 $0x5F3759DF, v8  }
0x30: {  	v17 =	vld [tilespmem:s16+$0x1440];
	v1 =	vmul.f32 v8, v10  }
0x31: {  	v18 =	vld [tilespmem:s16+$0x50]  }
0x32: {  	v19 =	vld [tilespmem:s16+$0x1450];
	v13 =	vmul.f32 v8, v1  }
0x33: {  	v20 =	vld [tilespmem:s16+$0xD0]  }
0x34: {  	v21 =	vld [tilespmem:s16+$0x14D0];
	v13 =	vsub.f32 $1.500000000e+00, v13  }
0x35: {  	v15 =	vld [tilespmem:s16+$0x28A0]  }
0x36: {  	v27 =	vld [tilespmem:s16+$0x60];
	v8 =	vmul.f32 v8, v13  }
0x37: {  	v22 =	vld [tilespmem:s16+$0x10]  }
0x38: {  	v26 =	vld [tilespmem:s16+$0x0];
	v13 =	vmul.f32 v8, v10  }
0x39: {  	v24 =	vld [tilespmem:s16+$0xE0]  }
0x3a: {  	v28 =	vld [tilespmem:s16+$0x14E0];
	v13 =	vmul.f32 v13, v8  }
0x3b: {  	v29 =	vld [tilespmem:s16+$0xF0]  }
0x3c: {  	v30 =	vld [tilespmem:s16+$0x20];
	v13 =	vsub.f32 $1.500000000e+00, v13  }
0x3d: {  	v31 =	vld [tilespmem:s16+$0x1420]  }
0x3e: {  	v32 =	vld [tilespmem:s16+$0x14F0];
	v8 =	vmul.f32 v13, v8  }
0x3f: {  	v33 =	vld [tilespmem:s16+$0x1400]  }
0x40: {  	v34 =	vld [tilespmem:s16+$0x1460];
	v10 =	vmul.f32 v8, v10  }
0x41: {  	v2 =	vld [tilespmem:s16+$0x90]  }
0x42: {  	v23 =	vld [tilespmem:s16+$0x1430];
	v10 =	vmul.f32 v10, v8  }
0x43: {  	v25 =	vld [tilespmem:s16+$0x30];
	v16 =	vadd.f32 v3, v4;
	v12 =	vadd.f32 v17, v12  }
0x44: {  	v35 =	vld [tilespmem:s16+$0x2880];
	v3 =	vadd.f32 v19, v18;
	v4 =	vsub.f32 $1.500000000e+00, v10  }
0x45: {  	v18 =	vadd.f32 v5, v22;
	v5 =	vadd.f32 v31, v30;
	v22 =	vld [tilespmem:s16+$0x2870]  }
0x46: {  	v14 =	vadd.f32 v6, v2;
	v2 =	vadd.f32 v21, v20;
	v21 =	vld [tilespmem:s16+$0x2810];
	v10 =	vmul.f32 v4, v8  }
0x47: {  	v19 =	vadd.f32 v34, v27;
	v4 =	vadd.f32 v28, v24;
	v28 =	vld [tilespmem:s16+$0x2830]  }
0x48: {  	v27 =	vld [tilespmem:s16+$0x2890];
	v13 =	vadd.f32 v11, v7;
	v7 =	vbroadcast v10, $0x0;
	v24 =	vbroadcast v10, $0x8  }
0x49: {  	v20 =	vld [tilespmem:s16+$0x70];
	v11 =	vadd.f32 v33, v26;
	v17 =	vbroadcast v10, $0x1;
	v6 =	vbroadcast v10, $0x2  }
0x4a: {  	s19 =	simm.s32 $0x400;
	v1 =	vld [tilespmem:s16+$0xB0];
	v8 =	vadd.f32 v32, v29;
	v26 =	vbroadcast v10, $0x3;
	v29 =	vmul.f32 v35, v24  }
.LBB2_2:
0x4b: {  	p0 =	sne.s32 s19, $0x4C00;
	v21 =	vmul.f32 v17, v21;
	v23 =	vadd.f32 v23, v25;
	v25 =	vbroadcast v10, $0x4;
	v30 =	vld [tilespmem:s16+$0x14C0];
	s18 =	sadd.s32 $0x10, s18;
	s17 =	sadd.s32 $0x10, s17  }
0x4c: {  	v31 =	vbroadcast v10, $0x6;
	s20 =	smov.u32 s19;
	s19 =	sadd.s32 $0x400, s19;
	v28 =	vmul.f32 v26, v28;
	v16 =	vadd.f32 v29, v16;
	v29 =	vld [tilespmem:s16+$0xC0]  }
0x4d: {  	v32 =	vbroadcast v10, $0x7;
	v33 =	vbroadcast v10, $0x9;
	v18 =	vadd.f32 v21, v18;
	v21 =	vld [tilespmem:s16+$0x2860]  }
0x4e: {  	v23 =	vadd.f32 v28, v23;
	v28 =	vld [tilespmem:s16+$0x2840];
	v16 =	vmul.f32 v16, v24;
	v24 =	vbroadcast v10, $0xA  }
0x4f: {  	v9 =	vadd.f32 v9, v20;
	v20 =	vmul.f32 v22, v32;
	v22 =	vmul.f32 v27, v33;
	v27 =	vld [tilespmem:s16+$0x28C0]  }
0x50: {  	v23 =	vmul.f32 v23, v26;
	v16 =	vadd.f32 v16, v0;
	v15 =	vmul.f32 v15, v24  }
0x51: {  	v9 =	vadd.f32 v20, v9;
	v20 =	vbroadcast v10, $0xC;
	v14 =	vadd.f32 v22, v14  }
0x52: {  	v22 =	vadd.f32 v23, v0;
	v21 =	vmul.f32 v21, v31;
	[tilespmem:s16+$0x2880] =	vst v16;
	v13 =	vadd.f32 v15, v13  }
0x53: {  	v23 =	vadd.f32 v30, v29;
	v15 =	vmul.f32 v25, v28;
	v14 =	vmul.f32 v14, v33;
	v16 =	vld [tilespmem:s16+$0x14B0]  }
0x54: {  	[tilespmem:s16+$0x2830] =	vst v22;
	v19 =	vadd.f32 v21, v19;
	v13 =	vmul.f32 v13, v24;
	v21 =	vmul.f32 v27, v20;
	v22 =	vld [tilespmem:s16+$0x28D0]  }
0x55: {  	v9 =	vmul.f32 v9, v32;
	v12 =	vadd.f32 v15, v12;
	v15 =	vld [tilespmem:s16+$0x2850];
	v14 =	vadd.f32 v14, v0  }
0x56: {  	v19 =	vmul.f32 v19, v31;
	v13 =	vadd.f32 v13, v0;
	v24 =	vld [tilespmem:s16+$0x28B0];
	v21 =	vadd.f32 v21, v23  }
0x57: {  	v17 =	vmul.f32 v18, v17;
	v9 =	vadd.f32 v9, v0;
	v23 =	vld [tilespmem:s16+$0x2800];
	v12 =	vmul.f32 v12, v25;
	[tilespmem:s16+$0x2890] =	vst v14  }
0x58: {  	v14 =	vbroadcast v10, $0x5;
	v18 =	vadd.f32 v19, v0;
	[tilespmem:s16+$0x28A0] =	vst v13;
	v13 =	vmul.f32 v21, v20;
	v19 =	vld [tilespmem:s16+$0x28E0]  }
0x59: {  	v17 =	vadd.f32 v17, v0;
	v12 =	vadd.f32 v12, v0;
	[tilespmem:s16+$0x2870] =	vst v9;
	v9 =	vbroadcast v10, $0xB;
	v20 =	vld [tilespmem:s16+$0x28F0]  }
0x5a: {  	v15 =	vmul.f32 v15, v14;
	[tilespmem:s16+$0x2860] =	vst v18;
	v13 =	vadd.f32 v13, v0;
	v18 =	vbroadcast v10, $0xD  }
0x5b: {  	v1 =	vadd.f32 v16, v1;
	v16 =	vbroadcast v10, $0xE;
	v21 =	vld [tilespmem:s16+$0x2820];
	[tilespmem:s16+$0x2840] =	vst v12;
	v12 =	vmul.f32 v24, v9  }
0x5c: {  	v10 =	vbroadcast v10, $0xF;
	v3 =	vadd.f32 v15, v3;
	[tilespmem:s16+$0x28C0] =	vst v13;
	v13 =	vmul.f32 v22, v18  }
0x5d: {  	v15 =	vmul.f32 v7, v23;
	[tilespmem:s16+$0x2810] =	vst v17;
	v1 =	vadd.f32 v12, v1;
	v12 =	vmul.f32 v19, v16  }
0x5e: {  	v3 =	vmul.f32 v3, v14;
	v2 =	vadd.f32 v13, v2;
	v13 =	vmul.f32 v20, v10  }
0x5f: {  	v11 =	vadd.f32 v15, v11;
	v1 =	vmul.f32 v1, v9;
	v4 =	vadd.f32 v12, v4  }
0x60: {  	v9 =	vmul.f32 v6, v21;
	v3 =	vadd.f32 v3, v0;
	v2 =	vmul.f32 v2, v18  }
0x61: {  	v8 =	vadd.f32 v13, v8;
	v1 =	vadd.f32 v1, v0;
	v4 =	vmul.f32 v4, v16  }
0x62: {  	v7 =	vmul.f32 v11, v7;
	v5 =	vadd.f32 v9, v5;
	[tilespmem:s16+$0x2850] =	vst v3;
	v2 =	vadd.f32 v2, v0  }
0x63: {  	v3 =	vmul.f32 v8, v10;
	[tilespmem:s16+$0x28B0] =	vst v1;
	v1 =	vadd.f32 v4, v0  }
0x64: {  	s20 =	sshra.s32 s20, $0x2;
	v4 =	vadd.f32 v7, v0;
	v5 =	vmul.f32 v5, v6;
	[tilespmem:s16+$0x28D0] =	vst v2  }
0x65: {  	v2 =	vld [tilespmem:s20+$0x1480];
	[tilespmem:s16+$0x28E0] =	vst v1;
	v1 =	vadd.f32 v3, v0  }
0x66: {  	v3 =	vld [tilespmem:s20+$0x80];
	[tilespmem:s16+$0x2800] =	vst v4;
	v4 =	vadd.f32 v5, v0  }
0x67: {  	v5 =	vld [tilespmem:s20+$0x1410];
	[tilespmem:s16+$0x28F0] =	vst v1  }
0x68: {  	v9 =	vld [tilespmem:s20+$0x1470];
	[tilespmem:s16+$0x2820] =	vst v4;
	s16 =	smov.u32 s20  }
0x69: {  	v1 =	vld [tilespmem:s18+$0x0]  }
0x6a: {  	v4 =	vld [tilespmem:s17+$0x0]  }
0x6b: {  	v6 =	vld [tilespmem:s16+$0x90]  }
0x6c: {  	v16 =	vadd.f32 v2, v3;
	v2 =	vld [tilespmem:s16+$0x1490]  }
0x6d: {  	v3 =	vld [tilespmem:s16+$0xA0]  }
0x6e: {  	v7 =	vld [tilespmem:s16+$0x14A0]  }
0x6f: {  	v1 =	vadd.f32 v1, v4;
	v4 =	vld [tilespmem:s16+$0x40]  }
0x70: {  	v8 =	vld [tilespmem:s16+$0x1440]  }
0x71: {  	v1 =	vadd.f32 $1.000000000e+00, v1;
	v10 =	vld [tilespmem:s16+$0x50];
	v14 =	vadd.f32 v2, v6  }
0x72: {  	v2 =	vld [tilespmem:s16+$0x1450]  }
0x73: {  	v6 =	vshrl.u32 v1, $0x1;
	v11 =	vmul.f32 $5.000000000e-01, v1;
	v13 =	vadd.f32 v7, v3;
	v1 =	vld [tilespmem:s16+$0xB0]  }
0x74: {  	v6 =	vsub.s32 $0x5F3759DF, v6;
	v7 =	vld [tilespmem:s16+$0xD0]  }
0x75: {  	v3 =	vmul.f32 v6, v11;
	v12 =	vadd.f32 v8, v4;
	v4 =	vld [tilespmem:s16+$0x14D0]  }
0x76: {  	v15 =	vld [tilespmem:s16+$0x28A0]  }
0x77: {  	v8 =	vmul.f32 v6, v3;
	v3 =	vadd.f32 v2, v10;
	v19 =	vld [tilespmem:s16+$0x60]  }
0x78: {  	v10 =	vld [tilespmem:s16+$0x10]  }
0x79: {  	v8 =	vsub.f32 $1.500000000e+00, v8;
	v17 =	vld [tilespmem:s16+$0x0]  }
0x7a: {  	v2 =	vadd.f32 v4, v7;
	v4 =	vld [tilespmem:s16+$0xE0]  }
0x7b: {  	v6 =	vmul.f32 v6, v8;
	v7 =	vld [tilespmem:s16+$0x14E0]  }
0x7c: {  	v8 =	vld [tilespmem:s16+$0xF0]  }
0x7d: {  	v20 =	vmul.f32 v6, v11;
	v18 =	vadd.f32 v5, v10;
	v5 =	vld [tilespmem:s16+$0x20];
	_ =	sdelay $0x1  }
0x7e: {  	v10 =	vmul.f32 v20, v6  }
0x7f: {  	v4 =	vadd.f32 v7, v4  }
0x80: {  	v7 =	vsub.f32 $1.500000000e+00, v10;
	_ =	sdelay $0x1  }
0x81: {  	v6 =	vmul.f32 v7, v6  }
0x82: {  	v7 =	vld [tilespmem:s16+$0x1420]  }
0x83: {  	v10 =	vmul.f32 v6, v11;
	v11 =	vld [tilespmem:s16+$0x14F0]  }
0x84: {  	v22 =	vld [tilespmem:s16+$0x1400]  }
0x85: {  	v10 =	vmul.f32 v10, v6;
	v27 =	vld [tilespmem:s16+$0x1460]  }
0x86: {  	v23 =	vld [tilespmem:s16+$0x1430]  }
0x87: {  	v10 =	vsub.f32 $1.500000000e+00, v10;
	v25 =	vld [tilespmem:s16+$0x30]  }
0x88: {  	v29 =	vld [tilespmem:s16+$0x2880]  }
.Ltmp0:
0x89: {  	v10 =	vmul.f32 v10, v6;
	v21 =	vld [tilespmem:s16+$0x2810];
	(pc) =	sbr.rel @p0 .LBB2_2-.Ltmp0, $4  }
0x8a: {  	v5 =	vadd.f32 v7, v5;
	v28 =	vld [tilespmem:s16+$0x2830]  }
0x8b: {  	v8 =	vadd.f32 v11, v8;
	v7 =	vbroadcast v10, $0x0;
	v20 =	vld [tilespmem:s16+$0x70];
	v24 =	vbroadcast v10, $0x8  }
0x8c: {  	v11 =	vadd.f32 v22, v17;
	v17 =	vbroadcast v10, $0x1;
	v6 =	vbroadcast v10, $0x2;
	v22 =	vld [tilespmem:s16+$0x2870]  }
0x8d: {  	v19 =	vadd.f32 v27, v19;
	v26 =	vbroadcast v10, $0x3;
	v29 =	vmul.f32 v29, v24;
	v27 =	vld [tilespmem:s16+$0x2890]  }
0x8e: {  	v54 =	vld [tilespmem:s16+$0x14C0]  }
0x8f: {  	v55 =	vld [tilespmem:s16+$0xC0];
	v57 =	vbroadcast v10, $0x9;
	v31 =	vbroadcast v10, $0xA  }
0x90: {  	v56 =	vld [tilespmem:s16+$0x2860];
	v58 =	vbroadcast v10, $0x7;
	v33 =	vbroadcast v10, $0x6  }
0x91: {  	v30 =	vld [tilespmem:s16+$0x2840];
	v21 =	vmul.f32 v17, v21;
	v61 =	vbroadcast v10, $0x4  }
0x92: {  	v23 =	vadd.f32 v23, v25;
	v32 =	vld [tilespmem:s16+$0x28C0];
	v34 =	vbroadcast v10, $0xC;
	v45 =	vbroadcast v10, $0x5  }
0x93: {  	v60 =	vld [tilespmem:s16+$0x14B0];
	v47 =	vbroadcast v10, $0xB;
	v53 =	vmul.f32 v26, v28;
	v16 =	vadd.f32 v29, v16  }
0x94: {  	v36 =	vld [tilespmem:s16+$0x2850];
	v51 =	vbroadcast v10, $0xD;
	v15 =	vmul.f32 v15, v31;
	v18 =	vadd.f32 v21, v18  }
0x95: {  	v40 =	vld [tilespmem:s16+$0x2800];
	v23 =	vadd.f32 v53, v23;
	v16 =	vmul.f32 v16, v24;
	v59 =	vmul.f32 v22, v58  }
0x96: {  	v44 =	vld [tilespmem:s16+$0x28E0];
	v9 =	vadd.f32 v9, v20;
	v53 =	vbroadcast v10, $0xE;
	v27 =	vmul.f32 v27, v57  }
0x97: {  	v13 =	vadd.f32 v15, v13;
	v43 =	vmul.f32 v18, v17;
	v23 =	vmul.f32 v23, v26  }
0x98: {  	v16 =	vadd.f32 v16, v0;
	v9 =	vadd.f32 v59, v9;
	v62 =	vmul.f32 v56, v33  }
0x99: {  	v38 =	vld [tilespmem:s16+$0x28B0];
	v35 =	vadd.f32 v54, v55;
	v37 =	vmul.f32 v61, v30;
	v39 =	vmul.f32 v32, v34  }
0x9a: {  	v63 =	vld [tilespmem:s16+$0x28D0];
	v49 =	vmul.f32 v36, v45;
	v1 =	vadd.f32 v60, v1;
	v54 =	vbroadcast v10, $0xF  }
0x9b: {  	v55 =	vmul.f32 v7, v40;
	v17 =	vmul.f32 v44, v53;
	v14 =	vadd.f32 v27, v14  }
0x9c: {  	v13 =	vmul.f32 v13, v31;
	v46 =	vadd.f32 v43, v0;
	v23 =	vadd.f32 v23, v0  }
0x9d: {  	v15 =	vadd.f32 v62, v19;
	v9 =	vmul.f32 v9, v58;
	v12 =	vadd.f32 v37, v12  }
0x9e: {  	v48 =	vld [tilespmem:s16+$0x28F0];
	[tilespmem:s16+$0x2880] =	vst v16;
	v42 =	vadd.f32 v39, v35;
	v19 =	vmul.f32 v38, v47;
	v3 =	vadd.f32 v49, v3  }
0x9f: {  	v16 =	vmul.f32 v63, v51;
	v14 =	vmul.f32 v14, v57;
	v13 =	vadd.f32 v13, v0;
	[tilespmem:s16+$0x2810] =	vst v46  }
0xa0: {  	v52 =	vld [tilespmem:s16+$0x2820];
	v4 =	vadd.f32 v17, v4;
	[tilespmem:s16+$0x2830] =	vst v23;
	v9 =	vadd.f32 v9, v0;
	v12 =	vmul.f32 v12, v61  }
0xa1: {  	v41 =	vmul.f32 v15, v33;
	v15 =	vmul.f32 v42, v34;
	v14 =	vadd.f32 v14, v0;
	[tilespmem:s16+$0x28A0] =	vst v13  }
0xa2: {  	v11 =	vadd.f32 v55, v11;
	v3 =	vmul.f32 v3, v45;
	[tilespmem:s16+$0x2870] =	vst v9;
	v12 =	vadd.f32 v12, v0  }
0xa3: {  	v56 =	vmul.f32 v48, v54;
	v4 =	vmul.f32 v4, v53;
	v50 =	vadd.f32 v15, v0;
	[tilespmem:s16+$0x2890] =	vst v14  }
0xa4: {  	v1 =	vadd.f32 v19, v1;
	v58 =	vmul.f32 v11, v7;
	v3 =	vadd.f32 v3, v0;
	[tilespmem:s16+$0x2840] =	vst v12  }
0xa5: {  	v57 =	vmul.f32 v6, v52;
	v2 =	vadd.f32 v16, v2;
	v59 =	vadd.f32 v4, v0;
	[tilespmem:s16+$0x28C0] =	vst v50  }
0xa6: {  	v8 =	vadd.f32 v56, v8;
	v1 =	vmul.f32 v1, v47;
	v61 =	vadd.f32 v58, v0;
	[tilespmem:s16+$0x2850] =	vst v3  }
0xa7: {  	v5 =	vadd.f32 v57, v5;
	v2 =	vmul.f32 v2, v51;
	v14 =	vadd.f32 v41, v0;
	[tilespmem:s16+$0x28E0] =	vst v59  }
0xa8: {  	v60 =	vmul.f32 v8, v54;
	v1 =	vadd.f32 v1, v0;
	[tilespmem:s16+$0x2800] =	vst v61  }
0xa9: {  	v5 =	vmul.f32 v5, v6;
	v2 =	vadd.f32 v2, v0;
	[tilespmem:s16+$0x2860] =	vst v14  }
0xaa: {  	v62 =	vadd.f32 v60, v0;
	[tilespmem:s16+$0x28B0] =	vst v1  }
0xab: {  	s15 =	sadd.s32 $0x1, s15;
	v63 =	vadd.f32 v5, v0;
	[tilespmem:s16+$0x28D0] =	vst v2  }
0xac: {  	p0 =	sne.s32 s15, s8;
	[tilespmem:s16+$0x28F0] =	vst v62  }
.Ltmp1:
0xad: {  	[tilespmem:s16+$0x2820] =	vst v63;
	(pc) =	sbr.rel @p0 .LBB2_1-.Ltmp1, $4  }
0xae: {  	[hbm4b:s7+s3] =	stream.linear.scatter [tilespmem:s12], [sflag:$0x1], $0x1400, $0x38;
	[tilespmem:$0x3E90] =	vst v63  }
0xaf: {  	_ =	swait.ge [sflag:s9], $0x1400  }
0xb0: {  	[sflag:s9] =	ssyncset.done $0x0  }
0xb1: {  	[sflag:s9] =	ssyncadd.s32 $0xFFFFEC00  }
0xb2: {  	_ =	sfence.sel $0x180000  }
0xb3: {  	[bflag:$0x0] =	sbarrier.arrive $0xFFFF  }
0xb4: {  	p0 =	sne.s32 s0, $0x0;
	_ =	strace $0x9000004D  }
0xb5: {  	s0 =	sadd.s32 @!p0 $0x100000, s1;
	[bflag:$0x2] =	sbarrier.arrive $0xFFFF  }
0xb6: {  	[sflag:s0] =	ssyncadd.tile.s32 @!p0 $0x1;
	_ =	shalt  }
.Lfunc_end2:
_tile_overlayer_lowered:
.L_overlay_start_2:
0xb7: {  	(tag) =	ssettag $0x2  }
0xb8: {  	s0 =	rddreg [dreg:$0x0];
	s2 =	stileid.u32  }
0xb9: {  	s1 =	rddreg [dreg:$0x1];
	p0 =	sne.s32 s2, $0x0  }
0xba: {  	s3 =	rddreg [dreg:$0x2];
	[bflag:$0x3] =	sbarrier.arrive $0xFFFF;
	s2 =	simm.s32 @!p0 $0x1C01  }
0xbb: {  	[timem:s3], [sflag:s2] =	dma.local @!p0 [hbm:s0], s1  }
0xbc: {  	s0 =	simm.s32 @!p0 $0x1  }
0xbd: {  	_ =	swait.ge @!p0 [sflag:s0], s1  }
0xbe: {  	s1 =	ssub.s32 @!p0 $0x0, s1;
	[sflag:s0] =	ssyncset.done @!p0 $0x0  }
0xbf: {  	[sflag:s0] =	ssyncadd.s32 @!p0 s1  }
0xc0: {  	[bflag:$0x3] =	sbarrier.arrive $0xFFFF  }
0xc1: {  	_ =	shalt  }

// kernel: kernel.6.cloned.1.call-start
scs
__scs_entry_jumppad:
0x0: {  	(pc) =	sbr.rel $0x88, $3  }
0x1: {  	(tag) =	ssettag $0x0;
	lr =	simm.s32 $0x1  }
0x2: {  	[smem:$0x3F9D] =	sst lr;
	_ =	strace $0xD0000000  }
0x3: {  	_ = 	snop  }
0x4: {  	_ = 	snop  }
0x5: {  	_ = 	snop  }
0x6: {  	_ = 	snop  }
0x7: {  	_ = 	snop  }
__scs_overlays_trampoline_lowered:
0x8: {  	[smem:$0x3FAC] =	sst s0  }
0x9: {  	[smem:$0x3FAD] =	sst s1  }
0xa: {  	[smem:$0x3FAE] =	sst s2  }
0xb: {  	[smem:$0x3FAF] =	sst s3  }
0xc: {  	[smem:$0x3FB0] =	sst s4  }
0xd: {  	[smem:$0x3FB1] =	sst s5  }
0xe: {  	[smem:$0x3FB2] =	sst s6  }
0xf: {  	[smem:$0x3FB3] =	sst s7  }
0x10: {  	[smem:$0x3FB4] =	sst s8  }
0x11: {  	[smem:$0x3FB5] =	sst s9;
	s0 =	simm.s32 @!p0 $0x0  }
0x12: {  	s1 =	sld [smem:$0x3F9B];
	s0 =	simm.s32 @p0 $0x1  }
0x13: {  	[smem:$0x3FB6] =	sst s0;
	s0 =	simm.s32 @!p1 $0x0  }
0x14: {  	s2 =	sld [smem:$0x3F9A];
	s0 =	simm.s32 @p1 $0x1  }
0x15: {  	[smem:$0x3FB7] =	sst s0;
	s0 =	simm.s32 @!p2 $0x0  }
0x16: {  	s3 =	sld [smem:$0x3FDB];
	s0 =	simm.s32 @p2 $0x1  }
0x17: {  	s4 =	simm.s32 $0x1BF5;
	[smem:$0x3FB9] =	sst s0  }
0x18: {  	s0 =	sld [smem:$0x3F9C];
	_ =	swait.ge [sflag:s4], $0x0  }
0x19: {  	s7 =	sld [smem:$0x3F9D]  }
0x1a: {  	s8 =	sadd.s32 $0xFFFFE003, lr  }
0x1b: {  	s9 =	sadd.s32 $0xFFFFFEF7, lr;
	s5 =	simm.s32 $0xFFFFFFFF;
	p2 =	slt.u32 s8, $0xFFFFF086  }
0x1c: {  	p1 =	slt.u32 s9, $0xF7A;
	s5 =	simm.s32 @!p2 $0x0  }
0x1d: {  	s5 =	simm.s32 @p1 $0x1;
	p0 =	seq.s32 s7, s2  }
0x1e: {  	s7 =	smul.u32 @!p0 $0xF7A, s2;
	p2 =	seq.s32 @!p0 s5, $0x0  }
0x1f: {  	s9 =	smul.u32 $0xF7A, s1;
	s8 =	simm.s32 @!p0 $0x1BF5;
	p2 =	por !p2, p0  }
0x20: {  	[sflag:s8] =	ssyncset.s32 @!p0 $0xFFFFF086;
	s6 =	sadd.s32 @!p0 s3, s7;
	s7 =	simm.s32 @!p0 $0x108  }
0x21: {  	s3 =	sadd.s32 s3, s9;
	s6 =	sadd.s32 @!p0 $0x88, s6;
	s7 =	simm.s32 @p2 $0x1082  }
0x22: {  	[simem:s7], [sflag:s8] =	dma.local @!p0 [hbm:s6], $0xF7A  }
0x23: {  	s9 =	sor.u32 $0xD0000000, s2;
	s6 =	simm.s32 $0x108;
	_ =	swait.ge @!p0 [sflag:s8], $0x0  }
0x24: {  	s3 =	sadd.s32 $0x88, s3;
	s6 =	simm.s32 @!p1 $0x1082;
	[sflag:s4] =	ssyncset.s32 $0xFFFFF086  }
0x25: {  	[simem:s6], [sflag:s4] =	dma.local [hbm:s3], $0xF7A  }
0x26: {  	[smem:$0x3F9D] =	sst s1;
	(tag) =	ssettag s2;
	_ =	strace s9  }
0x27: {  	s1 =	sld [smem:$0x3FAD]  }
0x28: {  	s2 =	sld [smem:$0x3FAE]  }
0x29: {  	s4 =	sld [smem:$0x3FB0]  }
0x2a: {  	p0 =	seq.s32 s5, $0x0;
	s5 =	sld [smem:$0x3FB1]  }
0x2b: {  	s6 =	sld [smem:$0x3FB2]  }
0x2c: {  	s7 =	sld [smem:$0x3FB3]  }
0x2d: {  	s3 =	simm.s32 $0x108;
	s8 =	sld [smem:$0x3FB4]  }
0x2e: {  	s3 =	simm.s32 @!p0 $0x1082;
	s9 =	sld [smem:$0x3FB5]  }
0x2f: {  	lr =	sadd.s32 s0, s3;
	s0 =	sld [smem:$0x3FAC]  }
0x30: {  	s3 =	sld [smem:$0x3FAF]  }
0x31: {  	[smem:$0x3FB8] =	sst s10  }
0x32: {  	s10 =	sld [smem:$0x3FB6];
	_ =	sdelay $0x3  }
0x33: {  	p0 =	seq.s32 s10, $0x1;
	s10 =	sld [smem:$0x3FB8];
	_ =	sdelay $0x3  }
0x34: {  	[smem:$0x3FB8] =	sst s10  }
0x35: {  	s10 =	sld [smem:$0x3FB7];
	_ =	sdelay $0x3  }
0x36: {  	p1 =	seq.s32 s10, $0x1;
	s10 =	sld [smem:$0x3FB8];
	_ =	sdelay $0x3  }
0x37: {  	[smem:$0x3FB8] =	sst s10  }
0x38: {  	s10 =	sld [smem:$0x3FB9]  }
0x39: {  	_ = 	snop;
	(pc) =	sbr.ind lr, $3  }
0x3a: {  	_ = 	snop  }
0x3b: {  	_ = 	snop  }
0x3c: {  	p2 =	seq.s32 s10, $0x1;
	s10 =	sld [smem:$0x3FB8]  }
0x3d: {  	_ =	shalt  }
0x3e: {  	_ =	shalt  }
0x3f: {  	_ =	shalt  }
0x40: {  	_ =	shalt  }
0x41: {  	_ =	shalt  }
0x42: {  	_ =	shalt  }
0x43: {  	_ =	shalt  }
0x44: {  	_ =	shalt  }
0x45: {  	_ =	shalt  }
0x46: {  	_ =	shalt  }
0x47: {  	_ =	shalt  }
0x48: {  	_ =	shalt  }
0x49: {  	_ =	shalt  }
0x4a: {  	_ =	shalt  }
0x4b: {  	_ =	shalt  }
0x4c: {  	_ =	shalt  }
0x4d: {  	_ =	shalt  }
0x4e: {  	_ =	shalt  }
0x4f: {  	_ =	shalt  }
0x50: {  	_ =	shalt  }
0x51: {  	_ =	shalt  }
0x52: {  	_ =	shalt  }
0x53: {  	_ =	shalt  }
0x54: {  	_ =	shalt  }
0x55: {  	_ =	shalt  }
0x56: {  	_ =	shalt  }
0x57: {  	_ =	shalt  }
0x58: {  	_ =	shalt  }
0x59: {  	_ =	shalt  }
0x5a: {  	_ =	shalt  }
0x5b: {  	_ =	shalt  }
0x5c: {  	_ =	shalt  }
0x5d: {  	_ =	shalt  }
0x5e: {  	_ =	shalt  }
0x5f: {  	_ =	shalt  }
0x60: {  	_ =	shalt  }
0x61: {  	_ =	shalt  }
0x62: {  	_ =	shalt  }
0x63: {  	_ =	shalt  }
0x64: {  	_ =	shalt  }
0x65: {  	_ =	shalt  }
0x66: {  	_ =	shalt  }
0x67: {  	_ =	shalt  }
0x68: {  	_ =	shalt  }
0x69: {  	_ =	shalt  }
0x6a: {  	_ =	shalt  }
0x6b: {  	_ =	shalt  }
0x6c: {  	_ =	shalt  }
0x6d: {  	_ =	shalt  }
0x6e: {  	_ =	shalt  }
0x6f: {  	_ =	shalt  }
0x70: {  	_ =	shalt  }
0x71: {  	_ =	shalt  }
0x72: {  	_ =	shalt  }
0x73: {  	_ =	shalt  }
0x74: {  	_ =	shalt  }
0x75: {  	_ =	shalt  }
0x76: {  	_ =	shalt  }
0x77: {  	_ =	shalt  }
0x78: {  	_ =	shalt  }
0x79: {  	_ =	shalt  }
0x7a: {  	_ =	shalt  }
0x7b: {  	_ =	shalt  }
0x7c: {  	_ =	shalt  }
0x7d: {  	_ =	shalt  }
0x7e: {  	_ =	shalt  }
0x7f: {  	_ =	shalt  }
0x80: {  	_ =	shalt  }
0x81: {  	_ =	shalt  }
0x82: {  	_ =	shalt  }
0x83: {  	_ =	shalt  }
0x84: {  	_ =	shalt  }
0x85: {  	_ =	shalt  }
0x86: {  	_ =	shalt  }
0x87: {  	_ =	shalt  }
.Lfunc_end0:
.L_simem_size_0:
called_computation_lowered:
.L_overlay_start_0:
0x88: {  	s2 =	sld [smem:$0x3FD9]  }
0x89: {  	s3 =	sld [smem:$0x3FFE];
	_ =	sdelay $0x1  }
0x8a: {  	s1 =	srdreg.scid  }
0x8b: {  	s0 =	sand.u32 $0x1, s1  }
0x8c: {  	s17 =	sshll.u32 s0, $0xA;
	s2 =	sadd.s32 s3, s2  }
0x8d: {  	s2 =	sadd.s32 s2, s17  }
0x8e: {  	[smem:$0x3FC4] =	sst s2  }
0x8f: {  	_ = 	snop  }
0x90: {  	s2 =	sld [smem:$0x3FD0];
	(tm) =	ssettm $0x1  }
0x91: {  	s18 =	sld [smem:$0x3FFB];
	_ =	sdelay $0x3  }
0x92: {  	_ =	strace s18  }
0x93: {  	s3 =	sld [smem:$0x3FFC];
	_ =	sdelay $0x3  }
0x94: {  	_ =	strace s3  }
0x95: {  	s3 =	sld [smem:$0x3FFD];
	_ =	sdelay $0x3  }
0x96: {  	_ =	strace s3  }
0x97: {  	_ =	strace $0x8FFFFFFF  }
0x98: {  	s19 =	sld [smem:$0x3FDB];
	_ =	sdelay $0x1  }
0x99: {  	s4 =	simm.s32 $_scs_section_size  }
0x9a: {  	s5 =	simm.s32 $_size__tile_overlayer_lowered;
	s6 =	simm.s32 $_tile_overlayer_lowered  }
0x9b: {  	s22 =	simm.s32 $0x1BFF;
	s21 =	sshll.u32 s6, $0x1;
	s3 =	sadd.s32 s4, s19  }
0x9c: {  	s7 =	simm.s32 $0x0;
	s20 =	sshll.u32 s5, $0x1;
	s5 =	sadd.s32 s21, s3  }
0x9d: {  	[timem:s7], [sflag:s22] =	dma.local [hbm:s5], s20  }
0x9e: {  	_ =	swait.ge [sflag:s22], s20  }
0x9f: {  	s4 =	ssub.s32 $0x0, s20;
	[sflag:s22] =	ssyncset.done $0x0  }
0xa0: {  	[sflag:s22] =	ssyncadd.s32 s4;
	_ =	sdelay $0x1  }
0xa1: {  	s23 =	simm.s32 $0x1B8B  }
0xa2: {  	_ =	swait.ge [sflag:s23], $0x1  }
0xa3: {  	[sflag:s23] =	ssyncset.done $0x0  }
0xa4: {  	s25 =	simm.s32 $0x1B8E;
	s24 =	sld [smem:$0x3FFE];
	[sflag:s23] =	ssyncadd.s32 $0xFFFFFFFF  }
0xa5: {  	s26 =	simm.s32 $execute0_lowered;
	[smem:$0x3FD2] =	sst s25  }
0xa6: {  	s5 =	sshll.u32 s26, $0x1;
	_ =	strace $0x80000046;
	[dreg:$0x1] =	wrdreg $0xFFFFFFFF  }
0xa7: {  	s28 =	simm.s32 $_size_execute0_lowered;
	s3 =	sadd.s32 s3, s5;
	[dreg:$0x0] =	wrdreg $0x0  }
0xa8: {  	s5 =	sshll.u32 s28, $0x1;
	[dreg:$0x2] =	wrdreg s3  }
0xa9: {  	[dreg:$0x3] =	wrdreg s5  }
0xaa: {  	[dreg:$0x4] =	wrdreg $0xC0  }
0xab: {  	_ =	task [dreg:s7], $0x5FFFF  }
0xac: {  	[dreg:$0x1] =	wrdreg $0xFFFFFFFF  }
0xad: {  	[dreg:$0x0] =	wrdreg $0x60  }
0xae: {  	[dreg:$0x2] =	wrdreg s24  }
0xaf: {  	[dreg:$0x3] =	wrdreg s2  }
0xb0: {  	[dreg:$0x4] =	wrdreg $0x29E00  }
0xb1: {  	[dreg:$0x5] =	wrdreg $0x9  }
0xb2: {  	_ =	task.clear_ibuf [dreg:s7], $0x6FFFF;
	_ =	strace $0x90000046  }
0xb3: {  	s29 =	simm.s32 $0x9;
	_ =	strace $0x80000048  }
0xb4: {  	_ =	swait.ge [sflag:s29], $0x1  }
0xb5: {  	[sflag:s29] =	ssyncadd.s32 $0xFFFFFFFF  }
0xb6: {  	_ =	strace $0x90000048  }
0xb7: {  	_ =	sfence  }
0xb8: {  	s30 =	sld [smem:$0x0];
	_ =	sdelay $0x2  }
0xb9: {  	s31 =	sshll.u32 s1, $0xD;
	s1 =	sshrl.u32 s1, $0x2  }
0xba: {  	s3 =	sand.u32 $0x4000, s31;
	s1 =	sadd.s32 s1, s30  }
0xbb: {  	s0 =	sor.u32 s3, s0;
	s1 =	sshll.u32 s1, $0x11  }
0xbc: {  	s0 =	sor.u32 s1, s0  }
0xbd: {  	s0 =	sadd.s32 $0x8F2B, s0  }
0xbe: {  	[sflag:s0] =	ssyncadd.remote.s32 $0x1  }
0xbf: {  	_ =	sfence.sel $0xFFFF  }
0xc0: {  	[dreg:$0x0] =	wrdreg $0xFFFFFFFF;
	(pc) =	sbr.abs _section_cstart, $3  }
0xc1: {  	[dreg:$0x1] =	wrdreg $0xFFFFFFFF  }
0xc2: {  	_ =	task.clear_ibuf [dreg:s7], $0x2FFFF;
	_ =	strace $0x9FFFFFFF  }
0xc3: {  	(tm) =	ssettm $0x7FFFFFFF  }
tec
execute0_lowered:
.L_overlay_start_1:
0x0: {  	(tag) =	ssettag $0x1  }
0x1: {  	s5 =	rddreg [dreg:$0x0]  }
0x2: {  	s6 =	rddreg [dreg:$0x1]  }
0x3: {  	s1 =	rddreg [dreg:$0x2]  }
0x4: {  	s0 =	rddreg [dreg:$0x3];
	s2 =	simm.s32 $0x0  }
0x5: {  	s3 =	srdreg.scid;
	s12 =	simm.s32 $0xF0;
	s13 =	simm.s32 $0x140  }
0x6: {  	s14 =	simm.s32 $0x1;
	s15 =	simm.s32 $0x2;
	s16 =	simm.s32 $0x3  }
0x7: {  	s17 =	simm.s32 $0x4;
	s18 =	simm.s32 $0x5;
	s22 =	simm.s32 $0x0  }
0x8: {  	[smem:$0x7FF] =	sst s2;
	s4 =	sand.u32 $0x1, s3;
	s3 =	stileid.u32  }
0x9: {  	s11 =	sadd.s32 $0xB240, s5;
	_ =	strace $0x80000047;
	s10 =	smul.u32 $0x280, s3  }
0xa: {  	s7 =	ssub.s32 $0x2, s4;
	s9 =	sshll.u32 s3, $0x1;
	s30 =	smul.u32 $0x500, s4  }
0xb: {  	s31 =	sshll.u32 s3, $0x6;
	s8 =	sshrl.u32 s7, $0x1;
	s29 =	sor.u32 s4, s9  }
0xc: {  	s9 =	simm.s32 $0x50;
	s7 =	ssub.s32 s7, s8;
	s4 =	sadd.s32 s10, s1  }
0xd: {  	s8 =	smul.u32 $0x4E2, s29;
	s19 =	sadd.s32 s6, s30;
	s20 =	sshrl.u32 s10, $0x3  }
0xe: {  	s6 =	simm.s32 $0x2760;
	s10 =	simm.s32 $0x2710;
	s5 =	smax.u32 s7, $0x1  }
0xf: {  	s7 =	simm.s32 $0x6;
	s19 =	sadd.s32 s20, s19;
	s20 =	sor.u32 $0x1C06, s31  }
0x10: {  	v0 =	vimm.f32 $1.000000000e+00;
	v1 =	vimm.f32 $0.0e+00;
	s21 =	sshrl.u32 s4, $0x3;
	s8 =	sadd.s32 s8, s11;
	s11 =	simm.s32 $0xA0  }
.LBB2_1:
0x11: {  	[tilespmem:$0x2710] =	vst v0  }
0x12: {  	[tilespmem:$0x2720] =	vst v0  }
0x13: {  	[tilespmem:$0x2730] =	vst v0  }
0x14: {  	[tilespmem:$0x2740] =	vst v0  }
0x15: {  	[tilespmem:$0x2750] =	vst v0  }
0x16: {  	[tilespmem:$0x2760] =	vst v1  }
0x17: {  	[tilespmem:$0x2770] =	vst v1  }
0x18: {  	[tilespmem:$0x2780] =	vst v1  }
0x19: {  	[tilespmem:$0x2790] =	vst v1  }
0x1a: {  	[tilespmem:$0x27A0] =	vst v1  }
0x1b: {  	[tilespmem:$0x27B0] =	vst v1  }
0x1c: {  	[tilespmem:$0x27C0] =	vst v1  }
0x1d: {  	[tilespmem:$0x27D0] =	vst v1  }
0x1e: {  	[tilespmem:$0x27E0] =	vst v1  }
0x1f: {  	[tilespmem:$0x27F0] =	vst v1  }
0x20: {  	[tilespmem:$0x2800] =	vst v1  }
0x21: {  	[tilespmem:$0x2810] =	vst v1  }
0x22: {  	[tilespmem:$0x2820] =	vst v1  }
0x23: {  	[tilespmem:$0x2830] =	vst v1  }
0x24: {  	[tilespmem:$0x2840] =	vst v1  }
0x25: {  	[tilespmem:$0x2850] =	vst v1  }
0x26: {  	[tilespmem:$0x2860] =	vst v1  }
0x27: {  	[tilespmem:$0x2870] =	vst v1  }
0x28: {  	[tilespmem:$0x2880] =	vst v1  }
0x29: {  	[tilespmem:$0x2890] =	vst v1  }
0x2a: {  	[tilespmem:$0x28A0] =	vst v1  }
0x2b: {  	[tilespmem:$0x28B0] =	vst v1  }
0x2c: {  	[tilespmem:$0x28C0] =	vst v1  }
0x2d: {  	[tilespmem:$0x28D0] =	vst v1  }
0x2e: {  	[tilespmem:$0x28E0] =	vst v1  }
0x2f: {  	[tilespmem:$0x28F0] =	vst v1  }
0x30: {  	[tilespmem:$0x2900] =	vst v1  }
0x31: {  	[tilespmem:$0x2910] =	vst v1  }
0x32: {  	[tilespmem:$0x2920] =	vst v1  }
0x33: {  	[tilespmem:$0x2930] =	vst v1  }
0x34: {  	[tilespmem:$0x2940] =	vst v1  }
0x35: {  	[tilespmem:$0x2950] =	vst v1  }
0x36: {  	[tilespmem:$0x2960] =	vst v1  }
0x37: {  	[tilespmem:$0x2970] =	vst v1  }
0x38: {  	[tilespmem:$0x2980] =	vst v1  }
0x39: {  	[tilespmem:$0x2990] =	vst v1  }
0x3a: {  	[tilespmem:$0x29A0] =	vst v1  }
0x3b: {  	[tilespmem:$0x29B0] =	vst v1  }
0x3c: {  	[tilespmem:$0x29C0] =	vst v1  }
0x3d: {  	[tilespmem:$0x29D0] =	vst v1  }
0x3e: {  	[spmem:s4] =	stream.linear.scatter [tilespmem:s6], [sflag:$0x6], $0x280, $0x38;
	[tilespmem:$0x2C60] =	vst v63  }
0x3f: {  	_ =	swait.ge [sflag:s7], $0x280  }
0x40: {  	[sflag:s7] =	ssyncset.done $0x0  }
0x41: {  	[sflag:s7] =	ssyncadd.s32 $0xFFFFFD80  }
0x42: {  	[tilespmem:s2], [sflag:$0x6] =	stream.linear.gather [hbm4b:s8+s2], $0x2710, $0x38;
	[tilespmem:$0x2C60] =	vst v63  }
0x43: {  	_ =	swait.ge [sflag:s7], $0x2710  }
0x44: {  	[sflag:s7] =	ssyncset.done $0x0  }
0x45: {  	[sflag:s7] =	ssyncadd.s32 $0xFFFFD8F0  }
0x46: {  	[bflag:$0x0] =	sbarrier.arrive $0xFFFF  }
0x47: {  	[spmem:s1] =	stream.indirect.scatter.add.f32 [tilespmem:s10], [sflag:$0x1], $0x1, s2, s9, $0xb8;
	[tilespmem:$0x2C60] =	vst v63  }
0x48: {  	_ = 	snop  }
0x49: {  	[spmem:s1] =	stream.indirect.scatter.add.f32 [tilespmem:s10], [sflag:$0x2], $0x1, s9, s9, $0xb8;
	[tilespmem:$0x2C60] =	vst v63  }
0x4a: {  	_ = 	snop  }
0x4b: {  	[spmem:s1] =	stream.indirect.scatter.add.f32 [tilespmem:s10], [sflag:$0x3], $0x1, s11, s9, $0xb8;
	[tilespmem:$0x2C60] =	vst v63  }
0x4c: {  	_ = 	snop  }
0x4d: {  	[spmem:s1] =	stream.indirect.scatter.add.f32 [tilespmem:s10], [sflag:$0x4], $0x1, s12, s9, $0xb8;
	[tilespmem:$0x2C60] =	vst v63  }
0x4e: {  	_ = 	snop  }
0x4f: {  	[spmem:s1] =	stream.indirect.scatter.add.f32 [tilespmem:s10], [sflag:$0x5], $0x1, s13, s9, $0xb8;
	[tilespmem:$0x2C60] =	vst v63  }
0x50: {  	_ =	swait.ge [sflag:s14], $0x50  }
0x51: {  	[sflag:s14] =	ssyncset.done $0x0  }
0x52: {  	s23 =	simm.s32 $0x190;
	[sflag:s14] =	ssyncadd.s32 $0xFFFFFFB0  }
0x53: {  	[spmem:s1] =	stream.indirect.scatter.add.f32 [tilespmem:s10], [sflag:$0x1], $0x1, s23, s9, $0xb8;
	[tilespmem:$0x2C60] =	vst v63  }
0x54: {  	_ =	swait.ge [sflag:s15], $0x50  }
0x55: {  	[sflag:s15] =	ssyncset.done $0x0  }
0x56: {  	s29 =	simm.s32 $0x1E0;
	[sflag:s15] =	ssyncadd.s32 $0xFFFFFFB0  }
0x57: {  	[spmem:s1] =	stream.indirect.scatter.add.f32 [tilespmem:s10], [sflag:$0x2], $0x1, s29, s9, $0xb8;
	[tilespmem:$0x2C60] =	vst v63  }
0x58: {  	_ =	swait.ge [sflag:s16], $0x50  }
0x59: {  	[sflag:s16] =	ssyncset.done $0x0  }
0x5a: {  	s30 =	simm.s32 $0x230;
	[sflag:s16] =	ssyncadd.s32 $0xFFFFFFB0  }
0x5b: {  	[spmem:s1] =	stream.indirect.scatter.add.f32 [tilespmem:s10], [sflag:$0x3], $0x1, s30, s9, $0xb8;
	[tilespmem:$0x2C60] =	vst v63  }
0x5c: {  	_ =	swait.ge [sflag:s17], $0x50  }
0x5d: {  	[sflag:s17] =	ssyncset.done $0x0  }
0x5e: {  	s31 =	simm.s32 $0x280;
	[sflag:s17] =	ssyncadd.s32 $0xFFFFFFB0  }
0x5f: {  	[spmem:s1] =	stream.indirect.scatter.add.f32 [tilespmem:s10], [sflag:$0x4], $0x1, s31, s9, $0xb8;
	[tilespmem:$0x2C60] =	vst v63  }
0x60: {  	_ =	swait.ge [sflag:s18], $0x50  }
0x61: {  	[sflag:s18] =	ssyncset.done $0x0  }
0x62: {  	s24 =	simm.s32 $0x2D0;
	s23 =	simm.s32 $0xFFFF7040;
	[sflag:s18] =	ssyncadd.s32 $0xFFFFFFB0  }
.LBB2_2:
0x63: {  	[spmem:s1] =	stream.indirect.scatter.add.f32 [tilespmem:s10], [sflag:$0x5], $0x1, s24, s9, $0xb8;
	[tilespmem:$0x2C60] =	vst v63  }
0x64: {  	s24 =	smov.u32 s23  }
0x65: {  	p0 =	sne.s32 s23, $0xFFFFF9C0;
	s23 =	sadd.s32 $0x640, s23;
	_ =	swait.ge [sflag:s14], $0x50  }
0x66: {  	s24 =	sshra.s32 s24, $0x2;
	[sflag:s14] =	ssyncset.done $0x0  }
0x67: {  	s25 =	sadd.s32 $0x2710, s24;
	[sflag:s14] =	ssyncadd.s32 $0xFFFFFFB0  }
0x68: {  	[spmem:s1] =	stream.indirect.scatter.add.f32 [tilespmem:s10], [sflag:$0x1], $0x1, s25, s9, $0xb8;
	[tilespmem:$0x2C60] =	vst v63  }
0x69: {  	_ =	swait.ge [sflag:s15], $0x50  }
0x6a: {  	[sflag:s15] =	ssyncset.done $0x0  }
0x6b: {  	s25 =	sadd.s32 $0x2760, s24;
	[sflag:s15] =	ssyncadd.s32 $0xFFFFFFB0  }
0x6c: {  	[spmem:s1] =	stream.indirect.scatter.add.f32 [tilespmem:s10], [sflag:$0x2], $0x1, s25, s9, $0xb8;
	[tilespmem:$0x2C60] =	vst v63  }
0x6d: {  	_ =	swait.ge [sflag:s16], $0x50  }
0x6e: {  	[sflag:s16] =	ssyncset.done $0x0  }
0x6f: {  	s25 =	sadd.s32 $0x27B0, s24;
	[sflag:s16] =	ssyncadd.s32 $0xFFFFFFB0  }
0x70: {  	[spmem:s1] =	stream.indirect.scatter.add.f32 [tilespmem:s10], [sflag:$0x3], $0x1, s25, s9, $0xb8;
	[tilespmem:$0x2C60] =	vst v63  }
0x71: {  	_ =	swait.ge [sflag:s17], $0x50  }
0x72: {  	[sflag:s17] =	ssyncset.done $0x0  }
.Ltmp0:
0x73: {  	s25 =	sadd.s32 $0x2800, s24;
	[sflag:s17] =	ssyncadd.s32 $0xFFFFFFB0;
	(pc) =	sbr.rel @p0 .LBB2_2-.Ltmp0, $4  }
0x74: {  	[spmem:s1] =	stream.indirect.scatter.add.f32 [tilespmem:s10], [sflag:$0x4], $0x1, s25, s9, $0xb8;
	[tilespmem:$0x2C60] =	vst v63  }
0x75: {  	_ =	swait.ge [sflag:s18], $0x50  }
0x76: {  	[sflag:s18] =	ssyncset.done $0x0  }
0x77: {  	s24 =	sadd.s32 $0x2850, s24;
	[sflag:s18] =	ssyncadd.s32 $0xFFFFFFB0  }
0x78: {  	[spmem:s1] =	stream.indirect.scatter.add.f32 [tilespmem:s10], [sflag:$0x5], $0x1, s24, s9, $0xb8;
	[tilespmem:$0x2C60] =	vst v63  }
0x79: {  	_ =	swait.ge [sflag:s14], $0x50  }
0x7a: {  	[sflag:s14] =	ssyncset.done $0x0  }
0x7b: {  	[sflag:s14] =	ssyncadd.s32 $0xFFFFFFB0  }
0x7c: {  	_ =	swait.ge [sflag:s15], $0x50  }
0x7d: {  	[sflag:s15] =	ssyncset.done $0x0  }
0x7e: {  	[sflag:s15] =	ssyncadd.s32 $0xFFFFFFB0  }
0x7f: {  	_ =	swait.ge [sflag:s16], $0x50  }
0x80: {  	[sflag:s16] =	ssyncset.done $0x0  }
0x81: {  	[sflag:s16] =	ssyncadd.s32 $0xFFFFFFB0  }
0x82: {  	_ =	swait.ge [sflag:s17], $0x50  }
0x83: {  	[sflag:s17] =	ssyncset.done $0x0  }
0x84: {  	[sflag:s17] =	ssyncadd.s32 $0xFFFFFFB0  }
0x85: {  	_ =	swait.ge [sflag:s18], $0x50  }
0x86: {  	s22 =	sadd.s32 $0x1, s22;
	[sflag:s18] =	ssyncset.done $0x0  }
0x87: {  	p0 =	sne.s32 s22, s5;
	[sflag:s18] =	ssyncadd.s32 $0xFFFFFFB0  }
.Ltmp1:
0x88: {  	[bflag:$0x0] =	sbarrier.arrive $0xFFFF;
	(pc) =	sbr.rel @p0 .LBB2_1-.Ltmp1, $4  }
0x89: {  	[hbm:s19], [sflag:s20] =	dma.local [spmem:s21], $0x50  }
0x8a: {  	_ =	swait.ge [sflag:s7], $0x50  }
0x8b: {  	[sflag:s7] =	ssyncset.done $0x0  }
0x8c: {  	[sflag:s7] =	ssyncadd.s32 $0xFFFFFFB0  }
0x8d: {  	_ =	sfence.sel $0x180000  }
0x8e: {  	[bflag:$0x0] =	sbarrier.arrive $0xFFFF  }
0x8f: {  	p0 =	sne.s32 s3, $0x0;
	_ =	strace $0x90000047  }
0x90: {  	s0 =	sadd.s32 @!p0 $0x100000, s0;
	[bflag:$0x2] =	sbarrier.arrive $0xFFFF  }
0x91: {  	[sflag:s0] =	ssyncadd.tile.s32 @!p0 $0x1;
	_ =	shalt  }
.Lfunc_end2:
_tile_overlayer_lowered:
.L_overlay_start_2:
0x92: {  	(tag) =	ssettag $0x2  }
0x93: {  	s0 =	rddreg [dreg:$0x0];
	s2 =	stileid.u32  }
0x94: {  	s1 =	rddreg [dreg:$0x1];
	p0 =	sne.s32 s2, $0x0  }
0x95: {  	s3 =	rddreg [dreg:$0x2];
	[bflag:$0x3] =	sbarrier.arrive $0xFFFF;
	s2 =	simm.s32 @!p0 $0x1C06  }
0x96: {  	[timem:s3], [sflag:s2] =	dma.local @!p0 [hbm:s0], s1  }
0x97: {  	s0 =	simm.s32 @!p0 $0x6  }
0x98: {  	_ =	swait.ge @!p0 [sflag:s0], s1  }
0x99: {  	s1 =	ssub.s32 @!p0 $0x0, s1;
	[sflag:s0] =	ssyncset.done @!p0 $0x0  }
0x9a: {  	[sflag:s0] =	ssyncadd.s32 @!p0 s1  }
0x9b: {  	[bflag:$0x3] =	sbarrier.arrive $0xFFFF  }
0x9c: {  	_ =	shalt  }

// kernel: kernel.9.cloned.1.call-start
scs
__scs_entry_jumppad:
0x0: {  	(pc) =	sbr.rel $0x88, $3  }
0x1: {  	(tag) =	ssettag $0x0;
	lr =	simm.s32 $0x1  }
0x2: {  	[smem:$0x3F9D] =	sst lr;
	_ =	strace $0xD0000000  }
0x3: {  	_ = 	snop  }
0x4: {  	_ = 	snop  }
0x5: {  	_ = 	snop  }
0x6: {  	_ = 	snop  }
0x7: {  	_ = 	snop  }
__scs_overlays_trampoline_lowered:
0x8: {  	[smem:$0x3FAC] =	sst s0  }
0x9: {  	[smem:$0x3FAD] =	sst s1  }
0xa: {  	[smem:$0x3FAE] =	sst s2  }
0xb: {  	[smem:$0x3FAF] =	sst s3  }
0xc: {  	[smem:$0x3FB0] =	sst s4  }
0xd: {  	[smem:$0x3FB1] =	sst s5  }
0xe: {  	[smem:$0x3FB2] =	sst s6  }
0xf: {  	[smem:$0x3FB3] =	sst s7  }
0x10: {  	[smem:$0x3FB4] =	sst s8  }
0x11: {  	[smem:$0x3FB5] =	sst s9;
	s0 =	simm.s32 @!p0 $0x0  }
0x12: {  	s1 =	sld [smem:$0x3F9B];
	s0 =	simm.s32 @p0 $0x1  }
0x13: {  	[smem:$0x3FB6] =	sst s0;
	s0 =	simm.s32 @!p1 $0x0  }
0x14: {  	s2 =	sld [smem:$0x3F9A];
	s0 =	simm.s32 @p1 $0x1  }
0x15: {  	[smem:$0x3FB7] =	sst s0;
	s0 =	simm.s32 @!p2 $0x0  }
0x16: {  	s3 =	sld [smem:$0x3FDB];
	s0 =	simm.s32 @p2 $0x1  }
0x17: {  	s4 =	simm.s32 $0x1BF5;
	[smem:$0x3FB9] =	sst s0  }
0x18: {  	s0 =	sld [smem:$0x3F9C];
	_ =	swait.ge [sflag:s4], $0x0  }
0x19: {  	s7 =	sld [smem:$0x3F9D]  }
0x1a: {  	s8 =	sadd.s32 $0xFFFFE003, lr  }
0x1b: {  	s9 =	sadd.s32 $0xFFFFFEF7, lr;
	s5 =	simm.s32 $0xFFFFFFFF;
	p2 =	slt.u32 s8, $0xFFFFF086  }
0x1c: {  	p1 =	slt.u32 s9, $0xF7A;
	s5 =	simm.s32 @!p2 $0x0  }
0x1d: {  	s5 =	simm.s32 @p1 $0x1;
	p0 =	seq.s32 s7, s2  }
0x1e: {  	s7 =	smul.u32 @!p0 $0xF7A, s2;
	p2 =	seq.s32 @!p0 s5, $0x0  }
0x1f: {  	s9 =	smul.u32 $0xF7A, s1;
	s8 =	simm.s32 @!p0 $0x1BF5;
	p2 =	por !p2, p0  }
0x20: {  	[sflag:s8] =	ssyncset.s32 @!p0 $0xFFFFF086;
	s6 =	sadd.s32 @!p0 s3, s7;
	s7 =	simm.s32 @!p0 $0x108  }
0x21: {  	s3 =	sadd.s32 s3, s9;
	s6 =	sadd.s32 @!p0 $0x88, s6;
	s7 =	simm.s32 @p2 $0x1082  }
0x22: {  	[simem:s7], [sflag:s8] =	dma.local @!p0 [hbm:s6], $0xF7A  }
0x23: {  	s9 =	sor.u32 $0xD0000000, s2;
	s6 =	simm.s32 $0x108;
	_ =	swait.ge @!p0 [sflag:s8], $0x0  }
0x24: {  	s3 =	sadd.s32 $0x88, s3;
	s6 =	simm.s32 @!p1 $0x1082;
	[sflag:s4] =	ssyncset.s32 $0xFFFFF086  }
0x25: {  	[simem:s6], [sflag:s4] =	dma.local [hbm:s3], $0xF7A  }
0x26: {  	[smem:$0x3F9D] =	sst s1;
	(tag) =	ssettag s2;
	_ =	strace s9  }
0x27: {  	s1 =	sld [smem:$0x3FAD]  }
0x28: {  	s2 =	sld [smem:$0x3FAE]  }
0x29: {  	s4 =	sld [smem:$0x3FB0]  }
0x2a: {  	p0 =	seq.s32 s5, $0x0;
	s5 =	sld [smem:$0x3FB1]  }
0x2b: {  	s6 =	sld [smem:$0x3FB2]  }
0x2c: {  	s7 =	sld [smem:$0x3FB3]  }
0x2d: {  	s3 =	simm.s32 $0x108;
	s8 =	sld [smem:$0x3FB4]  }
0x2e: {  	s3 =	simm.s32 @!p0 $0x1082;
	s9 =	sld [smem:$0x3FB5]  }
0x2f: {  	lr =	sadd.s32 s0, s3;
	s0 =	sld [smem:$0x3FAC]  }
0x30: {  	s3 =	sld [smem:$0x3FAF]  }
0x31: {  	[smem:$0x3FB8] =	sst s10  }
0x32: {  	s10 =	sld [smem:$0x3FB6];
	_ =	sdelay $0x3  }
0x33: {  	p0 =	seq.s32 s10, $0x1;
	s10 =	sld [smem:$0x3FB8];
	_ =	sdelay $0x3  }
0x34: {  	[smem:$0x3FB8] =	sst s10  }
0x35: {  	s10 =	sld [smem:$0x3FB7];
	_ =	sdelay $0x3  }
0x36: {  	p1 =	seq.s32 s10, $0x1;
	s10 =	sld [smem:$0x3FB8];
	_ =	sdelay $0x3  }
0x37: {  	[smem:$0x3FB8] =	sst s10  }
0x38: {  	s10 =	sld [smem:$0x3FB9]  }
0x39: {  	_ = 	snop;
	(pc) =	sbr.ind lr, $3  }
0x3a: {  	_ = 	snop  }
0x3b: {  	_ = 	snop  }
0x3c: {  	p2 =	seq.s32 s10, $0x1;
	s10 =	sld [smem:$0x3FB8]  }
0x3d: {  	_ =	shalt  }
0x3e: {  	_ =	shalt  }
0x3f: {  	_ =	shalt  }
0x40: {  	_ =	shalt  }
0x41: {  	_ =	shalt  }
0x42: {  	_ =	shalt  }
0x43: {  	_ =	shalt  }
0x44: {  	_ =	shalt  }
0x45: {  	_ =	shalt  }
0x46: {  	_ =	shalt  }
0x47: {  	_ =	shalt  }
0x48: {  	_ =	shalt  }
0x49: {  	_ =	shalt  }
0x4a: {  	_ =	shalt  }
0x4b: {  	_ =	shalt  }
0x4c: {  	_ =	shalt  }
0x4d: {  	_ =	shalt  }
0x4e: {  	_ =	shalt  }
0x4f: {  	_ =	shalt  }
0x50: {  	_ =	shalt  }
0x51: {  	_ =	shalt  }
0x52: {  	_ =	shalt  }
0x53: {  	_ =	shalt  }
0x54: {  	_ =	shalt  }
0x55: {  	_ =	shalt  }
0x56: {  	_ =	shalt  }
0x57: {  	_ =	shalt  }
0x58: {  	_ =	shalt  }
0x59: {  	_ =	shalt  }
0x5a: {  	_ =	shalt  }
0x5b: {  	_ =	shalt  }
0x5c: {  	_ =	shalt  }
0x5d: {  	_ =	shalt  }
0x5e: {  	_ =	shalt  }
0x5f: {  	_ =	shalt  }
0x60: {  	_ =	shalt  }
0x61: {  	_ =	shalt  }
0x62: {  	_ =	shalt  }
0x63: {  	_ =	shalt  }
0x64: {  	_ =	shalt  }
0x65: {  	_ =	shalt  }
0x66: {  	_ =	shalt  }
0x67: {  	_ =	shalt  }
0x68: {  	_ =	shalt  }
0x69: {  	_ =	shalt  }
0x6a: {  	_ =	shalt  }
0x6b: {  	_ =	shalt  }
0x6c: {  	_ =	shalt  }
0x6d: {  	_ =	shalt  }
0x6e: {  	_ =	shalt  }
0x6f: {  	_ =	shalt  }
0x70: {  	_ =	shalt  }
0x71: {  	_ =	shalt  }
0x72: {  	_ =	shalt  }
0x73: {  	_ =	shalt  }
0x74: {  	_ =	shalt  }
0x75: {  	_ =	shalt  }
0x76: {  	_ =	shalt  }
0x77: {  	_ =	shalt  }
0x78: {  	_ =	shalt  }
0x79: {  	_ =	shalt  }
0x7a: {  	_ =	shalt  }
0x7b: {  	_ =	shalt  }
0x7c: {  	_ =	shalt  }
0x7d: {  	_ =	shalt  }
0x7e: {  	_ =	shalt  }
0x7f: {  	_ =	shalt  }
0x80: {  	_ =	shalt  }
0x81: {  	_ =	shalt  }
0x82: {  	_ =	shalt  }
0x83: {  	_ =	shalt  }
0x84: {  	_ =	shalt  }
0x85: {  	_ =	shalt  }
0x86: {  	_ =	shalt  }
0x87: {  	_ =	shalt  }
.Lfunc_end0:
.L_simem_size_0:
called_computation.1_lowered:
.L_overlay_start_0:
0x88: {  	s2 =	sld [smem:$0x3FD9]  }
0x89: {  	s3 =	sld [smem:$0x3FFE];
	_ =	sdelay $0x1  }
0x8a: {  	s1 =	srdreg.scid  }
0x8b: {  	s0 =	sand.u32 $0x1, s1  }
0x8c: {  	s17 =	sshll.u32 s0, $0xA;
	s2 =	sadd.s32 s3, s2  }
0x8d: {  	s2 =	sadd.s32 s2, s17  }
0x8e: {  	[smem:$0x3FC4] =	sst s2  }
0x8f: {  	_ = 	snop  }
0x90: {  	s2 =	sld [smem:$0x3FD0];
	(tm) =	ssettm $0x1  }
0x91: {  	s18 =	sld [smem:$0x3FFB];
	_ =	sdelay $0x3  }
0x92: {  	_ =	strace s18  }
0x93: {  	s3 =	sld [smem:$0x3FFC];
	_ =	sdelay $0x3  }
0x94: {  	_ =	strace s3  }
0x95: {  	s3 =	sld [smem:$0x3FFD];
	_ =	sdelay $0x3  }
0x96: {  	_ =	strace s3  }
0x97: {  	_ =	strace $0x8FFFFFFF  }
0x98: {  	s19 =	sld [smem:$0x3FDB];
	_ =	sdelay $0x1  }
0x99: {  	s4 =	simm.s32 $_scs_section_size  }
0x9a: {  	s5 =	simm.s32 $_size__tile_overlayer_lowered;
	s6 =	simm.s32 $_tile_overlayer_lowered  }
0x9b: {  	s22 =	simm.s32 $0x1BFF;
	s21 =	sshll.u32 s6, $0x1;
	s3 =	sadd.s32 s4, s19  }
0x9c: {  	s7 =	simm.s32 $0x0;
	s20 =	sshll.u32 s5, $0x1;
	s5 =	sadd.s32 s21, s3  }
0x9d: {  	[timem:s7], [sflag:s22] =	dma.local [hbm:s5], s20  }
0x9e: {  	_ =	swait.ge [sflag:s22], s20  }
0x9f: {  	s4 =	ssub.s32 $0x0, s20;
	[sflag:s22] =	ssyncset.done $0x0  }
0xa0: {  	[sflag:s22] =	ssyncadd.s32 s4;
	_ =	sdelay $0x1  }
0xa1: {  	s23 =	simm.s32 $0x1B8B  }
0xa2: {  	_ =	swait.ge [sflag:s23], $0x1  }
0xa3: {  	[sflag:s23] =	ssyncset.done $0x0  }
0xa4: {  	s25 =	simm.s32 $0x1B8E;
	s24 =	sld [smem:$0x3FFE];
	[sflag:s23] =	ssyncadd.s32 $0xFFFFFFFF  }
0xa5: {  	s26 =	simm.s32 $execute0_lowered;
	[smem:$0x3FD2] =	sst s25  }
0xa6: {  	s5 =	sshll.u32 s26, $0x1;
	_ =	strace $0x80000049;
	[dreg:$0x1] =	wrdreg $0xFFFFFFFF  }
0xa7: {  	s28 =	simm.s32 $_size_execute0_lowered;
	s3 =	sadd.s32 s3, s5;
	[dreg:$0x0] =	wrdreg $0x0  }
0xa8: {  	s5 =	sshll.u32 s28, $0x1;
	[dreg:$0x2] =	wrdreg s3  }
0xa9: {  	[dreg:$0x3] =	wrdreg s5  }
0xaa: {  	[dreg:$0x4] =	wrdreg $0xC0  }
0xab: {  	_ =	task [dreg:s7], $0x5FFFF  }
0xac: {  	[dreg:$0x1] =	wrdreg $0xFFFFFFFF  }
0xad: {  	[dreg:$0x0] =	wrdreg $0x60  }
0xae: {  	[dreg:$0x2] =	wrdreg s24  }
0xaf: {  	[dreg:$0x3] =	wrdreg s2  }
0xb0: {  	[dreg:$0x4] =	wrdreg $0xBC200  }
0xb1: {  	[dreg:$0x5] =	wrdreg $0x94200  }
0xb2: {  	[dreg:$0x6] =	wrdreg $0x9  }
0xb3: {  	_ =	task.clear_ibuf [dreg:s7], $0x7FFFF;
	_ =	strace $0x90000049  }
0xb4: {  	s29 =	simm.s32 $0x9;
	_ =	strace $0x8000004B  }
0xb5: {  	_ =	swait.ge [sflag:s29], $0x1  }
0xb6: {  	[sflag:s29] =	ssyncadd.s32 $0xFFFFFFFF  }
0xb7: {  	_ =	strace $0x9000004B  }
0xb8: {  	_ =	sfence  }
0xb9: {  	s30 =	sld [smem:$0x0];
	_ =	sdelay $0x2  }
0xba: {  	s31 =	sshll.u32 s1, $0xD;
	s1 =	sshrl.u32 s1, $0x2  }
0xbb: {  	s3 =	sand.u32 $0x4000, s31;
	s1 =	sadd.s32 s1, s30  }
0xbc: {  	s0 =	sor.u32 s3, s0;
	s1 =	sshll.u32 s1, $0x11  }
0xbd: {  	s0 =	sor.u32 s1, s0  }
0xbe: {  	s0 =	sadd.s32 $0x8F2B, s0  }
0xbf: {  	[sflag:s0] =	ssyncadd.remote.s32 $0x1  }
0xc0: {  	_ =	sfence.sel $0xFFFF  }
0xc1: {  	[dreg:$0x0] =	wrdreg $0xFFFFFFFF;
	(pc) =	sbr.abs _section_cstart, $3  }
0xc2: {  	[dreg:$0x1] =	wrdreg $0xFFFFFFFF  }
0xc3: {  	_ =	task.clear_ibuf [dreg:s7], $0x2FFFF;
	_ =	strace $0x9FFFFFFF  }
0xc4: {  	(tm) =	ssettm $0x7FFFFFFF  }
0xc5: {  	_ =	shalt  }
tec
execute0_lowered:
.L_overlay_start_1:
0x0: {  	(tag) =	ssettag $0x1  }
0x1: {  	s0 =	rddreg [dreg:$0x0]  }
0x2: {  	s1 =	rddreg [dreg:$0x1];
	s3 =	srdreg.scid  }
0x3: {  	s14 =	stileid.u32;
	s2 =	rddreg [dreg:$0x2]  }
0x4: {  	s28 =	simm.s32 $0x50;
	s29 =	simm.s32 $0x8020;
	s7 =	smul.u32 $0x2800, s14  }
0x5: {  	s31 =	simm.s32 $0x8520;
	s30 =	simm.s32 $0x1;
	s8 =	smul.u32 $0xA000, s14  }
0x6: {  	s5 =	sand.u32 $0x1, s3;
	s4 =	sshll.u32 s14, $0x1;
	s14 =	smul.u32 $0x50, s14  }
0x7: {  	s3 =	rddreg [dreg:$0x3];
	s6 =	sor.u32 s5, s4;
	s11 =	smul.u32 $0x5000, s5  }
0x8: {  	s4 =	simm.s32 $0x0;
	s5 =	ssub.s32 $0x2, s5;
	s6 =	smul.u32 $0x4E2, s6  }
0x9: {  	[smem:$0x7FF] =	sst s4;
	s10 =	sshrl.u32 s7, $0x3;
	s8 =	sshrl.u32 s8, $0x2  }
0xa: {  	s13 =	sshrl.u32 s5, $0x1;
	s25 =	sadd.s32 s1, s14;
	s1 =	sadd.s32 $0x500, s1  }
0xb: {  	s16 =	sadd.s32 s7, s3;
	_ =	strace $0x8000004A;
	s12 =	sadd.s32 s10, s0  }
0xc: {  	s11 =	sadd.s32 s11, s0;
	s8 =	sadd.s32 s8, s2;
	s13 =	ssub.s32 s5, s13  }
0xd: {  	s5 =	sadd.s32 s7, s2;
	[dreg:$0xe] =	wrdreg s25;
	s15 =	sadd.s32 $0x500, s8  }
0xe: {  	s25 =	simm.s32 $0x3;
	s18 =	sadd.s32 $0xA00, s8;
	[dreg:$0x5] =	wrdreg s15  }
0xf: {  	s7 =	simm.s32 $0x6;
	s19 =	sadd.s32 $0xF00, s8;
	[dreg:$0x6] =	wrdreg s18  }
0x10: {  	s9 =	sadd.s32 s6, s0;
	s20 =	sadd.s32 $0x1400, s8;
	[dreg:$0x7] =	wrdreg s19  }
0x11: {  	s21 =	sadd.s32 $0x1900, s8;
	s22 =	sadd.s32 $0x1E00, s8;
	[dreg:$0x8] =	wrdreg s20  }
0x12: {  	s8 =	sadd.s32 $0x2300, s8;
	s0 =	sadd.s32 $0xB240, s0;
	[dreg:$0x9] =	wrdreg s21  }
0x13: {  	s24 =	sadd.s32 $0x15000, s12;
	s26 =	sadd.s32 $0x1A000, s11;
	[dreg:$0xa] =	wrdreg s22  }
0x14: {  	s17 =	smax.u32 s13, $0x1;
	s11 =	simm.s32 $0xA;
	[dreg:$0xb] =	wrdreg s8  }
0x15: {  	s12 =	simm.s32 $0x0;
	s23 =	sadd.s32 $0x1600, s9;
	[dreg:$0xd] =	wrdreg s24  }
0x16: {  	s18 =	simm.s32 $0x7B20;
	s19 =	simm.s32 $0xB;
	s20 =	sadd.s32 s6, s0  }
0x17: {  	s22 =	sadd.s32 s14, s1;
	s24 =	sadd.s32 s10, s26;
	s21 =	simm.s32 $0x8A20  }
0x18: {  	s26 =	simm.s32 $0x8F20;
	s1 =	simm.s32 $0x2;
	s0 =	simm.s32 $0x4  }
0x19: {  	s6 =	simm.s32 $0x5;
	s8 =	simm.s32 $0x7;
	s9 =	simm.s32 $0x8  }
0x1a: {  	v0 =	vimm.f32 $0.0e+00;
	s10 =	simm.s32 $0x9;
	[dreg:$0xc] =	wrdreg s23;
	s23 =	simm.s32 $0x5320  }
.LBB2_1:
0x1b: {  	[tilespmem:$0x7B20] =	vst v0  }
0x1c: {  	[tilespmem:$0x7B30] =	vst v0  }
0x1d: {  	[tilespmem:$0x7B40] =	vst v0  }
0x1e: {  	[tilespmem:$0x7B50] =	vst v0  }
0x1f: {  	[tilespmem:$0x7B60] =	vst v0  }
0x20: {  	[tilespmem:$0x7B70] =	vst v0  }
0x21: {  	[tilespmem:$0x7B80] =	vst v0  }
0x22: {  	[tilespmem:$0x7B90] =	vst v0  }
0x23: {  	[tilespmem:$0x7BA0] =	vst v0  }
0x24: {  	[tilespmem:$0x7BB0] =	vst v0  }
0x25: {  	[tilespmem:$0x7BC0] =	vst v0  }
0x26: {  	[tilespmem:$0x7BD0] =	vst v0  }
0x27: {  	[tilespmem:$0x7BE0] =	vst v0  }
0x28: {  	[tilespmem:$0x7BF0] =	vst v0  }
0x29: {  	[tilespmem:$0x7C00] =	vst v0  }
0x2a: {  	[tilespmem:$0x7C10] =	vst v0  }
0x2b: {  	[tilespmem:$0x7C20] =	vst v0  }
0x2c: {  	[tilespmem:$0x7C30] =	vst v0  }
0x2d: {  	[tilespmem:$0x7C40] =	vst v0  }
0x2e: {  	[tilespmem:$0x7C50] =	vst v0  }
0x2f: {  	[tilespmem:$0x7C60] =	vst v0  }
0x30: {  	[tilespmem:$0x7C70] =	vst v0  }
0x31: {  	[tilespmem:$0x7C80] =	vst v0  }
0x32: {  	[tilespmem:$0x7C90] =	vst v0  }
0x33: {  	[tilespmem:$0x7CA0] =	vst v0  }
0x34: {  	[tilespmem:$0x7CB0] =	vst v0  }
0x35: {  	[tilespmem:$0x7CC0] =	vst v0  }
0x36: {  	[tilespmem:$0x7CD0] =	vst v0  }
0x37: {  	[tilespmem:$0x7CE0] =	vst v0  }
0x38: {  	[tilespmem:$0x7CF0] =	vst v0  }
0x39: {  	[tilespmem:$0x7D00] =	vst v0  }
0x3a: {  	[tilespmem:$0x7D10] =	vst v0  }
0x3b: {  	[tilespmem:$0x7D20] =	vst v0  }
0x3c: {  	[tilespmem:$0x7D30] =	vst v0  }
0x3d: {  	[tilespmem:$0x7D40] =	vst v0  }
0x3e: {  	[tilespmem:$0x7D50] =	vst v0  }
0x3f: {  	[tilespmem:$0x7D60] =	vst v0  }
0x40: {  	[tilespmem:$0x7D70] =	vst v0  }
0x41: {  	[tilespmem:$0x7D80] =	vst v0  }
0x42: {  	[tilespmem:$0x7D90] =	vst v0  }
0x43: {  	[tilespmem:$0x7DA0] =	vst v0  }
0x44: {  	[tilespmem:$0x7DB0] =	vst v0  }
0x45: {  	[tilespmem:$0x7DC0] =	vst v0  }
0x46: {  	[tilespmem:$0x7DD0] =	vst v0  }
0x47: {  	[tilespmem:$0x7DE0] =	vst v0  }
0x48: {  	[tilespmem:$0x7DF0] =	vst v0  }
0x49: {  	[tilespmem:$0x7E00] =	vst v0  }
0x4a: {  	[tilespmem:$0x7E10] =	vst v0  }
0x4b: {  	[tilespmem:$0x7E20] =	vst v0  }
0x4c: {  	[tilespmem:$0x7E30] =	vst v0  }
0x4d: {  	[tilespmem:$0x7E40] =	vst v0  }
0x4e: {  	[tilespmem:$0x7E50] =	vst v0  }
0x4f: {  	[tilespmem:$0x7E60] =	vst v0  }
0x50: {  	[tilespmem:$0x7E70] =	vst v0  }
0x51: {  	[tilespmem:$0x7E80] =	vst v0  }
0x52: {  	[tilespmem:$0x7E90] =	vst v0  }
0x53: {  	[tilespmem:$0x7EA0] =	vst v0  }
0x54: {  	[tilespmem:$0x7EB0] =	vst v0  }
0x55: {  	[tilespmem:$0x7EC0] =	vst v0  }
0x56: {  	[tilespmem:$0x7ED0] =	vst v0  }
0x57: {  	[tilespmem:$0x7EE0] =	vst v0  }
0x58: {  	[tilespmem:$0x7EF0] =	vst v0  }
0x59: {  	[tilespmem:$0x7F00] =	vst v0  }
0x5a: {  	[tilespmem:$0x7F10] =	vst v0  }
0x5b: {  	[tilespmem:$0x7F20] =	vst v0  }
0x5c: {  	[tilespmem:$0x7F30] =	vst v0  }
0x5d: {  	[tilespmem:$0x7F40] =	vst v0  }
0x5e: {  	[tilespmem:$0x7F50] =	vst v0  }
0x5f: {  	[tilespmem:$0x7F60] =	vst v0  }
0x60: {  	[tilespmem:$0x7F70] =	vst v0  }
0x61: {  	[tilespmem:$0x7F80] =	vst v0  }
0x62: {  	[tilespmem:$0x7F90] =	vst v0  }
0x63: {  	[tilespmem:$0x7FA0] =	vst v0  }
0x64: {  	[tilespmem:$0x7FB0] =	vst v0  }
0x65: {  	[tilespmem:$0x7FC0] =	vst v0  }
0x66: {  	[tilespmem:$0x7FD0] =	vst v0  }
0x67: {  	[tilespmem:$0x7FE0] =	vst v0  }
0x68: {  	[tilespmem:$0x7FF0] =	vst v0  }
0x69: {  	[tilespmem:$0x8000] =	vst v0  }
0x6a: {  	[tilespmem:$0x8010] =	vst v0  }
0x6b: {  	[spmem:s5] =	stream.linear.scatter [tilespmem:s18], [sflag:$0xB], $0x500, $0x38;
	[tilespmem:$0xE420] =	vst v63  }
0x6c: {  	_ =	swait.ge [sflag:s19], $0x500  }
0x6d: {  	[sflag:s19] =	ssyncset.done $0x0  }
0x6e: {  	s13 =	rddreg [dreg:$0x5];
	[sflag:s19] =	ssyncadd.s32 $0xFFFFFB00  }
0x6f: {  	[spmem:s13] =	stream.linear.scatter [tilespmem:s18], [sflag:$0xB], $0x500, $0x38;
	[tilespmem:$0xE420] =	vst v63  }
0x70: {  	_ =	swait.ge [sflag:s19], $0x500  }
0x71: {  	[sflag:s19] =	ssyncset.done $0x0  }
0x72: {  	s14 =	rddreg [dreg:$0x6];
	[sflag:s19] =	ssyncadd.s32 $0xFFFFFB00  }
0x73: {  	[spmem:s14] =	stream.linear.scatter [tilespmem:s18], [sflag:$0xB], $0x500, $0x38;
	[tilespmem:$0xE420] =	vst v63  }
0x74: {  	_ =	swait.ge [sflag:s19], $0x500  }
0x75: {  	[sflag:s19] =	ssyncset.done $0x0  }
0x76: {  	s15 =	rddreg [dreg:$0x7];
	[sflag:s19] =	ssyncadd.s32 $0xFFFFFB00  }
0x77: {  	[spmem:s15] =	stream.linear.scatter [tilespmem:s18], [sflag:$0xB], $0x500, $0x38;
	[tilespmem:$0xE420] =	vst v63  }
0x78: {  	_ =	swait.ge [sflag:s19], $0x500  }
0x79: {  	[sflag:s19] =	ssyncset.done $0x0  }
0x7a: {  	s14 =	rddreg [dreg:$0x8];
	[sflag:s19] =	ssyncadd.s32 $0xFFFFFB00  }
0x7b: {  	[spmem:s14] =	stream.linear.scatter [tilespmem:s18], [sflag:$0xB], $0x500, $0x38;
	[tilespmem:$0xE420] =	vst v63  }
0x7c: {  	_ =	swait.ge [sflag:s19], $0x500  }
0x7d: {  	[sflag:s19] =	ssyncset.done $0x0  }
0x7e: {  	s15 =	rddreg [dreg:$0x9];
	[sflag:s19] =	ssyncadd.s32 $0xFFFFFB00  }
0x7f: {  	[spmem:s15] =	stream.linear.scatter [tilespmem:s18], [sflag:$0xB], $0x500, $0x38;
	[tilespmem:$0xE420] =	vst v63  }
0x80: {  	_ =	swait.ge [sflag:s19], $0x500  }
0x81: {  	[sflag:s19] =	ssyncset.done $0x0  }
0x82: {  	s14 =	rddreg [dreg:$0xa];
	[sflag:s19] =	ssyncadd.s32 $0xFFFFFB00  }
0x83: {  	[spmem:s14] =	stream.linear.scatter [tilespmem:s18], [sflag:$0xB], $0x500, $0x38;
	[tilespmem:$0xE420] =	vst v63  }
0x84: {  	_ =	swait.ge [sflag:s19], $0x500  }
0x85: {  	[sflag:s19] =	ssyncset.done $0x0  }
0x86: {  	s15 =	rddreg [dreg:$0xb];
	[sflag:s19] =	ssyncadd.s32 $0xFFFFFB00  }
0x87: {  	[spmem:s15] =	stream.linear.scatter [tilespmem:s18], [sflag:$0xB], $0x500, $0x38;
	[tilespmem:$0xE420] =	vst v63  }
0x88: {  	_ =	swait.ge [sflag:s19], $0x500  }
0x89: {  	[sflag:s19] =	ssyncset.done $0x0  }
0x8a: {  	s14 =	rddreg [dreg:$0xc];
	[sflag:s19] =	ssyncadd.s32 $0xFFFFFB00  }
0x8b: {  	[tilespmem:s4], [sflag:$0xB] =	stream.linear.gather [hbm4b:s14+s4], $0x2710, $0x38;
	[tilespmem:$0xE420] =	vst v63  }
0x8c: {  	_ =	swait.ge [sflag:s19], $0x2710  }
0x8d: {  	[sflag:s19] =	ssyncset.done $0x0  }
0x8e: {  	s15 =	simm.s32 $0x2710;
	[sflag:s19] =	ssyncadd.s32 $0xFFFFD8F0  }
0x8f: {  	[tilespmem:s15], [sflag:$0xB] =	stream.linear.gather [hbm4b:s20+s4], $0x2710, $0x38;
	[tilespmem:$0xE420] =	vst v63  }
0x90: {  	_ =	swait.ge [sflag:s19], $0x2710  }
0x91: {  	[sflag:s19] =	ssyncset.done $0x0  }
0x92: {  	s14 =	rddreg [dreg:$0xd];
	[sflag:s19] =	ssyncadd.s32 $0xFFFFD8F0  }
0x93: {  	[tilespmem:s23], [sflag:$0xB] =	stream.linear.gather [hbm4b:s14+s4], $0x2800, $0x38;
	[tilespmem:$0xE420] =	vst v63  }
0x94: {  	_ =	swait.ge [sflag:s19], $0x2800  }
0x95: {  	[sflag:s19] =	ssyncset.done $0x0  }
0x96: {  	s14 =	simm.s32 $0x4E20;
	s15 =	rddreg [dreg:$0xe];
	[sflag:s19] =	ssyncadd.s32 $0xFFFFD800  }
0x97: {  	[tilespmem:s14], [sflag:$0xB] =	stream.linear.gather [hbm4b:s15+s4], $0x280, $0x38;
	[tilespmem:$0xE420] =	vst v63  }
0x98: {  	_ =	swait.ge [sflag:s19], $0x280  }
0x99: {  	[sflag:s19] =	ssyncset.done $0x0  }
0x9a: {  	s23 =	simm.s32 $0x50A0;
	[sflag:s19] =	ssyncadd.s32 $0xFFFFFD80  }
0x9b: {  	[tilespmem:s23], [sflag:$0xB] =	stream.linear.gather [hbm4b:s22+s4], $0x280, $0x38;
	[tilespmem:$0xE420] =	vst v63  }
0x9c: {  	_ =	swait.ge [sflag:s19], $0x280  }
0x9d: {  	[sflag:s19] =	ssyncset.done $0x0  }
0x9e: {  	s13 =	simm.s32 $0x0;
	[sflag:s19] =	ssyncadd.s32 $0xFFFFFD80  }
0x9f: {  	s14 =	simm.s32 $0x40;
	v1 =	vld [tilespmem:s13+$0x4E20]  }
.LBB2_2:
0xa0: {  	p0 =	sne.s32 s14, $0x9C0;
	v2 =	vld [tilespmem:s13+$0x50A0];
	_ =	sdelay $0x4  }
0xa1: {  	v1 =	vadd.f32 v2, v1;
	_ =	sdelay $0x1  }
0xa2: {  	v1 =	vadd.f32 $1.000000000e+00, v1;
	_ =	sdelay $0x1  }
0xa3: {  	v2 =	vshrl.u32 v1, $0x1;
	v1 =	vmul.f32 $5.000000000e-01, v1  }
0xa4: {  	v2 =	vsub.s32 $0x5F3759DF, v2  }
0xa5: {  	v3 =	vmul.f32 v2, v1;
	_ =	sdelay $0x1  }
0xa6: {  	v3 =	vmul.f32 v2, v3;
	_ =	sdelay $0x1  }
0xa7: {  	v3 =	vsub.f32 $1.500000000e+00, v3;
	_ =	sdelay $0x1  }
0xa8: {  	v2 =	vmul.f32 v2, v3;
	_ =	sdelay $0x1  }
0xa9: {  	v3 =	vmul.f32 v2, v1;
	_ =	sdelay $0x1  }
0xaa: {  	v3 =	vmul.f32 v3, v2;
	_ =	sdelay $0x1  }
0xab: {  	v3 =	vsub.f32 $1.500000000e+00, v3;
	_ =	sdelay $0x1  }
0xac: {  	v2 =	vmul.f32 v3, v2;
	_ =	sdelay $0x1  }
0xad: {  	v1 =	vmul.f32 v2, v1;
	_ =	sdelay $0x1  }
0xae: {  	v1 =	vmul.f32 v1, v2;
	_ =	sdelay $0x1  }
.Ltmp0:
0xaf: {  	v1 =	vsub.f32 $1.500000000e+00, v1;
	(pc) =	sbr.rel @p0 .LBB2_2-.Ltmp0, $4  }
0xb0: {  	_ = 	snop  }
0xb1: {  	v2 =	vmul.f32 v1, v2  }
0xb2: {  	s15 =	sshra.s32 s14, $0x2  }
0xb3: {  	s14 =	sadd.s32 $0x40, s14;
	v1 =	vld [tilespmem:s15+$0x4E20];
	[tilespmem:s13+$0x50A0] =	vst v2;
	s13 =	smov.u32 s15  }
0xb4: {  	v2 =	vld [tilespmem:s13+$0x50A0];
	_ =	sdelay $0x4  }
0xb5: {  	v1 =	vadd.f32 v2, v1;
	_ =	sdelay $0x1  }
0xb6: {  	v1 =	vadd.f32 $1.000000000e+00, v1;
	_ =	sdelay $0x1  }
0xb7: {  	v2 =	vshrl.u32 v1, $0x1;
	v1 =	vmul.f32 $5.000000000e-01, v1  }
0xb8: {  	v2 =	vsub.s32 $0x5F3759DF, v2  }
0xb9: {  	v3 =	vmul.f32 v2, v1;
	_ =	sdelay $0x1  }
0xba: {  	v3 =	vmul.f32 v2, v3;
	_ =	sdelay $0x1  }
0xbb: {  	v3 =	vsub.f32 $1.500000000e+00, v3;
	_ =	sdelay $0x1  }
0xbc: {  	v2 =	vmul.f32 v2, v3;
	_ =	sdelay $0x1  }
0xbd: {  	v3 =	vmul.f32 v2, v1;
	_ =	sdelay $0x1  }
0xbe: {  	v3 =	vmul.f32 v3, v2;
	_ =	sdelay $0x1  }
0xbf: {  	v3 =	vsub.f32 $1.500000000e+00, v3;
	_ =	sdelay $0x1  }
0xc0: {  	v2 =	vmul.f32 v3, v2;
	_ =	sdelay $0x1  }
0xc1: {  	v1 =	vmul.f32 v2, v1;
	_ =	sdelay $0x1  }
0xc2: {  	v1 =	vmul.f32 v1, v2;
	_ =	sdelay $0x1  }
0xc3: {  	v1 =	vsub.f32 $1.500000000e+00, v1;
	_ =	sdelay $0x1  }
0xc4: {  	v1 =	vmul.f32 v1, v2;
	_ =	sdelay $0x1  }
0xc5: {  	[tilespmem:s13+$0x50A0] =	vst v1;
	s13 =	simm.s32 $0x53A0  }
0xc6: {  	s23 =	simm.s32 $0x0;
	s15 =	simm.s32 $0x40;
	s14 =	simm.s32 $0x53A0;
	v1 =	vld [tilespmem:s13+$0xFFFFFFB0]  }
.LBB2_4:
0xc7: {  	p0 =	sne.s32 s15, $0x9C0;
	v2 =	vld [tilespmem:s23+$0x50A0]  }
0xc8: {  	v3 =	vld [tilespmem:s13+$0xFFFFFF90]  }
0xc9: {  	v4 =	vld [tilespmem:s13+$0xFFFFFF80]  }
0xca: {  	v5 =	vld [tilespmem:s13+$0xFFFFFFA0]  }
0xcb: {  	v6 =	vld [tilespmem:s13+$0xFFFFFFF0]  }
0xcc: {  	v7 =	vbroadcast v2, $0x0;
	v8 =	vbroadcast v2, $0x1;
	v9 =	vld [tilespmem:s13+$0xFFFFFFD0]  }
0xcd: {  	v10 =	vbroadcast v2, $0x2;
	v11 =	vbroadcast v2, $0x3;
	v12 =	vld [tilespmem:s13+$0xFFFFFFC0]  }
0xce: {  	v4 =	vmul.f32 v7, v4;
	v3 =	vmul.f32 v3, v8;
	v7 =	vld [tilespmem:s13+$0xFFFFFFE0]  }
0xcf: {  	v1 =	vmul.f32 v1, v11;
	v5 =	vmul.f32 v5, v10;
	v8 =	vld [tilespmem:s13+$0x30]  }
0xd0: {  	v10 =	vbroadcast v2, $0x5;
	[tilespmem:s13+$0xFFFFFF80] =	vst v4;
	v4 =	vbroadcast v2, $0x4;
	v11 =	vld [tilespmem:s13+$0x10]  }
0xd1: {  	v13 =	vbroadcast v2, $0x7;
	[tilespmem:s13+$0xFFFFFF90] =	vst v3;
	v3 =	vbroadcast v2, $0x6;
	v14 =	vld [tilespmem:s13+$0x0]  }
0xd2: {  	[tilespmem:s13+$0xFFFFFFA0] =	vst v5;
	v4 =	vmul.f32 v12, v4;
	v5 =	vmul.f32 v9, v10;
	v9 =	vld [tilespmem:s13+$0x20]  }
0xd3: {  	[tilespmem:s13+$0xFFFFFFB0] =	vst v1;
	v1 =	vmul.f32 v7, v3;
	v3 =	vmul.f32 v6, v13;
	v6 =	vld [tilespmem:s13+$0x70]  }
0xd4: {  	v7 =	vbroadcast v2, $0x9;
	[tilespmem:s13+$0xFFFFFFC0] =	vst v4;
	v4 =	vbroadcast v2, $0x8;
	v10 =	vld [tilespmem:s13+$0x50]  }
0xd5: {  	v12 =	vbroadcast v2, $0xB;
	[tilespmem:s13+$0xFFFFFFD0] =	vst v5;
	v5 =	vbroadcast v2, $0xA;
	v13 =	vld [tilespmem:s13+$0x40]  }
0xd6: {  	[tilespmem:s13+$0xFFFFFFE0] =	vst v1;
	v1 =	vmul.f32 v14, v4;
	v4 =	vmul.f32 v11, v7;
	v7 =	vld [tilespmem:s13+$0x60]  }
0xd7: {  	[tilespmem:s13+$0xFFFFFFF0] =	vst v3;
	v3 =	vmul.f32 v9, v5;
	v5 =	vmul.f32 v8, v12  }
0xd8: {  	v8 =	vbroadcast v2, $0xD;
	[tilespmem:s13+$0x0] =	vst v1;
	v1 =	vbroadcast v2, $0xC  }
0xd9: {  	[tilespmem:s13+$0x10] =	vst v4;
	v4 =	vbroadcast v2, $0xE;
	v2 =	vbroadcast v2, $0xF  }
0xda: {  	[tilespmem:s13+$0x20] =	vst v3;
	v1 =	vmul.f32 v13, v1;
	v3 =	vmul.f32 v10, v8  }
.Ltmp1:
0xdb: {  	[tilespmem:s13+$0x30] =	vst v5;
	v4 =	vmul.f32 v7, v4;
	v2 =	vmul.f32 v6, v2;
	(pc) =	sbr.rel @p0 .LBB2_4-.Ltmp1, $4  }
0xdc: {  	[tilespmem:s13+$0x40] =	vst v1  }
0xdd: {  	[tilespmem:s13+$0x50] =	vst v3  }
0xde: {  	s13 =	sadd.s32 $0x100, s13;
	[tilespmem:s14+$0x60] =	vst v4  }
0xdf: {  	s23 =	sshra.s32 s15, $0x2;
	s15 =	sadd.s32 $0x40, s15;
	v1 =	vld [tilespmem:s13+$0xFFFFFFB0];
	[tilespmem:s14+$0x70] =	vst v2;
	s14 =	smov.u32 s13  }
0xe0: {  	v2 =	vld [tilespmem:s23+$0x50A0];
	_ =	sdelay $0x1  }
0xe1: {  	v3 =	vld [tilespmem:s13+$0xFFFFFF80]  }
0xe2: {  	v4 =	vld [tilespmem:s13+$0xFFFFFF90]  }
0xe3: {  	v5 =	vld [tilespmem:s13+$0xFFFFFFA0]  }
0xe4: {  	v6 =	vbroadcast v2, $0x0  }
0xe5: {  	v9 =	vld [tilespmem:s13+$0xFFFFFFD0];
	v7 =	vbroadcast v2, $0x1  }
0xe6: {  	v8 =	vld [tilespmem:s13+$0xFFFFFFC0];
	v10 =	vbroadcast v2, $0x2;
	v3 =	vmul.f32 v6, v3  }
0xe7: {  	v48 =	vld [tilespmem:s13+$0xFFFFFFE0];
	v47 =	vbroadcast v2, $0x3;
	v4 =	vmul.f32 v4, v7  }
0xe8: {  	v51 =	vld [tilespmem:s13+$0x10];
	v49 =	vbroadcast v2, $0x5;
	v5 =	vmul.f32 v5, v10;
	[tilespmem:s13+$0xFFFFFF80] =	vst v3  }
0xe9: {  	v11 =	vld [tilespmem:s13+$0xFFFFFFF0];
	v1 =	vmul.f32 v1, v47;
	v3 =	vbroadcast v2, $0x4;
	[tilespmem:s13+$0xFFFFFF90] =	vst v4  }
0xea: {  	v50 =	vld [tilespmem:s13+$0x0];
	v12 =	vbroadcast v2, $0x6;
	v6 =	vmul.f32 v9, v49;
	[tilespmem:s13+$0xFFFFFFA0] =	vst v5  }
0xeb: {  	v56 =	vld [tilespmem:s13+$0x50];
	v54 =	vbroadcast v2, $0x9;
	[tilespmem:s13+$0xFFFFFFB0] =	vst v1;
	v3 =	vmul.f32 v8, v3  }
0xec: {  	v53 =	vld [tilespmem:s13+$0x20];
	v52 =	vbroadcast v2, $0x7;
	v7 =	vmul.f32 v48, v12;
	[tilespmem:s13+$0xFFFFFFD0] =	vst v6  }
0xed: {  	v59 =	vmul.f32 v51, v54;
	v1 =	vld [tilespmem:s13+$0x30];
	[tilespmem:s13+$0xFFFFFFC0] =	vst v3;
	v3 =	vbroadcast v2, $0x8  }
0xee: {  	v55 =	vld [tilespmem:s13+$0x40];
	v62 =	vbroadcast v2, $0xD;
	v5 =	vmul.f32 v11, v52;
	[tilespmem:s13+$0xFFFFFFE0] =	vst v7  }
0xef: {  	v60 =	vld [tilespmem:s13+$0x60];
	v57 =	vbroadcast v2, $0xA;
	[tilespmem:s13+$0x10] =	vst v59;
	v3 =	vmul.f32 v50, v3  }
0xf0: {  	v61 =	vld [tilespmem:s13+$0x70];
	v58 =	vbroadcast v2, $0xB;
	v4 =	vmul.f32 v56, v62;
	[tilespmem:s13+$0xFFFFFFF0] =	vst v5  }
0xf1: {  	v8 =	vmul.f32 v53, v57;
	[tilespmem:s13+$0x0] =	vst v3;
	v3 =	vbroadcast v2, $0xC  }
0xf2: {  	v63 =	vbroadcast v2, $0xE;
	[tilespmem:s13+$0x50] =	vst v4;
	v1 =	vmul.f32 v1, v58  }
0xf3: {  	[tilespmem:s13+$0x20] =	vst v8;
	v2 =	vbroadcast v2, $0xF;
	v3 =	vmul.f32 v55, v3  }
0xf4: {  	[tilespmem:s13+$0x30] =	vst v1;
	v1 =	vmul.f32 v60, v63  }
0xf5: {  	v2 =	vmul.f32 v61, v2;
	[tilespmem:s13+$0x40] =	vst v3  }
0xf6: {  	[tilespmem:s14+$0x60] =	vst v1  }
0xf7: {  	s23 =	simm.s32 $0x5320;
	[tilespmem:s14+$0x70] =	vst v2  }
0xf8: {  	[spmem:s16] =	stream.linear.scatter [tilespmem:s23], [sflag:$0xB], $0x2800, $0x38;
	[tilespmem:$0xE420] =	vst v63  }
0xf9: {  	_ =	swait.ge [sflag:s19], $0x2800  }
0xfa: {  	[sflag:s19] =	ssyncset.done $0x0  }
0xfb: {  	[sflag:s19] =	ssyncadd.s32 $0xFFFFD800  }
0xfc: {  	s15 =	simm.s32 $0x0;
	[bflag:$0x0] =	sbarrier.arrive $0xFFFF  }
0xfd: {  	[tilespmem:s18], [sflag:$0x1] =	stream.indirect.gather [spmem:s3], $0x10, s15, s28, $0xb8;
	[tilespmem:$0xE420] =	vst v63  }
0xfe: {  	_ = 	snop  }
0xff: {  	[tilespmem:s29], [sflag:$0x2] =	stream.indirect.gather [spmem:s3], $0x10, s28, s28, $0xb8;
	[tilespmem:$0xE420] =	vst v63  }
0x100: {  	s14 =	simm.s32 $0xA0  }
0x101: {  	[tilespmem:s31], [sflag:$0x3] =	stream.indirect.gather [spmem:s3], $0x10, s14, s28, $0xb8;
	[tilespmem:$0xE420] =	vst v63  }
0x102: {  	s15 =	simm.s32 $0xF0  }
0x103: {  	[tilespmem:s21], [sflag:$0x4] =	stream.indirect.gather [spmem:s3], $0x10, s15, s28, $0xb8;
	[tilespmem:$0xE420] =	vst v63  }
0x104: {  	s14 =	simm.s32 $0x140  }
0x105: {  	[tilespmem:s26], [sflag:$0x5] =	stream.indirect.gather [spmem:s3], $0x10, s14, s28, $0xb8;
	[tilespmem:$0xE420] =	vst v63  }
0x106: {  	_ =	swait.ge [sflag:s30], $0x500  }
0x107: {  	[sflag:s30] =	ssyncset.done $0x0  }
0x108: {  	s15 =	simm.s32 $0x2710;
	[sflag:s30] =	ssyncadd.s32 $0xFFFFFB00  }
0x109: {  	[spmem:s2] =	stream.indirect.scatter.add.f32 [tilespmem:s18], [sflag:$0x6], $0x10, s15, s28, $0xb8;
	[tilespmem:$0xE420] =	vst v63  }
0x10a: {  	_ =	swait.ge [sflag:s1], $0x500  }
0x10b: {  	[sflag:s1] =	ssyncset.done $0x0  }
0x10c: {  	s14 =	simm.s32 $0x2760;
	[sflag:s1] =	ssyncadd.s32 $0xFFFFFB00  }
0x10d: {  	[spmem:s2] =	stream.indirect.scatter.add.f32 [tilespmem:s29], [sflag:$0x7], $0x10, s14, s28, $0xb8;
	[tilespmem:$0xE420] =	vst v63  }
0x10e: {  	_ =	swait.ge [sflag:s25], $0x500  }
0x10f: {  	[sflag:s25] =	ssyncset.done $0x0  }
0x110: {  	s15 =	simm.s32 $0x27B0;
	[sflag:s25] =	ssyncadd.s32 $0xFFFFFB00  }
0x111: {  	[spmem:s2] =	stream.indirect.scatter.add.f32 [tilespmem:s31], [sflag:$0x8], $0x10, s15, s28, $0xb8;
	[tilespmem:$0xE420] =	vst v63  }
0x112: {  	_ =	swait.ge [sflag:s0], $0x500  }
0x113: {  	[sflag:s0] =	ssyncset.done $0x0  }
0x114: {  	s14 =	simm.s32 $0x2800;
	[sflag:s0] =	ssyncadd.s32 $0xFFFFFB00  }
0x115: {  	[spmem:s2] =	stream.indirect.scatter.add.f32 [tilespmem:s21], [sflag:$0x9], $0x10, s14, s28, $0xb8;
	[tilespmem:$0xE420] =	vst v63  }
0x116: {  	_ =	swait.ge [sflag:s6], $0x500  }
0x117: {  	[sflag:s6] =	ssyncset.done $0x0  }
0x118: {  	s15 =	simm.s32 $0x2850;
	[sflag:s6] =	ssyncadd.s32 $0xFFFFFB00  }
0x119: {  	[spmem:s2] =	stream.indirect.scatter.add.f32 [tilespmem:s26], [sflag:$0xA], $0x10, s15, s28, $0xb8;
	[tilespmem:$0xE420] =	vst v63  }
0x11a: {  	_ =	swait.ge [sflag:s7], $0x500  }
0x11b: {  	[sflag:s7] =	ssyncset.done $0x0  }
0x11c: {  	s14 =	simm.s32 $0x190;
	[sflag:s7] =	ssyncadd.s32 $0xFFFFFB00  }
0x11d: {  	[tilespmem:s18], [sflag:$0x1] =	stream.indirect.gather [spmem:s3], $0x10, s14, s28, $0xb8;
	[tilespmem:$0xE420] =	vst v63  }
0x11e: {  	_ =	swait.ge [sflag:s8], $0x500  }
0x11f: {  	[sflag:s8] =	ssyncset.done $0x0  }
0x120: {  	s15 =	simm.s32 $0x1E0;
	[sflag:s8] =	ssyncadd.s32 $0xFFFFFB00  }
0x121: {  	[tilespmem:s29], [sflag:$0x2] =	stream.indirect.gather [spmem:s3], $0x10, s15, s28, $0xb8;
	[tilespmem:$0xE420] =	vst v63  }
0x122: {  	_ =	swait.ge [sflag:s9], $0x500  }
0x123: {  	[sflag:s9] =	ssyncset.done $0x0  }
0x124: {  	s14 =	simm.s32 $0x230;
	[sflag:s9] =	ssyncadd.s32 $0xFFFFFB00  }
0x125: {  	[tilespmem:s31], [sflag:$0x3] =	stream.indirect.gather [spmem:s3], $0x10, s14, s28, $0xb8;
	[tilespmem:$0xE420] =	vst v63  }
0x126: {  	_ =	swait.ge [sflag:s10], $0x500  }
0x127: {  	[sflag:s10] =	ssyncset.done $0x0  }
0x128: {  	s15 =	simm.s32 $0x280;
	[sflag:s10] =	ssyncadd.s32 $0xFFFFFB00  }
0x129: {  	[tilespmem:s21], [sflag:$0x4] =	stream.indirect.gather [spmem:s3], $0x10, s15, s28, $0xb8;
	[tilespmem:$0xE420] =	vst v63  }
0x12a: {  	_ =	swait.ge [sflag:s11], $0x500  }
0x12b: {  	[sflag:s11] =	ssyncset.done $0x0  }
0x12c: {  	s13 =	simm.s32 $0x640;
	s14 =	simm.s32 $0x2D0;
	[sflag:s11] =	ssyncadd.s32 $0xFFFFFB00  }
.LBB2_6:
0x12d: {  	[tilespmem:s26], [sflag:$0x5] =	stream.indirect.gather [spmem:s3], $0x10, s14, s28, $0xb8;
	[tilespmem:$0xE420] =	vst v63  }
0x12e: {  	s14 =	smov.u32 s13  }
0x12f: {  	p0 =	sne.s32 s13, $0x8FC0;
	s13 =	sadd.s32 $0x640, s13;
	_ =	swait.ge [sflag:s30], $0x500  }
0x130: {  	s14 =	sshra.s32 s14, $0x2;
	[sflag:s30] =	ssyncset.done $0x0  }
0x131: {  	s15 =	sadd.s32 $0x2710, s14;
	[sflag:s30] =	ssyncadd.s32 $0xFFFFFB00  }
0x132: {  	[spmem:s2] =	stream.indirect.scatter.add.f32 [tilespmem:s18], [sflag:$0x6], $0x10, s15, s28, $0xb8;
	[tilespmem:$0xE420] =	vst v63  }
0x133: {  	_ =	swait.ge [sflag:s1], $0x500  }
0x134: {  	[sflag:s1] =	ssyncset.done $0x0  }
0x135: {  	s15 =	sadd.s32 $0x2760, s14;
	[sflag:s1] =	ssyncadd.s32 $0xFFFFFB00  }
0x136: {  	[spmem:s2] =	stream.indirect.scatter.add.f32 [tilespmem:s29], [sflag:$0x7], $0x10, s15, s28, $0xb8;
	[tilespmem:$0xE420] =	vst v63  }
0x137: {  	_ =	swait.ge [sflag:s25], $0x500  }
0x138: {  	[sflag:s25] =	ssyncset.done $0x0  }
0x139: {  	s15 =	sadd.s32 $0x27B0, s14;
	[sflag:s25] =	ssyncadd.s32 $0xFFFFFB00  }
0x13a: {  	[spmem:s2] =	stream.indirect.scatter.add.f32 [tilespmem:s31], [sflag:$0x8], $0x10, s15, s28, $0xb8;
	[tilespmem:$0xE420] =	vst v63  }
0x13b: {  	_ =	swait.ge [sflag:s0], $0x500  }
0x13c: {  	[sflag:s0] =	ssyncset.done $0x0  }
0x13d: {  	s15 =	sadd.s32 $0x2800, s14;
	[sflag:s0] =	ssyncadd.s32 $0xFFFFFB00  }
0x13e: {  	[spmem:s2] =	stream.indirect.scatter.add.f32 [tilespmem:s21], [sflag:$0x9], $0x10, s15, s28, $0xb8;
	[tilespmem:$0xE420] =	vst v63  }
0x13f: {  	_ =	swait.ge [sflag:s6], $0x500  }
0x140: {  	[sflag:s6] =	ssyncset.done $0x0  }
0x141: {  	s15 =	sadd.s32 $0x2850, s14;
	[sflag:s6] =	ssyncadd.s32 $0xFFFFFB00  }
0x142: {  	[spmem:s2] =	stream.indirect.scatter.add.f32 [tilespmem:s26], [sflag:$0xA], $0x10, s15, s28, $0xb8;
	[tilespmem:$0xE420] =	vst v63  }
0x143: {  	_ =	swait.ge [sflag:s7], $0x500  }
0x144: {  	[sflag:s7] =	ssyncset.done $0x0  }
0x145: {  	s15 =	sadd.s32 $0x190, s14;
	[sflag:s7] =	ssyncadd.s32 $0xFFFFFB00  }
0x146: {  	[tilespmem:s18], [sflag:$0x1] =	stream.indirect.gather [spmem:s3], $0x10, s15, s28, $0xb8;
	[tilespmem:$0xE420] =	vst v63  }
0x147: {  	_ =	swait.ge [sflag:s8], $0x500  }
0x148: {  	[sflag:s8] =	ssyncset.done $0x0  }
0x149: {  	s15 =	sadd.s32 $0x1E0, s14;
	[sflag:s8] =	ssyncadd.s32 $0xFFFFFB00  }
0x14a: {  	[tilespmem:s29], [sflag:$0x2] =	stream.indirect.gather [spmem:s3], $0x10, s15, s28, $0xb8;
	[tilespmem:$0xE420] =	vst v63  }
0x14b: {  	_ =	swait.ge [sflag:s9], $0x500  }
0x14c: {  	[sflag:s9] =	ssyncset.done $0x0  }
0x14d: {  	s15 =	sadd.s32 $0x230, s14;
	[sflag:s9] =	ssyncadd.s32 $0xFFFFFB00  }
0x14e: {  	[tilespmem:s31], [sflag:$0x3] =	stream.indirect.gather [spmem:s3], $0x10, s15, s28, $0xb8;
	[tilespmem:$0xE420] =	vst v63  }
0x14f: {  	_ =	swait.ge [sflag:s10], $0x500  }
0x150: {  	[sflag:s10] =	ssyncset.done $0x0  }
.Ltmp2:
0x151: {  	s15 =	sadd.s32 $0x280, s14;
	[sflag:s10] =	ssyncadd.s32 $0xFFFFFB00;
	(pc) =	sbr.rel @p0 .LBB2_6-.Ltmp2, $4  }
0x152: {  	[tilespmem:s21], [sflag:$0x4] =	stream.indirect.gather [spmem:s3], $0x10, s15, s28, $0xb8;
	[tilespmem:$0xE420] =	vst v63  }
0x153: {  	_ =	swait.ge [sflag:s11], $0x500  }
0x154: {  	[sflag:s11] =	ssyncset.done $0x0  }
0x155: {  	s14 =	sadd.s32 $0x2D0, s14;
	[sflag:s11] =	ssyncadd.s32 $0xFFFFFB00  }
0x156: {  	[tilespmem:s26], [sflag:$0x5] =	stream.indirect.gather [spmem:s3], $0x10, s14, s28, $0xb8;
	[tilespmem:$0xE420] =	vst v63  }
0x157: {  	_ =	swait.ge [sflag:s30], $0x500  }
0x158: {  	[sflag:s30] =	ssyncset.done $0x0  }
0x159: {  	s13 =	simm.s32 $0x4C90;
	[sflag:s30] =	ssyncadd.s32 $0xFFFFFB00  }
0x15a: {  	[spmem:s2] =	stream.indirect.scatter.add.f32 [tilespmem:s18], [sflag:$0x6], $0x10, s13, s28, $0xb8;
	[tilespmem:$0xE420] =	vst v63  }
0x15b: {  	_ =	swait.ge [sflag:s1], $0x500  }
0x15c: {  	[sflag:s1] =	ssyncset.done $0x0  }
0x15d: {  	s14 =	simm.s32 $0x4CE0;
	[sflag:s1] =	ssyncadd.s32 $0xFFFFFB00  }
0x15e: {  	[spmem:s2] =	stream.indirect.scatter.add.f32 [tilespmem:s29], [sflag:$0x7], $0x10, s14, s28, $0xb8;
	[tilespmem:$0xE420] =	vst v63  }
0x15f: {  	_ =	swait.ge [sflag:s25], $0x500  }
0x160: {  	[sflag:s25] =	ssyncset.done $0x0  }
0x161: {  	s15 =	simm.s32 $0x4D30;
	[sflag:s25] =	ssyncadd.s32 $0xFFFFFB00  }
0x162: {  	[spmem:s2] =	stream.indirect.scatter.add.f32 [tilespmem:s31], [sflag:$0x8], $0x10, s15, s28, $0xb8;
	[tilespmem:$0xE420] =	vst v63  }
0x163: {  	_ =	swait.ge [sflag:s0], $0x500  }
0x164: {  	[sflag:s0] =	ssyncset.done $0x0  }
0x165: {  	s14 =	simm.s32 $0x4D80;
	[sflag:s0] =	ssyncadd.s32 $0xFFFFFB00  }
0x166: {  	[spmem:s2] =	stream.indirect.scatter.add.f32 [tilespmem:s21], [sflag:$0x9], $0x10, s14, s28, $0xb8;
	[tilespmem:$0xE420] =	vst v63  }
0x167: {  	_ =	swait.ge [sflag:s6], $0x500  }
0x168: {  	[sflag:s6] =	ssyncset.done $0x0  }
0x169: {  	s15 =	simm.s32 $0x4DD0;
	[sflag:s6] =	ssyncadd.s32 $0xFFFFFB00  }
0x16a: {  	[spmem:s2] =	stream.indirect.scatter.add.f32 [tilespmem:s26], [sflag:$0xA], $0x10, s15, s28, $0xb8;
	[tilespmem:$0xE420] =	vst v63  }
0x16b: {  	_ =	swait.ge [sflag:s7], $0x500  }
0x16c: {  	[sflag:s7] =	ssyncset.done $0x0  }
0x16d: {  	[sflag:s7] =	ssyncadd.s32 $0xFFFFFB00  }
0x16e: {  	_ =	swait.ge [sflag:s8], $0x500  }
0x16f: {  	[sflag:s8] =	ssyncset.done $0x0  }
0x170: {  	[sflag:s8] =	ssyncadd.s32 $0xFFFFFB00  }
0x171: {  	_ =	swait.ge [sflag:s9], $0x500  }
0x172: {  	[sflag:s9] =	ssyncset.done $0x0  }
0x173: {  	[sflag:s9] =	ssyncadd.s32 $0xFFFFFB00  }
0x174: {  	_ =	swait.ge [sflag:s10], $0x500  }
0x175: {  	[sflag:s10] =	ssyncset.done $0x0  }
0x176: {  	[sflag:s10] =	ssyncadd.s32 $0xFFFFFB00  }
0x177: {  	s14 =	stileid.u32;
	_ =	swait.ge [sflag:s11], $0x500  }
0x178: {  	s12 =	sadd.s32 $0x1, s12;
	s13 =	sshll.u32 s14, $0x6;
	[sflag:s11] =	ssyncset.done $0x0  }
0x179: {  	p0 =	sne.s32 s12, s17;
	s13 =	sor.u32 $0x1C0B, s13;
	[sflag:s11] =	ssyncadd.s32 $0xFFFFFB00  }
.Ltmp3:
0x17a: {  	s15 =	sshrl.u32 s5, $0x3;
	[bflag:$0x0] =	sbarrier.arrive $0xFFFF;
	(pc) =	sbr.rel @p0 .LBB2_1-.Ltmp3, $4  }
0x17b: {  	[hbm:s24], [sflag:s13] =	dma.local [spmem:s15], $0x500  }
0x17c: {  	_ =	swait.ge [sflag:s19], $0x500  }
0x17d: {  	[sflag:s19] =	ssyncset.done $0x0  }
0x17e: {  	[sflag:s19] =	ssyncadd.s32 $0xFFFFFB00  }
0x17f: {  	_ =	sfence.sel $0x180000  }
0x180: {  	[bflag:$0x0] =	sbarrier.arrive $0xFFFF  }
0x181: {  	_ =	strace $0x9000004A  }
0x182: {  	s0 =	stileid.u32;
	[bflag:$0x2] =	sbarrier.arrive $0xFFFF  }
0x183: {  	p0 =	sne.s32 s0, $0x0;
	s0 =	rddreg [dreg:$0x4]  }
0x184: {  	s0 =	sadd.s32 @!p0 $0x100000, s0  }
0x185: {  	[sflag:s0] =	ssyncadd.tile.s32 @!p0 $0x1;
	_ =	shalt  }
.Lfunc_end2:
_tile_overlayer_lowered:
.L_overlay_start_2:
0x186: {  	(tag) =	ssettag $0x2  }
0x187: {  	s0 =	rddreg [dreg:$0x0];
	s2 =	stileid.u32  }
0x188: {  	s1 =	rddreg [dreg:$0x1];
	p0 =	sne.s32 s2, $0x0  }
0x189: {  	s3 =	rddreg [dreg:$0x2];
	[bflag:$0x3] =	sbarrier.arrive $0xFFFF;
	s2 =	simm.s32 @!p0 $0x1C0B  }
0x18a: {  	[timem:s3], [sflag:s2] =	dma.local @!p0 [hbm:s0], s1  }
0x18b: {  	s0 =	simm.s32 @!p0 $0xB  }
0x18c: {  	_ =	swait.ge @!p0 [sflag:s0], s1  }
0x18d: {  	s1 =	ssub.s32 @!p0 $0x0, s1;
	[sflag:s0] =	ssyncset.done @!p0 $0x0  }
0x18e: {  	[sflag:s0] =	ssyncadd.s32 @!p0 s1  }
0x18f: {  	[bflag:$0x3] =	sbarrier.arrive $0xFFFF  }
0x190: {  	_ =	shalt  }

</sc_bundles>
